<compile_context>
chip_gen: v7x
topology: tpu7x:2x2x1
jax: 0.10.2.dev20260603
libtpu: 0.0.44.dev20260713+nightly
codegen_flags: <defaults>
</compile_context>

<pallas_src>
import jax
import jax.numpy as jnp
from jax import lax
from jax.experimental import pallas as pl
from jax.experimental.pallas import tpu as pltpu
from jax.experimental.pallas import tpu_sc as plsc

_B = 4096
_S0 = 16
_NC = 1
_NW = _NC * 16
_BPW = _B // _NW
_L = 16


def _gate_body(u_hbm, out_hbm, u_v, out_v, sem):
    wid = lax.axis_index("s") * _NC + lax.axis_index("c")
    base = wid * _BPW
    _QR = _BPW // 4
    in_handles = [
        pltpu.async_copy(u_hbm.at[pl.ds(base + q * _QR, _QR)],
                         u_v.at[pl.ds(q * _QR, _QR)], sem)
        for q in range(4)
    ]
    rif = lax.iota(jnp.int32, _L).astype(jnp.float32)
    handles = []
    for ci in range(_BPW // _L):
        if ci % (_QR // _L) == 0:
            in_handles[ci // (_QR // _L)].wait()
        uv = u_v[pl.ds(ci * _L, _L)]
        c = jnp.minimum((uv * 65.0).astype(jnp.int32), 64)
        t16 = uv * 16.0
        ti = t16.astype(jnp.int32)
        m = ti + jnp.where(ti.astype(jnp.float32) < t16, 1, 0)
        n0f = (jnp.minimum(c, 4 * m) >> 2).astype(jnp.float32)
        for i in range(_L):
            out_v[pl.ds((ci * _L + i) * _S0, _S0)] = jnp.where(
                rif < n0f[i], 1.0, 0.0)
        if ci % 4 == 3:
            g = ci - 3
            handles.append(pltpu.async_copy(
                out_v.at[pl.ds(g * _L * _S0, 4 * _L * _S0)],
                out_hbm.at[pl.ds((base + g * _L) * _S0, 4 * _L * _S0)],
                sem))
    for h in handles:
        h.wait()


def kernel(u, x):
    del x
    mesh = plsc.VectorSubcoreMesh(
        core_axis_name="c", subcore_axis_name="s", num_cores=_NC)
    f = pl.kernel(
        _gate_body,
        out_type=jax.ShapeDtypeStruct((_B * _S0,), jnp.float32),
        mesh=mesh,
        scratch_types=[
            pltpu.VMEM((_BPW,), jnp.float32),
            pltpu.VMEM((_BPW * _S0,), jnp.float32),
            pltpu.SemaphoreType.DMA,
        ],
    )
    return f(u).reshape(_B, _S0)

# --- scband reference (transcript-rebuilt; emitter-appended) ---
"""Pipeline reference for scband-blockdrop-nested-gate-45483703664700 (READ-ONLY COPY).

The authoritative reference and input builder live on the scoring server;
editing this copy changes nothing except your own understanding.
"""

import jax, jax.numpy as jnp
import numpy as np

NCOMPONENTS = [16, 16, 16, 16]


def setup_inputs(seed: int = 0):
    key = jax.random.key(seed)
    k1, k2 = jax.random.split(key)
    u = jax.random.uniform(k1, (4096,), dtype=jnp.float32)
    x = jax.random.normal(k2, (4096, 1024), dtype=jnp.float32)
    return {"u": u, "x": x}


def _blockdrop_nested(u, ncomponents):
    # Faithful port of BlockdropNestedGate.reset():
    #   1) ProportionToCount(0, S): c = min(floor(u * (S+1)), S)
    #   2) allocate(): round-robin fill from the LAST component, each component
    #      capped at ncomponents[j] * u[i] (strict '<' check before increment)
    #   3) gate_matrix_from_count: leading-ones mask per component, concatenated
    J = len(ncomponents)
    S = int(sum(ncomponents))
    B = u.shape[0]
    d = float(S + 1)
    c = jnp.minimum(jnp.floor(u * d), float(S))  # [B] total count per sample
    caps = u[:, None] * jnp.asarray(ncomponents, dtype=jnp.float32)[None, :]  # [B, J]
    T = S * J  # enough micro-steps: at most S increments, J checks per pass

    def body(t, state):
        gi, s = state
        j = (J - 1) - jnp.mod(t, J)  # reversed(range(J)) order, repeated
        col = jax.lax.dynamic_slice_in_dim(gi, j, 1, axis=1)[:, 0]
        cap_j = jax.lax.dynamic_slice_in_dim(caps, j, 1, axis=1)[:, 0]
        cond = (s < c) & (col.astype(jnp.float32) < cap_j)
        upd = (col + cond.astype(gi.dtype))[:, None]
        gi = jax.lax.dynamic_update_slice_in_dim(gi, upd, j, axis=1)
        s = s + cond.astype(s.dtype)
        return (gi, s)

    gi0 = jnp.zeros((B, J), dtype=jnp.int32)
    s0 = jnp.zeros((B,), dtype=jnp.float32)
    gi, _ = jax.lax.fori_loop(0, T, body, (gi0, s0))  # gi[b, k] = cs[b, k]

    gs = []
    for k, nk in enumerate(ncomponents):
        # gate_matrix_from_count: row b has ones in the first cs[b, k] slots
        g = (jnp.arange(nk)[None, :] < gi[:, k:k + 1]).astype(jnp.float32)
        gs.append(g)
    return jnp.concatenate(gs, axis=1)  # [B, S]


def reference(u, x):
    # set_control(u); reset(x) (x unused by StaticGate); next_module(m) -> _i = 0;
    # forward(x) returns slice of the cached joint gate matrix for module 0.
    ncomponents = NCOMPONENTS
    gs = _blockdrop_nested(u, ncomponents)
    boundaries = [0] + list(np.cumsum(ncomponents))
    i, jb = int(boundaries[0]), int(boundaries[1])
    return gs[:, i:jb]

if __name__ == "__main__":
    import jax
    _d = setup_inputs()
    print(jax.jit(kernel)(*tuple(_d.values())))

</pallas_src>

<mosaic_0001>
#map = affine_map<(d0, d1) -> (0)>
module attributes {stable_mosaic.version = 14 : i64} {
  func.func @_gate_body(%arg0: i32, %arg1: i32, %arg2: memref<4096xf32, #tpu.memory_space<hbm>>, %arg3: memref<65536xf32, #tpu.memory_space<hbm>>, %arg4: memref<256xf32, #tpu.memory_space<vmem>>, %arg5: memref<4096xf32, #tpu.memory_space<vmem>>, %arg6: memref<!tpu.dma_semaphore, #tpu.memory_space<semaphore_mem>>) attributes {dimension_semantics = [#tpu.dimension_semantics<core_parallel>, #tpu.dimension_semantics<subcore_parallel>], iteration_bounds = array<i64: 1, 16>, scalar_prefetch = 0 : i64, scratch_operands = 3 : i64, tpu.core_type = #tpu.core_type<sc_vector_subcore>, window_params = [{transform_indices = #map}, {transform_indices = #map}]} {
    %mul3A = arith.constant 1 : i32
    %mul3A_0 = arith.muli %arg1, %mul3A : i32
    %add3A = arith.addi %mul3A_0, %arg0 : i32
    %mul3A_1 = arith.constant 256 : i32
    %mul3A_2 = arith.muli %add3A, %mul3A_1 : i32
    %add3A_3 = arith.constant 0 : i32
    %add3A_4 = arith.addi %mul3A_2, %add3A_3 : i32
    %dma_start3A = arith.constant 0 : i32
    %dma_start3A_5 = tpu.memref_slice %arg4[%dma_start3A] : memref<256xf32, #tpu.memory_space<vmem>> -> memref<64xf32, #tpu.memory_space<vmem>>
    %dma_start3A_6 = tpu.memref_slice %arg2[%add3A_4] : memref<4096xf32, #tpu.memory_space<hbm>> -> memref<64xf32, #tpu.memory_space<hbm>>
    %dma_start3A_7 = arith.constant 0 : i32
    %dma_start3A_8 = tpu.memref_slice %arg4[%dma_start3A_7] : memref<256xf32, #tpu.memory_space<vmem>> -> memref<64xf32, #tpu.memory_space<vmem>>
    %dma_start3A_9 = tpu.memref_slice %arg2[%add3A_4] : memref<4096xf32, #tpu.memory_space<hbm>> -> memref<64xf32, #tpu.memory_space<hbm>>
    tpu.enqueue_dma source(%dma_start3A_9 : memref<64xf32, #tpu.memory_space<hbm>>) target(%dma_start3A_8 : memref<64xf32, #tpu.memory_space<vmem>>) target_semaphore(%arg6 : memref<!tpu.dma_semaphore, #tpu.memory_space<semaphore_mem>>)
    %add3A_10 = arith.constant 64 : i32
    %add3A_11 = arith.addi %mul3A_2, %add3A_10 : i32
    %dma_start3A_12 = arith.constant 64 : i32
    %dma_start3A_13 = tpu.memref_slice %arg4[%dma_start3A_12] : memref<256xf32, #tpu.memory_space<vmem>> -> memref<64xf32, #tpu.memory_space<vmem>>
    %dma_start3A_14 = tpu.memref_slice %arg2[%add3A_11] : memref<4096xf32, #tpu.memory_space<hbm>> -> memref<64xf32, #tpu.memory_space<hbm>>
    %dma_start3A_15 = arith.constant 64 : i32
    %dma_start3A_16 = tpu.memref_slice %arg4[%dma_start3A_15] : memref<256xf32, #tpu.memory_space<vmem>> -> memref<64xf32, #tpu.memory_space<vmem>>
    %dma_start3A_17 = tpu.memref_slice %arg2[%add3A_11] : memref<4096xf32, #tpu.memory_space<hbm>> -> memref<64xf32, #tpu.memory_space<hbm>>
    tpu.enqueue_dma source(%dma_start3A_17 : memref<64xf32, #tpu.memory_space<hbm>>) target(%dma_start3A_16 : memref<64xf32, #tpu.memory_space<vmem>>) target_semaphore(%arg6 : memref<!tpu.dma_semaphore, #tpu.memory_space<semaphore_mem>>)
    %add3A_18 = arith.constant 128 : i32
    %add3A_19 = arith.addi %mul3A_2, %add3A_18 : i32
    %dma_start3A_20 = arith.constant 128 : i32
    %dma_start3A_21 = tpu.memref_slice %arg4[%dma_start3A_20] : memref<256xf32, #tpu.memory_space<vmem>> -> memref<64xf32, #tpu.memory_space<vmem>>
    %dma_start3A_22 = tpu.memref_slice %arg2[%add3A_19] : memref<4096xf32, #tpu.memory_space<hbm>> -> memref<64xf32, #tpu.memory_space<hbm>>
    %dma_start3A_23 = arith.constant 128 : i32
    %dma_start3A_24 = tpu.memref_slice %arg4[%dma_start3A_23] : memref<256xf32, #tpu.memory_space<vmem>> -> memref<64xf32, #tpu.memory_space<vmem>>
    %dma_start3A_25 = tpu.memref_slice %arg2[%add3A_19] : memref<4096xf32, #tpu.memory_space<hbm>> -> memref<64xf32, #tpu.memory_space<hbm>>
    tpu.enqueue_dma source(%dma_start3A_25 : memref<64xf32, #tpu.memory_space<hbm>>) target(%dma_start3A_24 : memref<64xf32, #tpu.memory_space<vmem>>) target_semaphore(%arg6 : memref<!tpu.dma_semaphore, #tpu.memory_space<semaphore_mem>>)
    %add3A_26 = arith.constant 192 : i32
    %add3A_27 = arith.addi %mul3A_2, %add3A_26 : i32
    %dma_start3A_28 = arith.constant 192 : i32
    %dma_start3A_29 = tpu.memref_slice %arg4[%dma_start3A_28] : memref<256xf32, #tpu.memory_space<vmem>> -> memref<64xf32, #tpu.memory_space<vmem>>
    %dma_start3A_30 = tpu.memref_slice %arg2[%add3A_27] : memref<4096xf32, #tpu.memory_space<hbm>> -> memref<64xf32, #tpu.memory_space<hbm>>
    %dma_start3A_31 = arith.constant 192 : i32
    %dma_start3A_32 = tpu.memref_slice %arg4[%dma_start3A_31] : memref<256xf32, #tpu.memory_space<vmem>> -> memref<64xf32, #tpu.memory_space<vmem>>
    %dma_start3A_33 = tpu.memref_slice %arg2[%add3A_27] : memref<4096xf32, #tpu.memory_space<hbm>> -> memref<64xf32, #tpu.memory_space<hbm>>
    tpu.enqueue_dma source(%dma_start3A_33 : memref<64xf32, #tpu.memory_space<hbm>>) target(%dma_start3A_32 : memref<64xf32, #tpu.memory_space<vmem>>) target_semaphore(%arg6 : memref<!tpu.dma_semaphore, #tpu.memory_space<semaphore_mem>>)
    %iota3A = tpu.iota {dimensions = array<i32: 0>} : vector<16xi32>
    %convert_element_type3A = arith.sitofp %iota3A : vector<16xi32> to vector<16xf32>
    %dma_wait3A = arith.constant 0 : i32
    %dma_wait3A_34 = tpu.memref_slice %arg4[%dma_wait3A] : memref<256xf32, #tpu.memory_space<vmem>> -> memref<64xf32, #tpu.memory_space<vmem>>
    %dma_wait3A_35 = tpu.memref_slice %arg2[%add3A_4] : memref<4096xf32, #tpu.memory_space<hbm>> -> memref<64xf32, #tpu.memory_space<hbm>>
    %dma_wait3A_36 = arith.constant 0 : i32
    %dma_wait3A_37 = tpu.memref_slice %arg4[%dma_wait3A_36] : memref<256xf32, #tpu.memory_space<vmem>> -> memref<64xf32, #tpu.memory_space<vmem>>
    %dma_wait3A_38 = tpu.memref_slice %arg2[%add3A_4] : memref<4096xf32, #tpu.memory_space<hbm>> -> memref<64xf32, #tpu.memory_space<hbm>>
    tpu.wait_dma2 semaphore(%arg6 : memref<!tpu.dma_semaphore, #tpu.memory_space<semaphore_mem>>) src(%dma_wait3A_38 : memref<64xf32, #tpu.memory_space<hbm>>) dst(%dma_wait3A_37 : memref<64xf32, #tpu.memory_space<vmem>>)
    %get3A = arith.constant 0 : index
    %get3A_39 = tpu.vector_load %arg4[%get3A] {strides = array<i32>} : memref<256xf32, #tpu.memory_space<vmem>>, vector<16xf32>,
    %get3A_40 = vector.shape_cast %get3A_39 : vector<16xf32> to vector<16xf32>
    %mul3A_41 = arith.constant 6.500000e+01 : f32
    %mul3A_42 = vector.broadcast %mul3A_41 : f32 to vector<16xf32>
    %mul3A_43 = arith.mulf %get3A_40, %mul3A_42 : vector<16xf32>
    %convert_element_type3A_44 = arith.fptosi %mul3A_43 : vector<16xf32> to vector<16xi32>
    %min3A = arith.constant 64 : i32
    %min3A_45 = vector.broadcast %min3A : i32 to vector<16xi32>
    %min3A_46 = arith.minsi %convert_element_type3A_44, %min3A_45 : vector<16xi32>
    %mul3A_47 = arith.constant 1.600000e+01 : f32
    %mul3A_48 = vector.broadcast %mul3A_47 : f32 to vector<16xf32>
    %mul3A_49 = arith.mulf %get3A_40, %mul3A_48 : vector<16xf32>
    %convert_element_type3A_50 = arith.fptosi %mul3A_49 : vector<16xf32> to vector<16xi32>
    %convert_element_type3A_51 = arith.sitofp %convert_element_type3A_50 : vector<16xi32> to vector<16xf32>
    %lt3A = arith.cmpf olt, %convert_element_type3A_51, %mul3A_49 : vector<16xf32>
    %jit3A = arith.constant 1 : i32
    %jit3A_52 = arith.constant 0 : i32
    %broadcast_in_dim3A = vector.broadcast %jit3A : i32 to vector<16xi32>
    %broadcast_in_dim3A_53 = vector.broadcast %jit3A_52 : i32 to vector<16xi32>
    %select_n3A = arith.select %lt3A, %broadcast_in_dim3A, %broadcast_in_dim3A_53 : vector<16xi1>, vector<16xi32>
    %add3A_54 = arith.addi %convert_element_type3A_50, %select_n3A : vector<16xi32>
    %mul3A_55 = arith.constant 4 : i32
    %mul3A_56 = vector.broadcast %mul3A_55 : i32 to vector<16xi32>
    %mul3A_57 = arith.muli %mul3A_56, %add3A_54 : vector<16xi32>
    %min3A_58 = arith.minsi %min3A_46, %mul3A_57 : vector<16xi32>
    %shift_right_arithmetic3A = arith.constant 2 : i32
    %shift_right_arithmetic3A_59 = vector.broadcast %shift_right_arithmetic3A : i32 to vector<16xi32>
    %shift_right_arithmetic3A_60 = arith.shrsi %min3A_58, %shift_right_arithmetic3A_59 : vector<16xi32>
    %convert_element_type3A_61 = arith.sitofp %shift_right_arithmetic3A_60 : vector<16xi32> to vector<16xf32>
    %slice3A = vector.extract_strided_slice %convert_element_type3A_61 {offsets = [0], sizes = [1], strides = [1]} : vector<16xf32> to vector<1xf32>
    %squeeze3A = vector.extract %slice3A[0] : f32 from vector<1xf32>
    %lt3A_62 = vector.broadcast %squeeze3A : f32 to vector<16xf32>
    %lt3A_63 = arith.cmpf olt, %convert_element_type3A, %lt3A_62 : vector<16xf32>
    %jit3A_64 = arith.constant 1.000000e+00 : f32
    %jit3A_65 = arith.constant 0.000000e+00 : f32
    %broadcast_in_dim3A_66 = vector.broadcast %jit3A_64 : f32 to vector<16xf32>
    %broadcast_in_dim3A_67 = vector.broadcast %jit3A_65 : f32 to vector<16xf32>
    %select_n3A_68 = arith.select %lt3A_63, %broadcast_in_dim3A_66, %broadcast_in_dim3A_67 : vector<16xi1>, vector<16xf32>
    %swap3A = arith.constant 0 : index
    %swap3A_69 = tpu.vector_load %arg5[%swap3A] {strides = array<i32>} : memref<4096xf32, #tpu.memory_space<vmem>>, vector<16xf32>,
    %swap3A_70 = vector.shape_cast %swap3A_69 : vector<16xf32> to vector<16xf32>
    %swap3A_71 = vector.shape_cast %select_n3A_68 : vector<16xf32> to vector<16xf32>
    tpu.vector_store %arg5[%swap3A], %swap3A_71 {strides = array<i32>} : memref<4096xf32, #tpu.memory_space<vmem>>, vector<16xf32>,
    %slice3A_72 = vector.extract_strided_slice %convert_element_type3A_61 {offsets = [1], sizes = [1], strides = [1]} : vector<16xf32> to vector<1xf32>
    %squeeze3A_73 = vector.extract %slice3A_72[0] : f32 from vector<1xf32>
    %lt3A_74 = vector.broadcast %squeeze3A_73 : f32 to vector<16xf32>
    %lt3A_75 = arith.cmpf olt, %convert_element_type3A, %lt3A_74 : vector<16xf32>
    %jit3A_76 = arith.constant 1.000000e+00 : f32
    %jit3A_77 = arith.constant 0.000000e+00 : f32
    %broadcast_in_dim3A_78 = vector.broadcast %jit3A_76 : f32 to vector<16xf32>
    %broadcast_in_dim3A_79 = vector.broadcast %jit3A_77 : f32 to vector<16xf32>
    %select_n3A_80 = arith.select %lt3A_75, %broadcast_in_dim3A_78, %broadcast_in_dim3A_79 : vector<16xi1>, vector<16xf32>
    %swap3A_81 = arith.constant 16 : index
    %swap3A_82 = tpu.vector_load %arg5[%swap3A_81] {strides = array<i32>} : memref<4096xf32, #tpu.memory_space<vmem>>, vector<16xf32>,
    %swap3A_83 = vector.shape_cast %swap3A_82 : vector<16xf32> to vector<16xf32>
    %swap3A_84 = vector.shape_cast %select_n3A_80 : vector<16xf32> to vector<16xf32>
    tpu.vector_store %arg5[%swap3A_81], %swap3A_84 {strides = array<i32>} : memref<4096xf32, #tpu.memory_space<vmem>>, vector<16xf32>,
    %slice3A_85 = vector.extract_strided_slice %convert_element_type3A_61 {offsets = [2], sizes = [1], strides = [1]} : vector<16xf32> to vector<1xf32>
    %squeeze3A_86 = vector.extract %slice3A_85[0] : f32 from vector<1xf32>
    %lt3A_87 = vector.broadcast %squeeze3A_86 : f32 to vector<16xf32>
    %lt3A_88 = arith.cmpf olt, %convert_element_type3A, %lt3A_87 : vector<16xf32>
    %jit3A_89 = arith.constant 1.000000e+00 : f32
    %jit3A_90 = arith.constant 0.000000e+00 : f32
    %broadcast_in_dim3A_91 = vector.broadcast %jit3A_89 : f32 to vector<16xf32>
    %broadcast_in_dim3A_92 = vector.broadcast %jit3A_90 : f32 to vector<16xf32>
    %select_n3A_93 = arith.select %lt3A_88, %broadcast_in_dim3A_91, %broadcast_in_dim3A_92 : vector<16xi1>, vector<16xf32>
    %swap3A_94 = arith.constant 32 : index
    %swap3A_95 = tpu.vector_load %arg5[%swap3A_94] {strides = array<i32>} : memref<4096xf32, #tpu.memory_space<vmem>>, vector<16xf32>,
    %swap3A_96 = vector.shape_cast %swap3A_95 : vector<16xf32> to vector<16xf32>
    %swap3A_97 = vector.shape_cast %select_n3A_93 : vector<16xf32> to vector<16xf32>
    tpu.vector_store %arg5[%swap3A_94], %swap3A_97 {strides = array<i32>} : memref<4096xf32, #tpu.memory_space<vmem>>, vector<16xf32>,
    %slice3A_98 = vector.extract_strided_slice %convert_element_type3A_61 {offsets = [3], sizes = [1], strides = [1]} : vector<16xf32> to vector<1xf32>
    %squeeze3A_99 = vector.extract %slice3A_98[0] : f32 from vector<1xf32>
    %lt3A_100 = vector.broadcast %squeeze3A_99 : f32 to vector<16xf32>
    %lt3A_101 = arith.cmpf olt, %convert_element_type3A, %lt3A_100 : vector<16xf32>
    %jit3A_102 = arith.constant 1.000000e+00 : f32
    %jit3A_103 = arith.constant 0.000000e+00 : f32
    %broadcast_in_dim3A_104 = vector.broadcast %jit3A_102 : f32 to vector<16xf32>
    %broadcast_in_dim3A_105 = vector.broadcast %jit3A_103 : f32 to vector<16xf32>
    %select_n3A_106 = arith.select %lt3A_101, %broadcast_in_dim3A_104, %broadcast_in_dim3A_105 : vector<16xi1>, vector<16xf32>
    %swap3A_107 = arith.constant 48 : index
    %swap3A_108 = tpu.vector_load %arg5[%swap3A_107] {strides = array<i32>} : memref<4096xf32, #tpu.memory_space<vmem>>, vector<16xf32>,
    %swap3A_109 = vector.shape_cast %swap3A_108 : vector<16xf32> to vector<16xf32>
    %swap3A_110 = vector.shape_cast %select_n3A_106 : vector<16xf32> to vector<16xf32>
    tpu.vector_store %arg5[%swap3A_107], %swap3A_110 {strides = array<i32>} : memref<4096xf32, #tpu.memory_space<vmem>>, vector<16xf32>,
    %slice3A_111 = vector.extract_strided_slice %convert_element_type3A_61 {offsets = [4], sizes = [1], strides = [1]} : vector<16xf32> to vector<1xf32>
    %squeeze3A_112 = vector.extract %slice3A_111[0] : f32 from vector<1xf32>
    %lt3A_113 = vector.broadcast %squeeze3A_112 : f32 to vector<16xf32>
    %lt3A_114 = arith.cmpf olt, %convert_element_type3A, %lt3A_113 : vector<16xf32>
    %jit3A_115 = arith.constant 1.000000e+00 : f32
    %jit3A_116 = arith.constant 0.000000e+00 : f32
    %broadcast_in_dim3A_117 = vector.broadcast %jit3A_115 : f32 to vector<16xf32>
    %broadcast_in_dim3A_118 = vector.broadcast %jit3A_116 : f32 to vector<16xf32>
    %select_n3A_119 = arith.select %lt3A_114, %broadcast_in_dim3A_117, %broadcast_in_dim3A_118 : vector<16xi1>, vector<16xf32>
    %swap3A_120 = arith.constant 64 : index
    %swap3A_121 = tpu.vector_load %arg5[%swap3A_120] {strides = array<i32>} : memref<4096xf32, #tpu.memory_space<vmem>>, vector<16xf32>,
    %swap3A_122 = vector.shape_cast %swap3A_121 : vector<16xf32> to vector<16xf32>
    %swap3A_123 = vector.shape_cast %select_n3A_119 : vector<16xf32> to vector<16xf32>
    tpu.vector_store %arg5[%swap3A_120], %swap3A_123 {strides = array<i32>} : memref<4096xf32, #tpu.memory_space<vmem>>, vector<16xf32>,
    %slice3A_124 = vector.extract_strided_slice %convert_element_type3A_61 {offsets = [5], sizes = [1], strides = [1]} : vector<16xf32> to vector<1xf32>
    %squeeze3A_125 = vector.extract %slice3A_124[0] : f32 from vector<1xf32>
    %lt3A_126 = vector.broadcast %squeeze3A_125 : f32 to vector<16xf32>
    %lt3A_127 = arith.cmpf olt, %convert_element_type3A, %lt3A_126 : vector<16xf32>
    %jit3A_128 = arith.constant 1.000000e+00 : f32
    %jit3A_129 = arith.constant 0.000000e+00 : f32
    %broadcast_in_dim3A_130 = vector.broadcast %jit3A_128 : f32 to vector<16xf32>
    %broadcast_in_dim3A_131 = vector.broadcast %jit3A_129 : f32 to vector<16xf32>
    %select_n3A_132 = arith.select %lt3A_127, %broadcast_in_dim3A_130, %broadcast_in_dim3A_131 : vector<16xi1>, vector<16xf32>
    %swap3A_133 = arith.constant 80 : index
    %swap3A_134 = tpu.vector_load %arg5[%swap3A_133] {strides = array<i32>} : memref<4096xf32, #tpu.memory_space<vmem>>, vector<16xf32>,
    %swap3A_135 = vector.shape_cast %swap3A_134 : vector<16xf32> to vector<16xf32>
    %swap3A_136 = vector.shape_cast %select_n3A_132 : vector<16xf32> to vector<16xf32>
    tpu.vector_store %arg5[%swap3A_133], %swap3A_136 {strides = array<i32>} : memref<4096xf32, #tpu.memory_space<vmem>>, vector<16xf32>,
    %slice3A_137 = vector.extract_strided_slice %convert_element_type3A_61 {offsets = [6], sizes = [1], strides = [1]} : vector<16xf32> to vector<1xf32>
    %squeeze3A_138 = vector.extract %slice3A_137[0] : f32 from vector<1xf32>
    %lt3A_139 = vector.broadcast %squeeze3A_138 : f32 to vector<16xf32>
    %lt3A_140 = arith.cmpf olt, %convert_element_type3A, %lt3A_139 : vector<16xf32>
    %jit3A_141 = arith.constant 1.000000e+00 : f32
    %jit3A_142 = arith.constant 0.000000e+00 : f32
    %broadcast_in_dim3A_143 = vector.broadcast %jit3A_141 : f32 to vector<16xf32>
    %broadcast_in_dim3A_144 = vector.broadcast %jit3A_142 : f32 to vector<16xf32>
    %select_n3A_145 = arith.select %lt3A_140, %broadcast_in_dim3A_143, %broadcast_in_dim3A_144 : vector<16xi1>, vector<16xf32>
    %swap3A_146 = arith.constant 96 : index
    %swap3A_147 = tpu.vector_load %arg5[%swap3A_146] {strides = array<i32>} : memref<4096xf32, #tpu.memory_space<vmem>>, vector<16xf32>,
    %swap3A_148 = vector.shape_cast %swap3A_147 : vector<16xf32> to vector<16xf32>
    %swap3A_149 = vector.shape_cast %select_n3A_145 : vector<16xf32> to vector<16xf32>
    tpu.vector_store %arg5[%swap3A_146], %swap3A_149 {strides = array<i32>} : memref<4096xf32, #tpu.memory_space<vmem>>, vector<16xf32>,
    %slice3A_150 = vector.extract_strided_slice %convert_element_type3A_61 {offsets = [7], sizes = [1], strides = [1]} : vector<16xf32> to vector<1xf32>
    %squeeze3A_151 = vector.extract %slice3A_150[0] : f32 from vector<1xf32>
    %lt3A_152 = vector.broadcast %squeeze3A_151 : f32 to vector<16xf32>
    %lt3A_153 = arith.cmpf olt, %convert_element_type3A, %lt3A_152 : vector<16xf32>
    %jit3A_154 = arith.constant 1.000000e+00 : f32
    %jit3A_155 = arith.constant 0.000000e+00 : f32
    %broadcast_in_dim3A_156 = vector.broadcast %jit3A_154 : f32 to vector<16xf32>
    %broadcast_in_dim3A_157 = vector.broadcast %jit3A_155 : f32 to vector<16xf32>
    %select_n3A_158 = arith.select %lt3A_153, %broadcast_in_dim3A_156, %broadcast_in_dim3A_157 : vector<16xi1>, vector<16xf32>
    %swap3A_159 = arith.constant 112 : index
    %swap3A_160 = tpu.vector_load %arg5[%swap3A_159] {strides = array<i32>} : memref<4096xf32, #tpu.memory_space<vmem>>, vector<16xf32>,
    %swap3A_161 = vector.shape_cast %swap3A_160 : vector<16xf32> to vector<16xf32>
    %swap3A_162 = vector.shape_cast %select_n3A_158 : vector<16xf32> to vector<16xf32>
    tpu.vector_store %arg5[%swap3A_159], %swap3A_162 {strides = array<i32>} : memref<4096xf32, #tpu.memory_space<vmem>>, vector<16xf32>,
    %slice3A_163 = vector.extract_strided_slice %convert_element_type3A_61 {offsets = [8], sizes = [1], strides = [1]} : vector<16xf32> to vector<1xf32>
    %squeeze3A_164 = vector.extract %slice3A_163[0] : f32 from vector<1xf32>
    %lt3A_165 = vector.broadcast %squeeze3A_164 : f32 to vector<16xf32>
    %lt3A_166 = arith.cmpf olt, %convert_element_type3A, %lt3A_165 : vector<16xf32>
    %jit3A_167 = arith.constant 1.000000e+00 : f32
    %jit3A_168 = arith.constant 0.000000e+00 : f32
    %broadcast_in_dim3A_169 = vector.broadcast %jit3A_167 : f32 to vector<16xf32>
    %broadcast_in_dim3A_170 = vector.broadcast %jit3A_168 : f32 to vector<16xf32>
    %select_n3A_171 = arith.select %lt3A_166, %broadcast_in_dim3A_169, %broadcast_in_dim3A_170 : vector<16xi1>, vector<16xf32>
    %swap3A_172 = arith.constant 128 : index
    %swap3A_173 = tpu.vector_load %arg5[%swap3A_172] {strides = array<i32>} : memref<4096xf32, #tpu.memory_space<vmem>>, vector<16xf32>,
    %swap3A_174 = vector.shape_cast %swap3A_173 : vector<16xf32> to vector<16xf32>
    %swap3A_175 = vector.shape_cast %select_n3A_171 : vector<16xf32> to vector<16xf32>
    tpu.vector_store %arg5[%swap3A_172], %swap3A_175 {strides = array<i32>} : memref<4096xf32, #tpu.memory_space<vmem>>, vector<16xf32>,
    %slice3A_176 = vector.extract_strided_slice %convert_element_type3A_61 {offsets = [9], sizes = [1], strides = [1]} : vector<16xf32> to vector<1xf32>
    %squeeze3A_177 = vector.extract %slice3A_176[0] : f32 from vector<1xf32>
    %lt3A_178 = vector.broadcast %squeeze3A_177 : f32 to vector<16xf32>
    %lt3A_179 = arith.cmpf olt, %convert_element_type3A, %lt3A_178 : vector<16xf32>
    %jit3A_180 = arith.constant 1.000000e+00 : f32
    %jit3A_181 = arith.constant 0.000000e+00 : f32
    %broadcast_in_dim3A_182 = vector.broadcast %jit3A_180 : f32 to vector<16xf32>
    %broadcast_in_dim3A_183 = vector.broadcast %jit3A_181 : f32 to vector<16xf32>
    %select_n3A_184 = arith.select %lt3A_179, %broadcast_in_dim3A_182, %broadcast_in_dim3A_183 : vector<16xi1>, vector<16xf32>
    %swap3A_185 = arith.constant 144 : index
    %swap3A_186 = tpu.vector_load %arg5[%swap3A_185] {strides = array<i32>} : memref<4096xf32, #tpu.memory_space<vmem>>, vector<16xf32>,
    %swap3A_187 = vector.shape_cast %swap3A_186 : vector<16xf32> to vector<16xf32>
    %swap3A_188 = vector.shape_cast %select_n3A_184 : vector<16xf32> to vector<16xf32>
    tpu.vector_store %arg5[%swap3A_185], %swap3A_188 {strides = array<i32>} : memref<4096xf32, #tpu.memory_space<vmem>>, vector<16xf32>,
    %slice3A_189 = vector.extract_strided_slice %convert_element_type3A_61 {offsets = [10], sizes = [1], strides = [1]} : vector<16xf32> to vector<1xf32>
    %squeeze3A_190 = vector.extract %slice3A_189[0] : f32 from vector<1xf32>
    %lt3A_191 = vector.broadcast %squeeze3A_190 : f32 to vector<16xf32>
    %lt3A_192 = arith.cmpf olt, %convert_element_type3A, %lt3A_191 : vector<16xf32>
    %jit3A_193 = arith.constant 1.000000e+00 : f32
    %jit3A_194 = arith.constant 0.000000e+00 : f32
    %broadcast_in_dim3A_195 = vector.broadcast %jit3A_193 : f32 to vector<16xf32>
    %broadcast_in_dim3A_196 = vector.broadcast %jit3A_194 : f32 to vector<16xf32>
    %select_n3A_197 = arith.select %lt3A_192, %broadcast_in_dim3A_195, %broadcast_in_dim3A_196 : vector<16xi1>, vector<16xf32>
    %swap3A_198 = arith.constant 160 : index
    %swap3A_199 = tpu.vector_load %arg5[%swap3A_198] {strides = array<i32>} : memref<4096xf32, #tpu.memory_space<vmem>>, vector<16xf32>,
    %swap3A_200 = vector.shape_cast %swap3A_199 : vector<16xf32> to vector<16xf32>
    %swap3A_201 = vector.shape_cast %select_n3A_197 : vector<16xf32> to vector<16xf32>
    tpu.vector_store %arg5[%swap3A_198], %swap3A_201 {strides = array<i32>} : memref<4096xf32, #tpu.memory_space<vmem>>, vector<16xf32>,
    %slice3A_202 = vector.extract_strided_slice %convert_element_type3A_61 {offsets = [11], sizes = [1], strides = [1]} : vector<16xf32> to vector<1xf32>
    %squeeze3A_203 = vector.extract %slice3A_202[0] : f32 from vector<1xf32>
    %lt3A_204 = vector.broadcast %squeeze3A_203 : f32 to vector<16xf32>
    %lt3A_205 = arith.cmpf olt, %convert_element_type3A, %lt3A_204 : vector<16xf32>
    %jit3A_206 = arith.constant 1.000000e+00 : f32
    %jit3A_207 = arith.constant 0.000000e+00 : f32
    %broadcast_in_dim3A_208 = vector.broadcast %jit3A_206 : f32 to vector<16xf32>
    %broadcast_in_dim3A_209 = vector.broadcast %jit3A_207 : f32 to vector<16xf32>
    %select_n3A_210 = arith.select %lt3A_205, %broadcast_in_dim3A_208, %broadcast_in_dim3A_209 : vector<16xi1>, vector<16xf32>
    %swap3A_211 = arith.constant 176 : index
    %swap3A_212 = tpu.vector_load %arg5[%swap3A_211] {strides = array<i32>} : memref<4096xf32, #tpu.memory_space<vmem>>, vector<16xf32>,
    %swap3A_213 = vector.shape_cast %swap3A_212 : vector<16xf32> to vector<16xf32>
    %swap3A_214 = vector.shape_cast %select_n3A_210 : vector<16xf32> to vector<16xf32>
    tpu.vector_store %arg5[%swap3A_211], %swap3A_214 {strides = array<i32>} : memref<4096xf32, #tpu.memory_space<vmem>>, vector<16xf32>,
    %slice3A_215 = vector.extract_strided_slice %convert_element_type3A_61 {offsets = [12], sizes = [1], strides = [1]} : vector<16xf32> to vector<1xf32>
    %squeeze3A_216 = vector.extract %slice3A_215[0] : f32 from vector<1xf32>
    %lt3A_217 = vector.broadcast %squeeze3A_216 : f32 to vector<16xf32>
    %lt3A_218 = arith.cmpf olt, %convert_element_type3A, %lt3A_217 : vector<16xf32>
    %jit3A_219 = arith.constant 1.000000e+00 : f32
    %jit3A_220 = arith.constant 0.000000e+00 : f32
    %broadcast_in_dim3A_221 = vector.broadcast %jit3A_219 : f32 to vector<16xf32>
    %broadcast_in_dim3A_222 = vector.broadcast %jit3A_220 : f32 to vector<16xf32>
    %select_n3A_223 = arith.select %lt3A_218, %broadcast_in_dim3A_221, %broadcast_in_dim3A_222 : vector<16xi1>, vector<16xf32>
    %swap3A_224 = arith.constant 192 : index
    %swap3A_225 = tpu.vector_load %arg5[%swap3A_224] {strides = array<i32>} : memref<4096xf32, #tpu.memory_space<vmem>>, vector<16xf32>,
    %swap3A_226 = vector.shape_cast %swap3A_225 : vector<16xf32> to vector<16xf32>
    %swap3A_227 = vector.shape_cast %select_n3A_223 : vector<16xf32> to vector<16xf32>
    tpu.vector_store %arg5[%swap3A_224], %swap3A_227 {strides = array<i32>} : memref<4096xf32, #tpu.memory_space<vmem>>, vector<16xf32>,
    %slice3A_228 = vector.extract_strided_slice %convert_element_type3A_61 {offsets = [13], sizes = [1], strides = [1]} : vector<16xf32> to vector<1xf32>
    %squeeze3A_229 = vector.extract %slice3A_228[0] : f32 from vector<1xf32>
    %lt3A_230 = vector.broadcast %squeeze3A_229 : f32 to vector<16xf32>
    %lt3A_231 = arith.cmpf olt, %convert_element_type3A, %lt3A_230 : vector<16xf32>
    %jit3A_232 = arith.constant 1.000000e+00 : f32
    %jit3A_233 = arith.constant 0.000000e+00 : f32
    %broadcast_in_dim3A_234 = vector.broadcast %jit3A_232 : f32 to vector<16xf32>
    %broadcast_in_dim3A_235 = vector.broadcast %jit3A_233 : f32 to vector<16xf32>
    %select_n3A_236 = arith.select %lt3A_231, %broadcast_in_dim3A_234, %broadcast_in_dim3A_235 : vector<16xi1>, vector<16xf32>
    %swap3A_237 = arith.constant 208 : index
    %swap3A_238 = tpu.vector_load %arg5[%swap3A_237] {strides = array<i32>} : memref<4096xf32, #tpu.memory_space<vmem>>, vector<16xf32>,
    %swap3A_239 = vector.shape_cast %swap3A_238 : vector<16xf32> to vector<16xf32>
    %swap3A_240 = vector.shape_cast %select_n3A_236 : vector<16xf32> to vector<16xf32>
    tpu.vector_store %arg5[%swap3A_237], %swap3A_240 {strides = array<i32>} : memref<4096xf32, #tpu.memory_space<vmem>>, vector<16xf32>,
    %slice3A_241 = vector.extract_strided_slice %convert_element_type3A_61 {offsets = [14], sizes = [1], strides = [1]} : vector<16xf32> to vector<1xf32>
    %squeeze3A_242 = vector.extract %slice3A_241[0] : f32 from vector<1xf32>
    %lt3A_243 = vector.broadcast %squeeze3A_242 : f32 to vector<16xf32>
    %lt3A_244 = arith.cmpf olt, %convert_element_type3A, %lt3A_243 : vector<16xf32>
    %jit3A_245 = arith.constant 1.000000e+00 : f32
    %jit3A_246 = arith.constant 0.000000e+00 : f32
    %broadcast_in_dim3A_247 = vector.broadcast %jit3A_245 : f32 to vector<16xf32>
    %broadcast_in_dim3A_248 = vector.broadcast %jit3A_246 : f32 to vector<16xf32>
    %select_n3A_249 = arith.select %lt3A_244, %broadcast_in_dim3A_247, %broadcast_in_dim3A_248 : vector<16xi1>, vector<16xf32>
    %swap3A_250 = arith.constant 224 : index
    %swap3A_251 = tpu.vector_load %arg5[%swap3A_250] {strides = array<i32>} : memref<4096xf32, #tpu.memory_space<vmem>>, vector<16xf32>,
    %swap3A_252 = vector.shape_cast %swap3A_251 : vector<16xf32> to vector<16xf32>
    %swap3A_253 = vector.shape_cast %select_n3A_249 : vector<16xf32> to vector<16xf32>
    tpu.vector_store %arg5[%swap3A_250], %swap3A_253 {strides = array<i32>} : memref<4096xf32, #tpu.memory_space<vmem>>, vector<16xf32>,
    %slice3A_254 = vector.extract_strided_slice %convert_element_type3A_61 {offsets = [15], sizes = [1], strides = [1]} : vector<16xf32> to vector<1xf32>
    %squeeze3A_255 = vector.extract %slice3A_254[0] : f32 from vector<1xf32>
    %lt3A_256 = vector.broadcast %squeeze3A_255 : f32 to vector<16xf32>
    %lt3A_257 = arith.cmpf olt, %convert_element_type3A, %lt3A_256 : vector<16xf32>
    %jit3A_258 = arith.constant 1.000000e+00 : f32
    %jit3A_259 = arith.constant 0.000000e+00 : f32
    %broadcast_in_dim3A_260 = vector.broadcast %jit3A_258 : f32 to vector<16xf32>
    %broadcast_in_dim3A_261 = vector.broadcast %jit3A_259 : f32 to vector<16xf32>
    %select_n3A_262 = arith.select %lt3A_257, %broadcast_in_dim3A_260, %broadcast_in_dim3A_261 : vector<16xi1>, vector<16xf32>
    %swap3A_263 = arith.constant 240 : index
    %swap3A_264 = tpu.vector_load %arg5[%swap3A_263] {strides = array<i32>} : memref<4096xf32, #tpu.memory_space<vmem>>, vector<16xf32>,
    %swap3A_265 = vector.shape_cast %swap3A_264 : vector<16xf32> to vector<16xf32>
    %swap3A_266 = vector.shape_cast %select_n3A_262 : vector<16xf32> to vector<16xf32>
    tpu.vector_store %arg5[%swap3A_263], %swap3A_266 {strides = array<i32>} : memref<4096xf32, #tpu.memory_space<vmem>>, vector<16xf32>,
    %get3A_267 = arith.constant 16 : index
    %get3A_268 = tpu.vector_load %arg4[%get3A_267] {strides = array<i32>} : memref<256xf32, #tpu.memory_space<vmem>>, vector<16xf32>,
    %get3A_269 = vector.shape_cast %get3A_268 : vector<16xf32> to vector<16xf32>
    %mul3A_270 = arith.constant 6.500000e+01 : f32
    %mul3A_271 = vector.broadcast %mul3A_270 : f32 to vector<16xf32>
    %mul3A_272 = arith.mulf %get3A_269, %mul3A_271 : vector<16xf32>
    %convert_element_type3A_273 = arith.fptosi %mul3A_272 : vector<16xf32> to vector<16xi32>
    %min3A_274 = arith.constant 64 : i32
    %min3A_275 = vector.broadcast %min3A_274 : i32 to vector<16xi32>
    %min3A_276 = arith.minsi %convert_element_type3A_273, %min3A_275 : vector<16xi32>
    %mul3A_277 = arith.constant 1.600000e+01 : f32
    %mul3A_278 = vector.broadcast %mul3A_277 : f32 to vector<16xf32>
    %mul3A_279 = arith.mulf %get3A_269, %mul3A_278 : vector<16xf32>
    %convert_element_type3A_280 = arith.fptosi %mul3A_279 : vector<16xf32> to vector<16xi32>
    %convert_element_type3A_281 = arith.sitofp %convert_element_type3A_280 : vector<16xi32> to vector<16xf32>
    %lt3A_282 = arith.cmpf olt, %convert_element_type3A_281, %mul3A_279 : vector<16xf32>
    %jit3A_283 = arith.constant 1 : i32
    %jit3A_284 = arith.constant 0 : i32
    %broadcast_in_dim3A_285 = vector.broadcast %jit3A_283 : i32 to vector<16xi32>
    %broadcast_in_dim3A_286 = vector.broadcast %jit3A_284 : i32 to vector<16xi32>
    %select_n3A_287 = arith.select %lt3A_282, %broadcast_in_dim3A_285, %broadcast_in_dim3A_286 : vector<16xi1>, vector<16xi32>
    %add3A_288 = arith.addi %convert_element_type3A_280, %select_n3A_287 : vector<16xi32>
    %mul3A_289 = arith.constant 4 : i32
    %mul3A_290 = vector.broadcast %mul3A_289 : i32 to vector<16xi32>
    %mul3A_291 = arith.muli %mul3A_290, %add3A_288 : vector<16xi32>
    %min3A_292 = arith.minsi %min3A_276, %mul3A_291 : vector<16xi32>
    %shift_right_arithmetic3A_293 = arith.constant 2 : i32
    %shift_right_arithmetic3A_294 = vector.broadcast %shift_right_arithmetic3A_293 : i32 to vector<16xi32>
    %shift_right_arithmetic3A_295 = arith.shrsi %min3A_292, %shift_right_arithmetic3A_294 : vector<16xi32>
    %convert_element_type3A_296 = arith.sitofp %shift_right_arithmetic3A_295 : vector<16xi32> to vector<16xf32>
    %slice3A_297 = vector.extract_strided_slice %convert_element_type3A_296 {offsets = [0], sizes = [1], strides = [1]} : vector<16xf32> to vector<1xf32>
    %squeeze3A_298 = vector.extract %slice3A_297[0] : f32 from vector<1xf32>
    %lt3A_299 = vector.broadcast %squeeze3A_298 : f32 to vector<16xf32>
    %lt3A_300 = arith.cmpf olt, %convert_element_type3A, %lt3A_299 : vector<16xf32>
    %jit3A_301 = arith.constant 1.000000e+00 : f32
    %jit3A_302 = arith.constant 0.000000e+00 : f32
    %broadcast_in_dim3A_303 = vector.broadcast %jit3A_301 : f32 to vector<16xf32>
    %broadcast_in_dim3A_304 = vector.broadcast %jit3A_302 : f32 to vector<16xf32>
    %select_n3A_305 = arith.select %lt3A_300, %broadcast_in_dim3A_303, %broadcast_in_dim3A_304 : vector<16xi1>, vector<16xf32>
    %swap3A_306 = arith.constant 256 : index
    %swap3A_307 = tpu.vector_load %arg5[%swap3A_306] {strides = array<i32>} : memref<4096xf32, #tpu.memory_space<vmem>>, vector<16xf32>,
    %swap3A_308 = vector.shape_cast %swap3A_307 : vector<16xf32> to vector<16xf32>
    %swap3A_309 = vector.shape_cast %select_n3A_305 : vector<16xf32> to vector<16xf32>
    tpu.vector_store %arg5[%swap3A_306], %swap3A_309 {strides = array<i32>} : memref<4096xf32, #tpu.memory_space<vmem>>, vector<16xf32>,
    %slice3A_310 = vector.extract_strided_slice %convert_element_type3A_296 {offsets = [1], sizes = [1], strides = [1]} : vector<16xf32> to vector<1xf32>
    %squeeze3A_311 = vector.extract %slice3A_310[0] : f32 from vector<1xf32>
    %lt3A_312 = vector.broadcast %squeeze3A_311 : f32 to vector<16xf32>
    %lt3A_313 = arith.cmpf olt, %convert_element_type3A, %lt3A_312 : vector<16xf32>
    %jit3A_314 = arith.constant 1.000000e+00 : f32
    %jit3A_315 = arith.constant 0.000000e+00 : f32
    %broadcast_in_dim3A_316 = vector.broadcast %jit3A_314 : f32 to vector<16xf32>
    %broadcast_in_dim3A_317 = vector.broadcast %jit3A_315 : f32 to vector<16xf32>
    %select_n3A_318 = arith.select %lt3A_313, %broadcast_in_dim3A_316, %broadcast_in_dim3A_317 : vector<16xi1>, vector<16xf32>
    %swap3A_319 = arith.constant 272 : index
    %swap3A_320 = tpu.vector_load %arg5[%swap3A_319] {strides = array<i32>} : memref<4096xf32, #tpu.memory_space<vmem>>, vector<16xf32>,
    %swap3A_321 = vector.shape_cast %swap3A_320 : vector<16xf32> to vector<16xf32>
    %swap3A_322 = vector.shape_cast %select_n3A_318 : vector<16xf32> to vector<16xf32>
    tpu.vector_store %arg5[%swap3A_319], %swap3A_322 {strides = array<i32>} : memref<4096xf32, #tpu.memory_space<vmem>>, vector<16xf32>,
    %slice3A_323 = vector.extract_strided_slice %convert_element_type3A_296 {offsets = [2], sizes = [1], strides = [1]} : vector<16xf32> to vector<1xf32>
    %squeeze3A_324 = vector.extract %slice3A_323[0] : f32 from vector<1xf32>
    %lt3A_325 = vector.broadcast %squeeze3A_324 : f32 to vector<16xf32>
    %lt3A_326 = arith.cmpf olt, %convert_element_type3A, %lt3A_325 : vector<16xf32>
    %jit3A_327 = arith.constant 1.000000e+00 : f32
    %jit3A_328 = arith.constant 0.000000e+00 : f32
    %broadcast_in_dim3A_329 = vector.broadcast %jit3A_327 : f32 to vector<16xf32>
    %broadcast_in_dim3A_330 = vector.broadcast %jit3A_328 : f32 to vector<16xf32>
    %select_n3A_331 = arith.select %lt3A_326, %broadcast_in_dim3A_329, %broadcast_in_dim3A_330 : vector<16xi1>, vector<16xf32>
    %swap3A_332 = arith.constant 288 : index
    %swap3A_333 = tpu.vector_load %arg5[%swap3A_332] {strides = array<i32>} : memref<4096xf32, #tpu.memory_space<vmem>>, vector<16xf32>,
    %swap3A_334 = vector.shape_cast %swap3A_333 : vector<16xf32> to vector<16xf32>
    %swap3A_335 = vector.shape_cast %select_n3A_331 : vector<16xf32> to vector<16xf32>
    tpu.vector_store %arg5[%swap3A_332], %swap3A_335 {strides = array<i32>} : memref<4096xf32, #tpu.memory_space<vmem>>, vector<16xf32>,
    %slice3A_336 = vector.extract_strided_slice %convert_element_type3A_296 {offsets = [3], sizes = [1], strides = [1]} : vector<16xf32> to vector<1xf32>
    %squeeze3A_337 = vector.extract %slice3A_336[0] : f32 from vector<1xf32>
    %lt3A_338 = vector.broadcast %squeeze3A_337 : f32 to vector<16xf32>
    %lt3A_339 = arith.cmpf olt, %convert_element_type3A, %lt3A_338 : vector<16xf32>
    %jit3A_340 = arith.constant 1.000000e+00 : f32
    %jit3A_341 = arith.constant 0.000000e+00 : f32
    %broadcast_in_dim3A_342 = vector.broadcast %jit3A_340 : f32 to vector<16xf32>
    %broadcast_in_dim3A_343 = vector.broadcast %jit3A_341 : f32 to vector<16xf32>
    %select_n3A_344 = arith.select %lt3A_339, %broadcast_in_dim3A_342, %broadcast_in_dim3A_343 : vector<16xi1>, vector<16xf32>
    %swap3A_345 = arith.constant 304 : index
    %swap3A_346 = tpu.vector_load %arg5[%swap3A_345] {strides = array<i32>} : memref<4096xf32, #tpu.memory_space<vmem>>, vector<16xf32>,
    %swap3A_347 = vector.shape_cast %swap3A_346 : vector<16xf32> to vector<16xf32>
    %swap3A_348 = vector.shape_cast %select_n3A_344 : vector<16xf32> to vector<16xf32>
    tpu.vector_store %arg5[%swap3A_345], %swap3A_348 {strides = array<i32>} : memref<4096xf32, #tpu.memory_space<vmem>>, vector<16xf32>,
    %slice3A_349 = vector.extract_strided_slice %convert_element_type3A_296 {offsets = [4], sizes = [1], strides = [1]} : vector<16xf32> to vector<1xf32>
    %squeeze3A_350 = vector.extract %slice3A_349[0] : f32 from vector<1xf32>
    %lt3A_351 = vector.broadcast %squeeze3A_350 : f32 to vector<16xf32>
    %lt3A_352 = arith.cmpf olt, %convert_element_type3A, %lt3A_351 : vector<16xf32>
    %jit3A_353 = arith.constant 1.000000e+00 : f32
    %jit3A_354 = arith.constant 0.000000e+00 : f32
    %broadcast_in_dim3A_355 = vector.broadcast %jit3A_353 : f32 to vector<16xf32>
    %broadcast_in_dim3A_356 = vector.broadcast %jit3A_354 : f32 to vector<16xf32>
    %select_n3A_357 = arith.select %lt3A_352, %broadcast_in_dim3A_355, %broadcast_in_dim3A_356 : vector<16xi1>, vector<16xf32>
    %swap3A_358 = arith.constant 320 : index
    %swap3A_359 = tpu.vector_load %arg5[%swap3A_358] {strides = array<i32>} : memref<4096xf32, #tpu.memory_space<vmem>>, vector<16xf32>,
    %swap3A_360 = vector.shape_cast %swap3A_359 : vector<16xf32> to vector<16xf32>
    %swap3A_361 = vector.shape_cast %select_n3A_357 : vector<16xf32> to vector<16xf32>
    tpu.vector_store %arg5[%swap3A_358], %swap3A_361 {strides = array<i32>} : memref<4096xf32, #tpu.memory_space<vmem>>, vector<16xf32>,
    %slice3A_362 = vector.extract_strided_slice %convert_element_type3A_296 {offsets = [5], sizes = [1], strides = [1]} : vector<16xf32> to vector<1xf32>
    %squeeze3A_363 = vector.extract %slice3A_362[0] : f32 from vector<1xf32>
    %lt3A_364 = vector.broadcast %squeeze3A_363 : f32 to vector<16xf32>
    %lt3A_365 = arith.cmpf olt, %convert_element_type3A, %lt3A_364 : vector<16xf32>
    %jit3A_366 = arith.constant 1.000000e+00 : f32
    %jit3A_367 = arith.constant 0.000000e+00 : f32
    %broadcast_in_dim3A_368 = vector.broadcast %jit3A_366 : f32 to vector<16xf32>
    %broadcast_in_dim3A_369 = vector.broadcast %jit3A_367 : f32 to vector<16xf32>
    %select_n3A_370 = arith.select %lt3A_365, %broadcast_in_dim3A_368, %broadcast_in_dim3A_369 : vector<16xi1>, vector<16xf32>
    %swap3A_371 = arith.constant 336 : index
    %swap3A_372 = tpu.vector_load %arg5[%swap3A_371] {strides = array<i32>} : memref<4096xf32, #tpu.memory_space<vmem>>, vector<16xf32>,
    %swap3A_373 = vector.shape_cast %swap3A_372 : vector<16xf32> to vector<16xf32>
    %swap3A_374 = vector.shape_cast %select_n3A_370 : vector<16xf32> to vector<16xf32>
    tpu.vector_store %arg5[%swap3A_371], %swap3A_374 {strides = array<i32>} : memref<4096xf32, #tpu.memory_space<vmem>>, vector<16xf32>,
    %slice3A_375 = vector.extract_strided_slice %convert_element_type3A_296 {offsets = [6], sizes = [1], strides = [1]} : vector<16xf32> to vector<1xf32>
    %squeeze3A_376 = vector.extract %slice3A_375[0] : f32 from vector<1xf32>
    %lt3A_377 = vector.broadcast %squeeze3A_376 : f32 to vector<16xf32>
    %lt3A_378 = arith.cmpf olt, %convert_element_type3A, %lt3A_377 : vector<16xf32>
    %jit3A_379 = arith.constant 1.000000e+00 : f32
    %jit3A_380 = arith.constant 0.000000e+00 : f32
    %broadcast_in_dim3A_381 = vector.broadcast %jit3A_379 : f32 to vector<16xf32>
    %broadcast_in_dim3A_382 = vector.broadcast %jit3A_380 : f32 to vector<16xf32>
    %select_n3A_383 = arith.select %lt3A_378, %broadcast_in_dim3A_381, %broadcast_in_dim3A_382 : vector<16xi1>, vector<16xf32>
    %swap3A_384 = arith.constant 352 : index
    %swap3A_385 = tpu.vector_load %arg5[%swap3A_384] {strides = array<i32>} : memref<4096xf32, #tpu.memory_space<vmem>>, vector<16xf32>,
    %swap3A_386 = vector.shape_cast %swap3A_385 : vector<16xf32> to vector<16xf32>
    %swap3A_387 = vector.shape_cast %select_n3A_383 : vector<16xf32> to vector<16xf32>
    tpu.vector_store %arg5[%swap3A_384], %swap3A_387 {strides = array<i32>} : memref<4096xf32, #tpu.memory_space<vmem>>, vector<16xf32>,
    %slice3A_388 = vector.extract_strided_slice %convert_element_type3A_296 {offsets = [7], sizes = [1], strides = [1]} : vector<16xf32> to vector<1xf32>
    %squeeze3A_389 = vector.extract %slice3A_388[0] : f32 from vector<1xf32>
    %lt3A_390 = vector.broadcast %squeeze3A_389 : f32 to vector<16xf32>
    %lt3A_391 = arith.cmpf olt, %convert_element_type3A, %lt3A_390 : vector<16xf32>
    %jit3A_392 = arith.constant 1.000000e+00 : f32
    %jit3A_393 = arith.constant 0.000000e+00 : f32
    %broadcast_in_dim3A_394 = vector.broadcast %jit3A_392 : f32 to vector<16xf32>
    %broadcast_in_dim3A_395 = vector.broadcast %jit3A_393 : f32 to vector<16xf32>
    %select_n3A_396 = arith.select %lt3A_391, %broadcast_in_dim3A_394, %broadcast_in_dim3A_395 : vector<16xi1>, vector<16xf32>
    %swap3A_397 = arith.constant 368 : index
    %swap3A_398 = tpu.vector_load %arg5[%swap3A_397] {strides = array<i32>} : memref<4096xf32, #tpu.memory_space<vmem>>, vector<16xf32>,
    %swap3A_399 = vector.shape_cast %swap3A_398 : vector<16xf32> to vector<16xf32>
    %swap3A_400 = vector.shape_cast %select_n3A_396 : vector<16xf32> to vector<16xf32>
    tpu.vector_store %arg5[%swap3A_397], %swap3A_400 {strides = array<i32>} : memref<4096xf32, #tpu.memory_space<vmem>>, vector<16xf32>,
    %slice3A_401 = vector.extract_strided_slice %convert_element_type3A_296 {offsets = [8], sizes = [1], strides = [1]} : vector<16xf32> to vector<1xf32>
    %squeeze3A_402 = vector.extract %slice3A_401[0] : f32 from vector<1xf32>
    %lt3A_403 = vector.broadcast %squeeze3A_402 : f32 to vector<16xf32>
    %lt3A_404 = arith.cmpf olt, %convert_element_type3A, %lt3A_403 : vector<16xf32>
    %jit3A_405 = arith.constant 1.000000e+00 : f32
    %jit3A_406 = arith.constant 0.000000e+00 : f32
    %broadcast_in_dim3A_407 = vector.broadcast %jit3A_405 : f32 to vector<16xf32>
    %broadcast_in_dim3A_408 = vector.broadcast %jit3A_406 : f32 to vector<16xf32>
    %select_n3A_409 = arith.select %lt3A_404, %broadcast_in_dim3A_407, %broadcast_in_dim3A_408 : vector<16xi1>, vector<16xf32>
    %swap3A_410 = arith.constant 384 : index
    %swap3A_411 = tpu.vector_load %arg5[%swap3A_410] {strides = array<i32>} : memref<4096xf32, #tpu.memory_space<vmem>>, vector<16xf32>,
    %swap3A_412 = vector.shape_cast %swap3A_411 : vector<16xf32> to vector<16xf32>
    %swap3A_413 = vector.shape_cast %select_n3A_409 : vector<16xf32> to vector<16xf32>
    tpu.vector_store %arg5[%swap3A_410], %swap3A_413 {strides = array<i32>} : memref<4096xf32, #tpu.memory_space<vmem>>, vector<16xf32>,
    %slice3A_414 = vector.extract_strided_slice %convert_element_type3A_296 {offsets = [9], sizes = [1], strides = [1]} : vector<16xf32> to vector<1xf32>
    %squeeze3A_415 = vector.extract %slice3A_414[0] : f32 from vector<1xf32>
    %lt3A_416 = vector.broadcast %squeeze3A_415 : f32 to vector<16xf32>
    %lt3A_417 = arith.cmpf olt, %convert_element_type3A, %lt3A_416 : vector<16xf32>
    %jit3A_418 = arith.constant 1.000000e+00 : f32
    %jit3A_419 = arith.constant 0.000000e+00 : f32
    %broadcast_in_dim3A_420 = vector.broadcast %jit3A_418 : f32 to vector<16xf32>
    %broadcast_in_dim3A_421 = vector.broadcast %jit3A_419 : f32 to vector<16xf32>
    %select_n3A_422 = arith.select %lt3A_417, %broadcast_in_dim3A_420, %broadcast_in_dim3A_421 : vector<16xi1>, vector<16xf32>
    %swap3A_423 = arith.constant 400 : index
    %swap3A_424 = tpu.vector_load %arg5[%swap3A_423] {strides = array<i32>} : memref<4096xf32, #tpu.memory_space<vmem>>, vector<16xf32>,
    %swap3A_425 = vector.shape_cast %swap3A_424 : vector<16xf32> to vector<16xf32>
    %swap3A_426 = vector.shape_cast %select_n3A_422 : vector<16xf32> to vector<16xf32>
    tpu.vector_store %arg5[%swap3A_423], %swap3A_426 {strides = array<i32>} : memref<4096xf32, #tpu.memory_space<vmem>>, vector<16xf32>,
    %slice3A_427 = vector.extract_strided_slice %convert_element_type3A_296 {offsets = [10], sizes = [1], strides = [1]} : vector<16xf32> to vector<1xf32>
    %squeeze3A_428 = vector.extract %slice3A_427[0] : f32 from vector<1xf32>
    %lt3A_429 = vector.broadcast %squeeze3A_428 : f32 to vector<16xf32>
    %lt3A_430 = arith.cmpf olt, %convert_element_type3A, %lt3A_429 : vector<16xf32>
    %jit3A_431 = arith.constant 1.000000e+00 : f32
    %jit3A_432 = arith.constant 0.000000e+00 : f32
    %broadcast_in_dim3A_433 = vector.broadcast %jit3A_431 : f32 to vector<16xf32>
    %broadcast_in_dim3A_434 = vector.broadcast %jit3A_432 : f32 to vector<16xf32>
    %select_n3A_435 = arith.select %lt3A_430, %broadcast_in_dim3A_433, %broadcast_in_dim3A_434 : vector<16xi1>, vector<16xf32>
    %swap3A_436 = arith.constant 416 : index
    %swap3A_437 = tpu.vector_load %arg5[%swap3A_436] {strides = array<i32>} : memref<4096xf32, #tpu.memory_space<vmem>>, vector<16xf32>,
    %swap3A_438 = vector.shape_cast %swap3A_437 : vector<16xf32> to vector<16xf32>
    %swap3A_439 = vector.shape_cast %select_n3A_435 : vector<16xf32> to vector<16xf32>
    tpu.vector_store %arg5[%swap3A_436], %swap3A_439 {strides = array<i32>} : memref<4096xf32, #tpu.memory_space<vmem>>, vector<16xf32>,
    %slice3A_440 = vector.extract_strided_slice %convert_element_type3A_296 {offsets = [11], sizes = [1], strides = [1]} : vector<16xf32> to vector<1xf32>
    %squeeze3A_441 = vector.extract %slice3A_440[0] : f32 from vector<1xf32>
    %lt3A_442 = vector.broadcast %squeeze3A_441 : f32 to vector<16xf32>
    %lt3A_443 = arith.cmpf olt, %convert_element_type3A, %lt3A_442 : vector<16xf32>
    %jit3A_444 = arith.constant 1.000000e+00 : f32
    %jit3A_445 = arith.constant 0.000000e+00 : f32
    %broadcast_in_dim3A_446 = vector.broadcast %jit3A_444 : f32 to vector<16xf32>
    %broadcast_in_dim3A_447 = vector.broadcast %jit3A_445 : f32 to vector<16xf32>
    %select_n3A_448 = arith.select %lt3A_443, %broadcast_in_dim3A_446, %broadcast_in_dim3A_447 : vector<16xi1>, vector<16xf32>
    %swap3A_449 = arith.constant 432 : index
    %swap3A_450 = tpu.vector_load %arg5[%swap3A_449] {strides = array<i32>} : memref<4096xf32, #tpu.memory_space<vmem>>, vector<16xf32>,
    %swap3A_451 = vector.shape_cast %swap3A_450 : vector<16xf32> to vector<16xf32>
    %swap3A_452 = vector.shape_cast %select_n3A_448 : vector<16xf32> to vector<16xf32>
    tpu.vector_store %arg5[%swap3A_449], %swap3A_452 {strides = array<i32>} : memref<4096xf32, #tpu.memory_space<vmem>>, vector<16xf32>,
    %slice3A_453 = vector.extract_strided_slice %convert_element_type3A_296 {offsets = [12], sizes = [1], strides = [1]} : vector<16xf32> to vector<1xf32>
    %squeeze3A_454 = vector.extract %slice3A_453[0] : f32 from vector<1xf32>
    %lt3A_455 = vector.broadcast %squeeze3A_454 : f32 to vector<16xf32>
    %lt3A_456 = arith.cmpf olt, %convert_element_type3A, %lt3A_455 : vector<16xf32>
    %jit3A_457 = arith.constant 1.000000e+00 : f32
    %jit3A_458 = arith.constant 0.000000e+00 : f32
    %broadcast_in_dim3A_459 = vector.broadcast %jit3A_457 : f32 to vector<16xf32>
    %broadcast_in_dim3A_460 = vector.broadcast %jit3A_458 : f32 to vector<16xf32>
    %select_n3A_461 = arith.select %lt3A_456, %broadcast_in_dim3A_459, %broadcast_in_dim3A_460 : vector<16xi1>, vector<16xf32>
    %swap3A_462 = arith.constant 448 : index
    %swap3A_463 = tpu.vector_load %arg5[%swap3A_462] {strides = array<i32>} : memref<4096xf32, #tpu.memory_space<vmem>>, vector<16xf32>,
    %swap3A_464 = vector.shape_cast %swap3A_463 : vector<16xf32> to vector<16xf32>
    %swap3A_465 = vector.shape_cast %select_n3A_461 : vector<16xf32> to vector<16xf32>
    tpu.vector_store %arg5[%swap3A_462], %swap3A_465 {strides = array<i32>} : memref<4096xf32, #tpu.memory_space<vmem>>, vector<16xf32>,
    %slice3A_466 = vector.extract_strided_slice %convert_element_type3A_296 {offsets = [13], sizes = [1], strides = [1]} : vector<16xf32> to vector<1xf32>
    %squeeze3A_467 = vector.extract %slice3A_466[0] : f32 from vector<1xf32>
    %lt3A_468 = vector.broadcast %squeeze3A_467 : f32 to vector<16xf32>
    %lt3A_469 = arith.cmpf olt, %convert_element_type3A, %lt3A_468 : vector<16xf32>
    %jit3A_470 = arith.constant 1.000000e+00 : f32
    %jit3A_471 = arith.constant 0.000000e+00 : f32
    %broadcast_in_dim3A_472 = vector.broadcast %jit3A_470 : f32 to vector<16xf32>
    %broadcast_in_dim3A_473 = vector.broadcast %jit3A_471 : f32 to vector<16xf32>
    %select_n3A_474 = arith.select %lt3A_469, %broadcast_in_dim3A_472, %broadcast_in_dim3A_473 : vector<16xi1>, vector<16xf32>
    %swap3A_475 = arith.constant 464 : index
    %swap3A_476 = tpu.vector_load %arg5[%swap3A_475] {strides = array<i32>} : memref<4096xf32, #tpu.memory_space<vmem>>, vector<16xf32>,
    %swap3A_477 = vector.shape_cast %swap3A_476 : vector<16xf32> to vector<16xf32>
    %swap3A_478 = vector.shape_cast %select_n3A_474 : vector<16xf32> to vector<16xf32>
    tpu.vector_store %arg5[%swap3A_475], %swap3A_478 {strides = array<i32>} : memref<4096xf32, #tpu.memory_space<vmem>>, vector<16xf32>,
    %slice3A_479 = vector.extract_strided_slice %convert_element_type3A_296 {offsets = [14], sizes = [1], strides = [1]} : vector<16xf32> to vector<1xf32>
    %squeeze3A_480 = vector.extract %slice3A_479[0] : f32 from vector<1xf32>
    %lt3A_481 = vector.broadcast %squeeze3A_480 : f32 to vector<16xf32>
    %lt3A_482 = arith.cmpf olt, %convert_element_type3A, %lt3A_481 : vector<16xf32>
    %jit3A_483 = arith.constant 1.000000e+00 : f32
    %jit3A_484 = arith.constant 0.000000e+00 : f32
    %broadcast_in_dim3A_485 = vector.broadcast %jit3A_483 : f32 to vector<16xf32>
    %broadcast_in_dim3A_486 = vector.broadcast %jit3A_484 : f32 to vector<16xf32>
    %select_n3A_487 = arith.select %lt3A_482, %broadcast_in_dim3A_485, %broadcast_in_dim3A_486 : vector<16xi1>, vector<16xf32>
    %swap3A_488 = arith.constant 480 : index
    %swap3A_489 = tpu.vector_load %arg5[%swap3A_488] {strides = array<i32>} : memref<4096xf32, #tpu.memory_space<vmem>>, vector<16xf32>,
    %swap3A_490 = vector.shape_cast %swap3A_489 : vector<16xf32> to vector<16xf32>
    %swap3A_491 = vector.shape_cast %select_n3A_487 : vector<16xf32> to vector<16xf32>
    tpu.vector_store %arg5[%swap3A_488], %swap3A_491 {strides = array<i32>} : memref<4096xf32, #tpu.memory_space<vmem>>, vector<16xf32>,
    %slice3A_492 = vector.extract_strided_slice %convert_element_type3A_296 {offsets = [15], sizes = [1], strides = [1]} : vector<16xf32> to vector<1xf32>
    %squeeze3A_493 = vector.extract %slice3A_492[0] : f32 from vector<1xf32>
    %lt3A_494 = vector.broadcast %squeeze3A_493 : f32 to vector<16xf32>
    %lt3A_495 = arith.cmpf olt, %convert_element_type3A, %lt3A_494 : vector<16xf32>
    %jit3A_496 = arith.constant 1.000000e+00 : f32
    %jit3A_497 = arith.constant 0.000000e+00 : f32
    %broadcast_in_dim3A_498 = vector.broadcast %jit3A_496 : f32 to vector<16xf32>
    %broadcast_in_dim3A_499 = vector.broadcast %jit3A_497 : f32 to vector<16xf32>
    %select_n3A_500 = arith.select %lt3A_495, %broadcast_in_dim3A_498, %broadcast_in_dim3A_499 : vector<16xi1>, vector<16xf32>
    %swap3A_501 = arith.constant 496 : index
    %swap3A_502 = tpu.vector_load %arg5[%swap3A_501] {strides = array<i32>} : memref<4096xf32, #tpu.memory_space<vmem>>, vector<16xf32>,
    %swap3A_503 = vector.shape_cast %swap3A_502 : vector<16xf32> to vector<16xf32>
    %swap3A_504 = vector.shape_cast %select_n3A_500 : vector<16xf32> to vector<16xf32>
    tpu.vector_store %arg5[%swap3A_501], %swap3A_504 {strides = array<i32>} : memref<4096xf32, #tpu.memory_space<vmem>>, vector<16xf32>,
    %get3A_505 = arith.constant 32 : index
    %get3A_506 = tpu.vector_load %arg4[%get3A_505] {strides = array<i32>} : memref<256xf32, #tpu.memory_space<vmem>>, vector<16xf32>,
    %get3A_507 = vector.shape_cast %get3A_506 : vector<16xf32> to vector<16xf32>
    %mul3A_508 = arith.constant 6.500000e+01 : f32
    %mul3A_509 = vector.broadcast %mul3A_508 : f32 to vector<16xf32>
    %mul3A_510 = arith.mulf %get3A_507, %mul3A_509 : vector<16xf32>
    %convert_element_type3A_511 = arith.fptosi %mul3A_510 : vector<16xf32> to vector<16xi32>
    %min3A_512 = arith.constant 64 : i32
    %min3A_513 = vector.broadcast %min3A_512 : i32 to vector<16xi32>
    %min3A_514 = arith.minsi %convert_element_type3A_511, %min3A_513 : vector<16xi32>
    %mul3A_515 = arith.constant 1.600000e+01 : f32
    %mul3A_516 = vector.broadcast %mul3A_515 : f32 to vector<16xf32>
    %mul3A_517 = arith.mulf %get3A_507, %mul3A_516 : vector<16xf32>
    %convert_element_type3A_518 = arith.fptosi %mul3A_517 : vector<16xf32> to vector<16xi32>
    %convert_element_type3A_519 = arith.sitofp %convert_element_type3A_518 : vector<16xi32> to vector<16xf32>
    %lt3A_520 = arith.cmpf olt, %convert_element_type3A_519, %mul3A_517 : vector<16xf32>
    %jit3A_521 = arith.constant 1 : i32
    %jit3A_522 = arith.constant 0 : i32
    %broadcast_in_dim3A_523 = vector.broadcast %jit3A_521 : i32 to vector<16xi32>
    %broadcast_in_dim3A_524 = vector.broadcast %jit3A_522 : i32 to vector<16xi32>
    %select_n3A_525 = arith.select %lt3A_520, %broadcast_in_dim3A_523, %broadcast_in_dim3A_524 : vector<16xi1>, vector<16xi32>
    %add3A_526 = arith.addi %convert_element_type3A_518, %select_n3A_525 : vector<16xi32>
    %mul3A_527 = arith.constant 4 : i32
    %mul3A_528 = vector.broadcast %mul3A_527 : i32 to vector<16xi32>
    %mul3A_529 = arith.muli %mul3A_528, %add3A_526 : vector<16xi32>
    %min3A_530 = arith.minsi %min3A_514, %mul3A_529 : vector<16xi32>
    %shift_right_arithmetic3A_531 = arith.constant 2 : i32
    %shift_right_arithmetic3A_532 = vector.broadcast %shift_right_arithmetic3A_531 : i32 to vector<16xi32>
    %shift_right_arithmetic3A_533 = arith.shrsi %min3A_530, %shift_right_arithmetic3A_532 : vector<16xi32>
    %convert_element_type3A_534 = arith.sitofp %shift_right_arithmetic3A_533 : vector<16xi32> to vector<16xf32>
    %slice3A_535 = vector.extract_strided_slice %convert_element_type3A_534 {offsets = [0], sizes = [1], strides = [1]} : vector<16xf32> to vector<1xf32>
    %squeeze3A_536 = vector.extract %slice3A_535[0] : f32 from vector<1xf32>
    %lt3A_537 = vector.broadcast %squeeze3A_536 : f32 to vector<16xf32>
    %lt3A_538 = arith.cmpf olt, %convert_element_type3A, %lt3A_537 : vector<16xf32>
    %jit3A_539 = arith.constant 1.000000e+00 : f32
    %jit3A_540 = arith.constant 0.000000e+00 : f32
    %broadcast_in_dim3A_541 = vector.broadcast %jit3A_539 : f32 to vector<16xf32>
    %broadcast_in_dim3A_542 = vector.broadcast %jit3A_540 : f32 to vector<16xf32>
    %select_n3A_543 = arith.select %lt3A_538, %broadcast_in_dim3A_541, %broadcast_in_dim3A_542 : vector<16xi1>, vector<16xf32>
    %swap3A_544 = arith.constant 512 : index
    %swap3A_545 = tpu.vector_load %arg5[%swap3A_544] {strides = array<i32>} : memref<4096xf32, #tpu.memory_space<vmem>>, vector<16xf32>,
    %swap3A_546 = vector.shape_cast %swap3A_545 : vector<16xf32> to vector<16xf32>
    %swap3A_547 = vector.shape_cast %select_n3A_543 : vector<16xf32> to vector<16xf32>
    tpu.vector_store %arg5[%swap3A_544], %swap3A_547 {strides = array<i32>} : memref<4096xf32, #tpu.memory_space<vmem>>, vector<16xf32>,
    %slice3A_548 = vector.extract_strided_slice %convert_element_type3A_534 {offsets = [1], sizes = [1], strides = [1]} : vector<16xf32> to vector<1xf32>
    %squeeze3A_549 = vector.extract %slice3A_548[0] : f32 from vector<1xf32>
    %lt3A_550 = vector.broadcast %squeeze3A_549 : f32 to vector<16xf32>
    %lt3A_551 = arith.cmpf olt, %convert_element_type3A, %lt3A_550 : vector<16xf32>
    %jit3A_552 = arith.constant 1.000000e+00 : f32
    %jit3A_553 = arith.constant 0.000000e+00 : f32
    %broadcast_in_dim3A_554 = vector.broadcast %jit3A_552 : f32 to vector<16xf32>
    %broadcast_in_dim3A_555 = vector.broadcast %jit3A_553 : f32 to vector<16xf32>
    %select_n3A_556 = arith.select %lt3A_551, %broadcast_in_dim3A_554, %broadcast_in_dim3A_555 : vector<16xi1>, vector<16xf32>
    %swap3A_557 = arith.constant 528 : index
    %swap3A_558 = tpu.vector_load %arg5[%swap3A_557] {strides = array<i32>} : memref<4096xf32, #tpu.memory_space<vmem>>, vector<16xf32>,
    %swap3A_559 = vector.shape_cast %swap3A_558 : vector<16xf32> to vector<16xf32>
    %swap3A_560 = vector.shape_cast %select_n3A_556 : vector<16xf32> to vector<16xf32>
    tpu.vector_store %arg5[%swap3A_557], %swap3A_560 {strides = array<i32>} : memref<4096xf32, #tpu.memory_space<vmem>>, vector<16xf32>,
    %slice3A_561 = vector.extract_strided_slice %convert_element_type3A_534 {offsets = [2], sizes = [1], strides = [1]} : vector<16xf32> to vector<1xf32>
    %squeeze3A_562 = vector.extract %slice3A_561[0] : f32 from vector<1xf32>
    %lt3A_563 = vector.broadcast %squeeze3A_562 : f32 to vector<16xf32>
    %lt3A_564 = arith.cmpf olt, %convert_element_type3A, %lt3A_563 : vector<16xf32>
    %jit3A_565 = arith.constant 1.000000e+00 : f32
    %jit3A_566 = arith.constant 0.000000e+00 : f32
    %broadcast_in_dim3A_567 = vector.broadcast %jit3A_565 : f32 to vector<16xf32>
    %broadcast_in_dim3A_568 = vector.broadcast %jit3A_566 : f32 to vector<16xf32>
    %select_n3A_569 = arith.select %lt3A_564, %broadcast_in_dim3A_567, %broadcast_in_dim3A_568 : vector<16xi1>, vector<16xf32>
    %swap3A_570 = arith.constant 544 : index
    %swap3A_571 = tpu.vector_load %arg5[%swap3A_570] {strides = array<i32>} : memref<4096xf32, #tpu.memory_space<vmem>>, vector<16xf32>,
    %swap3A_572 = vector.shape_cast %swap3A_571 : vector<16xf32> to vector<16xf32>
    %swap3A_573 = vector.shape_cast %select_n3A_569 : vector<16xf32> to vector<16xf32>
    tpu.vector_store %arg5[%swap3A_570], %swap3A_573 {strides = array<i32>} : memref<4096xf32, #tpu.memory_space<vmem>>, vector<16xf32>,
    %slice3A_574 = vector.extract_strided_slice %convert_element_type3A_534 {offsets = [3], sizes = [1], strides = [1]} : vector<16xf32> to vector<1xf32>
    %squeeze3A_575 = vector.extract %slice3A_574[0] : f32 from vector<1xf32>
    %lt3A_576 = vector.broadcast %squeeze3A_575 : f32 to vector<16xf32>
    %lt3A_577 = arith.cmpf olt, %convert_element_type3A, %lt3A_576 : vector<16xf32>
    %jit3A_578 = arith.constant 1.000000e+00 : f32
    %jit3A_579 = arith.constant 0.000000e+00 : f32
    %broadcast_in_dim3A_580 = vector.broadcast %jit3A_578 : f32 to vector<16xf32>
    %broadcast_in_dim3A_581 = vector.broadcast %jit3A_579 : f32 to vector<16xf32>
    %select_n3A_582 = arith.select %lt3A_577, %broadcast_in_dim3A_580, %broadcast_in_dim3A_581 : vector<16xi1>, vector<16xf32>
    %swap3A_583 = arith.constant 560 : index
    %swap3A_584 = tpu.vector_load %arg5[%swap3A_583] {strides = array<i32>} : memref<4096xf32, #tpu.memory_space<vmem>>, vector<16xf32>,
    %swap3A_585 = vector.shape_cast %swap3A_584 : vector<16xf32> to vector<16xf32>
    %swap3A_586 = vector.shape_cast %select_n3A_582 : vector<16xf32> to vector<16xf32>
    tpu.vector_store %arg5[%swap3A_583], %swap3A_586 {strides = array<i32>} : memref<4096xf32, #tpu.memory_space<vmem>>, vector<16xf32>,
    %slice3A_587 = vector.extract_strided_slice %convert_element_type3A_534 {offsets = [4], sizes = [1], strides = [1]} : vector<16xf32> to vector<1xf32>
    %squeeze3A_588 = vector.extract %slice3A_587[0] : f32 from vector<1xf32>
    %lt3A_589 = vector.broadcast %squeeze3A_588 : f32 to vector<16xf32>
    %lt3A_590 = arith.cmpf olt, %convert_element_type3A, %lt3A_589 : vector<16xf32>
    %jit3A_591 = arith.constant 1.000000e+00 : f32
    %jit3A_592 = arith.constant 0.000000e+00 : f32
    %broadcast_in_dim3A_593 = vector.broadcast %jit3A_591 : f32 to vector<16xf32>
    %broadcast_in_dim3A_594 = vector.broadcast %jit3A_592 : f32 to vector<16xf32>
    %select_n3A_595 = arith.select %lt3A_590, %broadcast_in_dim3A_593, %broadcast_in_dim3A_594 : vector<16xi1>, vector<16xf32>
    %swap3A_596 = arith.constant 576 : index
    %swap3A_597 = tpu.vector_load %arg5[%swap3A_596] {strides = array<i32>} : memref<4096xf32, #tpu.memory_space<vmem>>, vector<16xf32>,
    %swap3A_598 = vector.shape_cast %swap3A_597 : vector<16xf32> to vector<16xf32>
    %swap3A_599 = vector.shape_cast %select_n3A_595 : vector<16xf32> to vector<16xf32>
    tpu.vector_store %arg5[%swap3A_596], %swap3A_599 {strides = array<i32>} : memref<4096xf32, #tpu.memory_space<vmem>>, vector<16xf32>,
    %slice3A_600 = vector.extract_strided_slice %convert_element_type3A_534 {offsets = [5], sizes = [1], strides = [1]} : vector<16xf32> to vector<1xf32>
    %squeeze3A_601 = vector.extract %slice3A_600[0] : f32 from vector<1xf32>
    %lt3A_602 = vector.broadcast %squeeze3A_601 : f32 to vector<16xf32>
    %lt3A_603 = arith.cmpf olt, %convert_element_type3A, %lt3A_602 : vector<16xf32>
    %jit3A_604 = arith.constant 1.000000e+00 : f32
    %jit3A_605 = arith.constant 0.000000e+00 : f32
    %broadcast_in_dim3A_606 = vector.broadcast %jit3A_604 : f32 to vector<16xf32>
    %broadcast_in_dim3A_607 = vector.broadcast %jit3A_605 : f32 to vector<16xf32>
    %select_n3A_608 = arith.select %lt3A_603, %broadcast_in_dim3A_606, %broadcast_in_dim3A_607 : vector<16xi1>, vector<16xf32>
    %swap3A_609 = arith.constant 592 : index
    %swap3A_610 = tpu.vector_load %arg5[%swap3A_609] {strides = array<i32>} : memref<4096xf32, #tpu.memory_space<vmem>>, vector<16xf32>,
    %swap3A_611 = vector.shape_cast %swap3A_610 : vector<16xf32> to vector<16xf32>
    %swap3A_612 = vector.shape_cast %select_n3A_608 : vector<16xf32> to vector<16xf32>
    tpu.vector_store %arg5[%swap3A_609], %swap3A_612 {strides = array<i32>} : memref<4096xf32, #tpu.memory_space<vmem>>, vector<16xf32>,
    %slice3A_613 = vector.extract_strided_slice %convert_element_type3A_534 {offsets = [6], sizes = [1], strides = [1]} : vector<16xf32> to vector<1xf32>
    %squeeze3A_614 = vector.extract %slice3A_613[0] : f32 from vector<1xf32>
    %lt3A_615 = vector.broadcast %squeeze3A_614 : f32 to vector<16xf32>
    %lt3A_616 = arith.cmpf olt, %convert_element_type3A, %lt3A_615 : vector<16xf32>
    %jit3A_617 = arith.constant 1.000000e+00 : f32
    %jit3A_618 = arith.constant 0.000000e+00 : f32
    %broadcast_in_dim3A_619 = vector.broadcast %jit3A_617 : f32 to vector<16xf32>
    %broadcast_in_dim3A_620 = vector.broadcast %jit3A_618 : f32 to vector<16xf32>
    %select_n3A_621 = arith.select %lt3A_616, %broadcast_in_dim3A_619, %broadcast_in_dim3A_620 : vector<16xi1>, vector<16xf32>
    %swap3A_622 = arith.constant 608 : index
    %swap3A_623 = tpu.vector_load %arg5[%swap3A_622] {strides = array<i32>} : memref<4096xf32, #tpu.memory_space<vmem>>, vector<16xf32>,
    %swap3A_624 = vector.shape_cast %swap3A_623 : vector<16xf32> to vector<16xf32>
    %swap3A_625 = vector.shape_cast %select_n3A_621 : vector<16xf32> to vector<16xf32>
    tpu.vector_store %arg5[%swap3A_622], %swap3A_625 {strides = array<i32>} : memref<4096xf32, #tpu.memory_space<vmem>>, vector<16xf32>,
    %slice3A_626 = vector.extract_strided_slice %convert_element_type3A_534 {offsets = [7], sizes = [1], strides = [1]} : vector<16xf32> to vector<1xf32>
    %squeeze3A_627 = vector.extract %slice3A_626[0] : f32 from vector<1xf32>
    %lt3A_628 = vector.broadcast %squeeze3A_627 : f32 to vector<16xf32>
    %lt3A_629 = arith.cmpf olt, %convert_element_type3A, %lt3A_628 : vector<16xf32>
    %jit3A_630 = arith.constant 1.000000e+00 : f32
    %jit3A_631 = arith.constant 0.000000e+00 : f32
    %broadcast_in_dim3A_632 = vector.broadcast %jit3A_630 : f32 to vector<16xf32>
    %broadcast_in_dim3A_633 = vector.broadcast %jit3A_631 : f32 to vector<16xf32>
    %select_n3A_634 = arith.select %lt3A_629, %broadcast_in_dim3A_632, %broadcast_in_dim3A_633 : vector<16xi1>, vector<16xf32>
    %swap3A_635 = arith.constant 624 : index
    %swap3A_636 = tpu.vector_load %arg5[%swap3A_635] {strides = array<i32>} : memref<4096xf32, #tpu.memory_space<vmem>>, vector<16xf32>,
    %swap3A_637 = vector.shape_cast %swap3A_636 : vector<16xf32> to vector<16xf32>
    %swap3A_638 = vector.shape_cast %select_n3A_634 : vector<16xf32> to vector<16xf32>
    tpu.vector_store %arg5[%swap3A_635], %swap3A_638 {strides = array<i32>} : memref<4096xf32, #tpu.memory_space<vmem>>, vector<16xf32>,
    %slice3A_639 = vector.extract_strided_slice %convert_element_type3A_534 {offsets = [8], sizes = [1], strides = [1]} : vector<16xf32> to vector<1xf32>
    %squeeze3A_640 = vector.extract %slice3A_639[0] : f32 from vector<1xf32>
    %lt3A_641 = vector.broadcast %squeeze3A_640 : f32 to vector<16xf32>
    %lt3A_642 = arith.cmpf olt, %convert_element_type3A, %lt3A_641 : vector<16xf32>
    %jit3A_643 = arith.constant 1.000000e+00 : f32
    %jit3A_644 = arith.constant 0.000000e+00 : f32
    %broadcast_in_dim3A_645 = vector.broadcast %jit3A_643 : f32 to vector<16xf32>
    %broadcast_in_dim3A_646 = vector.broadcast %jit3A_644 : f32 to vector<16xf32>
    %select_n3A_647 = arith.select %lt3A_642, %broadcast_in_dim3A_645, %broadcast_in_dim3A_646 : vector<16xi1>, vector<16xf32>
    %swap3A_648 = arith.constant 640 : index
    %swap3A_649 = tpu.vector_load %arg5[%swap3A_648] {strides = array<i32>} : memref<4096xf32, #tpu.memory_space<vmem>>, vector<16xf32>,
    %swap3A_650 = vector.shape_cast %swap3A_649 : vector<16xf32> to vector<16xf32>
    %swap3A_651 = vector.shape_cast %select_n3A_647 : vector<16xf32> to vector<16xf32>
    tpu.vector_store %arg5[%swap3A_648], %swap3A_651 {strides = array<i32>} : memref<4096xf32, #tpu.memory_space<vmem>>, vector<16xf32>,
    %slice3A_652 = vector.extract_strided_slice %convert_element_type3A_534 {offsets = [9], sizes = [1], strides = [1]} : vector<16xf32> to vector<1xf32>
    %squeeze3A_653 = vector.extract %slice3A_652[0] : f32 from vector<1xf32>
    %lt3A_654 = vector.broadcast %squeeze3A_653 : f32 to vector<16xf32>
    %lt3A_655 = arith.cmpf olt, %convert_element_type3A, %lt3A_654 : vector<16xf32>
    %jit3A_656 = arith.constant 1.000000e+00 : f32
    %jit3A_657 = arith.constant 0.000000e+00 : f32
    %broadcast_in_dim3A_658 = vector.broadcast %jit3A_656 : f32 to vector<16xf32>
    %broadcast_in_dim3A_659 = vector.broadcast %jit3A_657 : f32 to vector<16xf32>
    %select_n3A_660 = arith.select %lt3A_655, %broadcast_in_dim3A_658, %broadcast_in_dim3A_659 : vector<16xi1>, vector<16xf32>
    %swap3A_661 = arith.constant 656 : index
    %swap3A_662 = tpu.vector_load %arg5[%swap3A_661] {strides = array<i32>} : memref<4096xf32, #tpu.memory_space<vmem>>, vector<16xf32>,
    %swap3A_663 = vector.shape_cast %swap3A_662 : vector<16xf32> to vector<16xf32>
    %swap3A_664 = vector.shape_cast %select_n3A_660 : vector<16xf32> to vector<16xf32>
    tpu.vector_store %arg5[%swap3A_661], %swap3A_664 {strides = array<i32>} : memref<4096xf32, #tpu.memory_space<vmem>>, vector<16xf32>,
    %slice3A_665 = vector.extract_strided_slice %convert_element_type3A_534 {offsets = [10], sizes = [1], strides = [1]} : vector<16xf32> to vector<1xf32>
    %squeeze3A_666 = vector.extract %slice3A_665[0] : f32 from vector<1xf32>
    %lt3A_667 = vector.broadcast %squeeze3A_666 : f32 to vector<16xf32>
    %lt3A_668 = arith.cmpf olt, %convert_element_type3A, %lt3A_667 : vector<16xf32>
    %jit3A_669 = arith.constant 1.000000e+00 : f32
    %jit3A_670 = arith.constant 0.000000e+00 : f32
    %broadcast_in_dim3A_671 = vector.broadcast %jit3A_669 : f32 to vector<16xf32>
    %broadcast_in_dim3A_672 = vector.broadcast %jit3A_670 : f32 to vector<16xf32>
    %select_n3A_673 = arith.select %lt3A_668, %broadcast_in_dim3A_671, %broadcast_in_dim3A_672 : vector<16xi1>, vector<16xf32>
    %swap3A_674 = arith.constant 672 : index
    %swap3A_675 = tpu.vector_load %arg5[%swap3A_674] {strides = array<i32>} : memref<4096xf32, #tpu.memory_space<vmem>>, vector<16xf32>,
    %swap3A_676 = vector.shape_cast %swap3A_675 : vector<16xf32> to vector<16xf32>
    %swap3A_677 = vector.shape_cast %select_n3A_673 : vector<16xf32> to vector<16xf32>
    tpu.vector_store %arg5[%swap3A_674], %swap3A_677 {strides = array<i32>} : memref<4096xf32, #tpu.memory_space<vmem>>, vector<16xf32>,
    %slice3A_678 = vector.extract_strided_slice %convert_element_type3A_534 {offsets = [11], sizes = [1], strides = [1]} : vector<16xf32> to vector<1xf32>
    %squeeze3A_679 = vector.extract %slice3A_678[0] : f32 from vector<1xf32>
    %lt3A_680 = vector.broadcast %squeeze3A_679 : f32 to vector<16xf32>
    %lt3A_681 = arith.cmpf olt, %convert_element_type3A, %lt3A_680 : vector<16xf32>
    %jit3A_682 = arith.constant 1.000000e+00 : f32
    %jit3A_683 = arith.constant 0.000000e+00 : f32
    %broadcast_in_dim3A_684 = vector.broadcast %jit3A_682 : f32 to vector<16xf32>
    %broadcast_in_dim3A_685 = vector.broadcast %jit3A_683 : f32 to vector<16xf32>
    %select_n3A_686 = arith.select %lt3A_681, %broadcast_in_dim3A_684, %broadcast_in_dim3A_685 : vector<16xi1>, vector<16xf32>
    %swap3A_687 = arith.constant 688 : index
    %swap3A_688 = tpu.vector_load %arg5[%swap3A_687] {strides = array<i32>} : memref<4096xf32, #tpu.memory_space<vmem>>, vector<16xf32>,
    %swap3A_689 = vector.shape_cast %swap3A_688 : vector<16xf32> to vector<16xf32>
    %swap3A_690 = vector.shape_cast %select_n3A_686 : vector<16xf32> to vector<16xf32>
    tpu.vector_store %arg5[%swap3A_687], %swap3A_690 {strides = array<i32>} : memref<4096xf32, #tpu.memory_space<vmem>>, vector<16xf32>,
    %slice3A_691 = vector.extract_strided_slice %convert_element_type3A_534 {offsets = [12], sizes = [1], strides = [1]} : vector<16xf32> to vector<1xf32>
    %squeeze3A_692 = vector.extract %slice3A_691[0] : f32 from vector<1xf32>
    %lt3A_693 = vector.broadcast %squeeze3A_692 : f32 to vector<16xf32>
    %lt3A_694 = arith.cmpf olt, %convert_element_type3A, %lt3A_693 : vector<16xf32>
    %jit3A_695 = arith.constant 1.000000e+00 : f32
    %jit3A_696 = arith.constant 0.000000e+00 : f32
    %broadcast_in_dim3A_697 = vector.broadcast %jit3A_695 : f32 to vector<16xf32>
    %broadcast_in_dim3A_698 = vector.broadcast %jit3A_696 : f32 to vector<16xf32>
    %select_n3A_699 = arith.select %lt3A_694, %broadcast_in_dim3A_697, %broadcast_in_dim3A_698 : vector<16xi1>, vector<16xf32>
    %swap3A_700 = arith.constant 704 : index
    %swap3A_701 = tpu.vector_load %arg5[%swap3A_700] {strides = array<i32>} : memref<4096xf32, #tpu.memory_space<vmem>>, vector<16xf32>,
    %swap3A_702 = vector.shape_cast %swap3A_701 : vector<16xf32> to vector<16xf32>
    %swap3A_703 = vector.shape_cast %select_n3A_699 : vector<16xf32> to vector<16xf32>
    tpu.vector_store %arg5[%swap3A_700], %swap3A_703 {strides = array<i32>} : memref<4096xf32, #tpu.memory_space<vmem>>, vector<16xf32>,
    %slice3A_704 = vector.extract_strided_slice %convert_element_type3A_534 {offsets = [13], sizes = [1], strides = [1]} : vector<16xf32> to vector<1xf32>
    %squeeze3A_705 = vector.extract %slice3A_704[0] : f32 from vector<1xf32>
    %lt3A_706 = vector.broadcast %squeeze3A_705 : f32 to vector<16xf32>
    %lt3A_707 = arith.cmpf olt, %convert_element_type3A, %lt3A_706 : vector<16xf32>
    %jit3A_708 = arith.constant 1.000000e+00 : f32
    %jit3A_709 = arith.constant 0.000000e+00 : f32
    %broadcast_in_dim3A_710 = vector.broadcast %jit3A_708 : f32 to vector<16xf32>
    %broadcast_in_dim3A_711 = vector.broadcast %jit3A_709 : f32 to vector<16xf32>
    %select_n3A_712 = arith.select %lt3A_707, %broadcast_in_dim3A_710, %broadcast_in_dim3A_711 : vector<16xi1>, vector<16xf32>
    %swap3A_713 = arith.constant 720 : index
    %swap3A_714 = tpu.vector_load %arg5[%swap3A_713] {strides = array<i32>} : memref<4096xf32, #tpu.memory_space<vmem>>, vector<16xf32>,
    %swap3A_715 = vector.shape_cast %swap3A_714 : vector<16xf32> to vector<16xf32>
    %swap3A_716 = vector.shape_cast %select_n3A_712 : vector<16xf32> to vector<16xf32>
    tpu.vector_store %arg5[%swap3A_713], %swap3A_716 {strides = array<i32>} : memref<4096xf32, #tpu.memory_space<vmem>>, vector<16xf32>,
    %slice3A_717 = vector.extract_strided_slice %convert_element_type3A_534 {offsets = [14], sizes = [1], strides = [1]} : vector<16xf32> to vector<1xf32>
    %squeeze3A_718 = vector.extract %slice3A_717[0] : f32 from vector<1xf32>
    %lt3A_719 = vector.broadcast %squeeze3A_718 : f32 to vector<16xf32>
    %lt3A_720 = arith.cmpf olt, %convert_element_type3A, %lt3A_719 : vector<16xf32>
    %jit3A_721 = arith.constant 1.000000e+00 : f32
    %jit3A_722 = arith.constant 0.000000e+00 : f32
    %broadcast_in_dim3A_723 = vector.broadcast %jit3A_721 : f32 to vector<16xf32>
    %broadcast_in_dim3A_724 = vector.broadcast %jit3A_722 : f32 to vector<16xf32>
    %select_n3A_725 = arith.select %lt3A_720, %broadcast_in_dim3A_723, %broadcast_in_dim3A_724 : vector<16xi1>, vector<16xf32>
    %swap3A_726 = arith.constant 736 : index
    %swap3A_727 = tpu.vector_load %arg5[%swap3A_726] {strides = array<i32>} : memref<4096xf32, #tpu.memory_space<vmem>>, vector<16xf32>,
    %swap3A_728 = vector.shape_cast %swap3A_727 : vector<16xf32> to vector<16xf32>
    %swap3A_729 = vector.shape_cast %select_n3A_725 : vector<16xf32> to vector<16xf32>
    tpu.vector_store %arg5[%swap3A_726], %swap3A_729 {strides = array<i32>} : memref<4096xf32, #tpu.memory_space<vmem>>, vector<16xf32>,
    %slice3A_730 = vector.extract_strided_slice %convert_element_type3A_534 {offsets = [15], sizes = [1], strides = [1]} : vector<16xf32> to vector<1xf32>
    %squeeze3A_731 = vector.extract %slice3A_730[0] : f32 from vector<1xf32>
    %lt3A_732 = vector.broadcast %squeeze3A_731 : f32 to vector<16xf32>
    %lt3A_733 = arith.cmpf olt, %convert_element_type3A, %lt3A_732 : vector<16xf32>
    %jit3A_734 = arith.constant 1.000000e+00 : f32
    %jit3A_735 = arith.constant 0.000000e+00 : f32
    %broadcast_in_dim3A_736 = vector.broadcast %jit3A_734 : f32 to vector<16xf32>
    %broadcast_in_dim3A_737 = vector.broadcast %jit3A_735 : f32 to vector<16xf32>
    %select_n3A_738 = arith.select %lt3A_733, %broadcast_in_dim3A_736, %broadcast_in_dim3A_737 : vector<16xi1>, vector<16xf32>
    %swap3A_739 = arith.constant 752 : index
    %swap3A_740 = tpu.vector_load %arg5[%swap3A_739] {strides = array<i32>} : memref<4096xf32, #tpu.memory_space<vmem>>, vector<16xf32>,
    %swap3A_741 = vector.shape_cast %swap3A_740 : vector<16xf32> to vector<16xf32>
    %swap3A_742 = vector.shape_cast %select_n3A_738 : vector<16xf32> to vector<16xf32>
    tpu.vector_store %arg5[%swap3A_739], %swap3A_742 {strides = array<i32>} : memref<4096xf32, #tpu.memory_space<vmem>>, vector<16xf32>,
    %get3A_743 = arith.constant 48 : index
    %get3A_744 = tpu.vector_load %arg4[%get3A_743] {strides = array<i32>} : memref<256xf32, #tpu.memory_space<vmem>>, vector<16xf32>,
    %get3A_745 = vector.shape_cast %get3A_744 : vector<16xf32> to vector<16xf32>
    %mul3A_746 = arith.constant 6.500000e+01 : f32
    %mul3A_747 = vector.broadcast %mul3A_746 : f32 to vector<16xf32>
    %mul3A_748 = arith.mulf %get3A_745, %mul3A_747 : vector<16xf32>
    %convert_element_type3A_749 = arith.fptosi %mul3A_748 : vector<16xf32> to vector<16xi32>
    %min3A_750 = arith.constant 64 : i32
    %min3A_751 = vector.broadcast %min3A_750 : i32 to vector<16xi32>
    %min3A_752 = arith.minsi %convert_element_type3A_749, %min3A_751 : vector<16xi32>
    %mul3A_753 = arith.constant 1.600000e+01 : f32
    %mul3A_754 = vector.broadcast %mul3A_753 : f32 to vector<16xf32>
    %mul3A_755 = arith.mulf %get3A_745, %mul3A_754 : vector<16xf32>
    %convert_element_type3A_756 = arith.fptosi %mul3A_755 : vector<16xf32> to vector<16xi32>
    %convert_element_type3A_757 = arith.sitofp %convert_element_type3A_756 : vector<16xi32> to vector<16xf32>
    %lt3A_758 = arith.cmpf olt, %convert_element_type3A_757, %mul3A_755 : vector<16xf32>
    %jit3A_759 = arith.constant 1 : i32
    %jit3A_760 = arith.constant 0 : i32
    %broadcast_in_dim3A_761 = vector.broadcast %jit3A_759 : i32 to vector<16xi32>
    %broadcast_in_dim3A_762 = vector.broadcast %jit3A_760 : i32 to vector<16xi32>
    %select_n3A_763 = arith.select %lt3A_758, %broadcast_in_dim3A_761, %broadcast_in_dim3A_762 : vector<16xi1>, vector<16xi32>
    %add3A_764 = arith.addi %convert_element_type3A_756, %select_n3A_763 : vector<16xi32>
    %mul3A_765 = arith.constant 4 : i32
    %mul3A_766 = vector.broadcast %mul3A_765 : i32 to vector<16xi32>
    %mul3A_767 = arith.muli %mul3A_766, %add3A_764 : vector<16xi32>
    %min3A_768 = arith.minsi %min3A_752, %mul3A_767 : vector<16xi32>
    %shift_right_arithmetic3A_769 = arith.constant 2 : i32
    %shift_right_arithmetic3A_770 = vector.broadcast %shift_right_arithmetic3A_769 : i32 to vector<16xi32>
    %shift_right_arithmetic3A_771 = arith.shrsi %min3A_768, %shift_right_arithmetic3A_770 : vector<16xi32>
    %convert_element_type3A_772 = arith.sitofp %shift_right_arithmetic3A_771 : vector<16xi32> to vector<16xf32>
    %slice3A_773 = vector.extract_strided_slice %convert_element_type3A_772 {offsets = [0], sizes = [1], strides = [1]} : vector<16xf32> to vector<1xf32>
    %squeeze3A_774 = vector.extract %slice3A_773[0] : f32 from vector<1xf32>
    %lt3A_775 = vector.broadcast %squeeze3A_774 : f32 to vector<16xf32>
    %lt3A_776 = arith.cmpf olt, %convert_element_type3A, %lt3A_775 : vector<16xf32>
    %jit3A_777 = arith.constant 1.000000e+00 : f32
    %jit3A_778 = arith.constant 0.000000e+00 : f32
    %broadcast_in_dim3A_779 = vector.broadcast %jit3A_777 : f32 to vector<16xf32>
    %broadcast_in_dim3A_780 = vector.broadcast %jit3A_778 : f32 to vector<16xf32>
    %select_n3A_781 = arith.select %lt3A_776, %broadcast_in_dim3A_779, %broadcast_in_dim3A_780 : vector<16xi1>, vector<16xf32>
    %swap3A_782 = arith.constant 768 : index
    %swap3A_783 = tpu.vector_load %arg5[%swap3A_782] {strides = array<i32>} : memref<4096xf32, #tpu.memory_space<vmem>>, vector<16xf32>,
    %swap3A_784 = vector.shape_cast %swap3A_783 : vector<16xf32> to vector<16xf32>
    %swap3A_785 = vector.shape_cast %select_n3A_781 : vector<16xf32> to vector<16xf32>
    tpu.vector_store %arg5[%swap3A_782], %swap3A_785 {strides = array<i32>} : memref<4096xf32, #tpu.memory_space<vmem>>, vector<16xf32>,
    %slice3A_786 = vector.extract_strided_slice %convert_element_type3A_772 {offsets = [1], sizes = [1], strides = [1]} : vector<16xf32> to vector<1xf32>
    %squeeze3A_787 = vector.extract %slice3A_786[0] : f32 from vector<1xf32>
    %lt3A_788 = vector.broadcast %squeeze3A_787 : f32 to vector<16xf32>
    %lt3A_789 = arith.cmpf olt, %convert_element_type3A, %lt3A_788 : vector<16xf32>
    %jit3A_790 = arith.constant 1.000000e+00 : f32
    %jit3A_791 = arith.constant 0.000000e+00 : f32
    %broadcast_in_dim3A_792 = vector.broadcast %jit3A_790 : f32 to vector<16xf32>
    %broadcast_in_dim3A_793 = vector.broadcast %jit3A_791 : f32 to vector<16xf32>
    %select_n3A_794 = arith.select %lt3A_789, %broadcast_in_dim3A_792, %broadcast_in_dim3A_793 : vector<16xi1>, vector<16xf32>
    %swap3A_795 = arith.constant 784 : index
    %swap3A_796 = tpu.vector_load %arg5[%swap3A_795] {strides = array<i32>} : memref<4096xf32, #tpu.memory_space<vmem>>, vector<16xf32>,
    %swap3A_797 = vector.shape_cast %swap3A_796 : vector<16xf32> to vector<16xf32>
    %swap3A_798 = vector.shape_cast %select_n3A_794 : vector<16xf32> to vector<16xf32>
    tpu.vector_store %arg5[%swap3A_795], %swap3A_798 {strides = array<i32>} : memref<4096xf32, #tpu.memory_space<vmem>>, vector<16xf32>,
    %slice3A_799 = vector.extract_strided_slice %convert_element_type3A_772 {offsets = [2], sizes = [1], strides = [1]} : vector<16xf32> to vector<1xf32>
    %squeeze3A_800 = vector.extract %slice3A_799[0] : f32 from vector<1xf32>
    %lt3A_801 = vector.broadcast %squeeze3A_800 : f32 to vector<16xf32>
    %lt3A_802 = arith.cmpf olt, %convert_element_type3A, %lt3A_801 : vector<16xf32>
    %jit3A_803 = arith.constant 1.000000e+00 : f32
    %jit3A_804 = arith.constant 0.000000e+00 : f32
    %broadcast_in_dim3A_805 = vector.broadcast %jit3A_803 : f32 to vector<16xf32>
    %broadcast_in_dim3A_806 = vector.broadcast %jit3A_804 : f32 to vector<16xf32>
    %select_n3A_807 = arith.select %lt3A_802, %broadcast_in_dim3A_805, %broadcast_in_dim3A_806 : vector<16xi1>, vector<16xf32>
    %swap3A_808 = arith.constant 800 : index
    %swap3A_809 = tpu.vector_load %arg5[%swap3A_808] {strides = array<i32>} : memref<4096xf32, #tpu.memory_space<vmem>>, vector<16xf32>,
    %swap3A_810 = vector.shape_cast %swap3A_809 : vector<16xf32> to vector<16xf32>
    %swap3A_811 = vector.shape_cast %select_n3A_807 : vector<16xf32> to vector<16xf32>
    tpu.vector_store %arg5[%swap3A_808], %swap3A_811 {strides = array<i32>} : memref<4096xf32, #tpu.memory_space<vmem>>, vector<16xf32>,
    %slice3A_812 = vector.extract_strided_slice %convert_element_type3A_772 {offsets = [3], sizes = [1], strides = [1]} : vector<16xf32> to vector<1xf32>
    %squeeze3A_813 = vector.extract %slice3A_812[0] : f32 from vector<1xf32>
    %lt3A_814 = vector.broadcast %squeeze3A_813 : f32 to vector<16xf32>
    %lt3A_815 = arith.cmpf olt, %convert_element_type3A, %lt3A_814 : vector<16xf32>
    %jit3A_816 = arith.constant 1.000000e+00 : f32
    %jit3A_817 = arith.constant 0.000000e+00 : f32
    %broadcast_in_dim3A_818 = vector.broadcast %jit3A_816 : f32 to vector<16xf32>
    %broadcast_in_dim3A_819 = vector.broadcast %jit3A_817 : f32 to vector<16xf32>
    %select_n3A_820 = arith.select %lt3A_815, %broadcast_in_dim3A_818, %broadcast_in_dim3A_819 : vector<16xi1>, vector<16xf32>
    %swap3A_821 = arith.constant 816 : index
    %swap3A_822 = tpu.vector_load %arg5[%swap3A_821] {strides = array<i32>} : memref<4096xf32, #tpu.memory_space<vmem>>, vector<16xf32>,
    %swap3A_823 = vector.shape_cast %swap3A_822 : vector<16xf32> to vector<16xf32>
    %swap3A_824 = vector.shape_cast %select_n3A_820 : vector<16xf32> to vector<16xf32>
    tpu.vector_store %arg5[%swap3A_821], %swap3A_824 {strides = array<i32>} : memref<4096xf32, #tpu.memory_space<vmem>>, vector<16xf32>,
    %slice3A_825 = vector.extract_strided_slice %convert_element_type3A_772 {offsets = [4], sizes = [1], strides = [1]} : vector<16xf32> to vector<1xf32>
    %squeeze3A_826 = vector.extract %slice3A_825[0] : f32 from vector<1xf32>
    %lt3A_827 = vector.broadcast %squeeze3A_826 : f32 to vector<16xf32>
    %lt3A_828 = arith.cmpf olt, %convert_element_type3A, %lt3A_827 : vector<16xf32>
    %jit3A_829 = arith.constant 1.000000e+00 : f32
    %jit3A_830 = arith.constant 0.000000e+00 : f32
    %broadcast_in_dim3A_831 = vector.broadcast %jit3A_829 : f32 to vector<16xf32>
    %broadcast_in_dim3A_832 = vector.broadcast %jit3A_830 : f32 to vector<16xf32>
    %select_n3A_833 = arith.select %lt3A_828, %broadcast_in_dim3A_831, %broadcast_in_dim3A_832 : vector<16xi1>, vector<16xf32>
    %swap3A_834 = arith.constant 832 : index
    %swap3A_835 = tpu.vector_load %arg5[%swap3A_834] {strides = array<i32>} : memref<4096xf32, #tpu.memory_space<vmem>>, vector<16xf32>,
    %swap3A_836 = vector.shape_cast %swap3A_835 : vector<16xf32> to vector<16xf32>
    %swap3A_837 = vector.shape_cast %select_n3A_833 : vector<16xf32> to vector<16xf32>
    tpu.vector_store %arg5[%swap3A_834], %swap3A_837 {strides = array<i32>} : memref<4096xf32, #tpu.memory_space<vmem>>, vector<16xf32>,
    %slice3A_838 = vector.extract_strided_slice %convert_element_type3A_772 {offsets = [5], sizes = [1], strides = [1]} : vector<16xf32> to vector<1xf32>
    %squeeze3A_839 = vector.extract %slice3A_838[0] : f32 from vector<1xf32>
    %lt3A_840 = vector.broadcast %squeeze3A_839 : f32 to vector<16xf32>
    %lt3A_841 = arith.cmpf olt, %convert_element_type3A, %lt3A_840 : vector<16xf32>
    %jit3A_842 = arith.constant 1.000000e+00 : f32
    %jit3A_843 = arith.constant 0.000000e+00 : f32
    %broadcast_in_dim3A_844 = vector.broadcast %jit3A_842 : f32 to vector<16xf32>
    %broadcast_in_dim3A_845 = vector.broadcast %jit3A_843 : f32 to vector<16xf32>
    %select_n3A_846 = arith.select %lt3A_841, %broadcast_in_dim3A_844, %broadcast_in_dim3A_845 : vector<16xi1>, vector<16xf32>
    %swap3A_847 = arith.constant 848 : index
    %swap3A_848 = tpu.vector_load %arg5[%swap3A_847] {strides = array<i32>} : memref<4096xf32, #tpu.memory_space<vmem>>, vector<16xf32>,
    %swap3A_849 = vector.shape_cast %swap3A_848 : vector<16xf32> to vector<16xf32>
    %swap3A_850 = vector.shape_cast %select_n3A_846 : vector<16xf32> to vector<16xf32>
    tpu.vector_store %arg5[%swap3A_847], %swap3A_850 {strides = array<i32>} : memref<4096xf32, #tpu.memory_space<vmem>>, vector<16xf32>,
    %slice3A_851 = vector.extract_strided_slice %convert_element_type3A_772 {offsets = [6], sizes = [1], strides = [1]} : vector<16xf32> to vector<1xf32>
    %squeeze3A_852 = vector.extract %slice3A_851[0] : f32 from vector<1xf32>
    %lt3A_853 = vector.broadcast %squeeze3A_852 : f32 to vector<16xf32>
    %lt3A_854 = arith.cmpf olt, %convert_element_type3A, %lt3A_853 : vector<16xf32>
    %jit3A_855 = arith.constant 1.000000e+00 : f32
    %jit3A_856 = arith.constant 0.000000e+00 : f32
    %broadcast_in_dim3A_857 = vector.broadcast %jit3A_855 : f32 to vector<16xf32>
    %broadcast_in_dim3A_858 = vector.broadcast %jit3A_856 : f32 to vector<16xf32>
    %select_n3A_859 = arith.select %lt3A_854, %broadcast_in_dim3A_857, %broadcast_in_dim3A_858 : vector<16xi1>, vector<16xf32>
    %swap3A_860 = arith.constant 864 : index
    %swap3A_861 = tpu.vector_load %arg5[%swap3A_860] {strides = array<i32>} : memref<4096xf32, #tpu.memory_space<vmem>>, vector<16xf32>,
    %swap3A_862 = vector.shape_cast %swap3A_861 : vector<16xf32> to vector<16xf32>
    %swap3A_863 = vector.shape_cast %select_n3A_859 : vector<16xf32> to vector<16xf32>
    tpu.vector_store %arg5[%swap3A_860], %swap3A_863 {strides = array<i32>} : memref<4096xf32, #tpu.memory_space<vmem>>, vector<16xf32>,
    %slice3A_864 = vector.extract_strided_slice %convert_element_type3A_772 {offsets = [7], sizes = [1], strides = [1]} : vector<16xf32> to vector<1xf32>
    %squeeze3A_865 = vector.extract %slice3A_864[0] : f32 from vector<1xf32>
    %lt3A_866 = vector.broadcast %squeeze3A_865 : f32 to vector<16xf32>
    %lt3A_867 = arith.cmpf olt, %convert_element_type3A, %lt3A_866 : vector<16xf32>
    %jit3A_868 = arith.constant 1.000000e+00 : f32
    %jit3A_869 = arith.constant 0.000000e+00 : f32
    %broadcast_in_dim3A_870 = vector.broadcast %jit3A_868 : f32 to vector<16xf32>
    %broadcast_in_dim3A_871 = vector.broadcast %jit3A_869 : f32 to vector<16xf32>
    %select_n3A_872 = arith.select %lt3A_867, %broadcast_in_dim3A_870, %broadcast_in_dim3A_871 : vector<16xi1>, vector<16xf32>
    %swap3A_873 = arith.constant 880 : index
    %swap3A_874 = tpu.vector_load %arg5[%swap3A_873] {strides = array<i32>} : memref<4096xf32, #tpu.memory_space<vmem>>, vector<16xf32>,
    %swap3A_875 = vector.shape_cast %swap3A_874 : vector<16xf32> to vector<16xf32>
    %swap3A_876 = vector.shape_cast %select_n3A_872 : vector<16xf32> to vector<16xf32>
    tpu.vector_store %arg5[%swap3A_873], %swap3A_876 {strides = array<i32>} : memref<4096xf32, #tpu.memory_space<vmem>>, vector<16xf32>,
    %slice3A_877 = vector.extract_strided_slice %convert_element_type3A_772 {offsets = [8], sizes = [1], strides = [1]} : vector<16xf32> to vector<1xf32>
    %squeeze3A_878 = vector.extract %slice3A_877[0] : f32 from vector<1xf32>
    %lt3A_879 = vector.broadcast %squeeze3A_878 : f32 to vector<16xf32>
    %lt3A_880 = arith.cmpf olt, %convert_element_type3A, %lt3A_879 : vector<16xf32>
    %jit3A_881 = arith.constant 1.000000e+00 : f32
    %jit3A_882 = arith.constant 0.000000e+00 : f32
    %broadcast_in_dim3A_883 = vector.broadcast %jit3A_881 : f32 to vector<16xf32>
    %broadcast_in_dim3A_884 = vector.broadcast %jit3A_882 : f32 to vector<16xf32>
    %select_n3A_885 = arith.select %lt3A_880, %broadcast_in_dim3A_883, %broadcast_in_dim3A_884 : vector<16xi1>, vector<16xf32>
    %swap3A_886 = arith.constant 896 : index
    %swap3A_887 = tpu.vector_load %arg5[%swap3A_886] {strides = array<i32>} : memref<4096xf32, #tpu.memory_space<vmem>>, vector<16xf32>,
    %swap3A_888 = vector.shape_cast %swap3A_887 : vector<16xf32> to vector<16xf32>
    %swap3A_889 = vector.shape_cast %select_n3A_885 : vector<16xf32> to vector<16xf32>
    tpu.vector_store %arg5[%swap3A_886], %swap3A_889 {strides = array<i32>} : memref<4096xf32, #tpu.memory_space<vmem>>, vector<16xf32>,
    %slice3A_890 = vector.extract_strided_slice %convert_element_type3A_772 {offsets = [9], sizes = [1], strides = [1]} : vector<16xf32> to vector<1xf32>
    %squeeze3A_891 = vector.extract %slice3A_890[0] : f32 from vector<1xf32>
    %lt3A_892 = vector.broadcast %squeeze3A_891 : f32 to vector<16xf32>
    %lt3A_893 = arith.cmpf olt, %convert_element_type3A, %lt3A_892 : vector<16xf32>
    %jit3A_894 = arith.constant 1.000000e+00 : f32
    %jit3A_895 = arith.constant 0.000000e+00 : f32
    %broadcast_in_dim3A_896 = vector.broadcast %jit3A_894 : f32 to vector<16xf32>
    %broadcast_in_dim3A_897 = vector.broadcast %jit3A_895 : f32 to vector<16xf32>
    %select_n3A_898 = arith.select %lt3A_893, %broadcast_in_dim3A_896, %broadcast_in_dim3A_897 : vector<16xi1>, vector<16xf32>
    %swap3A_899 = arith.constant 912 : index
    %swap3A_900 = tpu.vector_load %arg5[%swap3A_899] {strides = array<i32>} : memref<4096xf32, #tpu.memory_space<vmem>>, vector<16xf32>,
    %swap3A_901 = vector.shape_cast %swap3A_900 : vector<16xf32> to vector<16xf32>
    %swap3A_902 = vector.shape_cast %select_n3A_898 : vector<16xf32> to vector<16xf32>
    tpu.vector_store %arg5[%swap3A_899], %swap3A_902 {strides = array<i32>} : memref<4096xf32, #tpu.memory_space<vmem>>, vector<16xf32>,
    %slice3A_903 = vector.extract_strided_slice %convert_element_type3A_772 {offsets = [10], sizes = [1], strides = [1]} : vector<16xf32> to vector<1xf32>
    %squeeze3A_904 = vector.extract %slice3A_903[0] : f32 from vector<1xf32>
    %lt3A_905 = vector.broadcast %squeeze3A_904 : f32 to vector<16xf32>
    %lt3A_906 = arith.cmpf olt, %convert_element_type3A, %lt3A_905 : vector<16xf32>
    %jit3A_907 = arith.constant 1.000000e+00 : f32
    %jit3A_908 = arith.constant 0.000000e+00 : f32
    %broadcast_in_dim3A_909 = vector.broadcast %jit3A_907 : f32 to vector<16xf32>
    %broadcast_in_dim3A_910 = vector.broadcast %jit3A_908 : f32 to vector<16xf32>
    %select_n3A_911 = arith.select %lt3A_906, %broadcast_in_dim3A_909, %broadcast_in_dim3A_910 : vector<16xi1>, vector<16xf32>
    %swap3A_912 = arith.constant 928 : index
    %swap3A_913 = tpu.vector_load %arg5[%swap3A_912] {strides = array<i32>} : memref<4096xf32, #tpu.memory_space<vmem>>, vector<16xf32>,
    %swap3A_914 = vector.shape_cast %swap3A_913 : vector<16xf32> to vector<16xf32>
    %swap3A_915 = vector.shape_cast %select_n3A_911 : vector<16xf32> to vector<16xf32>
    tpu.vector_store %arg5[%swap3A_912], %swap3A_915 {strides = array<i32>} : memref<4096xf32, #tpu.memory_space<vmem>>, vector<16xf32>,
    %slice3A_916 = vector.extract_strided_slice %convert_element_type3A_772 {offsets = [11], sizes = [1], strides = [1]} : vector<16xf32> to vector<1xf32>
    %squeeze3A_917 = vector.extract %slice3A_916[0] : f32 from vector<1xf32>
    %lt3A_918 = vector.broadcast %squeeze3A_917 : f32 to vector<16xf32>
    %lt3A_919 = arith.cmpf olt, %convert_element_type3A, %lt3A_918 : vector<16xf32>
    %jit3A_920 = arith.constant 1.000000e+00 : f32
    %jit3A_921 = arith.constant 0.000000e+00 : f32
    %broadcast_in_dim3A_922 = vector.broadcast %jit3A_920 : f32 to vector<16xf32>
    %broadcast_in_dim3A_923 = vector.broadcast %jit3A_921 : f32 to vector<16xf32>
    %select_n3A_924 = arith.select %lt3A_919, %broadcast_in_dim3A_922, %broadcast_in_dim3A_923 : vector<16xi1>, vector<16xf32>
    %swap3A_925 = arith.constant 944 : index
    %swap3A_926 = tpu.vector_load %arg5[%swap3A_925] {strides = array<i32>} : memref<4096xf32, #tpu.memory_space<vmem>>, vector<16xf32>,
    %swap3A_927 = vector.shape_cast %swap3A_926 : vector<16xf32> to vector<16xf32>
    %swap3A_928 = vector.shape_cast %select_n3A_924 : vector<16xf32> to vector<16xf32>
    tpu.vector_store %arg5[%swap3A_925], %swap3A_928 {strides = array<i32>} : memref<4096xf32, #tpu.memory_space<vmem>>, vector<16xf32>,
    %slice3A_929 = vector.extract_strided_slice %convert_element_type3A_772 {offsets = [12], sizes = [1], strides = [1]} : vector<16xf32> to vector<1xf32>
    %squeeze3A_930 = vector.extract %slice3A_929[0] : f32 from vector<1xf32>
    %lt3A_931 = vector.broadcast %squeeze3A_930 : f32 to vector<16xf32>
    %lt3A_932 = arith.cmpf olt, %convert_element_type3A, %lt3A_931 : vector<16xf32>
    %jit3A_933 = arith.constant 1.000000e+00 : f32
    %jit3A_934 = arith.constant 0.000000e+00 : f32
    %broadcast_in_dim3A_935 = vector.broadcast %jit3A_933 : f32 to vector<16xf32>
    %broadcast_in_dim3A_936 = vector.broadcast %jit3A_934 : f32 to vector<16xf32>
    %select_n3A_937 = arith.select %lt3A_932, %broadcast_in_dim3A_935, %broadcast_in_dim3A_936 : vector<16xi1>, vector<16xf32>
    %swap3A_938 = arith.constant 960 : index
    %swap3A_939 = tpu.vector_load %arg5[%swap3A_938] {strides = array<i32>} : memref<4096xf32, #tpu.memory_space<vmem>>, vector<16xf32>,
    %swap3A_940 = vector.shape_cast %swap3A_939 : vector<16xf32> to vector<16xf32>
    %swap3A_941 = vector.shape_cast %select_n3A_937 : vector<16xf32> to vector<16xf32>
    tpu.vector_store %arg5[%swap3A_938], %swap3A_941 {strides = array<i32>} : memref<4096xf32, #tpu.memory_space<vmem>>, vector<16xf32>,
    %slice3A_942 = vector.extract_strided_slice %convert_element_type3A_772 {offsets = [13], sizes = [1], strides = [1]} : vector<16xf32> to vector<1xf32>
    %squeeze3A_943 = vector.extract %slice3A_942[0] : f32 from vector<1xf32>
    %lt3A_944 = vector.broadcast %squeeze3A_943 : f32 to vector<16xf32>
    %lt3A_945 = arith.cmpf olt, %convert_element_type3A, %lt3A_944 : vector<16xf32>
    %jit3A_946 = arith.constant 1.000000e+00 : f32
    %jit3A_947 = arith.constant 0.000000e+00 : f32
    %broadcast_in_dim3A_948 = vector.broadcast %jit3A_946 : f32 to vector<16xf32>
    %broadcast_in_dim3A_949 = vector.broadcast %jit3A_947 : f32 to vector<16xf32>
    %select_n3A_950 = arith.select %lt3A_945, %broadcast_in_dim3A_948, %broadcast_in_dim3A_949 : vector<16xi1>, vector<16xf32>
    %swap3A_951 = arith.constant 976 : index
    %swap3A_952 = tpu.vector_load %arg5[%swap3A_951] {strides = array<i32>} : memref<4096xf32, #tpu.memory_space<vmem>>, vector<16xf32>,
    %swap3A_953 = vector.shape_cast %swap3A_952 : vector<16xf32> to vector<16xf32>
    %swap3A_954 = vector.shape_cast %select_n3A_950 : vector<16xf32> to vector<16xf32>
    tpu.vector_store %arg5[%swap3A_951], %swap3A_954 {strides = array<i32>} : memref<4096xf32, #tpu.memory_space<vmem>>, vector<16xf32>,
    %slice3A_955 = vector.extract_strided_slice %convert_element_type3A_772 {offsets = [14], sizes = [1], strides = [1]} : vector<16xf32> to vector<1xf32>
    %squeeze3A_956 = vector.extract %slice3A_955[0] : f32 from vector<1xf32>
    %lt3A_957 = vector.broadcast %squeeze3A_956 : f32 to vector<16xf32>
    %lt3A_958 = arith.cmpf olt, %convert_element_type3A, %lt3A_957 : vector<16xf32>
    %jit3A_959 = arith.constant 1.000000e+00 : f32
    %jit3A_960 = arith.constant 0.000000e+00 : f32
    %broadcast_in_dim3A_961 = vector.broadcast %jit3A_959 : f32 to vector<16xf32>
    %broadcast_in_dim3A_962 = vector.broadcast %jit3A_960 : f32 to vector<16xf32>
    %select_n3A_963 = arith.select %lt3A_958, %broadcast_in_dim3A_961, %broadcast_in_dim3A_962 : vector<16xi1>, vector<16xf32>
    %swap3A_964 = arith.constant 992 : index
    %swap3A_965 = tpu.vector_load %arg5[%swap3A_964] {strides = array<i32>} : memref<4096xf32, #tpu.memory_space<vmem>>, vector<16xf32>,
    %swap3A_966 = vector.shape_cast %swap3A_965 : vector<16xf32> to vector<16xf32>
    %swap3A_967 = vector.shape_cast %select_n3A_963 : vector<16xf32> to vector<16xf32>
    tpu.vector_store %arg5[%swap3A_964], %swap3A_967 {strides = array<i32>} : memref<4096xf32, #tpu.memory_space<vmem>>, vector<16xf32>,
    %slice3A_968 = vector.extract_strided_slice %convert_element_type3A_772 {offsets = [15], sizes = [1], strides = [1]} : vector<16xf32> to vector<1xf32>
    %squeeze3A_969 = vector.extract %slice3A_968[0] : f32 from vector<1xf32>
    %lt3A_970 = vector.broadcast %squeeze3A_969 : f32 to vector<16xf32>
    %lt3A_971 = arith.cmpf olt, %convert_element_type3A, %lt3A_970 : vector<16xf32>
    %jit3A_972 = arith.constant 1.000000e+00 : f32
    %jit3A_973 = arith.constant 0.000000e+00 : f32
    %broadcast_in_dim3A_974 = vector.broadcast %jit3A_972 : f32 to vector<16xf32>
    %broadcast_in_dim3A_975 = vector.broadcast %jit3A_973 : f32 to vector<16xf32>
    %select_n3A_976 = arith.select %lt3A_971, %broadcast_in_dim3A_974, %broadcast_in_dim3A_975 : vector<16xi1>, vector<16xf32>
    %swap3A_977 = arith.constant 1008 : index
    %swap3A_978 = tpu.vector_load %arg5[%swap3A_977] {strides = array<i32>} : memref<4096xf32, #tpu.memory_space<vmem>>, vector<16xf32>,
    %swap3A_979 = vector.shape_cast %swap3A_978 : vector<16xf32> to vector<16xf32>
    %swap3A_980 = vector.shape_cast %select_n3A_976 : vector<16xf32> to vector<16xf32>
    tpu.vector_store %arg5[%swap3A_977], %swap3A_980 {strides = array<i32>} : memref<4096xf32, #tpu.memory_space<vmem>>, vector<16xf32>,
    %add3A_981 = arith.constant 0 : i32
    %add3A_982 = arith.addi %mul3A_2, %add3A_981 : i32
    %mul3A_983 = arith.constant 16 : i32
    %mul3A_984 = arith.muli %add3A_982, %mul3A_983 : i32
    %dma_start3A_985 = arith.constant 0 : i32
    %dma_start3A_986 = tpu.memref_slice %arg5[%dma_start3A_985] : memref<4096xf32, #tpu.memory_space<vmem>> -> memref<1024xf32, #tpu.memory_space<vmem>>
    %dma_start3A_987 = tpu.memref_slice %arg3[%mul3A_984] : memref<65536xf32, #tpu.memory_space<hbm>> -> memref<1024xf32, #tpu.memory_space<hbm>>
    %dma_start3A_988 = tpu.memref_slice %arg3[%mul3A_984] : memref<65536xf32, #tpu.memory_space<hbm>> -> memref<1024xf32, #tpu.memory_space<hbm>>
    %dma_start3A_989 = arith.constant 0 : i32
    %dma_start3A_990 = tpu.memref_slice %arg5[%dma_start3A_989] : memref<4096xf32, #tpu.memory_space<vmem>> -> memref<1024xf32, #tpu.memory_space<vmem>>
    tpu.enqueue_dma source(%dma_start3A_990 : memref<1024xf32, #tpu.memory_space<vmem>>) target(%dma_start3A_988 : memref<1024xf32, #tpu.memory_space<hbm>>) target_semaphore(%arg6 : memref<!tpu.dma_semaphore, #tpu.memory_space<semaphore_mem>>)
    %dma_wait3A_991 = arith.constant 64 : i32
    %dma_wait3A_992 = tpu.memref_slice %arg4[%dma_wait3A_991] : memref<256xf32, #tpu.memory_space<vmem>> -> memref<64xf32, #tpu.memory_space<vmem>>
    %dma_wait3A_993 = tpu.memref_slice %arg2[%add3A_11] : memref<4096xf32, #tpu.memory_space<hbm>> -> memref<64xf32, #tpu.memory_space<hbm>>
    %dma_wait3A_994 = arith.constant 64 : i32
    %dma_wait3A_995 = tpu.memref_slice %arg4[%dma_wait3A_994] : memref<256xf32, #tpu.memory_space<vmem>> -> memref<64xf32, #tpu.memory_space<vmem>>
    %dma_wait3A_996 = tpu.memref_slice %arg2[%add3A_11] : memref<4096xf32, #tpu.memory_space<hbm>> -> memref<64xf32, #tpu.memory_space<hbm>>
    tpu.wait_dma2 semaphore(%arg6 : memref<!tpu.dma_semaphore, #tpu.memory_space<semaphore_mem>>) src(%dma_wait3A_996 : memref<64xf32, #tpu.memory_space<hbm>>) dst(%dma_wait3A_995 : memref<64xf32, #tpu.memory_space<vmem>>)
    %get3A_997 = arith.constant 64 : index
    %get3A_998 = tpu.vector_load %arg4[%get3A_997] {strides = array<i32>} : memref<256xf32, #tpu.memory_space<vmem>>, vector<16xf32>,
    %get3A_999 = vector.shape_cast %get3A_998 : vector<16xf32> to vector<16xf32>
    %mul3A_1000 = arith.constant 6.500000e+01 : f32
    %mul3A_1001 = vector.broadcast %mul3A_1000 : f32 to vector<16xf32>
    %mul3A_1002 = arith.mulf %get3A_999, %mul3A_1001 : vector<16xf32>
    %convert_element_type3A_1003 = arith.fptosi %mul3A_1002 : vector<16xf32> to vector<16xi32>
    %min3A_1004 = arith.constant 64 : i32
    %min3A_1005 = vector.broadcast %min3A_1004 : i32 to vector<16xi32>
    %min3A_1006 = arith.minsi %convert_element_type3A_1003, %min3A_1005 : vector<16xi32>
    %mul3A_1007 = arith.constant 1.600000e+01 : f32
    %mul3A_1008 = vector.broadcast %mul3A_1007 : f32 to vector<16xf32>
    %mul3A_1009 = arith.mulf %get3A_999, %mul3A_1008 : vector<16xf32>
    %convert_element_type3A_1010 = arith.fptosi %mul3A_1009 : vector<16xf32> to vector<16xi32>
    %convert_element_type3A_1011 = arith.sitofp %convert_element_type3A_1010 : vector<16xi32> to vector<16xf32>
    %lt3A_1012 = arith.cmpf olt, %convert_element_type3A_1011, %mul3A_1009 : vector<16xf32>
    %jit3A_1013 = arith.constant 1 : i32
    %jit3A_1014 = arith.constant 0 : i32
    %broadcast_in_dim3A_1015 = vector.broadcast %jit3A_1013 : i32 to vector<16xi32>
    %broadcast_in_dim3A_1016 = vector.broadcast %jit3A_1014 : i32 to vector<16xi32>
    %select_n3A_1017 = arith.select %lt3A_1012, %broadcast_in_dim3A_1015, %broadcast_in_dim3A_1016 : vector<16xi1>, vector<16xi32>
    %add3A_1018 = arith.addi %convert_element_type3A_1010, %select_n3A_1017 : vector<16xi32>
    %mul3A_1019 = arith.constant 4 : i32
    %mul3A_1020 = vector.broadcast %mul3A_1019 : i32 to vector<16xi32>
    %mul3A_1021 = arith.muli %mul3A_1020, %add3A_1018 : vector<16xi32>
    %min3A_1022 = arith.minsi %min3A_1006, %mul3A_1021 : vector<16xi32>
    %shift_right_arithmetic3A_1023 = arith.constant 2 : i32
    %shift_right_arithmetic3A_1024 = vector.broadcast %shift_right_arithmetic3A_1023 : i32 to vector<16xi32>
    %shift_right_arithmetic3A_1025 = arith.shrsi %min3A_1022, %shift_right_arithmetic3A_1024 : vector<16xi32>
    %convert_element_type3A_1026 = arith.sitofp %shift_right_arithmetic3A_1025 : vector<16xi32> to vector<16xf32>
    %slice3A_1027 = vector.extract_strided_slice %convert_element_type3A_1026 {offsets = [0], sizes = [1], strides = [1]} : vector<16xf32> to vector<1xf32>
    %squeeze3A_1028 = vector.extract %slice3A_1027[0] : f32 from vector<1xf32>
    %lt3A_1029 = vector.broadcast %squeeze3A_1028 : f32 to vector<16xf32>
    %lt3A_1030 = arith.cmpf olt, %convert_element_type3A, %lt3A_1029 : vector<16xf32>
    %jit3A_1031 = arith.constant 1.000000e+00 : f32
    %jit3A_1032 = arith.constant 0.000000e+00 : f32
    %broadcast_in_dim3A_1033 = vector.broadcast %jit3A_1031 : f32 to vector<16xf32>
    %broadcast_in_dim3A_1034 = vector.broadcast %jit3A_1032 : f32 to vector<16xf32>
    %select_n3A_1035 = arith.select %lt3A_1030, %broadcast_in_dim3A_1033, %broadcast_in_dim3A_1034 : vector<16xi1>, vector<16xf32>
    %swap3A_1036 = arith.constant 1024 : index
    %swap3A_1037 = tpu.vector_load %arg5[%swap3A_1036] {strides = array<i32>} : memref<4096xf32, #tpu.memory_space<vmem>>, vector<16xf32>,
    %swap3A_1038 = vector.shape_cast %swap3A_1037 : vector<16xf32> to vector<16xf32>
    %swap3A_1039 = vector.shape_cast %select_n3A_1035 : vector<16xf32> to vector<16xf32>
    tpu.vector_store %arg5[%swap3A_1036], %swap3A_1039 {strides = array<i32>} : memref<4096xf32, #tpu.memory_space<vmem>>, vector<16xf32>,
    %slice3A_1040 = vector.extract_strided_slice %convert_element_type3A_1026 {offsets = [1], sizes = [1], strides = [1]} : vector<16xf32> to vector<1xf32>
    %squeeze3A_1041 = vector.extract %slice3A_1040[0] : f32 from vector<1xf32>
    %lt3A_1042 = vector.broadcast %squeeze3A_1041 : f32 to vector<16xf32>
    %lt3A_1043 = arith.cmpf olt, %convert_element_type3A, %lt3A_1042 : vector<16xf32>
    %jit3A_1044 = arith.constant 1.000000e+00 : f32
    %jit3A_1045 = arith.constant 0.000000e+00 : f32
    %broadcast_in_dim3A_1046 = vector.broadcast %jit3A_1044 : f32 to vector<16xf32>
    %broadcast_in_dim3A_1047 = vector.broadcast %jit3A_1045 : f32 to vector<16xf32>
    %select_n3A_1048 = arith.select %lt3A_1043, %broadcast_in_dim3A_1046, %broadcast_in_dim3A_1047 : vector<16xi1>, vector<16xf32>
    %swap3A_1049 = arith.constant 1040 : index
    %swap3A_1050 = tpu.vector_load %arg5[%swap3A_1049] {strides = array<i32>} : memref<4096xf32, #tpu.memory_space<vmem>>, vector<16xf32>,
    %swap3A_1051 = vector.shape_cast %swap3A_1050 : vector<16xf32> to vector<16xf32>
    %swap3A_1052 = vector.shape_cast %select_n3A_1048 : vector<16xf32> to vector<16xf32>
    tpu.vector_store %arg5[%swap3A_1049], %swap3A_1052 {strides = array<i32>} : memref<4096xf32, #tpu.memory_space<vmem>>, vector<16xf32>,
    %slice3A_1053 = vector.extract_strided_slice %convert_element_type3A_1026 {offsets = [2], sizes = [1], strides = [1]} : vector<16xf32> to vector<1xf32>
    %squeeze3A_1054 = vector.extract %slice3A_1053[0] : f32 from vector<1xf32>
    %lt3A_1055 = vector.broadcast %squeeze3A_1054 : f32 to vector<16xf32>
    %lt3A_1056 = arith.cmpf olt, %convert_element_type3A, %lt3A_1055 : vector<16xf32>
    %jit3A_1057 = arith.constant 1.000000e+00 : f32
    %jit3A_1058 = arith.constant 0.000000e+00 : f32
    %broadcast_in_dim3A_1059 = vector.broadcast %jit3A_1057 : f32 to vector<16xf32>
    %broadcast_in_dim3A_1060 = vector.broadcast %jit3A_1058 : f32 to vector<16xf32>
    %select_n3A_1061 = arith.select %lt3A_1056, %broadcast_in_dim3A_1059, %broadcast_in_dim3A_1060 : vector<16xi1>, vector<16xf32>
    %swap3A_1062 = arith.constant 1056 : index
    %swap3A_1063 = tpu.vector_load %arg5[%swap3A_1062] {strides = array<i32>} : memref<4096xf32, #tpu.memory_space<vmem>>, vector<16xf32>,
    %swap3A_1064 = vector.shape_cast %swap3A_1063 : vector<16xf32> to vector<16xf32>
    %swap3A_1065 = vector.shape_cast %select_n3A_1061 : vector<16xf32> to vector<16xf32>
    tpu.vector_store %arg5[%swap3A_1062], %swap3A_1065 {strides = array<i32>} : memref<4096xf32, #tpu.memory_space<vmem>>, vector<16xf32>,
    %slice3A_1066 = vector.extract_strided_slice %convert_element_type3A_1026 {offsets = [3], sizes = [1], strides = [1]} : vector<16xf32> to vector<1xf32>
    %squeeze3A_1067 = vector.extract %slice3A_1066[0] : f32 from vector<1xf32>
    %lt3A_1068 = vector.broadcast %squeeze3A_1067 : f32 to vector<16xf32>
    %lt3A_1069 = arith.cmpf olt, %convert_element_type3A, %lt3A_1068 : vector<16xf32>
    %jit3A_1070 = arith.constant 1.000000e+00 : f32
    %jit3A_1071 = arith.constant 0.000000e+00 : f32
    %broadcast_in_dim3A_1072 = vector.broadcast %jit3A_1070 : f32 to vector<16xf32>
    %broadcast_in_dim3A_1073 = vector.broadcast %jit3A_1071 : f32 to vector<16xf32>
    %select_n3A_1074 = arith.select %lt3A_1069, %broadcast_in_dim3A_1072, %broadcast_in_dim3A_1073 : vector<16xi1>, vector<16xf32>
    %swap3A_1075 = arith.constant 1072 : index
    %swap3A_1076 = tpu.vector_load %arg5[%swap3A_1075] {strides = array<i32>} : memref<4096xf32, #tpu.memory_space<vmem>>, vector<16xf32>,
    %swap3A_1077 = vector.shape_cast %swap3A_1076 : vector<16xf32> to vector<16xf32>
    %swap3A_1078 = vector.shape_cast %select_n3A_1074 : vector<16xf32> to vector<16xf32>
    tpu.vector_store %arg5[%swap3A_1075], %swap3A_1078 {strides = array<i32>} : memref<4096xf32, #tpu.memory_space<vmem>>, vector<16xf32>,
    %slice3A_1079 = vector.extract_strided_slice %convert_element_type3A_1026 {offsets = [4], sizes = [1], strides = [1]} : vector<16xf32> to vector<1xf32>
    %squeeze3A_1080 = vector.extract %slice3A_1079[0] : f32 from vector<1xf32>
    %lt3A_1081 = vector.broadcast %squeeze3A_1080 : f32 to vector<16xf32>
    %lt3A_1082 = arith.cmpf olt, %convert_element_type3A, %lt3A_1081 : vector<16xf32>
    %jit3A_1083 = arith.constant 1.000000e+00 : f32
    %jit3A_1084 = arith.constant 0.000000e+00 : f32
    %broadcast_in_dim3A_1085 = vector.broadcast %jit3A_1083 : f32 to vector<16xf32>
    %broadcast_in_dim3A_1086 = vector.broadcast %jit3A_1084 : f32 to vector<16xf32>
    %select_n3A_1087 = arith.select %lt3A_1082, %broadcast_in_dim3A_1085, %broadcast_in_dim3A_1086 : vector<16xi1>, vector<16xf32>
    %swap3A_1088 = arith.constant 1088 : index
    %swap3A_1089 = tpu.vector_load %arg5[%swap3A_1088] {strides = array<i32>} : memref<4096xf32, #tpu.memory_space<vmem>>, vector<16xf32>,
    %swap3A_1090 = vector.shape_cast %swap3A_1089 : vector<16xf32> to vector<16xf32>
    %swap3A_1091 = vector.shape_cast %select_n3A_1087 : vector<16xf32> to vector<16xf32>
    tpu.vector_store %arg5[%swap3A_1088], %swap3A_1091 {strides = array<i32>} : memref<4096xf32, #tpu.memory_space<vmem>>, vector<16xf32>,
    %slice3A_1092 = vector.extract_strided_slice %convert_element_type3A_1026 {offsets = [5], sizes = [1], strides = [1]} : vector<16xf32> to vector<1xf32>
    %squeeze3A_1093 = vector.extract %slice3A_1092[0] : f32 from vector<1xf32>
    %lt3A_1094 = vector.broadcast %squeeze3A_1093 : f32 to vector<16xf32>
    %lt3A_1095 = arith.cmpf olt, %convert_element_type3A, %lt3A_1094 : vector<16xf32>
    %jit3A_1096 = arith.constant 1.000000e+00 : f32
    %jit3A_1097 = arith.constant 0.000000e+00 : f32
    %broadcast_in_dim3A_1098 = vector.broadcast %jit3A_1096 : f32 to vector<16xf32>
    %broadcast_in_dim3A_1099 = vector.broadcast %jit3A_1097 : f32 to vector<16xf32>
    %select_n3A_1100 = arith.select %lt3A_1095, %broadcast_in_dim3A_1098, %broadcast_in_dim3A_1099 : vector<16xi1>, vector<16xf32>
    %swap3A_1101 = arith.constant 1104 : index
    %swap3A_1102 = tpu.vector_load %arg5[%swap3A_1101] {strides = array<i32>} : memref<4096xf32, #tpu.memory_space<vmem>>, vector<16xf32>,
    %swap3A_1103 = vector.shape_cast %swap3A_1102 : vector<16xf32> to vector<16xf32>
    %swap3A_1104 = vector.shape_cast %select_n3A_1100 : vector<16xf32> to vector<16xf32>
    tpu.vector_store %arg5[%swap3A_1101], %swap3A_1104 {strides = array<i32>} : memref<4096xf32, #tpu.memory_space<vmem>>, vector<16xf32>,
    %slice3A_1105 = vector.extract_strided_slice %convert_element_type3A_1026 {offsets = [6], sizes = [1], strides = [1]} : vector<16xf32> to vector<1xf32>
    %squeeze3A_1106 = vector.extract %slice3A_1105[0] : f32 from vector<1xf32>
    %lt3A_1107 = vector.broadcast %squeeze3A_1106 : f32 to vector<16xf32>
    %lt3A_1108 = arith.cmpf olt, %convert_element_type3A, %lt3A_1107 : vector<16xf32>
    %jit3A_1109 = arith.constant 1.000000e+00 : f32
    %jit3A_1110 = arith.constant 0.000000e+00 : f32
    %broadcast_in_dim3A_1111 = vector.broadcast %jit3A_1109 : f32 to vector<16xf32>
    %broadcast_in_dim3A_1112 = vector.broadcast %jit3A_1110 : f32 to vector<16xf32>
    %select_n3A_1113 = arith.select %lt3A_1108, %broadcast_in_dim3A_1111, %broadcast_in_dim3A_1112 : vector<16xi1>, vector<16xf32>
    %swap3A_1114 = arith.constant 1120 : index
    %swap3A_1115 = tpu.vector_load %arg5[%swap3A_1114] {strides = array<i32>} : memref<4096xf32, #tpu.memory_space<vmem>>, vector<16xf32>,
    %swap3A_1116 = vector.shape_cast %swap3A_1115 : vector<16xf32> to vector<16xf32>
    %swap3A_1117 = vector.shape_cast %select_n3A_1113 : vector<16xf32> to vector<16xf32>
    tpu.vector_store %arg5[%swap3A_1114], %swap3A_1117 {strides = array<i32>} : memref<4096xf32, #tpu.memory_space<vmem>>, vector<16xf32>,
    %slice3A_1118 = vector.extract_strided_slice %convert_element_type3A_1026 {offsets = [7], sizes = [1], strides = [1]} : vector<16xf32> to vector<1xf32>
    %squeeze3A_1119 = vector.extract %slice3A_1118[0] : f32 from vector<1xf32>
    %lt3A_1120 = vector.broadcast %squeeze3A_1119 : f32 to vector<16xf32>
    %lt3A_1121 = arith.cmpf olt, %convert_element_type3A, %lt3A_1120 : vector<16xf32>
    %jit3A_1122 = arith.constant 1.000000e+00 : f32
    %jit3A_1123 = arith.constant 0.000000e+00 : f32
    %broadcast_in_dim3A_1124 = vector.broadcast %jit3A_1122 : f32 to vector<16xf32>
    %broadcast_in_dim3A_1125 = vector.broadcast %jit3A_1123 : f32 to vector<16xf32>
    %select_n3A_1126 = arith.select %lt3A_1121, %broadcast_in_dim3A_1124, %broadcast_in_dim3A_1125 : vector<16xi1>, vector<16xf32>
    %swap3A_1127 = arith.constant 1136 : index
    %swap3A_1128 = tpu.vector_load %arg5[%swap3A_1127] {strides = array<i32>} : memref<4096xf32, #tpu.memory_space<vmem>>, vector<16xf32>,
    %swap3A_1129 = vector.shape_cast %swap3A_1128 : vector<16xf32> to vector<16xf32>
    %swap3A_1130 = vector.shape_cast %select_n3A_1126 : vector<16xf32> to vector<16xf32>
    tpu.vector_store %arg5[%swap3A_1127], %swap3A_1130 {strides = array<i32>} : memref<4096xf32, #tpu.memory_space<vmem>>, vector<16xf32>,
    %slice3A_1131 = vector.extract_strided_slice %convert_element_type3A_1026 {offsets = [8], sizes = [1], strides = [1]} : vector<16xf32> to vector<1xf32>
    %squeeze3A_1132 = vector.extract %slice3A_1131[0] : f32 from vector<1xf32>
    %lt3A_1133 = vector.broadcast %squeeze3A_1132 : f32 to vector<16xf32>
    %lt3A_1134 = arith.cmpf olt, %convert_element_type3A, %lt3A_1133 : vector<16xf32>
    %jit3A_1135 = arith.constant 1.000000e+00 : f32
    %jit3A_1136 = arith.constant 0.000000e+00 : f32
    %broadcast_in_dim3A_1137 = vector.broadcast %jit3A_1135 : f32 to vector<16xf32>
    %broadcast_in_dim3A_1138 = vector.broadcast %jit3A_1136 : f32 to vector<16xf32>
    %select_n3A_1139 = arith.select %lt3A_1134, %broadcast_in_dim3A_1137, %broadcast_in_dim3A_1138 : vector<16xi1>, vector<16xf32>
    %swap3A_1140 = arith.constant 1152 : index
    %swap3A_1141 = tpu.vector_load %arg5[%swap3A_1140] {strides = array<i32>} : memref<4096xf32, #tpu.memory_space<vmem>>, vector<16xf32>,
    %swap3A_1142 = vector.shape_cast %swap3A_1141 : vector<16xf32> to vector<16xf32>
    %swap3A_1143 = vector.shape_cast %select_n3A_1139 : vector<16xf32> to vector<16xf32>
    tpu.vector_store %arg5[%swap3A_1140], %swap3A_1143 {strides = array<i32>} : memref<4096xf32, #tpu.memory_space<vmem>>, vector<16xf32>,
    %slice3A_1144 = vector.extract_strided_slice %convert_element_type3A_1026 {offsets = [9], sizes = [1], strides = [1]} : vector<16xf32> to vector<1xf32>
    %squeeze3A_1145 = vector.extract %slice3A_1144[0] : f32 from vector<1xf32>
    %lt3A_1146 = vector.broadcast %squeeze3A_1145 : f32 to vector<16xf32>
    %lt3A_1147 = arith.cmpf olt, %convert_element_type3A, %lt3A_1146 : vector<16xf32>
    %jit3A_1148 = arith.constant 1.000000e+00 : f32
    %jit3A_1149 = arith.constant 0.000000e+00 : f32
    %broadcast_in_dim3A_1150 = vector.broadcast %jit3A_1148 : f32 to vector<16xf32>
    %broadcast_in_dim3A_1151 = vector.broadcast %jit3A_1149 : f32 to vector<16xf32>
    %select_n3A_1152 = arith.select %lt3A_1147, %broadcast_in_dim3A_1150, %broadcast_in_dim3A_1151 : vector<16xi1>, vector<16xf32>
    %swap3A_1153 = arith.constant 1168 : index
    %swap3A_1154 = tpu.vector_load %arg5[%swap3A_1153] {strides = array<i32>} : memref<4096xf32, #tpu.memory_space<vmem>>, vector<16xf32>,
    %swap3A_1155 = vector.shape_cast %swap3A_1154 : vector<16xf32> to vector<16xf32>
    %swap3A_1156 = vector.shape_cast %select_n3A_1152 : vector<16xf32> to vector<16xf32>
    tpu.vector_store %arg5[%swap3A_1153], %swap3A_1156 {strides = array<i32>} : memref<4096xf32, #tpu.memory_space<vmem>>, vector<16xf32>,
    %slice3A_1157 = vector.extract_strided_slice %convert_element_type3A_1026 {offsets = [10], sizes = [1], strides = [1]} : vector<16xf32> to vector<1xf32>
    %squeeze3A_1158 = vector.extract %slice3A_1157[0] : f32 from vector<1xf32>
    %lt3A_1159 = vector.broadcast %squeeze3A_1158 : f32 to vector<16xf32>
    %lt3A_1160 = arith.cmpf olt, %convert_element_type3A, %lt3A_1159 : vector<16xf32>
    %jit3A_1161 = arith.constant 1.000000e+00 : f32
    %jit3A_1162 = arith.constant 0.000000e+00 : f32
    %broadcast_in_dim3A_1163 = vector.broadcast %jit3A_1161 : f32 to vector<16xf32>
    %broadcast_in_dim3A_1164 = vector.broadcast %jit3A_1162 : f32 to vector<16xf32>
    %select_n3A_1165 = arith.select %lt3A_1160, %broadcast_in_dim3A_1163, %broadcast_in_dim3A_1164 : vector<16xi1>, vector<16xf32>
    %swap3A_1166 = arith.constant 1184 : index
    %swap3A_1167 = tpu.vector_load %arg5[%swap3A_1166] {strides = array<i32>} : memref<4096xf32, #tpu.memory_space<vmem>>, vector<16xf32>,
    %swap3A_1168 = vector.shape_cast %swap3A_1167 : vector<16xf32> to vector<16xf32>
    %swap3A_1169 = vector.shape_cast %select_n3A_1165 : vector<16xf32> to vector<16xf32>
    tpu.vector_store %arg5[%swap3A_1166], %swap3A_1169 {strides = array<i32>} : memref<4096xf32, #tpu.memory_space<vmem>>, vector<16xf32>,
    %slice3A_1170 = vector.extract_strided_slice %convert_element_type3A_1026 {offsets = [11], sizes = [1], strides = [1]} : vector<16xf32> to vector<1xf32>
    %squeeze3A_1171 = vector.extract %slice3A_1170[0] : f32 from vector<1xf32>
    %lt3A_1172 = vector.broadcast %squeeze3A_1171 : f32 to vector<16xf32>
    %lt3A_1173 = arith.cmpf olt, %convert_element_type3A, %lt3A_1172 : vector<16xf32>
    %jit3A_1174 = arith.constant 1.000000e+00 : f32
    %jit3A_1175 = arith.constant 0.000000e+00 : f32
    %broadcast_in_dim3A_1176 = vector.broadcast %jit3A_1174 : f32 to vector<16xf32>
    %broadcast_in_dim3A_1177 = vector.broadcast %jit3A_1175 : f32 to vector<16xf32>
    %select_n3A_1178 = arith.select %lt3A_1173, %broadcast_in_dim3A_1176, %broadcast_in_dim3A_1177 : vector<16xi1>, vector<16xf32>
    %swap3A_1179 = arith.constant 1200 : index
    %swap3A_1180 = tpu.vector_load %arg5[%swap3A_1179] {strides = array<i32>} : memref<4096xf32, #tpu.memory_space<vmem>>, vector<16xf32>,
    %swap3A_1181 = vector.shape_cast %swap3A_1180 : vector<16xf32> to vector<16xf32>
    %swap3A_1182 = vector.shape_cast %select_n3A_1178 : vector<16xf32> to vector<16xf32>
    tpu.vector_store %arg5[%swap3A_1179], %swap3A_1182 {strides = array<i32>} : memref<4096xf32, #tpu.memory_space<vmem>>, vector<16xf32>,
    %slice3A_1183 = vector.extract_strided_slice %convert_element_type3A_1026 {offsets = [12], sizes = [1], strides = [1]} : vector<16xf32> to vector<1xf32>
    %squeeze3A_1184 = vector.extract %slice3A_1183[0] : f32 from vector<1xf32>
    %lt3A_1185 = vector.broadcast %squeeze3A_1184 : f32 to vector<16xf32>
    %lt3A_1186 = arith.cmpf olt, %convert_element_type3A, %lt3A_1185 : vector<16xf32>
    %jit3A_1187 = arith.constant 1.000000e+00 : f32
    %jit3A_1188 = arith.constant 0.000000e+00 : f32
    %broadcast_in_dim3A_1189 = vector.broadcast %jit3A_1187 : f32 to vector<16xf32>
    %broadcast_in_dim3A_1190 = vector.broadcast %jit3A_1188 : f32 to vector<16xf32>
    %select_n3A_1191 = arith.select %lt3A_1186, %broadcast_in_dim3A_1189, %broadcast_in_dim3A_1190 : vector<16xi1>, vector<16xf32>
    %swap3A_1192 = arith.constant 1216 : index
    %swap3A_1193 = tpu.vector_load %arg5[%swap3A_1192] {strides = array<i32>} : memref<4096xf32, #tpu.memory_space<vmem>>, vector<16xf32>,
    %swap3A_1194 = vector.shape_cast %swap3A_1193 : vector<16xf32> to vector<16xf32>
    %swap3A_1195 = vector.shape_cast %select_n3A_1191 : vector<16xf32> to vector<16xf32>
    tpu.vector_store %arg5[%swap3A_1192], %swap3A_1195 {strides = array<i32>} : memref<4096xf32, #tpu.memory_space<vmem>>, vector<16xf32>,
    %slice3A_1196 = vector.extract_strided_slice %convert_element_type3A_1026 {offsets = [13], sizes = [1], strides = [1]} : vector<16xf32> to vector<1xf32>
    %squeeze3A_1197 = vector.extract %slice3A_1196[0] : f32 from vector<1xf32>
    %lt3A_1198 = vector.broadcast %squeeze3A_1197 : f32 to vector<16xf32>
    %lt3A_1199 = arith.cmpf olt, %convert_element_type3A, %lt3A_1198 : vector<16xf32>
    %jit3A_1200 = arith.constant 1.000000e+00 : f32
    %jit3A_1201 = arith.constant 0.000000e+00 : f32
    %broadcast_in_dim3A_1202 = vector.broadcast %jit3A_1200 : f32 to vector<16xf32>
    %broadcast_in_dim3A_1203 = vector.broadcast %jit3A_1201 : f32 to vector<16xf32>
    %select_n3A_1204 = arith.select %lt3A_1199, %broadcast_in_dim3A_1202, %broadcast_in_dim3A_1203 : vector<16xi1>, vector<16xf32>
    %swap3A_1205 = arith.constant 1232 : index
    %swap3A_1206 = tpu.vector_load %arg5[%swap3A_1205] {strides = array<i32>} : memref<4096xf32, #tpu.memory_space<vmem>>, vector<16xf32>,
    %swap3A_1207 = vector.shape_cast %swap3A_1206 : vector<16xf32> to vector<16xf32>
    %swap3A_1208 = vector.shape_cast %select_n3A_1204 : vector<16xf32> to vector<16xf32>
    tpu.vector_store %arg5[%swap3A_1205], %swap3A_1208 {strides = array<i32>} : memref<4096xf32, #tpu.memory_space<vmem>>, vector<16xf32>,
    %slice3A_1209 = vector.extract_strided_slice %convert_element_type3A_1026 {offsets = [14], sizes = [1], strides = [1]} : vector<16xf32> to vector<1xf32>
    %squeeze3A_1210 = vector.extract %slice3A_1209[0] : f32 from vector<1xf32>
    %lt3A_1211 = vector.broadcast %squeeze3A_1210 : f32 to vector<16xf32>
    %lt3A_1212 = arith.cmpf olt, %convert_element_type3A, %lt3A_1211 : vector<16xf32>
    %jit3A_1213 = arith.constant 1.000000e+00 : f32
    %jit3A_1214 = arith.constant 0.000000e+00 : f32
    %broadcast_in_dim3A_1215 = vector.broadcast %jit3A_1213 : f32 to vector<16xf32>
    %broadcast_in_dim3A_1216 = vector.broadcast %jit3A_1214 : f32 to vector<16xf32>
    %select_n3A_1217 = arith.select %lt3A_1212, %broadcast_in_dim3A_1215, %broadcast_in_dim3A_1216 : vector<16xi1>, vector<16xf32>
    %swap3A_1218 = arith.constant 1248 : index
    %swap3A_1219 = tpu.vector_load %arg5[%swap3A_1218] {strides = array<i32>} : memref<4096xf32, #tpu.memory_space<vmem>>, vector<16xf32>,
    %swap3A_1220 = vector.shape_cast %swap3A_1219 : vector<16xf32> to vector<16xf32>
    %swap3A_1221 = vector.shape_cast %select_n3A_1217 : vector<16xf32> to vector<16xf32>
    tpu.vector_store %arg5[%swap3A_1218], %swap3A_1221 {strides = array<i32>} : memref<4096xf32, #tpu.memory_space<vmem>>, vector<16xf32>,
    %slice3A_1222 = vector.extract_strided_slice %convert_element_type3A_1026 {offsets = [15], sizes = [1], strides = [1]} : vector<16xf32> to vector<1xf32>
    %squeeze3A_1223 = vector.extract %slice3A_1222[0] : f32 from vector<1xf32>
    %lt3A_1224 = vector.broadcast %squeeze3A_1223 : f32 to vector<16xf32>
    %lt3A_1225 = arith.cmpf olt, %convert_element_type3A, %lt3A_1224 : vector<16xf32>
    %jit3A_1226 = arith.constant 1.000000e+00 : f32
    %jit3A_1227 = arith.constant 0.000000e+00 : f32
    %broadcast_in_dim3A_1228 = vector.broadcast %jit3A_1226 : f32 to vector<16xf32>
    %broadcast_in_dim3A_1229 = vector.broadcast %jit3A_1227 : f32 to vector<16xf32>
    %select_n3A_1230 = arith.select %lt3A_1225, %broadcast_in_dim3A_1228, %broadcast_in_dim3A_1229 : vector<16xi1>, vector<16xf32>
    %swap3A_1231 = arith.constant 1264 : index
    %swap3A_1232 = tpu.vector_load %arg5[%swap3A_1231] {strides = array<i32>} : memref<4096xf32, #tpu.memory_space<vmem>>, vector<16xf32>,
    %swap3A_1233 = vector.shape_cast %swap3A_1232 : vector<16xf32> to vector<16xf32>
    %swap3A_1234 = vector.shape_cast %select_n3A_1230 : vector<16xf32> to vector<16xf32>
    tpu.vector_store %arg5[%swap3A_1231], %swap3A_1234 {strides = array<i32>} : memref<4096xf32, #tpu.memory_space<vmem>>, vector<16xf32>,
    %get3A_1235 = arith.constant 80 : index
    %get3A_1236 = tpu.vector_load %arg4[%get3A_1235] {strides = array<i32>} : memref<256xf32, #tpu.memory_space<vmem>>, vector<16xf32>,
    %get3A_1237 = vector.shape_cast %get3A_1236 : vector<16xf32> to vector<16xf32>
    %mul3A_1238 = arith.constant 6.500000e+01 : f32
    %mul3A_1239 = vector.broadcast %mul3A_1238 : f32 to vector<16xf32>
    %mul3A_1240 = arith.mulf %get3A_1237, %mul3A_1239 : vector<16xf32>
    %convert_element_type3A_1241 = arith.fptosi %mul3A_1240 : vector<16xf32> to vector<16xi32>
    %min3A_1242 = arith.constant 64 : i32
    %min3A_1243 = vector.broadcast %min3A_1242 : i32 to vector<16xi32>
    %min3A_1244 = arith.minsi %convert_element_type3A_1241, %min3A_1243 : vector<16xi32>
    %mul3A_1245 = arith.constant 1.600000e+01 : f32
    %mul3A_1246 = vector.broadcast %mul3A_1245 : f32 to vector<16xf32>
    %mul3A_1247 = arith.mulf %get3A_1237, %mul3A_1246 : vector<16xf32>
    %convert_element_type3A_1248 = arith.fptosi %mul3A_1247 : vector<16xf32> to vector<16xi32>
    %convert_element_type3A_1249 = arith.sitofp %convert_element_type3A_1248 : vector<16xi32> to vector<16xf32>
    %lt3A_1250 = arith.cmpf olt, %convert_element_type3A_1249, %mul3A_1247 : vector<16xf32>
    %jit3A_1251 = arith.constant 1 : i32
    %jit3A_1252 = arith.constant 0 : i32
    %broadcast_in_dim3A_1253 = vector.broadcast %jit3A_1251 : i32 to vector<16xi32>
    %broadcast_in_dim3A_1254 = vector.broadcast %jit3A_1252 : i32 to vector<16xi32>
    %select_n3A_1255 = arith.select %lt3A_1250, %broadcast_in_dim3A_1253, %broadcast_in_dim3A_1254 : vector<16xi1>, vector<16xi32>
    %add3A_1256 = arith.addi %convert_element_type3A_1248, %select_n3A_1255 : vector<16xi32>
    %mul3A_1257 = arith.constant 4 : i32
    %mul3A_1258 = vector.broadcast %mul3A_1257 : i32 to vector<16xi32>
    %mul3A_1259 = arith.muli %mul3A_1258, %add3A_1256 : vector<16xi32>
    %min3A_1260 = arith.minsi %min3A_1244, %mul3A_1259 : vector<16xi32>
    %shift_right_arithmetic3A_1261 = arith.constant 2 : i32
    %shift_right_arithmetic3A_1262 = vector.broadcast %shift_right_arithmetic3A_1261 : i32 to vector<16xi32>
    %shift_right_arithmetic3A_1263 = arith.shrsi %min3A_1260, %shift_right_arithmetic3A_1262 : vector<16xi32>
    %convert_element_type3A_1264 = arith.sitofp %shift_right_arithmetic3A_1263 : vector<16xi32> to vector<16xf32>
    %slice3A_1265 = vector.extract_strided_slice %convert_element_type3A_1264 {offsets = [0], sizes = [1], strides = [1]} : vector<16xf32> to vector<1xf32>
    %squeeze3A_1266 = vector.extract %slice3A_1265[0] : f32 from vector<1xf32>
    %lt3A_1267 = vector.broadcast %squeeze3A_1266 : f32 to vector<16xf32>
    %lt3A_1268 = arith.cmpf olt, %convert_element_type3A, %lt3A_1267 : vector<16xf32>
    %jit3A_1269 = arith.constant 1.000000e+00 : f32
    %jit3A_1270 = arith.constant 0.000000e+00 : f32
    %broadcast_in_dim3A_1271 = vector.broadcast %jit3A_1269 : f32 to vector<16xf32>
    %broadcast_in_dim3A_1272 = vector.broadcast %jit3A_1270 : f32 to vector<16xf32>
    %select_n3A_1273 = arith.select %lt3A_1268, %broadcast_in_dim3A_1271, %broadcast_in_dim3A_1272 : vector<16xi1>, vector<16xf32>
    %swap3A_1274 = arith.constant 1280 : index
    %swap3A_1275 = tpu.vector_load %arg5[%swap3A_1274] {strides = array<i32>} : memref<4096xf32, #tpu.memory_space<vmem>>, vector<16xf32>,
    %swap3A_1276 = vector.shape_cast %swap3A_1275 : vector<16xf32> to vector<16xf32>
    %swap3A_1277 = vector.shape_cast %select_n3A_1273 : vector<16xf32> to vector<16xf32>
    tpu.vector_store %arg5[%swap3A_1274], %swap3A_1277 {strides = array<i32>} : memref<4096xf32, #tpu.memory_space<vmem>>, vector<16xf32>,
    %slice3A_1278 = vector.extract_strided_slice %convert_element_type3A_1264 {offsets = [1], sizes = [1], strides = [1]} : vector<16xf32> to vector<1xf32>
    %squeeze3A_1279 = vector.extract %slice3A_1278[0] : f32 from vector<1xf32>
    %lt3A_1280 = vector.broadcast %squeeze3A_1279 : f32 to vector<16xf32>
    %lt3A_1281 = arith.cmpf olt, %convert_element_type3A, %lt3A_1280 : vector<16xf32>
    %jit3A_1282 = arith.constant 1.000000e+00 : f32
    %jit3A_1283 = arith.constant 0.000000e+00 : f32
    %broadcast_in_dim3A_1284 = vector.broadcast %jit3A_1282 : f32 to vector<16xf32>
    %broadcast_in_dim3A_1285 = vector.broadcast %jit3A_1283 : f32 to vector<16xf32>
    %select_n3A_1286 = arith.select %lt3A_1281, %broadcast_in_dim3A_1284, %broadcast_in_dim3A_1285 : vector<16xi1>, vector<16xf32>
    %swap3A_1287 = arith.constant 1296 : index
    %swap3A_1288 = tpu.vector_load %arg5[%swap3A_1287] {strides = array<i32>} : memref<4096xf32, #tpu.memory_space<vmem>>, vector<16xf32>,
    %swap3A_1289 = vector.shape_cast %swap3A_1288 : vector<16xf32> to vector<16xf32>
    %swap3A_1290 = vector.shape_cast %select_n3A_1286 : vector<16xf32> to vector<16xf32>
    tpu.vector_store %arg5[%swap3A_1287], %swap3A_1290 {strides = array<i32>} : memref<4096xf32, #tpu.memory_space<vmem>>, vector<16xf32>,
    %slice3A_1291 = vector.extract_strided_slice %convert_element_type3A_1264 {offsets = [2], sizes = [1], strides = [1]} : vector<16xf32> to vector<1xf32>
    %squeeze3A_1292 = vector.extract %slice3A_1291[0] : f32 from vector<1xf32>
    %lt3A_1293 = vector.broadcast %squeeze3A_1292 : f32 to vector<16xf32>
    %lt3A_1294 = arith.cmpf olt, %convert_element_type3A, %lt3A_1293 : vector<16xf32>
    %jit3A_1295 = arith.constant 1.000000e+00 : f32
    %jit3A_1296 = arith.constant 0.000000e+00 : f32
    %broadcast_in_dim3A_1297 = vector.broadcast %jit3A_1295 : f32 to vector<16xf32>
    %broadcast_in_dim3A_1298 = vector.broadcast %jit3A_1296 : f32 to vector<16xf32>
    %select_n3A_1299 = arith.select %lt3A_1294, %broadcast_in_dim3A_1297, %broadcast_in_dim3A_1298 : vector<16xi1>, vector<16xf32>
    %swap3A_1300 = arith.constant 1312 : index
    %swap3A_1301 = tpu.vector_load %arg5[%swap3A_1300] {strides = array<i32>} : memref<4096xf32, #tpu.memory_space<vmem>>, vector<16xf32>,
    %swap3A_1302 = vector.shape_cast %swap3A_1301 : vector<16xf32> to vector<16xf32>
    %swap3A_1303 = vector.shape_cast %select_n3A_1299 : vector<16xf32> to vector<16xf32>
    tpu.vector_store %arg5[%swap3A_1300], %swap3A_1303 {strides = array<i32>} : memref<4096xf32, #tpu.memory_space<vmem>>, vector<16xf32>,
    %slice3A_1304 = vector.extract_strided_slice %convert_element_type3A_1264 {offsets = [3], sizes = [1], strides = [1]} : vector<16xf32> to vector<1xf32>
    %squeeze3A_1305 = vector.extract %slice3A_1304[0] : f32 from vector<1xf32>
    %lt3A_1306 = vector.broadcast %squeeze3A_1305 : f32 to vector<16xf32>
    %lt3A_1307 = arith.cmpf olt, %convert_element_type3A, %lt3A_1306 : vector<16xf32>
    %jit3A_1308 = arith.constant 1.000000e+00 : f32
    %jit3A_1309 = arith.constant 0.000000e+00 : f32
    %broadcast_in_dim3A_1310 = vector.broadcast %jit3A_1308 : f32 to vector<16xf32>
    %broadcast_in_dim3A_1311 = vector.broadcast %jit3A_1309 : f32 to vector<16xf32>
    %select_n3A_1312 = arith.select %lt3A_1307, %broadcast_in_dim3A_1310, %broadcast_in_dim3A_1311 : vector<16xi1>, vector<16xf32>
    %swap3A_1313 = arith.constant 1328 : index
    %swap3A_1314 = tpu.vector_load %arg5[%swap3A_1313] {strides = array<i32>} : memref<4096xf32, #tpu.memory_space<vmem>>, vector<16xf32>,
    %swap3A_1315 = vector.shape_cast %swap3A_1314 : vector<16xf32> to vector<16xf32>
    %swap3A_1316 = vector.shape_cast %select_n3A_1312 : vector<16xf32> to vector<16xf32>
    tpu.vector_store %arg5[%swap3A_1313], %swap3A_1316 {strides = array<i32>} : memref<4096xf32, #tpu.memory_space<vmem>>, vector<16xf32>,
    %slice3A_1317 = vector.extract_strided_slice %convert_element_type3A_1264 {offsets = [4], sizes = [1], strides = [1]} : vector<16xf32> to vector<1xf32>
    %squeeze3A_1318 = vector.extract %slice3A_1317[0] : f32 from vector<1xf32>
    %lt3A_1319 = vector.broadcast %squeeze3A_1318 : f32 to vector<16xf32>
    %lt3A_1320 = arith.cmpf olt, %convert_element_type3A, %lt3A_1319 : vector<16xf32>
    %jit3A_1321 = arith.constant 1.000000e+00 : f32
    %jit3A_1322 = arith.constant 0.000000e+00 : f32
    %broadcast_in_dim3A_1323 = vector.broadcast %jit3A_1321 : f32 to vector<16xf32>
    %broadcast_in_dim3A_1324 = vector.broadcast %jit3A_1322 : f32 to vector<16xf32>
    %select_n3A_1325 = arith.select %lt3A_1320, %broadcast_in_dim3A_1323, %broadcast_in_dim3A_1324 : vector<16xi1>, vector<16xf32>
    %swap3A_1326 = arith.constant 1344 : index
    %swap3A_1327 = tpu.vector_load %arg5[%swap3A_1326] {strides = array<i32>} : memref<4096xf32, #tpu.memory_space<vmem>>, vector<16xf32>,
    %swap3A_1328 = vector.shape_cast %swap3A_1327 : vector<16xf32> to vector<16xf32>
    %swap3A_1329 = vector.shape_cast %select_n3A_1325 : vector<16xf32> to vector<16xf32>
    tpu.vector_store %arg5[%swap3A_1326], %swap3A_1329 {strides = array<i32>} : memref<4096xf32, #tpu.memory_space<vmem>>, vector<16xf32>,
    %slice3A_1330 = vector.extract_strided_slice %convert_element_type3A_1264 {offsets = [5], sizes = [1], strides = [1]} : vector<16xf32> to vector<1xf32>
    %squeeze3A_1331 = vector.extract %slice3A_1330[0] : f32 from vector<1xf32>
    %lt3A_1332 = vector.broadcast %squeeze3A_1331 : f32 to vector<16xf32>
    %lt3A_1333 = arith.cmpf olt, %convert_element_type3A, %lt3A_1332 : vector<16xf32>
    %jit3A_1334 = arith.constant 1.000000e+00 : f32
    %jit3A_1335 = arith.constant 0.000000e+00 : f32
    %broadcast_in_dim3A_1336 = vector.broadcast %jit3A_1334 : f32 to vector<16xf32>
    %broadcast_in_dim3A_1337 = vector.broadcast %jit3A_1335 : f32 to vector<16xf32>
    %select_n3A_1338 = arith.select %lt3A_1333, %broadcast_in_dim3A_1336, %broadcast_in_dim3A_1337 : vector<16xi1>, vector<16xf32>
    %swap3A_1339 = arith.constant 1360 : index
    %swap3A_1340 = tpu.vector_load %arg5[%swap3A_1339] {strides = array<i32>} : memref<4096xf32, #tpu.memory_space<vmem>>, vector<16xf32>,
    %swap3A_1341 = vector.shape_cast %swap3A_1340 : vector<16xf32> to vector<16xf32>
    %swap3A_1342 = vector.shape_cast %select_n3A_1338 : vector<16xf32> to vector<16xf32>
    tpu.vector_store %arg5[%swap3A_1339], %swap3A_1342 {strides = array<i32>} : memref<4096xf32, #tpu.memory_space<vmem>>, vector<16xf32>,
    %slice3A_1343 = vector.extract_strided_slice %convert_element_type3A_1264 {offsets = [6], sizes = [1], strides = [1]} : vector<16xf32> to vector<1xf32>
    %squeeze3A_1344 = vector.extract %slice3A_1343[0] : f32 from vector<1xf32>
    %lt3A_1345 = vector.broadcast %squeeze3A_1344 : f32 to vector<16xf32>
    %lt3A_1346 = arith.cmpf olt, %convert_element_type3A, %lt3A_1345 : vector<16xf32>
    %jit3A_1347 = arith.constant 1.000000e+00 : f32
    %jit3A_1348 = arith.constant 0.000000e+00 : f32
    %broadcast_in_dim3A_1349 = vector.broadcast %jit3A_1347 : f32 to vector<16xf32>
    %broadcast_in_dim3A_1350 = vector.broadcast %jit3A_1348 : f32 to vector<16xf32>
    %select_n3A_1351 = arith.select %lt3A_1346, %broadcast_in_dim3A_1349, %broadcast_in_dim3A_1350 : vector<16xi1>, vector<16xf32>
    %swap3A_1352 = arith.constant 1376 : index
    %swap3A_1353 = tpu.vector_load %arg5[%swap3A_1352] {strides = array<i32>} : memref<4096xf32, #tpu.memory_space<vmem>>, vector<16xf32>,
    %swap3A_1354 = vector.shape_cast %swap3A_1353 : vector<16xf32> to vector<16xf32>
    %swap3A_1355 = vector.shape_cast %select_n3A_1351 : vector<16xf32> to vector<16xf32>
    tpu.vector_store %arg5[%swap3A_1352], %swap3A_1355 {strides = array<i32>} : memref<4096xf32, #tpu.memory_space<vmem>>, vector<16xf32>,
    %slice3A_1356 = vector.extract_strided_slice %convert_element_type3A_1264 {offsets = [7], sizes = [1], strides = [1]} : vector<16xf32> to vector<1xf32>
    %squeeze3A_1357 = vector.extract %slice3A_1356[0] : f32 from vector<1xf32>
    %lt3A_1358 = vector.broadcast %squeeze3A_1357 : f32 to vector<16xf32>
    %lt3A_1359 = arith.cmpf olt, %convert_element_type3A, %lt3A_1358 : vector<16xf32>
    %jit3A_1360 = arith.constant 1.000000e+00 : f32
    %jit3A_1361 = arith.constant 0.000000e+00 : f32
    %broadcast_in_dim3A_1362 = vector.broadcast %jit3A_1360 : f32 to vector<16xf32>
    %broadcast_in_dim3A_1363 = vector.broadcast %jit3A_1361 : f32 to vector<16xf32>
    %select_n3A_1364 = arith.select %lt3A_1359, %broadcast_in_dim3A_1362, %broadcast_in_dim3A_1363 : vector<16xi1>, vector<16xf32>
    %swap3A_1365 = arith.constant 1392 : index
    %swap3A_1366 = tpu.vector_load %arg5[%swap3A_1365] {strides = array<i32>} : memref<4096xf32, #tpu.memory_space<vmem>>, vector<16xf32>,
    %swap3A_1367 = vector.shape_cast %swap3A_1366 : vector<16xf32> to vector<16xf32>
    %swap3A_1368 = vector.shape_cast %select_n3A_1364 : vector<16xf32> to vector<16xf32>
    tpu.vector_store %arg5[%swap3A_1365], %swap3A_1368 {strides = array<i32>} : memref<4096xf32, #tpu.memory_space<vmem>>, vector<16xf32>,
    %slice3A_1369 = vector.extract_strided_slice %convert_element_type3A_1264 {offsets = [8], sizes = [1], strides = [1]} : vector<16xf32> to vector<1xf32>
    %squeeze3A_1370 = vector.extract %slice3A_1369[0] : f32 from vector<1xf32>
    %lt3A_1371 = vector.broadcast %squeeze3A_1370 : f32 to vector<16xf32>
    %lt3A_1372 = arith.cmpf olt, %convert_element_type3A, %lt3A_1371 : vector<16xf32>
    %jit3A_1373 = arith.constant 1.000000e+00 : f32
    %jit3A_1374 = arith.constant 0.000000e+00 : f32
    %broadcast_in_dim3A_1375 = vector.broadcast %jit3A_1373 : f32 to vector<16xf32>
    %broadcast_in_dim3A_1376 = vector.broadcast %jit3A_1374 : f32 to vector<16xf32>
    %select_n3A_1377 = arith.select %lt3A_1372, %broadcast_in_dim3A_1375, %broadcast_in_dim3A_1376 : vector<16xi1>, vector<16xf32>
    %swap3A_1378 = arith.constant 1408 : index
    %swap3A_1379 = tpu.vector_load %arg5[%swap3A_1378] {strides = array<i32>} : memref<4096xf32, #tpu.memory_space<vmem>>, vector<16xf32>,
    %swap3A_1380 = vector.shape_cast %swap3A_1379 : vector<16xf32> to vector<16xf32>
    %swap3A_1381 = vector.shape_cast %select_n3A_1377 : vector<16xf32> to vector<16xf32>
    tpu.vector_store %arg5[%swap3A_1378], %swap3A_1381 {strides = array<i32>} : memref<4096xf32, #tpu.memory_space<vmem>>, vector<16xf32>,
    %slice3A_1382 = vector.extract_strided_slice %convert_element_type3A_1264 {offsets = [9], sizes = [1], strides = [1]} : vector<16xf32> to vector<1xf32>
    %squeeze3A_1383 = vector.extract %slice3A_1382[0] : f32 from vector<1xf32>
    %lt3A_1384 = vector.broadcast %squeeze3A_1383 : f32 to vector<16xf32>
    %lt3A_1385 = arith.cmpf olt, %convert_element_type3A, %lt3A_1384 : vector<16xf32>
    %jit3A_1386 = arith.constant 1.000000e+00 : f32
    %jit3A_1387 = arith.constant 0.000000e+00 : f32
    %broadcast_in_dim3A_1388 = vector.broadcast %jit3A_1386 : f32 to vector<16xf32>
    %broadcast_in_dim3A_1389 = vector.broadcast %jit3A_1387 : f32 to vector<16xf32>
    %select_n3A_1390 = arith.select %lt3A_1385, %broadcast_in_dim3A_1388, %broadcast_in_dim3A_1389 : vector<16xi1>, vector<16xf32>
    %swap3A_1391 = arith.constant 1424 : index
    %swap3A_1392 = tpu.vector_load %arg5[%swap3A_1391] {strides = array<i32>} : memref<4096xf32, #tpu.memory_space<vmem>>, vector<16xf32>,
    %swap3A_1393 = vector.shape_cast %swap3A_1392 : vector<16xf32> to vector<16xf32>
    %swap3A_1394 = vector.shape_cast %select_n3A_1390 : vector<16xf32> to vector<16xf32>
    tpu.vector_store %arg5[%swap3A_1391], %swap3A_1394 {strides = array<i32>} : memref<4096xf32, #tpu.memory_space<vmem>>, vector<16xf32>,
    %slice3A_1395 = vector.extract_strided_slice %convert_element_type3A_1264 {offsets = [10], sizes = [1], strides = [1]} : vector<16xf32> to vector<1xf32>
    %squeeze3A_1396 = vector.extract %slice3A_1395[0] : f32 from vector<1xf32>
    %lt3A_1397 = vector.broadcast %squeeze3A_1396 : f32 to vector<16xf32>
    %lt3A_1398 = arith.cmpf olt, %convert_element_type3A, %lt3A_1397 : vector<16xf32>
    %jit3A_1399 = arith.constant 1.000000e+00 : f32
    %jit3A_1400 = arith.constant 0.000000e+00 : f32
    %broadcast_in_dim3A_1401 = vector.broadcast %jit3A_1399 : f32 to vector<16xf32>
    %broadcast_in_dim3A_1402 = vector.broadcast %jit3A_1400 : f32 to vector<16xf32>
    %select_n3A_1403 = arith.select %lt3A_1398, %broadcast_in_dim3A_1401, %broadcast_in_dim3A_1402 : vector<16xi1>, vector<16xf32>
    %swap3A_1404 = arith.constant 1440 : index
    %swap3A_1405 = tpu.vector_load %arg5[%swap3A_1404] {strides = array<i32>} : memref<4096xf32, #tpu.memory_space<vmem>>, vector<16xf32>,
    %swap3A_1406 = vector.shape_cast %swap3A_1405 : vector<16xf32> to vector<16xf32>
    %swap3A_1407 = vector.shape_cast %select_n3A_1403 : vector<16xf32> to vector<16xf32>
    tpu.vector_store %arg5[%swap3A_1404], %swap3A_1407 {strides = array<i32>} : memref<4096xf32, #tpu.memory_space<vmem>>, vector<16xf32>,
    %slice3A_1408 = vector.extract_strided_slice %convert_element_type3A_1264 {offsets = [11], sizes = [1], strides = [1]} : vector<16xf32> to vector<1xf32>
    %squeeze3A_1409 = vector.extract %slice3A_1408[0] : f32 from vector<1xf32>
    %lt3A_1410 = vector.broadcast %squeeze3A_1409 : f32 to vector<16xf32>
    %lt3A_1411 = arith.cmpf olt, %convert_element_type3A, %lt3A_1410 : vector<16xf32>
    %jit3A_1412 = arith.constant 1.000000e+00 : f32
    %jit3A_1413 = arith.constant 0.000000e+00 : f32
    %broadcast_in_dim3A_1414 = vector.broadcast %jit3A_1412 : f32 to vector<16xf32>
    %broadcast_in_dim3A_1415 = vector.broadcast %jit3A_1413 : f32 to vector<16xf32>
    %select_n3A_1416 = arith.select %lt3A_1411, %broadcast_in_dim3A_1414, %broadcast_in_dim3A_1415 : vector<16xi1>, vector<16xf32>
    %swap3A_1417 = arith.constant 1456 : index
    %swap3A_1418 = tpu.vector_load %arg5[%swap3A_1417] {strides = array<i32>} : memref<4096xf32, #tpu.memory_space<vmem>>, vector<16xf32>,
    %swap3A_1419 = vector.shape_cast %swap3A_1418 : vector<16xf32> to vector<16xf32>
    %swap3A_1420 = vector.shape_cast %select_n3A_1416 : vector<16xf32> to vector<16xf32>
    tpu.vector_store %arg5[%swap3A_1417], %swap3A_1420 {strides = array<i32>} : memref<4096xf32, #tpu.memory_space<vmem>>, vector<16xf32>,
    %slice3A_1421 = vector.extract_strided_slice %convert_element_type3A_1264 {offsets = [12], sizes = [1], strides = [1]} : vector<16xf32> to vector<1xf32>
    %squeeze3A_1422 = vector.extract %slice3A_1421[0] : f32 from vector<1xf32>
    %lt3A_1423 = vector.broadcast %squeeze3A_1422 : f32 to vector<16xf32>
    %lt3A_1424 = arith.cmpf olt, %convert_element_type3A, %lt3A_1423 : vector<16xf32>
    %jit3A_1425 = arith.constant 1.000000e+00 : f32
    %jit3A_1426 = arith.constant 0.000000e+00 : f32
    %broadcast_in_dim3A_1427 = vector.broadcast %jit3A_1425 : f32 to vector<16xf32>
    %broadcast_in_dim3A_1428 = vector.broadcast %jit3A_1426 : f32 to vector<16xf32>
    %select_n3A_1429 = arith.select %lt3A_1424, %broadcast_in_dim3A_1427, %broadcast_in_dim3A_1428 : vector<16xi1>, vector<16xf32>
    %swap3A_1430 = arith.constant 1472 : index
    %swap3A_1431 = tpu.vector_load %arg5[%swap3A_1430] {strides = array<i32>} : memref<4096xf32, #tpu.memory_space<vmem>>, vector<16xf32>,
    %swap3A_1432 = vector.shape_cast %swap3A_1431 : vector<16xf32> to vector<16xf32>
    %swap3A_1433 = vector.shape_cast %select_n3A_1429 : vector<16xf32> to vector<16xf32>
    tpu.vector_store %arg5[%swap3A_1430], %swap3A_1433 {strides = array<i32>} : memref<4096xf32, #tpu.memory_space<vmem>>, vector<16xf32>,
    %slice3A_1434 = vector.extract_strided_slice %convert_element_type3A_1264 {offsets = [13], sizes = [1], strides = [1]} : vector<16xf32> to vector<1xf32>
    %squeeze3A_1435 = vector.extract %slice3A_1434[0] : f32 from vector<1xf32>
    %lt3A_1436 = vector.broadcast %squeeze3A_1435 : f32 to vector<16xf32>
    %lt3A_1437 = arith.cmpf olt, %convert_element_type3A, %lt3A_1436 : vector<16xf32>
    %jit3A_1438 = arith.constant 1.000000e+00 : f32
    %jit3A_1439 = arith.constant 0.000000e+00 : f32
    %broadcast_in_dim3A_1440 = vector.broadcast %jit3A_1438 : f32 to vector<16xf32>
    %broadcast_in_dim3A_1441 = vector.broadcast %jit3A_1439 : f32 to vector<16xf32>
    %select_n3A_1442 = arith.select %lt3A_1437, %broadcast_in_dim3A_1440, %broadcast_in_dim3A_1441 : vector<16xi1>, vector<16xf32>
    %swap3A_1443 = arith.constant 1488 : index
    %swap3A_1444 = tpu.vector_load %arg5[%swap3A_1443] {strides = array<i32>} : memref<4096xf32, #tpu.memory_space<vmem>>, vector<16xf32>,
    %swap3A_1445 = vector.shape_cast %swap3A_1444 : vector<16xf32> to vector<16xf32>
    %swap3A_1446 = vector.shape_cast %select_n3A_1442 : vector<16xf32> to vector<16xf32>
    tpu.vector_store %arg5[%swap3A_1443], %swap3A_1446 {strides = array<i32>} : memref<4096xf32, #tpu.memory_space<vmem>>, vector<16xf32>,
    %slice3A_1447 = vector.extract_strided_slice %convert_element_type3A_1264 {offsets = [14], sizes = [1], strides = [1]} : vector<16xf32> to vector<1xf32>
    %squeeze3A_1448 = vector.extract %slice3A_1447[0] : f32 from vector<1xf32>
    %lt3A_1449 = vector.broadcast %squeeze3A_1448 : f32 to vector<16xf32>
    %lt3A_1450 = arith.cmpf olt, %convert_element_type3A, %lt3A_1449 : vector<16xf32>
    %jit3A_1451 = arith.constant 1.000000e+00 : f32
    %jit3A_1452 = arith.constant 0.000000e+00 : f32
    %broadcast_in_dim3A_1453 = vector.broadcast %jit3A_1451 : f32 to vector<16xf32>
    %broadcast_in_dim3A_1454 = vector.broadcast %jit3A_1452 : f32 to vector<16xf32>
    %select_n3A_1455 = arith.select %lt3A_1450, %broadcast_in_dim3A_1453, %broadcast_in_dim3A_1454 : vector<16xi1>, vector<16xf32>
    %swap3A_1456 = arith.constant 1504 : index
    %swap3A_1457 = tpu.vector_load %arg5[%swap3A_1456] {strides = array<i32>} : memref<4096xf32, #tpu.memory_space<vmem>>, vector<16xf32>,
    %swap3A_1458 = vector.shape_cast %swap3A_1457 : vector<16xf32> to vector<16xf32>
    %swap3A_1459 = vector.shape_cast %select_n3A_1455 : vector<16xf32> to vector<16xf32>
    tpu.vector_store %arg5[%swap3A_1456], %swap3A_1459 {strides = array<i32>} : memref<4096xf32, #tpu.memory_space<vmem>>, vector<16xf32>,
    %slice3A_1460 = vector.extract_strided_slice %convert_element_type3A_1264 {offsets = [15], sizes = [1], strides = [1]} : vector<16xf32> to vector<1xf32>
    %squeeze3A_1461 = vector.extract %slice3A_1460[0] : f32 from vector<1xf32>
    %lt3A_1462 = vector.broadcast %squeeze3A_1461 : f32 to vector<16xf32>
    %lt3A_1463 = arith.cmpf olt, %convert_element_type3A, %lt3A_1462 : vector<16xf32>
    %jit3A_1464 = arith.constant 1.000000e+00 : f32
    %jit3A_1465 = arith.constant 0.000000e+00 : f32
    %broadcast_in_dim3A_1466 = vector.broadcast %jit3A_1464 : f32 to vector<16xf32>
    %broadcast_in_dim3A_1467 = vector.broadcast %jit3A_1465 : f32 to vector<16xf32>
    %select_n3A_1468 = arith.select %lt3A_1463, %broadcast_in_dim3A_1466, %broadcast_in_dim3A_1467 : vector<16xi1>, vector<16xf32>
    %swap3A_1469 = arith.constant 1520 : index
    %swap3A_1470 = tpu.vector_load %arg5[%swap3A_1469] {strides = array<i32>} : memref<4096xf32, #tpu.memory_space<vmem>>, vector<16xf32>,
    %swap3A_1471 = vector.shape_cast %swap3A_1470 : vector<16xf32> to vector<16xf32>
    %swap3A_1472 = vector.shape_cast %select_n3A_1468 : vector<16xf32> to vector<16xf32>
    tpu.vector_store %arg5[%swap3A_1469], %swap3A_1472 {strides = array<i32>} : memref<4096xf32, #tpu.memory_space<vmem>>, vector<16xf32>,
    %get3A_1473 = arith.constant 96 : index
    %get3A_1474 = tpu.vector_load %arg4[%get3A_1473] {strides = array<i32>} : memref<256xf32, #tpu.memory_space<vmem>>, vector<16xf32>,
    %get3A_1475 = vector.shape_cast %get3A_1474 : vector<16xf32> to vector<16xf32>
    %mul3A_1476 = arith.constant 6.500000e+01 : f32
    %mul3A_1477 = vector.broadcast %mul3A_1476 : f32 to vector<16xf32>
    %mul3A_1478 = arith.mulf %get3A_1475, %mul3A_1477 : vector<16xf32>
    %convert_element_type3A_1479 = arith.fptosi %mul3A_1478 : vector<16xf32> to vector<16xi32>
    %min3A_1480 = arith.constant 64 : i32
    %min3A_1481 = vector.broadcast %min3A_1480 : i32 to vector<16xi32>
    %min3A_1482 = arith.minsi %convert_element_type3A_1479, %min3A_1481 : vector<16xi32>
    %mul3A_1483 = arith.constant 1.600000e+01 : f32
    %mul3A_1484 = vector.broadcast %mul3A_1483 : f32 to vector<16xf32>
    %mul3A_1485 = arith.mulf %get3A_1475, %mul3A_1484 : vector<16xf32>
    %convert_element_type3A_1486 = arith.fptosi %mul3A_1485 : vector<16xf32> to vector<16xi32>
    %convert_element_type3A_1487 = arith.sitofp %convert_element_type3A_1486 : vector<16xi32> to vector<16xf32>
    %lt3A_1488 = arith.cmpf olt, %convert_element_type3A_1487, %mul3A_1485 : vector<16xf32>
    %jit3A_1489 = arith.constant 1 : i32
    %jit3A_1490 = arith.constant 0 : i32
    %broadcast_in_dim3A_1491 = vector.broadcast %jit3A_1489 : i32 to vector<16xi32>
    %broadcast_in_dim3A_1492 = vector.broadcast %jit3A_1490 : i32 to vector<16xi32>
    %select_n3A_1493 = arith.select %lt3A_1488, %broadcast_in_dim3A_1491, %broadcast_in_dim3A_1492 : vector<16xi1>, vector<16xi32>
    %add3A_1494 = arith.addi %convert_element_type3A_1486, %select_n3A_1493 : vector<16xi32>
    %mul3A_1495 = arith.constant 4 : i32
    %mul3A_1496 = vector.broadcast %mul3A_1495 : i32 to vector<16xi32>
    %mul3A_1497 = arith.muli %mul3A_1496, %add3A_1494 : vector<16xi32>
    %min3A_1498 = arith.minsi %min3A_1482, %mul3A_1497 : vector<16xi32>
    %shift_right_arithmetic3A_1499 = arith.constant 2 : i32
    %shift_right_arithmetic3A_1500 = vector.broadcast %shift_right_arithmetic3A_1499 : i32 to vector<16xi32>
    %shift_right_arithmetic3A_1501 = arith.shrsi %min3A_1498, %shift_right_arithmetic3A_1500 : vector<16xi32>
    %convert_element_type3A_1502 = arith.sitofp %shift_right_arithmetic3A_1501 : vector<16xi32> to vector<16xf32>
    %slice3A_1503 = vector.extract_strided_slice %convert_element_type3A_1502 {offsets = [0], sizes = [1], strides = [1]} : vector<16xf32> to vector<1xf32>
    %squeeze3A_1504 = vector.extract %slice3A_1503[0] : f32 from vector<1xf32>
    %lt3A_1505 = vector.broadcast %squeeze3A_1504 : f32 to vector<16xf32>
    %lt3A_1506 = arith.cmpf olt, %convert_element_type3A, %lt3A_1505 : vector<16xf32>
    %jit3A_1507 = arith.constant 1.000000e+00 : f32
    %jit3A_1508 = arith.constant 0.000000e+00 : f32
    %broadcast_in_dim3A_1509 = vector.broadcast %jit3A_1507 : f32 to vector<16xf32>
    %broadcast_in_dim3A_1510 = vector.broadcast %jit3A_1508 : f32 to vector<16xf32>
    %select_n3A_1511 = arith.select %lt3A_1506, %broadcast_in_dim3A_1509, %broadcast_in_dim3A_1510 : vector<16xi1>, vector<16xf32>
    %swap3A_1512 = arith.constant 1536 : index
    %swap3A_1513 = tpu.vector_load %arg5[%swap3A_1512] {strides = array<i32>} : memref<4096xf32, #tpu.memory_space<vmem>>, vector<16xf32>,
    %swap3A_1514 = vector.shape_cast %swap3A_1513 : vector<16xf32> to vector<16xf32>
    %swap3A_1515 = vector.shape_cast %select_n3A_1511 : vector<16xf32> to vector<16xf32>
    tpu.vector_store %arg5[%swap3A_1512], %swap3A_1515 {strides = array<i32>} : memref<4096xf32, #tpu.memory_space<vmem>>, vector<16xf32>,
    %slice3A_1516 = vector.extract_strided_slice %convert_element_type3A_1502 {offsets = [1], sizes = [1], strides = [1]} : vector<16xf32> to vector<1xf32>
    %squeeze3A_1517 = vector.extract %slice3A_1516[0] : f32 from vector<1xf32>
    %lt3A_1518 = vector.broadcast %squeeze3A_1517 : f32 to vector<16xf32>
    %lt3A_1519 = arith.cmpf olt, %convert_element_type3A, %lt3A_1518 : vector<16xf32>
    %jit3A_1520 = arith.constant 1.000000e+00 : f32
    %jit3A_1521 = arith.constant 0.000000e+00 : f32
    %broadcast_in_dim3A_1522 = vector.broadcast %jit3A_1520 : f32 to vector<16xf32>
    %broadcast_in_dim3A_1523 = vector.broadcast %jit3A_1521 : f32 to vector<16xf32>
    %select_n3A_1524 = arith.select %lt3A_1519, %broadcast_in_dim3A_1522, %broadcast_in_dim3A_1523 : vector<16xi1>, vector<16xf32>
    %swap3A_1525 = arith.constant 1552 : index
    %swap3A_1526 = tpu.vector_load %arg5[%swap3A_1525] {strides = array<i32>} : memref<4096xf32, #tpu.memory_space<vmem>>, vector<16xf32>,
    %swap3A_1527 = vector.shape_cast %swap3A_1526 : vector<16xf32> to vector<16xf32>
    %swap3A_1528 = vector.shape_cast %select_n3A_1524 : vector<16xf32> to vector<16xf32>
    tpu.vector_store %arg5[%swap3A_1525], %swap3A_1528 {strides = array<i32>} : memref<4096xf32, #tpu.memory_space<vmem>>, vector<16xf32>,
    %slice3A_1529 = vector.extract_strided_slice %convert_element_type3A_1502 {offsets = [2], sizes = [1], strides = [1]} : vector<16xf32> to vector<1xf32>
    %squeeze3A_1530 = vector.extract %slice3A_1529[0] : f32 from vector<1xf32>
    %lt3A_1531 = vector.broadcast %squeeze3A_1530 : f32 to vector<16xf32>
    %lt3A_1532 = arith.cmpf olt, %convert_element_type3A, %lt3A_1531 : vector<16xf32>
    %jit3A_1533 = arith.constant 1.000000e+00 : f32
    %jit3A_1534 = arith.constant 0.000000e+00 : f32
    %broadcast_in_dim3A_1535 = vector.broadcast %jit3A_1533 : f32 to vector<16xf32>
    %broadcast_in_dim3A_1536 = vector.broadcast %jit3A_1534 : f32 to vector<16xf32>
    %select_n3A_1537 = arith.select %lt3A_1532, %broadcast_in_dim3A_1535, %broadcast_in_dim3A_1536 : vector<16xi1>, vector<16xf32>
    %swap3A_1538 = arith.constant 1568 : index
    %swap3A_1539 = tpu.vector_load %arg5[%swap3A_1538] {strides = array<i32>} : memref<4096xf32, #tpu.memory_space<vmem>>, vector<16xf32>,
    %swap3A_1540 = vector.shape_cast %swap3A_1539 : vector<16xf32> to vector<16xf32>
    %swap3A_1541 = vector.shape_cast %select_n3A_1537 : vector<16xf32> to vector<16xf32>
    tpu.vector_store %arg5[%swap3A_1538], %swap3A_1541 {strides = array<i32>} : memref<4096xf32, #tpu.memory_space<vmem>>, vector<16xf32>,
    %slice3A_1542 = vector.extract_strided_slice %convert_element_type3A_1502 {offsets = [3], sizes = [1], strides = [1]} : vector<16xf32> to vector<1xf32>
    %squeeze3A_1543 = vector.extract %slice3A_1542[0] : f32 from vector<1xf32>
    %lt3A_1544 = vector.broadcast %squeeze3A_1543 : f32 to vector<16xf32>
    %lt3A_1545 = arith.cmpf olt, %convert_element_type3A, %lt3A_1544 : vector<16xf32>
    %jit3A_1546 = arith.constant 1.000000e+00 : f32
    %jit3A_1547 = arith.constant 0.000000e+00 : f32
    %broadcast_in_dim3A_1548 = vector.broadcast %jit3A_1546 : f32 to vector<16xf32>
    %broadcast_in_dim3A_1549 = vector.broadcast %jit3A_1547 : f32 to vector<16xf32>
    %select_n3A_1550 = arith.select %lt3A_1545, %broadcast_in_dim3A_1548, %broadcast_in_dim3A_1549 : vector<16xi1>, vector<16xf32>
    %swap3A_1551 = arith.constant 1584 : index
    %swap3A_1552 = tpu.vector_load %arg5[%swap3A_1551] {strides = array<i32>} : memref<4096xf32, #tpu.memory_space<vmem>>, vector<16xf32>,
    %swap3A_1553 = vector.shape_cast %swap3A_1552 : vector<16xf32> to vector<16xf32>
    %swap3A_1554 = vector.shape_cast %select_n3A_1550 : vector<16xf32> to vector<16xf32>
    tpu.vector_store %arg5[%swap3A_1551], %swap3A_1554 {strides = array<i32>} : memref<4096xf32, #tpu.memory_space<vmem>>, vector<16xf32>,
    %slice3A_1555 = vector.extract_strided_slice %convert_element_type3A_1502 {offsets = [4], sizes = [1], strides = [1]} : vector<16xf32> to vector<1xf32>
    %squeeze3A_1556 = vector.extract %slice3A_1555[0] : f32 from vector<1xf32>
    %lt3A_1557 = vector.broadcast %squeeze3A_1556 : f32 to vector<16xf32>
    %lt3A_1558 = arith.cmpf olt, %convert_element_type3A, %lt3A_1557 : vector<16xf32>
    %jit3A_1559 = arith.constant 1.000000e+00 : f32
    %jit3A_1560 = arith.constant 0.000000e+00 : f32
    %broadcast_in_dim3A_1561 = vector.broadcast %jit3A_1559 : f32 to vector<16xf32>
    %broadcast_in_dim3A_1562 = vector.broadcast %jit3A_1560 : f32 to vector<16xf32>
    %select_n3A_1563 = arith.select %lt3A_1558, %broadcast_in_dim3A_1561, %broadcast_in_dim3A_1562 : vector<16xi1>, vector<16xf32>
    %swap3A_1564 = arith.constant 1600 : index
    %swap3A_1565 = tpu.vector_load %arg5[%swap3A_1564] {strides = array<i32>} : memref<4096xf32, #tpu.memory_space<vmem>>, vector<16xf32>,
    %swap3A_1566 = vector.shape_cast %swap3A_1565 : vector<16xf32> to vector<16xf32>
    %swap3A_1567 = vector.shape_cast %select_n3A_1563 : vector<16xf32> to vector<16xf32>
    tpu.vector_store %arg5[%swap3A_1564], %swap3A_1567 {strides = array<i32>} : memref<4096xf32, #tpu.memory_space<vmem>>, vector<16xf32>,
    %slice3A_1568 = vector.extract_strided_slice %convert_element_type3A_1502 {offsets = [5], sizes = [1], strides = [1]} : vector<16xf32> to vector<1xf32>
    %squeeze3A_1569 = vector.extract %slice3A_1568[0] : f32 from vector<1xf32>
    %lt3A_1570 = vector.broadcast %squeeze3A_1569 : f32 to vector<16xf32>
    %lt3A_1571 = arith.cmpf olt, %convert_element_type3A, %lt3A_1570 : vector<16xf32>
    %jit3A_1572 = arith.constant 1.000000e+00 : f32
    %jit3A_1573 = arith.constant 0.000000e+00 : f32
    %broadcast_in_dim3A_1574 = vector.broadcast %jit3A_1572 : f32 to vector<16xf32>
    %broadcast_in_dim3A_1575 = vector.broadcast %jit3A_1573 : f32 to vector<16xf32>
    %select_n3A_1576 = arith.select %lt3A_1571, %broadcast_in_dim3A_1574, %broadcast_in_dim3A_1575 : vector<16xi1>, vector<16xf32>
    %swap3A_1577 = arith.constant 1616 : index
    %swap3A_1578 = tpu.vector_load %arg5[%swap3A_1577] {strides = array<i32>} : memref<4096xf32, #tpu.memory_space<vmem>>, vector<16xf32>,
    %swap3A_1579 = vector.shape_cast %swap3A_1578 : vector<16xf32> to vector<16xf32>
    %swap3A_1580 = vector.shape_cast %select_n3A_1576 : vector<16xf32> to vector<16xf32>
    tpu.vector_store %arg5[%swap3A_1577], %swap3A_1580 {strides = array<i32>} : memref<4096xf32, #tpu.memory_space<vmem>>, vector<16xf32>,
    %slice3A_1581 = vector.extract_strided_slice %convert_element_type3A_1502 {offsets = [6], sizes = [1], strides = [1]} : vector<16xf32> to vector<1xf32>
    %squeeze3A_1582 = vector.extract %slice3A_1581[0] : f32 from vector<1xf32>
    %lt3A_1583 = vector.broadcast %squeeze3A_1582 : f32 to vector<16xf32>
    %lt3A_1584 = arith.cmpf olt, %convert_element_type3A, %lt3A_1583 : vector<16xf32>
    %jit3A_1585 = arith.constant 1.000000e+00 : f32
    %jit3A_1586 = arith.constant 0.000000e+00 : f32
    %broadcast_in_dim3A_1587 = vector.broadcast %jit3A_1585 : f32 to vector<16xf32>
    %broadcast_in_dim3A_1588 = vector.broadcast %jit3A_1586 : f32 to vector<16xf32>
    %select_n3A_1589 = arith.select %lt3A_1584, %broadcast_in_dim3A_1587, %broadcast_in_dim3A_1588 : vector<16xi1>, vector<16xf32>
    %swap3A_1590 = arith.constant 1632 : index
    %swap3A_1591 = tpu.vector_load %arg5[%swap3A_1590] {strides = array<i32>} : memref<4096xf32, #tpu.memory_space<vmem>>, vector<16xf32>,
    %swap3A_1592 = vector.shape_cast %swap3A_1591 : vector<16xf32> to vector<16xf32>
    %swap3A_1593 = vector.shape_cast %select_n3A_1589 : vector<16xf32> to vector<16xf32>
    tpu.vector_store %arg5[%swap3A_1590], %swap3A_1593 {strides = array<i32>} : memref<4096xf32, #tpu.memory_space<vmem>>, vector<16xf32>,
    %slice3A_1594 = vector.extract_strided_slice %convert_element_type3A_1502 {offsets = [7], sizes = [1], strides = [1]} : vector<16xf32> to vector<1xf32>
    %squeeze3A_1595 = vector.extract %slice3A_1594[0] : f32 from vector<1xf32>
    %lt3A_1596 = vector.broadcast %squeeze3A_1595 : f32 to vector<16xf32>
    %lt3A_1597 = arith.cmpf olt, %convert_element_type3A, %lt3A_1596 : vector<16xf32>
    %jit3A_1598 = arith.constant 1.000000e+00 : f32
    %jit3A_1599 = arith.constant 0.000000e+00 : f32
    %broadcast_in_dim3A_1600 = vector.broadcast %jit3A_1598 : f32 to vector<16xf32>
    %broadcast_in_dim3A_1601 = vector.broadcast %jit3A_1599 : f32 to vector<16xf32>
    %select_n3A_1602 = arith.select %lt3A_1597, %broadcast_in_dim3A_1600, %broadcast_in_dim3A_1601 : vector<16xi1>, vector<16xf32>
    %swap3A_1603 = arith.constant 1648 : index
    %swap3A_1604 = tpu.vector_load %arg5[%swap3A_1603] {strides = array<i32>} : memref<4096xf32, #tpu.memory_space<vmem>>, vector<16xf32>,
    %swap3A_1605 = vector.shape_cast %swap3A_1604 : vector<16xf32> to vector<16xf32>
    %swap3A_1606 = vector.shape_cast %select_n3A_1602 : vector<16xf32> to vector<16xf32>
    tpu.vector_store %arg5[%swap3A_1603], %swap3A_1606 {strides = array<i32>} : memref<4096xf32, #tpu.memory_space<vmem>>, vector<16xf32>,
    %slice3A_1607 = vector.extract_strided_slice %convert_element_type3A_1502 {offsets = [8], sizes = [1], strides = [1]} : vector<16xf32> to vector<1xf32>
    %squeeze3A_1608 = vector.extract %slice3A_1607[0] : f32 from vector<1xf32>
    %lt3A_1609 = vector.broadcast %squeeze3A_1608 : f32 to vector<16xf32>
    %lt3A_1610 = arith.cmpf olt, %convert_element_type3A, %lt3A_1609 : vector<16xf32>
    %jit3A_1611 = arith.constant 1.000000e+00 : f32
    %jit3A_1612 = arith.constant 0.000000e+00 : f32
    %broadcast_in_dim3A_1613 = vector.broadcast %jit3A_1611 : f32 to vector<16xf32>
    %broadcast_in_dim3A_1614 = vector.broadcast %jit3A_1612 : f32 to vector<16xf32>
    %select_n3A_1615 = arith.select %lt3A_1610, %broadcast_in_dim3A_1613, %broadcast_in_dim3A_1614 : vector<16xi1>, vector<16xf32>
    %swap3A_1616 = arith.constant 1664 : index
    %swap3A_1617 = tpu.vector_load %arg5[%swap3A_1616] {strides = array<i32>} : memref<4096xf32, #tpu.memory_space<vmem>>, vector<16xf32>,
    %swap3A_1618 = vector.shape_cast %swap3A_1617 : vector<16xf32> to vector<16xf32>
    %swap3A_1619 = vector.shape_cast %select_n3A_1615 : vector<16xf32> to vector<16xf32>
    tpu.vector_store %arg5[%swap3A_1616], %swap3A_1619 {strides = array<i32>} : memref<4096xf32, #tpu.memory_space<vmem>>, vector<16xf32>,
    %slice3A_1620 = vector.extract_strided_slice %convert_element_type3A_1502 {offsets = [9], sizes = [1], strides = [1]} : vector<16xf32> to vector<1xf32>
    %squeeze3A_1621 = vector.extract %slice3A_1620[0] : f32 from vector<1xf32>
    %lt3A_1622 = vector.broadcast %squeeze3A_1621 : f32 to vector<16xf32>
    %lt3A_1623 = arith.cmpf olt, %convert_element_type3A, %lt3A_1622 : vector<16xf32>
    %jit3A_1624 = arith.constant 1.000000e+00 : f32
    %jit3A_1625 = arith.constant 0.000000e+00 : f32
    %broadcast_in_dim3A_1626 = vector.broadcast %jit3A_1624 : f32 to vector<16xf32>
    %broadcast_in_dim3A_1627 = vector.broadcast %jit3A_1625 : f32 to vector<16xf32>
    %select_n3A_1628 = arith.select %lt3A_1623, %broadcast_in_dim3A_1626, %broadcast_in_dim3A_1627 : vector<16xi1>, vector<16xf32>
    %swap3A_1629 = arith.constant 1680 : index
    %swap3A_1630 = tpu.vector_load %arg5[%swap3A_1629] {strides = array<i32>} : memref<4096xf32, #tpu.memory_space<vmem>>, vector<16xf32>,
    %swap3A_1631 = vector.shape_cast %swap3A_1630 : vector<16xf32> to vector<16xf32>
    %swap3A_1632 = vector.shape_cast %select_n3A_1628 : vector<16xf32> to vector<16xf32>
    tpu.vector_store %arg5[%swap3A_1629], %swap3A_1632 {strides = array<i32>} : memref<4096xf32, #tpu.memory_space<vmem>>, vector<16xf32>,
    %slice3A_1633 = vector.extract_strided_slice %convert_element_type3A_1502 {offsets = [10], sizes = [1], strides = [1]} : vector<16xf32> to vector<1xf32>
    %squeeze3A_1634 = vector.extract %slice3A_1633[0] : f32 from vector<1xf32>
    %lt3A_1635 = vector.broadcast %squeeze3A_1634 : f32 to vector<16xf32>
    %lt3A_1636 = arith.cmpf olt, %convert_element_type3A, %lt3A_1635 : vector<16xf32>
    %jit3A_1637 = arith.constant 1.000000e+00 : f32
    %jit3A_1638 = arith.constant 0.000000e+00 : f32
    %broadcast_in_dim3A_1639 = vector.broadcast %jit3A_1637 : f32 to vector<16xf32>
    %broadcast_in_dim3A_1640 = vector.broadcast %jit3A_1638 : f32 to vector<16xf32>
    %select_n3A_1641 = arith.select %lt3A_1636, %broadcast_in_dim3A_1639, %broadcast_in_dim3A_1640 : vector<16xi1>, vector<16xf32>
    %swap3A_1642 = arith.constant 1696 : index
    %swap3A_1643 = tpu.vector_load %arg5[%swap3A_1642] {strides = array<i32>} : memref<4096xf32, #tpu.memory_space<vmem>>, vector<16xf32>,
    %swap3A_1644 = vector.shape_cast %swap3A_1643 : vector<16xf32> to vector<16xf32>
    %swap3A_1645 = vector.shape_cast %select_n3A_1641 : vector<16xf32> to vector<16xf32>
    tpu.vector_store %arg5[%swap3A_1642], %swap3A_1645 {strides = array<i32>} : memref<4096xf32, #tpu.memory_space<vmem>>, vector<16xf32>,
    %slice3A_1646 = vector.extract_strided_slice %convert_element_type3A_1502 {offsets = [11], sizes = [1], strides = [1]} : vector<16xf32> to vector<1xf32>
    %squeeze3A_1647 = vector.extract %slice3A_1646[0] : f32 from vector<1xf32>
    %lt3A_1648 = vector.broadcast %squeeze3A_1647 : f32 to vector<16xf32>
    %lt3A_1649 = arith.cmpf olt, %convert_element_type3A, %lt3A_1648 : vector<16xf32>
    %jit3A_1650 = arith.constant 1.000000e+00 : f32
    %jit3A_1651 = arith.constant 0.000000e+00 : f32
    %broadcast_in_dim3A_1652 = vector.broadcast %jit3A_1650 : f32 to vector<16xf32>
    %broadcast_in_dim3A_1653 = vector.broadcast %jit3A_1651 : f32 to vector<16xf32>
    %select_n3A_1654 = arith.select %lt3A_1649, %broadcast_in_dim3A_1652, %broadcast_in_dim3A_1653 : vector<16xi1>, vector<16xf32>
    %swap3A_1655 = arith.constant 1712 : index
    %swap3A_1656 = tpu.vector_load %arg5[%swap3A_1655] {strides = array<i32>} : memref<4096xf32, #tpu.memory_space<vmem>>, vector<16xf32>,
    %swap3A_1657 = vector.shape_cast %swap3A_1656 : vector<16xf32> to vector<16xf32>
    %swap3A_1658 = vector.shape_cast %select_n3A_1654 : vector<16xf32> to vector<16xf32>
    tpu.vector_store %arg5[%swap3A_1655], %swap3A_1658 {strides = array<i32>} : memref<4096xf32, #tpu.memory_space<vmem>>, vector<16xf32>,
    %slice3A_1659 = vector.extract_strided_slice %convert_element_type3A_1502 {offsets = [12], sizes = [1], strides = [1]} : vector<16xf32> to vector<1xf32>
    %squeeze3A_1660 = vector.extract %slice3A_1659[0] : f32 from vector<1xf32>
    %lt3A_1661 = vector.broadcast %squeeze3A_1660 : f32 to vector<16xf32>
    %lt3A_1662 = arith.cmpf olt, %convert_element_type3A, %lt3A_1661 : vector<16xf32>
    %jit3A_1663 = arith.constant 1.000000e+00 : f32
    %jit3A_1664 = arith.constant 0.000000e+00 : f32
    %broadcast_in_dim3A_1665 = vector.broadcast %jit3A_1663 : f32 to vector<16xf32>
    %broadcast_in_dim3A_1666 = vector.broadcast %jit3A_1664 : f32 to vector<16xf32>
    %select_n3A_1667 = arith.select %lt3A_1662, %broadcast_in_dim3A_1665, %broadcast_in_dim3A_1666 : vector<16xi1>, vector<16xf32>
    %swap3A_1668 = arith.constant 1728 : index
    %swap3A_1669 = tpu.vector_load %arg5[%swap3A_1668] {strides = array<i32>} : memref<4096xf32, #tpu.memory_space<vmem>>, vector<16xf32>,
    %swap3A_1670 = vector.shape_cast %swap3A_1669 : vector<16xf32> to vector<16xf32>
    %swap3A_1671 = vector.shape_cast %select_n3A_1667 : vector<16xf32> to vector<16xf32>
    tpu.vector_store %arg5[%swap3A_1668], %swap3A_1671 {strides = array<i32>} : memref<4096xf32, #tpu.memory_space<vmem>>, vector<16xf32>,
    %slice3A_1672 = vector.extract_strided_slice %convert_element_type3A_1502 {offsets = [13], sizes = [1], strides = [1]} : vector<16xf32> to vector<1xf32>
    %squeeze3A_1673 = vector.extract %slice3A_1672[0] : f32 from vector<1xf32>
    %lt3A_1674 = vector.broadcast %squeeze3A_1673 : f32 to vector<16xf32>
    %lt3A_1675 = arith.cmpf olt, %convert_element_type3A, %lt3A_1674 : vector<16xf32>
    %jit3A_1676 = arith.constant 1.000000e+00 : f32
    %jit3A_1677 = arith.constant 0.000000e+00 : f32
    %broadcast_in_dim3A_1678 = vector.broadcast %jit3A_1676 : f32 to vector<16xf32>
    %broadcast_in_dim3A_1679 = vector.broadcast %jit3A_1677 : f32 to vector<16xf32>
    %select_n3A_1680 = arith.select %lt3A_1675, %broadcast_in_dim3A_1678, %broadcast_in_dim3A_1679 : vector<16xi1>, vector<16xf32>
    %swap3A_1681 = arith.constant 1744 : index
    %swap3A_1682 = tpu.vector_load %arg5[%swap3A_1681] {strides = array<i32>} : memref<4096xf32, #tpu.memory_space<vmem>>, vector<16xf32>,
    %swap3A_1683 = vector.shape_cast %swap3A_1682 : vector<16xf32> to vector<16xf32>
    %swap3A_1684 = vector.shape_cast %select_n3A_1680 : vector<16xf32> to vector<16xf32>
    tpu.vector_store %arg5[%swap3A_1681], %swap3A_1684 {strides = array<i32>} : memref<4096xf32, #tpu.memory_space<vmem>>, vector<16xf32>,
    %slice3A_1685 = vector.extract_strided_slice %convert_element_type3A_1502 {offsets = [14], sizes = [1], strides = [1]} : vector<16xf32> to vector<1xf32>
    %squeeze3A_1686 = vector.extract %slice3A_1685[0] : f32 from vector<1xf32>
    %lt3A_1687 = vector.broadcast %squeeze3A_1686 : f32 to vector<16xf32>
    %lt3A_1688 = arith.cmpf olt, %convert_element_type3A, %lt3A_1687 : vector<16xf32>
    %jit3A_1689 = arith.constant 1.000000e+00 : f32
    %jit3A_1690 = arith.constant 0.000000e+00 : f32
    %broadcast_in_dim3A_1691 = vector.broadcast %jit3A_1689 : f32 to vector<16xf32>
    %broadcast_in_dim3A_1692 = vector.broadcast %jit3A_1690 : f32 to vector<16xf32>
    %select_n3A_1693 = arith.select %lt3A_1688, %broadcast_in_dim3A_1691, %broadcast_in_dim3A_1692 : vector<16xi1>, vector<16xf32>
    %swap3A_1694 = arith.constant 1760 : index
    %swap3A_1695 = tpu.vector_load %arg5[%swap3A_1694] {strides = array<i32>} : memref<4096xf32, #tpu.memory_space<vmem>>, vector<16xf32>,
    %swap3A_1696 = vector.shape_cast %swap3A_1695 : vector<16xf32> to vector<16xf32>
    %swap3A_1697 = vector.shape_cast %select_n3A_1693 : vector<16xf32> to vector<16xf32>
    tpu.vector_store %arg5[%swap3A_1694], %swap3A_1697 {strides = array<i32>} : memref<4096xf32, #tpu.memory_space<vmem>>, vector<16xf32>,
    %slice3A_1698 = vector.extract_strided_slice %convert_element_type3A_1502 {offsets = [15], sizes = [1], strides = [1]} : vector<16xf32> to vector<1xf32>
    %squeeze3A_1699 = vector.extract %slice3A_1698[0] : f32 from vector<1xf32>
    %lt3A_1700 = vector.broadcast %squeeze3A_1699 : f32 to vector<16xf32>
    %lt3A_1701 = arith.cmpf olt, %convert_element_type3A, %lt3A_1700 : vector<16xf32>
    %jit3A_1702 = arith.constant 1.000000e+00 : f32
    %jit3A_1703 = arith.constant 0.000000e+00 : f32
    %broadcast_in_dim3A_1704 = vector.broadcast %jit3A_1702 : f32 to vector<16xf32>
    %broadcast_in_dim3A_1705 = vector.broadcast %jit3A_1703 : f32 to vector<16xf32>
    %select_n3A_1706 = arith.select %lt3A_1701, %broadcast_in_dim3A_1704, %broadcast_in_dim3A_1705 : vector<16xi1>, vector<16xf32>
    %swap3A_1707 = arith.constant 1776 : index
    %swap3A_1708 = tpu.vector_load %arg5[%swap3A_1707] {strides = array<i32>} : memref<4096xf32, #tpu.memory_space<vmem>>, vector<16xf32>,
    %swap3A_1709 = vector.shape_cast %swap3A_1708 : vector<16xf32> to vector<16xf32>
    %swap3A_1710 = vector.shape_cast %select_n3A_1706 : vector<16xf32> to vector<16xf32>
    tpu.vector_store %arg5[%swap3A_1707], %swap3A_1710 {strides = array<i32>} : memref<4096xf32, #tpu.memory_space<vmem>>, vector<16xf32>,
    %get3A_1711 = arith.constant 112 : index
    %get3A_1712 = tpu.vector_load %arg4[%get3A_1711] {strides = array<i32>} : memref<256xf32, #tpu.memory_space<vmem>>, vector<16xf32>,
    %get3A_1713 = vector.shape_cast %get3A_1712 : vector<16xf32> to vector<16xf32>
    %mul3A_1714 = arith.constant 6.500000e+01 : f32
    %mul3A_1715 = vector.broadcast %mul3A_1714 : f32 to vector<16xf32>
    %mul3A_1716 = arith.mulf %get3A_1713, %mul3A_1715 : vector<16xf32>
    %convert_element_type3A_1717 = arith.fptosi %mul3A_1716 : vector<16xf32> to vector<16xi32>
    %min3A_1718 = arith.constant 64 : i32
    %min3A_1719 = vector.broadcast %min3A_1718 : i32 to vector<16xi32>
    %min3A_1720 = arith.minsi %convert_element_type3A_1717, %min3A_1719 : vector<16xi32>
    %mul3A_1721 = arith.constant 1.600000e+01 : f32
    %mul3A_1722 = vector.broadcast %mul3A_1721 : f32 to vector<16xf32>
    %mul3A_1723 = arith.mulf %get3A_1713, %mul3A_1722 : vector<16xf32>
    %convert_element_type3A_1724 = arith.fptosi %mul3A_1723 : vector<16xf32> to vector<16xi32>
    %convert_element_type3A_1725 = arith.sitofp %convert_element_type3A_1724 : vector<16xi32> to vector<16xf32>
    %lt3A_1726 = arith.cmpf olt, %convert_element_type3A_1725, %mul3A_1723 : vector<16xf32>
    %jit3A_1727 = arith.constant 1 : i32
    %jit3A_1728 = arith.constant 0 : i32
    %broadcast_in_dim3A_1729 = vector.broadcast %jit3A_1727 : i32 to vector<16xi32>
    %broadcast_in_dim3A_1730 = vector.broadcast %jit3A_1728 : i32 to vector<16xi32>
    %select_n3A_1731 = arith.select %lt3A_1726, %broadcast_in_dim3A_1729, %broadcast_in_dim3A_1730 : vector<16xi1>, vector<16xi32>
    %add3A_1732 = arith.addi %convert_element_type3A_1724, %select_n3A_1731 : vector<16xi32>
    %mul3A_1733 = arith.constant 4 : i32
    %mul3A_1734 = vector.broadcast %mul3A_1733 : i32 to vector<16xi32>
    %mul3A_1735 = arith.muli %mul3A_1734, %add3A_1732 : vector<16xi32>
    %min3A_1736 = arith.minsi %min3A_1720, %mul3A_1735 : vector<16xi32>
    %shift_right_arithmetic3A_1737 = arith.constant 2 : i32
    %shift_right_arithmetic3A_1738 = vector.broadcast %shift_right_arithmetic3A_1737 : i32 to vector<16xi32>
    %shift_right_arithmetic3A_1739 = arith.shrsi %min3A_1736, %shift_right_arithmetic3A_1738 : vector<16xi32>
    %convert_element_type3A_1740 = arith.sitofp %shift_right_arithmetic3A_1739 : vector<16xi32> to vector<16xf32>
    %slice3A_1741 = vector.extract_strided_slice %convert_element_type3A_1740 {offsets = [0], sizes = [1], strides = [1]} : vector<16xf32> to vector<1xf32>
    %squeeze3A_1742 = vector.extract %slice3A_1741[0] : f32 from vector<1xf32>
    %lt3A_1743 = vector.broadcast %squeeze3A_1742 : f32 to vector<16xf32>
    %lt3A_1744 = arith.cmpf olt, %convert_element_type3A, %lt3A_1743 : vector<16xf32>
    %jit3A_1745 = arith.constant 1.000000e+00 : f32
    %jit3A_1746 = arith.constant 0.000000e+00 : f32
    %broadcast_in_dim3A_1747 = vector.broadcast %jit3A_1745 : f32 to vector<16xf32>
    %broadcast_in_dim3A_1748 = vector.broadcast %jit3A_1746 : f32 to vector<16xf32>
    %select_n3A_1749 = arith.select %lt3A_1744, %broadcast_in_dim3A_1747, %broadcast_in_dim3A_1748 : vector<16xi1>, vector<16xf32>
    %swap3A_1750 = arith.constant 1792 : index
    %swap3A_1751 = tpu.vector_load %arg5[%swap3A_1750] {strides = array<i32>} : memref<4096xf32, #tpu.memory_space<vmem>>, vector<16xf32>,
    %swap3A_1752 = vector.shape_cast %swap3A_1751 : vector<16xf32> to vector<16xf32>
    %swap3A_1753 = vector.shape_cast %select_n3A_1749 : vector<16xf32> to vector<16xf32>
    tpu.vector_store %arg5[%swap3A_1750], %swap3A_1753 {strides = array<i32>} : memref<4096xf32, #tpu.memory_space<vmem>>, vector<16xf32>,
    %slice3A_1754 = vector.extract_strided_slice %convert_element_type3A_1740 {offsets = [1], sizes = [1], strides = [1]} : vector<16xf32> to vector<1xf32>
    %squeeze3A_1755 = vector.extract %slice3A_1754[0] : f32 from vector<1xf32>
    %lt3A_1756 = vector.broadcast %squeeze3A_1755 : f32 to vector<16xf32>
    %lt3A_1757 = arith.cmpf olt, %convert_element_type3A, %lt3A_1756 : vector<16xf32>
    %jit3A_1758 = arith.constant 1.000000e+00 : f32
    %jit3A_1759 = arith.constant 0.000000e+00 : f32
    %broadcast_in_dim3A_1760 = vector.broadcast %jit3A_1758 : f32 to vector<16xf32>
    %broadcast_in_dim3A_1761 = vector.broadcast %jit3A_1759 : f32 to vector<16xf32>
    %select_n3A_1762 = arith.select %lt3A_1757, %broadcast_in_dim3A_1760, %broadcast_in_dim3A_1761 : vector<16xi1>, vector<16xf32>
    %swap3A_1763 = arith.constant 1808 : index
    %swap3A_1764 = tpu.vector_load %arg5[%swap3A_1763] {strides = array<i32>} : memref<4096xf32, #tpu.memory_space<vmem>>, vector<16xf32>,
    %swap3A_1765 = vector.shape_cast %swap3A_1764 : vector<16xf32> to vector<16xf32>
    %swap3A_1766 = vector.shape_cast %select_n3A_1762 : vector<16xf32> to vector<16xf32>
    tpu.vector_store %arg5[%swap3A_1763], %swap3A_1766 {strides = array<i32>} : memref<4096xf32, #tpu.memory_space<vmem>>, vector<16xf32>,
    %slice3A_1767 = vector.extract_strided_slice %convert_element_type3A_1740 {offsets = [2], sizes = [1], strides = [1]} : vector<16xf32> to vector<1xf32>
    %squeeze3A_1768 = vector.extract %slice3A_1767[0] : f32 from vector<1xf32>
    %lt3A_1769 = vector.broadcast %squeeze3A_1768 : f32 to vector<16xf32>
    %lt3A_1770 = arith.cmpf olt, %convert_element_type3A, %lt3A_1769 : vector<16xf32>
    %jit3A_1771 = arith.constant 1.000000e+00 : f32
    %jit3A_1772 = arith.constant 0.000000e+00 : f32
    %broadcast_in_dim3A_1773 = vector.broadcast %jit3A_1771 : f32 to vector<16xf32>
    %broadcast_in_dim3A_1774 = vector.broadcast %jit3A_1772 : f32 to vector<16xf32>
    %select_n3A_1775 = arith.select %lt3A_1770, %broadcast_in_dim3A_1773, %broadcast_in_dim3A_1774 : vector<16xi1>, vector<16xf32>
    %swap3A_1776 = arith.constant 1824 : index
    %swap3A_1777 = tpu.vector_load %arg5[%swap3A_1776] {strides = array<i32>} : memref<4096xf32, #tpu.memory_space<vmem>>, vector<16xf32>,
    %swap3A_1778 = vector.shape_cast %swap3A_1777 : vector<16xf32> to vector<16xf32>
    %swap3A_1779 = vector.shape_cast %select_n3A_1775 : vector<16xf32> to vector<16xf32>
    tpu.vector_store %arg5[%swap3A_1776], %swap3A_1779 {strides = array<i32>} : memref<4096xf32, #tpu.memory_space<vmem>>, vector<16xf32>,
    %slice3A_1780 = vector.extract_strided_slice %convert_element_type3A_1740 {offsets = [3], sizes = [1], strides = [1]} : vector<16xf32> to vector<1xf32>
    %squeeze3A_1781 = vector.extract %slice3A_1780[0] : f32 from vector<1xf32>
    %lt3A_1782 = vector.broadcast %squeeze3A_1781 : f32 to vector<16xf32>
    %lt3A_1783 = arith.cmpf olt, %convert_element_type3A, %lt3A_1782 : vector<16xf32>
    %jit3A_1784 = arith.constant 1.000000e+00 : f32
    %jit3A_1785 = arith.constant 0.000000e+00 : f32
    %broadcast_in_dim3A_1786 = vector.broadcast %jit3A_1784 : f32 to vector<16xf32>
    %broadcast_in_dim3A_1787 = vector.broadcast %jit3A_1785 : f32 to vector<16xf32>
    %select_n3A_1788 = arith.select %lt3A_1783, %broadcast_in_dim3A_1786, %broadcast_in_dim3A_1787 : vector<16xi1>, vector<16xf32>
    %swap3A_1789 = arith.constant 1840 : index
    %swap3A_1790 = tpu.vector_load %arg5[%swap3A_1789] {strides = array<i32>} : memref<4096xf32, #tpu.memory_space<vmem>>, vector<16xf32>,
    %swap3A_1791 = vector.shape_cast %swap3A_1790 : vector<16xf32> to vector<16xf32>
    %swap3A_1792 = vector.shape_cast %select_n3A_1788 : vector<16xf32> to vector<16xf32>
    tpu.vector_store %arg5[%swap3A_1789], %swap3A_1792 {strides = array<i32>} : memref<4096xf32, #tpu.memory_space<vmem>>, vector<16xf32>,
    %slice3A_1793 = vector.extract_strided_slice %convert_element_type3A_1740 {offsets = [4], sizes = [1], strides = [1]} : vector<16xf32> to vector<1xf32>
    %squeeze3A_1794 = vector.extract %slice3A_1793[0] : f32 from vector<1xf32>
    %lt3A_1795 = vector.broadcast %squeeze3A_1794 : f32 to vector<16xf32>
    %lt3A_1796 = arith.cmpf olt, %convert_element_type3A, %lt3A_1795 : vector<16xf32>
    %jit3A_1797 = arith.constant 1.000000e+00 : f32
    %jit3A_1798 = arith.constant 0.000000e+00 : f32
    %broadcast_in_dim3A_1799 = vector.broadcast %jit3A_1797 : f32 to vector<16xf32>
    %broadcast_in_dim3A_1800 = vector.broadcast %jit3A_1798 : f32 to vector<16xf32>
    %select_n3A_1801 = arith.select %lt3A_1796, %broadcast_in_dim3A_1799, %broadcast_in_dim3A_1800 : vector<16xi1>, vector<16xf32>
    %swap3A_1802 = arith.constant 1856 : index
    %swap3A_1803 = tpu.vector_load %arg5[%swap3A_1802] {strides = array<i32>} : memref<4096xf32, #tpu.memory_space<vmem>>, vector<16xf32>,
    %swap3A_1804 = vector.shape_cast %swap3A_1803 : vector<16xf32> to vector<16xf32>
    %swap3A_1805 = vector.shape_cast %select_n3A_1801 : vector<16xf32> to vector<16xf32>
    tpu.vector_store %arg5[%swap3A_1802], %swap3A_1805 {strides = array<i32>} : memref<4096xf32, #tpu.memory_space<vmem>>, vector<16xf32>,
    %slice3A_1806 = vector.extract_strided_slice %convert_element_type3A_1740 {offsets = [5], sizes = [1], strides = [1]} : vector<16xf32> to vector<1xf32>
    %squeeze3A_1807 = vector.extract %slice3A_1806[0] : f32 from vector<1xf32>
    %lt3A_1808 = vector.broadcast %squeeze3A_1807 : f32 to vector<16xf32>
    %lt3A_1809 = arith.cmpf olt, %convert_element_type3A, %lt3A_1808 : vector<16xf32>
    %jit3A_1810 = arith.constant 1.000000e+00 : f32
    %jit3A_1811 = arith.constant 0.000000e+00 : f32
    %broadcast_in_dim3A_1812 = vector.broadcast %jit3A_1810 : f32 to vector<16xf32>
    %broadcast_in_dim3A_1813 = vector.broadcast %jit3A_1811 : f32 to vector<16xf32>
    %select_n3A_1814 = arith.select %lt3A_1809, %broadcast_in_dim3A_1812, %broadcast_in_dim3A_1813 : vector<16xi1>, vector<16xf32>
    %swap3A_1815 = arith.constant 1872 : index
    %swap3A_1816 = tpu.vector_load %arg5[%swap3A_1815] {strides = array<i32>} : memref<4096xf32, #tpu.memory_space<vmem>>, vector<16xf32>,
    %swap3A_1817 = vector.shape_cast %swap3A_1816 : vector<16xf32> to vector<16xf32>
    %swap3A_1818 = vector.shape_cast %select_n3A_1814 : vector<16xf32> to vector<16xf32>
    tpu.vector_store %arg5[%swap3A_1815], %swap3A_1818 {strides = array<i32>} : memref<4096xf32, #tpu.memory_space<vmem>>, vector<16xf32>,
    %slice3A_1819 = vector.extract_strided_slice %convert_element_type3A_1740 {offsets = [6], sizes = [1], strides = [1]} : vector<16xf32> to vector<1xf32>
    %squeeze3A_1820 = vector.extract %slice3A_1819[0] : f32 from vector<1xf32>
    %lt3A_1821 = vector.broadcast %squeeze3A_1820 : f32 to vector<16xf32>
    %lt3A_1822 = arith.cmpf olt, %convert_element_type3A, %lt3A_1821 : vector<16xf32>
    %jit3A_1823 = arith.constant 1.000000e+00 : f32
    %jit3A_1824 = arith.constant 0.000000e+00 : f32
    %broadcast_in_dim3A_1825 = vector.broadcast %jit3A_1823 : f32 to vector<16xf32>
    %broadcast_in_dim3A_1826 = vector.broadcast %jit3A_1824 : f32 to vector<16xf32>
    %select_n3A_1827 = arith.select %lt3A_1822, %broadcast_in_dim3A_1825, %broadcast_in_dim3A_1826 : vector<16xi1>, vector<16xf32>
    %swap3A_1828 = arith.constant 1888 : index
    %swap3A_1829 = tpu.vector_load %arg5[%swap3A_1828] {strides = array<i32>} : memref<4096xf32, #tpu.memory_space<vmem>>, vector<16xf32>,
    %swap3A_1830 = vector.shape_cast %swap3A_1829 : vector<16xf32> to vector<16xf32>
    %swap3A_1831 = vector.shape_cast %select_n3A_1827 : vector<16xf32> to vector<16xf32>
    tpu.vector_store %arg5[%swap3A_1828], %swap3A_1831 {strides = array<i32>} : memref<4096xf32, #tpu.memory_space<vmem>>, vector<16xf32>,
    %slice3A_1832 = vector.extract_strided_slice %convert_element_type3A_1740 {offsets = [7], sizes = [1], strides = [1]} : vector<16xf32> to vector<1xf32>
    %squeeze3A_1833 = vector.extract %slice3A_1832[0] : f32 from vector<1xf32>
    %lt3A_1834 = vector.broadcast %squeeze3A_1833 : f32 to vector<16xf32>
    %lt3A_1835 = arith.cmpf olt, %convert_element_type3A, %lt3A_1834 : vector<16xf32>
    %jit3A_1836 = arith.constant 1.000000e+00 : f32
    %jit3A_1837 = arith.constant 0.000000e+00 : f32
    %broadcast_in_dim3A_1838 = vector.broadcast %jit3A_1836 : f32 to vector<16xf32>
    %broadcast_in_dim3A_1839 = vector.broadcast %jit3A_1837 : f32 to vector<16xf32>
    %select_n3A_1840 = arith.select %lt3A_1835, %broadcast_in_dim3A_1838, %broadcast_in_dim3A_1839 : vector<16xi1>, vector<16xf32>
    %swap3A_1841 = arith.constant 1904 : index
    %swap3A_1842 = tpu.vector_load %arg5[%swap3A_1841] {strides = array<i32>} : memref<4096xf32, #tpu.memory_space<vmem>>, vector<16xf32>,
    %swap3A_1843 = vector.shape_cast %swap3A_1842 : vector<16xf32> to vector<16xf32>
    %swap3A_1844 = vector.shape_cast %select_n3A_1840 : vector<16xf32> to vector<16xf32>
    tpu.vector_store %arg5[%swap3A_1841], %swap3A_1844 {strides = array<i32>} : memref<4096xf32, #tpu.memory_space<vmem>>, vector<16xf32>,
    %slice3A_1845 = vector.extract_strided_slice %convert_element_type3A_1740 {offsets = [8], sizes = [1], strides = [1]} : vector<16xf32> to vector<1xf32>
    %squeeze3A_1846 = vector.extract %slice3A_1845[0] : f32 from vector<1xf32>
    %lt3A_1847 = vector.broadcast %squeeze3A_1846 : f32 to vector<16xf32>
    %lt3A_1848 = arith.cmpf olt, %convert_element_type3A, %lt3A_1847 : vector<16xf32>
    %jit3A_1849 = arith.constant 1.000000e+00 : f32
    %jit3A_1850 = arith.constant 0.000000e+00 : f32
    %broadcast_in_dim3A_1851 = vector.broadcast %jit3A_1849 : f32 to vector<16xf32>
    %broadcast_in_dim3A_1852 = vector.broadcast %jit3A_1850 : f32 to vector<16xf32>
    %select_n3A_1853 = arith.select %lt3A_1848, %broadcast_in_dim3A_1851, %broadcast_in_dim3A_1852 : vector<16xi1>, vector<16xf32>
    %swap3A_1854 = arith.constant 1920 : index
    %swap3A_1855 = tpu.vector_load %arg5[%swap3A_1854] {strides = array<i32>} : memref<4096xf32, #tpu.memory_space<vmem>>, vector<16xf32>,
    %swap3A_1856 = vector.shape_cast %swap3A_1855 : vector<16xf32> to vector<16xf32>
    %swap3A_1857 = vector.shape_cast %select_n3A_1853 : vector<16xf32> to vector<16xf32>
    tpu.vector_store %arg5[%swap3A_1854], %swap3A_1857 {strides = array<i32>} : memref<4096xf32, #tpu.memory_space<vmem>>, vector<16xf32>,
    %slice3A_1858 = vector.extract_strided_slice %convert_element_type3A_1740 {offsets = [9], sizes = [1], strides = [1]} : vector<16xf32> to vector<1xf32>
    %squeeze3A_1859 = vector.extract %slice3A_1858[0] : f32 from vector<1xf32>
    %lt3A_1860 = vector.broadcast %squeeze3A_1859 : f32 to vector<16xf32>
    %lt3A_1861 = arith.cmpf olt, %convert_element_type3A, %lt3A_1860 : vector<16xf32>
    %jit3A_1862 = arith.constant 1.000000e+00 : f32
    %jit3A_1863 = arith.constant 0.000000e+00 : f32
    %broadcast_in_dim3A_1864 = vector.broadcast %jit3A_1862 : f32 to vector<16xf32>
    %broadcast_in_dim3A_1865 = vector.broadcast %jit3A_1863 : f32 to vector<16xf32>
    %select_n3A_1866 = arith.select %lt3A_1861, %broadcast_in_dim3A_1864, %broadcast_in_dim3A_1865 : vector<16xi1>, vector<16xf32>
    %swap3A_1867 = arith.constant 1936 : index
    %swap3A_1868 = tpu.vector_load %arg5[%swap3A_1867] {strides = array<i32>} : memref<4096xf32, #tpu.memory_space<vmem>>, vector<16xf32>,
    %swap3A_1869 = vector.shape_cast %swap3A_1868 : vector<16xf32> to vector<16xf32>
    %swap3A_1870 = vector.shape_cast %select_n3A_1866 : vector<16xf32> to vector<16xf32>
    tpu.vector_store %arg5[%swap3A_1867], %swap3A_1870 {strides = array<i32>} : memref<4096xf32, #tpu.memory_space<vmem>>, vector<16xf32>,
    %slice3A_1871 = vector.extract_strided_slice %convert_element_type3A_1740 {offsets = [10], sizes = [1], strides = [1]} : vector<16xf32> to vector<1xf32>
    %squeeze3A_1872 = vector.extract %slice3A_1871[0] : f32 from vector<1xf32>
    %lt3A_1873 = vector.broadcast %squeeze3A_1872 : f32 to vector<16xf32>
    %lt3A_1874 = arith.cmpf olt, %convert_element_type3A, %lt3A_1873 : vector<16xf32>
    %jit3A_1875 = arith.constant 1.000000e+00 : f32
    %jit3A_1876 = arith.constant 0.000000e+00 : f32
    %broadcast_in_dim3A_1877 = vector.broadcast %jit3A_1875 : f32 to vector<16xf32>
    %broadcast_in_dim3A_1878 = vector.broadcast %jit3A_1876 : f32 to vector<16xf32>
    %select_n3A_1879 = arith.select %lt3A_1874, %broadcast_in_dim3A_1877, %broadcast_in_dim3A_1878 : vector<16xi1>, vector<16xf32>
    %swap3A_1880 = arith.constant 1952 : index
    %swap3A_1881 = tpu.vector_load %arg5[%swap3A_1880] {strides = array<i32>} : memref<4096xf32, #tpu.memory_space<vmem>>, vector<16xf32>,
    %swap3A_1882 = vector.shape_cast %swap3A_1881 : vector<16xf32> to vector<16xf32>
    %swap3A_1883 = vector.shape_cast %select_n3A_1879 : vector<16xf32> to vector<16xf32>
    tpu.vector_store %arg5[%swap3A_1880], %swap3A_1883 {strides = array<i32>} : memref<4096xf32, #tpu.memory_space<vmem>>, vector<16xf32>,
    %slice3A_1884 = vector.extract_strided_slice %convert_element_type3A_1740 {offsets = [11], sizes = [1], strides = [1]} : vector<16xf32> to vector<1xf32>
    %squeeze3A_1885 = vector.extract %slice3A_1884[0] : f32 from vector<1xf32>
    %lt3A_1886 = vector.broadcast %squeeze3A_1885 : f32 to vector<16xf32>
    %lt3A_1887 = arith.cmpf olt, %convert_element_type3A, %lt3A_1886 : vector<16xf32>
    %jit3A_1888 = arith.constant 1.000000e+00 : f32
    %jit3A_1889 = arith.constant 0.000000e+00 : f32
    %broadcast_in_dim3A_1890 = vector.broadcast %jit3A_1888 : f32 to vector<16xf32>
    %broadcast_in_dim3A_1891 = vector.broadcast %jit3A_1889 : f32 to vector<16xf32>
    %select_n3A_1892 = arith.select %lt3A_1887, %broadcast_in_dim3A_1890, %broadcast_in_dim3A_1891 : vector<16xi1>, vector<16xf32>
    %swap3A_1893 = arith.constant 1968 : index
    %swap3A_1894 = tpu.vector_load %arg5[%swap3A_1893] {strides = array<i32>} : memref<4096xf32, #tpu.memory_space<vmem>>, vector<16xf32>,
    %swap3A_1895 = vector.shape_cast %swap3A_1894 : vector<16xf32> to vector<16xf32>
    %swap3A_1896 = vector.shape_cast %select_n3A_1892 : vector<16xf32> to vector<16xf32>
    tpu.vector_store %arg5[%swap3A_1893], %swap3A_1896 {strides = array<i32>} : memref<4096xf32, #tpu.memory_space<vmem>>, vector<16xf32>,
    %slice3A_1897 = vector.extract_strided_slice %convert_element_type3A_1740 {offsets = [12], sizes = [1], strides = [1]} : vector<16xf32> to vector<1xf32>
    %squeeze3A_1898 = vector.extract %slice3A_1897[0] : f32 from vector<1xf32>
    %lt3A_1899 = vector.broadcast %squeeze3A_1898 : f32 to vector<16xf32>
    %lt3A_1900 = arith.cmpf olt, %convert_element_type3A, %lt3A_1899 : vector<16xf32>
    %jit3A_1901 = arith.constant 1.000000e+00 : f32
    %jit3A_1902 = arith.constant 0.000000e+00 : f32
    %broadcast_in_dim3A_1903 = vector.broadcast %jit3A_1901 : f32 to vector<16xf32>
    %broadcast_in_dim3A_1904 = vector.broadcast %jit3A_1902 : f32 to vector<16xf32>
    %select_n3A_1905 = arith.select %lt3A_1900, %broadcast_in_dim3A_1903, %broadcast_in_dim3A_1904 : vector<16xi1>, vector<16xf32>
    %swap3A_1906 = arith.constant 1984 : index
    %swap3A_1907 = tpu.vector_load %arg5[%swap3A_1906] {strides = array<i32>} : memref<4096xf32, #tpu.memory_space<vmem>>, vector<16xf32>,
    %swap3A_1908 = vector.shape_cast %swap3A_1907 : vector<16xf32> to vector<16xf32>
    %swap3A_1909 = vector.shape_cast %select_n3A_1905 : vector<16xf32> to vector<16xf32>
    tpu.vector_store %arg5[%swap3A_1906], %swap3A_1909 {strides = array<i32>} : memref<4096xf32, #tpu.memory_space<vmem>>, vector<16xf32>,
    %slice3A_1910 = vector.extract_strided_slice %convert_element_type3A_1740 {offsets = [13], sizes = [1], strides = [1]} : vector<16xf32> to vector<1xf32>
    %squeeze3A_1911 = vector.extract %slice3A_1910[0] : f32 from vector<1xf32>
    %lt3A_1912 = vector.broadcast %squeeze3A_1911 : f32 to vector<16xf32>
    %lt3A_1913 = arith.cmpf olt, %convert_element_type3A, %lt3A_1912 : vector<16xf32>
    %jit3A_1914 = arith.constant 1.000000e+00 : f32
    %jit3A_1915 = arith.constant 0.000000e+00 : f32
    %broadcast_in_dim3A_1916 = vector.broadcast %jit3A_1914 : f32 to vector<16xf32>
    %broadcast_in_dim3A_1917 = vector.broadcast %jit3A_1915 : f32 to vector<16xf32>
    %select_n3A_1918 = arith.select %lt3A_1913, %broadcast_in_dim3A_1916, %broadcast_in_dim3A_1917 : vector<16xi1>, vector<16xf32>
    %swap3A_1919 = arith.constant 2000 : index
    %swap3A_1920 = tpu.vector_load %arg5[%swap3A_1919] {strides = array<i32>} : memref<4096xf32, #tpu.memory_space<vmem>>, vector<16xf32>,
    %swap3A_1921 = vector.shape_cast %swap3A_1920 : vector<16xf32> to vector<16xf32>
    %swap3A_1922 = vector.shape_cast %select_n3A_1918 : vector<16xf32> to vector<16xf32>
    tpu.vector_store %arg5[%swap3A_1919], %swap3A_1922 {strides = array<i32>} : memref<4096xf32, #tpu.memory_space<vmem>>, vector<16xf32>,
    %slice3A_1923 = vector.extract_strided_slice %convert_element_type3A_1740 {offsets = [14], sizes = [1], strides = [1]} : vector<16xf32> to vector<1xf32>
    %squeeze3A_1924 = vector.extract %slice3A_1923[0] : f32 from vector<1xf32>
    %lt3A_1925 = vector.broadcast %squeeze3A_1924 : f32 to vector<16xf32>
    %lt3A_1926 = arith.cmpf olt, %convert_element_type3A, %lt3A_1925 : vector<16xf32>
    %jit3A_1927 = arith.constant 1.000000e+00 : f32
    %jit3A_1928 = arith.constant 0.000000e+00 : f32
    %broadcast_in_dim3A_1929 = vector.broadcast %jit3A_1927 : f32 to vector<16xf32>
    %broadcast_in_dim3A_1930 = vector.broadcast %jit3A_1928 : f32 to vector<16xf32>
    %select_n3A_1931 = arith.select %lt3A_1926, %broadcast_in_dim3A_1929, %broadcast_in_dim3A_1930 : vector<16xi1>, vector<16xf32>
    %swap3A_1932 = arith.constant 2016 : index
    %swap3A_1933 = tpu.vector_load %arg5[%swap3A_1932] {strides = array<i32>} : memref<4096xf32, #tpu.memory_space<vmem>>, vector<16xf32>,
    %swap3A_1934 = vector.shape_cast %swap3A_1933 : vector<16xf32> to vector<16xf32>
    %swap3A_1935 = vector.shape_cast %select_n3A_1931 : vector<16xf32> to vector<16xf32>
    tpu.vector_store %arg5[%swap3A_1932], %swap3A_1935 {strides = array<i32>} : memref<4096xf32, #tpu.memory_space<vmem>>, vector<16xf32>,
    %slice3A_1936 = vector.extract_strided_slice %convert_element_type3A_1740 {offsets = [15], sizes = [1], strides = [1]} : vector<16xf32> to vector<1xf32>
    %squeeze3A_1937 = vector.extract %slice3A_1936[0] : f32 from vector<1xf32>
    %lt3A_1938 = vector.broadcast %squeeze3A_1937 : f32 to vector<16xf32>
    %lt3A_1939 = arith.cmpf olt, %convert_element_type3A, %lt3A_1938 : vector<16xf32>
    %jit3A_1940 = arith.constant 1.000000e+00 : f32
    %jit3A_1941 = arith.constant 0.000000e+00 : f32
    %broadcast_in_dim3A_1942 = vector.broadcast %jit3A_1940 : f32 to vector<16xf32>
    %broadcast_in_dim3A_1943 = vector.broadcast %jit3A_1941 : f32 to vector<16xf32>
    %select_n3A_1944 = arith.select %lt3A_1939, %broadcast_in_dim3A_1942, %broadcast_in_dim3A_1943 : vector<16xi1>, vector<16xf32>
    %swap3A_1945 = arith.constant 2032 : index
    %swap3A_1946 = tpu.vector_load %arg5[%swap3A_1945] {strides = array<i32>} : memref<4096xf32, #tpu.memory_space<vmem>>, vector<16xf32>,
    %swap3A_1947 = vector.shape_cast %swap3A_1946 : vector<16xf32> to vector<16xf32>
    %swap3A_1948 = vector.shape_cast %select_n3A_1944 : vector<16xf32> to vector<16xf32>
    tpu.vector_store %arg5[%swap3A_1945], %swap3A_1948 {strides = array<i32>} : memref<4096xf32, #tpu.memory_space<vmem>>, vector<16xf32>,
    %add3A_1949 = arith.constant 64 : i32
    %add3A_1950 = arith.addi %mul3A_2, %add3A_1949 : i32
    %mul3A_1951 = arith.constant 16 : i32
    %mul3A_1952 = arith.muli %add3A_1950, %mul3A_1951 : i32
    %dma_start3A_1953 = arith.constant 1024 : i32
    %dma_start3A_1954 = tpu.memref_slice %arg5[%dma_start3A_1953] : memref<4096xf32, #tpu.memory_space<vmem>> -> memref<1024xf32, #tpu.memory_space<vmem>>
    %dma_start3A_1955 = tpu.memref_slice %arg3[%mul3A_1952] : memref<65536xf32, #tpu.memory_space<hbm>> -> memref<1024xf32, #tpu.memory_space<hbm>>
    %dma_start3A_1956 = tpu.memref_slice %arg3[%mul3A_1952] : memref<65536xf32, #tpu.memory_space<hbm>> -> memref<1024xf32, #tpu.memory_space<hbm>>
    %dma_start3A_1957 = arith.constant 1024 : i32
    %dma_start3A_1958 = tpu.memref_slice %arg5[%dma_start3A_1957] : memref<4096xf32, #tpu.memory_space<vmem>> -> memref<1024xf32, #tpu.memory_space<vmem>>
    tpu.enqueue_dma source(%dma_start3A_1958 : memref<1024xf32, #tpu.memory_space<vmem>>) target(%dma_start3A_1956 : memref<1024xf32, #tpu.memory_space<hbm>>) target_semaphore(%arg6 : memref<!tpu.dma_semaphore, #tpu.memory_space<semaphore_mem>>)
    %dma_wait3A_1959 = arith.constant 128 : i32
    %dma_wait3A_1960 = tpu.memref_slice %arg4[%dma_wait3A_1959] : memref<256xf32, #tpu.memory_space<vmem>> -> memref<64xf32, #tpu.memory_space<vmem>>
    %dma_wait3A_1961 = tpu.memref_slice %arg2[%add3A_19] : memref<4096xf32, #tpu.memory_space<hbm>> -> memref<64xf32, #tpu.memory_space<hbm>>
    %dma_wait3A_1962 = arith.constant 128 : i32
    %dma_wait3A_1963 = tpu.memref_slice %arg4[%dma_wait3A_1962] : memref<256xf32, #tpu.memory_space<vmem>> -> memref<64xf32, #tpu.memory_space<vmem>>
    %dma_wait3A_1964 = tpu.memref_slice %arg2[%add3A_19] : memref<4096xf32, #tpu.memory_space<hbm>> -> memref<64xf32, #tpu.memory_space<hbm>>
    tpu.wait_dma2 semaphore(%arg6 : memref<!tpu.dma_semaphore, #tpu.memory_space<semaphore_mem>>) src(%dma_wait3A_1964 : memref<64xf32, #tpu.memory_space<hbm>>) dst(%dma_wait3A_1963 : memref<64xf32, #tpu.memory_space<vmem>>)
    %get3A_1965 = arith.constant 128 : index
    %get3A_1966 = tpu.vector_load %arg4[%get3A_1965] {strides = array<i32>} : memref<256xf32, #tpu.memory_space<vmem>>, vector<16xf32>,
    %get3A_1967 = vector.shape_cast %get3A_1966 : vector<16xf32> to vector<16xf32>
    %mul3A_1968 = arith.constant 6.500000e+01 : f32
    %mul3A_1969 = vector.broadcast %mul3A_1968 : f32 to vector<16xf32>
    %mul3A_1970 = arith.mulf %get3A_1967, %mul3A_1969 : vector<16xf32>
    %convert_element_type3A_1971 = arith.fptosi %mul3A_1970 : vector<16xf32> to vector<16xi32>
    %min3A_1972 = arith.constant 64 : i32
    %min3A_1973 = vector.broadcast %min3A_1972 : i32 to vector<16xi32>
    %min3A_1974 = arith.minsi %convert_element_type3A_1971, %min3A_1973 : vector<16xi32>
    %mul3A_1975 = arith.constant 1.600000e+01 : f32
    %mul3A_1976 = vector.broadcast %mul3A_1975 : f32 to vector<16xf32>
    %mul3A_1977 = arith.mulf %get3A_1967, %mul3A_1976 : vector<16xf32>
    %convert_element_type3A_1978 = arith.fptosi %mul3A_1977 : vector<16xf32> to vector<16xi32>
    %convert_element_type3A_1979 = arith.sitofp %convert_element_type3A_1978 : vector<16xi32> to vector<16xf32>
    %lt3A_1980 = arith.cmpf olt, %convert_element_type3A_1979, %mul3A_1977 : vector<16xf32>
    %jit3A_1981 = arith.constant 1 : i32
    %jit3A_1982 = arith.constant 0 : i32
    %broadcast_in_dim3A_1983 = vector.broadcast %jit3A_1981 : i32 to vector<16xi32>
    %broadcast_in_dim3A_1984 = vector.broadcast %jit3A_1982 : i32 to vector<16xi32>
    %select_n3A_1985 = arith.select %lt3A_1980, %broadcast_in_dim3A_1983, %broadcast_in_dim3A_1984 : vector<16xi1>, vector<16xi32>
    %add3A_1986 = arith.addi %convert_element_type3A_1978, %select_n3A_1985 : vector<16xi32>
    %mul3A_1987 = arith.constant 4 : i32
    %mul3A_1988 = vector.broadcast %mul3A_1987 : i32 to vector<16xi32>
    %mul3A_1989 = arith.muli %mul3A_1988, %add3A_1986 : vector<16xi32>
    %min3A_1990 = arith.minsi %min3A_1974, %mul3A_1989 : vector<16xi32>
    %shift_right_arithmetic3A_1991 = arith.constant 2 : i32
    %shift_right_arithmetic3A_1992 = vector.broadcast %shift_right_arithmetic3A_1991 : i32 to vector<16xi32>
    %shift_right_arithmetic3A_1993 = arith.shrsi %min3A_1990, %shift_right_arithmetic3A_1992 : vector<16xi32>
    %convert_element_type3A_1994 = arith.sitofp %shift_right_arithmetic3A_1993 : vector<16xi32> to vector<16xf32>
    %slice3A_1995 = vector.extract_strided_slice %convert_element_type3A_1994 {offsets = [0], sizes = [1], strides = [1]} : vector<16xf32> to vector<1xf32>
    %squeeze3A_1996 = vector.extract %slice3A_1995[0] : f32 from vector<1xf32>
    %lt3A_1997 = vector.broadcast %squeeze3A_1996 : f32 to vector<16xf32>
    %lt3A_1998 = arith.cmpf olt, %convert_element_type3A, %lt3A_1997 : vector<16xf32>
    %jit3A_1999 = arith.constant 1.000000e+00 : f32
    %jit3A_2000 = arith.constant 0.000000e+00 : f32
    %broadcast_in_dim3A_2001 = vector.broadcast %jit3A_1999 : f32 to vector<16xf32>
    %broadcast_in_dim3A_2002 = vector.broadcast %jit3A_2000 : f32 to vector<16xf32>
    %select_n3A_2003 = arith.select %lt3A_1998, %broadcast_in_dim3A_2001, %broadcast_in_dim3A_2002 : vector<16xi1>, vector<16xf32>
    %swap3A_2004 = arith.constant 2048 : index
    %swap3A_2005 = tpu.vector_load %arg5[%swap3A_2004] {strides = array<i32>} : memref<4096xf32, #tpu.memory_space<vmem>>, vector<16xf32>,
    %swap3A_2006 = vector.shape_cast %swap3A_2005 : vector<16xf32> to vector<16xf32>
    %swap3A_2007 = vector.shape_cast %select_n3A_2003 : vector<16xf32> to vector<16xf32>
    tpu.vector_store %arg5[%swap3A_2004], %swap3A_2007 {strides = array<i32>} : memref<4096xf32, #tpu.memory_space<vmem>>, vector<16xf32>,
    %slice3A_2008 = vector.extract_strided_slice %convert_element_type3A_1994 {offsets = [1], sizes = [1], strides = [1]} : vector<16xf32> to vector<1xf32>
    %squeeze3A_2009 = vector.extract %slice3A_2008[0] : f32 from vector<1xf32>
    %lt3A_2010 = vector.broadcast %squeeze3A_2009 : f32 to vector<16xf32>
    %lt3A_2011 = arith.cmpf olt, %convert_element_type3A, %lt3A_2010 : vector<16xf32>
    %jit3A_2012 = arith.constant 1.000000e+00 : f32
    %jit3A_2013 = arith.constant 0.000000e+00 : f32
    %broadcast_in_dim3A_2014 = vector.broadcast %jit3A_2012 : f32 to vector<16xf32>
    %broadcast_in_dim3A_2015 = vector.broadcast %jit3A_2013 : f32 to vector<16xf32>
    %select_n3A_2016 = arith.select %lt3A_2011, %broadcast_in_dim3A_2014, %broadcast_in_dim3A_2015 : vector<16xi1>, vector<16xf32>
    %swap3A_2017 = arith.constant 2064 : index
    %swap3A_2018 = tpu.vector_load %arg5[%swap3A_2017] {strides = array<i32>} : memref<4096xf32, #tpu.memory_space<vmem>>, vector<16xf32>,
    %swap3A_2019 = vector.shape_cast %swap3A_2018 : vector<16xf32> to vector<16xf32>
    %swap3A_2020 = vector.shape_cast %select_n3A_2016 : vector<16xf32> to vector<16xf32>
    tpu.vector_store %arg5[%swap3A_2017], %swap3A_2020 {strides = array<i32>} : memref<4096xf32, #tpu.memory_space<vmem>>, vector<16xf32>,
    %slice3A_2021 = vector.extract_strided_slice %convert_element_type3A_1994 {offsets = [2], sizes = [1], strides = [1]} : vector<16xf32> to vector<1xf32>
    %squeeze3A_2022 = vector.extract %slice3A_2021[0] : f32 from vector<1xf32>
    %lt3A_2023 = vector.broadcast %squeeze3A_2022 : f32 to vector<16xf32>
    %lt3A_2024 = arith.cmpf olt, %convert_element_type3A, %lt3A_2023 : vector<16xf32>
    %jit3A_2025 = arith.constant 1.000000e+00 : f32
    %jit3A_2026 = arith.constant 0.000000e+00 : f32
    %broadcast_in_dim3A_2027 = vector.broadcast %jit3A_2025 : f32 to vector<16xf32>
    %broadcast_in_dim3A_2028 = vector.broadcast %jit3A_2026 : f32 to vector<16xf32>
    %select_n3A_2029 = arith.select %lt3A_2024, %broadcast_in_dim3A_2027, %broadcast_in_dim3A_2028 : vector<16xi1>, vector<16xf32>
    %swap3A_2030 = arith.constant 2080 : index
    %swap3A_2031 = tpu.vector_load %arg5[%swap3A_2030] {strides = array<i32>} : memref<4096xf32, #tpu.memory_space<vmem>>, vector<16xf32>,
    %swap3A_2032 = vector.shape_cast %swap3A_2031 : vector<16xf32> to vector<16xf32>
    %swap3A_2033 = vector.shape_cast %select_n3A_2029 : vector<16xf32> to vector<16xf32>
    tpu.vector_store %arg5[%swap3A_2030], %swap3A_2033 {strides = array<i32>} : memref<4096xf32, #tpu.memory_space<vmem>>, vector<16xf32>,
    %slice3A_2034 = vector.extract_strided_slice %convert_element_type3A_1994 {offsets = [3], sizes = [1], strides = [1]} : vector<16xf32> to vector<1xf32>
    %squeeze3A_2035 = vector.extract %slice3A_2034[0] : f32 from vector<1xf32>
    %lt3A_2036 = vector.broadcast %squeeze3A_2035 : f32 to vector<16xf32>
    %lt3A_2037 = arith.cmpf olt, %convert_element_type3A, %lt3A_2036 : vector<16xf32>
    %jit3A_2038 = arith.constant 1.000000e+00 : f32
    %jit3A_2039 = arith.constant 0.000000e+00 : f32
    %broadcast_in_dim3A_2040 = vector.broadcast %jit3A_2038 : f32 to vector<16xf32>
    %broadcast_in_dim3A_2041 = vector.broadcast %jit3A_2039 : f32 to vector<16xf32>
    %select_n3A_2042 = arith.select %lt3A_2037, %broadcast_in_dim3A_2040, %broadcast_in_dim3A_2041 : vector<16xi1>, vector<16xf32>
    %swap3A_2043 = arith.constant 2096 : index
    %swap3A_2044 = tpu.vector_load %arg5[%swap3A_2043] {strides = array<i32>} : memref<4096xf32, #tpu.memory_space<vmem>>, vector<16xf32>,
    %swap3A_2045 = vector.shape_cast %swap3A_2044 : vector<16xf32> to vector<16xf32>
    %swap3A_2046 = vector.shape_cast %select_n3A_2042 : vector<16xf32> to vector<16xf32>
    tpu.vector_store %arg5[%swap3A_2043], %swap3A_2046 {strides = array<i32>} : memref<4096xf32, #tpu.memory_space<vmem>>, vector<16xf32>,
    %slice3A_2047 = vector.extract_strided_slice %convert_element_type3A_1994 {offsets = [4], sizes = [1], strides = [1]} : vector<16xf32> to vector<1xf32>
    %squeeze3A_2048 = vector.extract %slice3A_2047[0] : f32 from vector<1xf32>
    %lt3A_2049 = vector.broadcast %squeeze3A_2048 : f32 to vector<16xf32>
    %lt3A_2050 = arith.cmpf olt, %convert_element_type3A, %lt3A_2049 : vector<16xf32>
    %jit3A_2051 = arith.constant 1.000000e+00 : f32
    %jit3A_2052 = arith.constant 0.000000e+00 : f32
    %broadcast_in_dim3A_2053 = vector.broadcast %jit3A_2051 : f32 to vector<16xf32>
    %broadcast_in_dim3A_2054 = vector.broadcast %jit3A_2052 : f32 to vector<16xf32>
    %select_n3A_2055 = arith.select %lt3A_2050, %broadcast_in_dim3A_2053, %broadcast_in_dim3A_2054 : vector<16xi1>, vector<16xf32>
    %swap3A_2056 = arith.constant 2112 : index
    %swap3A_2057 = tpu.vector_load %arg5[%swap3A_2056] {strides = array<i32>} : memref<4096xf32, #tpu.memory_space<vmem>>, vector<16xf32>,
    %swap3A_2058 = vector.shape_cast %swap3A_2057 : vector<16xf32> to vector<16xf32>
    %swap3A_2059 = vector.shape_cast %select_n3A_2055 : vector<16xf32> to vector<16xf32>
    tpu.vector_store %arg5[%swap3A_2056], %swap3A_2059 {strides = array<i32>} : memref<4096xf32, #tpu.memory_space<vmem>>, vector<16xf32>,
    %slice3A_2060 = vector.extract_strided_slice %convert_element_type3A_1994 {offsets = [5], sizes = [1], strides = [1]} : vector<16xf32> to vector<1xf32>
    %squeeze3A_2061 = vector.extract %slice3A_2060[0] : f32 from vector<1xf32>
    %lt3A_2062 = vector.broadcast %squeeze3A_2061 : f32 to vector<16xf32>
    %lt3A_2063 = arith.cmpf olt, %convert_element_type3A, %lt3A_2062 : vector<16xf32>
    %jit3A_2064 = arith.constant 1.000000e+00 : f32
    %jit3A_2065 = arith.constant 0.000000e+00 : f32
    %broadcast_in_dim3A_2066 = vector.broadcast %jit3A_2064 : f32 to vector<16xf32>
    %broadcast_in_dim3A_2067 = vector.broadcast %jit3A_2065 : f32 to vector<16xf32>
    %select_n3A_2068 = arith.select %lt3A_2063, %broadcast_in_dim3A_2066, %broadcast_in_dim3A_2067 : vector<16xi1>, vector<16xf32>
    %swap3A_2069 = arith.constant 2128 : index
    %swap3A_2070 = tpu.vector_load %arg5[%swap3A_2069] {strides = array<i32>} : memref<4096xf32, #tpu.memory_space<vmem>>, vector<16xf32>,
    %swap3A_2071 = vector.shape_cast %swap3A_2070 : vector<16xf32> to vector<16xf32>
    %swap3A_2072 = vector.shape_cast %select_n3A_2068 : vector<16xf32> to vector<16xf32>
    tpu.vector_store %arg5[%swap3A_2069], %swap3A_2072 {strides = array<i32>} : memref<4096xf32, #tpu.memory_space<vmem>>, vector<16xf32>,
    %slice3A_2073 = vector.extract_strided_slice %convert_element_type3A_1994 {offsets = [6], sizes = [1], strides = [1]} : vector<16xf32> to vector<1xf32>
    %squeeze3A_2074 = vector.extract %slice3A_2073[0] : f32 from vector<1xf32>
    %lt3A_2075 = vector.broadcast %squeeze3A_2074 : f32 to vector<16xf32>
    %lt3A_2076 = arith.cmpf olt, %convert_element_type3A, %lt3A_2075 : vector<16xf32>
    %jit3A_2077 = arith.constant 1.000000e+00 : f32
    %jit3A_2078 = arith.constant 0.000000e+00 : f32
    %broadcast_in_dim3A_2079 = vector.broadcast %jit3A_2077 : f32 to vector<16xf32>
    %broadcast_in_dim3A_2080 = vector.broadcast %jit3A_2078 : f32 to vector<16xf32>
    %select_n3A_2081 = arith.select %lt3A_2076, %broadcast_in_dim3A_2079, %broadcast_in_dim3A_2080 : vector<16xi1>, vector<16xf32>
    %swap3A_2082 = arith.constant 2144 : index
    %swap3A_2083 = tpu.vector_load %arg5[%swap3A_2082] {strides = array<i32>} : memref<4096xf32, #tpu.memory_space<vmem>>, vector<16xf32>,
    %swap3A_2084 = vector.shape_cast %swap3A_2083 : vector<16xf32> to vector<16xf32>
    %swap3A_2085 = vector.shape_cast %select_n3A_2081 : vector<16xf32> to vector<16xf32>
    tpu.vector_store %arg5[%swap3A_2082], %swap3A_2085 {strides = array<i32>} : memref<4096xf32, #tpu.memory_space<vmem>>, vector<16xf32>,
    %slice3A_2086 = vector.extract_strided_slice %convert_element_type3A_1994 {offsets = [7], sizes = [1], strides = [1]} : vector<16xf32> to vector<1xf32>
    %squeeze3A_2087 = vector.extract %slice3A_2086[0] : f32 from vector<1xf32>
    %lt3A_2088 = vector.broadcast %squeeze3A_2087 : f32 to vector<16xf32>
    %lt3A_2089 = arith.cmpf olt, %convert_element_type3A, %lt3A_2088 : vector<16xf32>
    %jit3A_2090 = arith.constant 1.000000e+00 : f32
    %jit3A_2091 = arith.constant 0.000000e+00 : f32
    %broadcast_in_dim3A_2092 = vector.broadcast %jit3A_2090 : f32 to vector<16xf32>
    %broadcast_in_dim3A_2093 = vector.broadcast %jit3A_2091 : f32 to vector<16xf32>
    %select_n3A_2094 = arith.select %lt3A_2089, %broadcast_in_dim3A_2092, %broadcast_in_dim3A_2093 : vector<16xi1>, vector<16xf32>
    %swap3A_2095 = arith.constant 2160 : index
    %swap3A_2096 = tpu.vector_load %arg5[%swap3A_2095] {strides = array<i32>} : memref<4096xf32, #tpu.memory_space<vmem>>, vector<16xf32>,
    %swap3A_2097 = vector.shape_cast %swap3A_2096 : vector<16xf32> to vector<16xf32>
    %swap3A_2098 = vector.shape_cast %select_n3A_2094 : vector<16xf32> to vector<16xf32>
    tpu.vector_store %arg5[%swap3A_2095], %swap3A_2098 {strides = array<i32>} : memref<4096xf32, #tpu.memory_space<vmem>>, vector<16xf32>,
    %slice3A_2099 = vector.extract_strided_slice %convert_element_type3A_1994 {offsets = [8], sizes = [1], strides = [1]} : vector<16xf32> to vector<1xf32>
    %squeeze3A_2100 = vector.extract %slice3A_2099[0] : f32 from vector<1xf32>
    %lt3A_2101 = vector.broadcast %squeeze3A_2100 : f32 to vector<16xf32>
    %lt3A_2102 = arith.cmpf olt, %convert_element_type3A, %lt3A_2101 : vector<16xf32>
    %jit3A_2103 = arith.constant 1.000000e+00 : f32
    %jit3A_2104 = arith.constant 0.000000e+00 : f32
    %broadcast_in_dim3A_2105 = vector.broadcast %jit3A_2103 : f32 to vector<16xf32>
    %broadcast_in_dim3A_2106 = vector.broadcast %jit3A_2104 : f32 to vector<16xf32>
    %select_n3A_2107 = arith.select %lt3A_2102, %broadcast_in_dim3A_2105, %broadcast_in_dim3A_2106 : vector<16xi1>, vector<16xf32>
    %swap3A_2108 = arith.constant 2176 : index
    %swap3A_2109 = tpu.vector_load %arg5[%swap3A_2108] {strides = array<i32>} : memref<4096xf32, #tpu.memory_space<vmem>>, vector<16xf32>,
    %swap3A_2110 = vector.shape_cast %swap3A_2109 : vector<16xf32> to vector<16xf32>
    %swap3A_2111 = vector.shape_cast %select_n3A_2107 : vector<16xf32> to vector<16xf32>
    tpu.vector_store %arg5[%swap3A_2108], %swap3A_2111 {strides = array<i32>} : memref<4096xf32, #tpu.memory_space<vmem>>, vector<16xf32>,
    %slice3A_2112 = vector.extract_strided_slice %convert_element_type3A_1994 {offsets = [9], sizes = [1], strides = [1]} : vector<16xf32> to vector<1xf32>
    %squeeze3A_2113 = vector.extract %slice3A_2112[0] : f32 from vector<1xf32>
    %lt3A_2114 = vector.broadcast %squeeze3A_2113 : f32 to vector<16xf32>
    %lt3A_2115 = arith.cmpf olt, %convert_element_type3A, %lt3A_2114 : vector<16xf32>
    %jit3A_2116 = arith.constant 1.000000e+00 : f32
    %jit3A_2117 = arith.constant 0.000000e+00 : f32
    %broadcast_in_dim3A_2118 = vector.broadcast %jit3A_2116 : f32 to vector<16xf32>
    %broadcast_in_dim3A_2119 = vector.broadcast %jit3A_2117 : f32 to vector<16xf32>
    %select_n3A_2120 = arith.select %lt3A_2115, %broadcast_in_dim3A_2118, %broadcast_in_dim3A_2119 : vector<16xi1>, vector<16xf32>
    %swap3A_2121 = arith.constant 2192 : index
    %swap3A_2122 = tpu.vector_load %arg5[%swap3A_2121] {strides = array<i32>} : memref<4096xf32, #tpu.memory_space<vmem>>, vector<16xf32>,
    %swap3A_2123 = vector.shape_cast %swap3A_2122 : vector<16xf32> to vector<16xf32>
    %swap3A_2124 = vector.shape_cast %select_n3A_2120 : vector<16xf32> to vector<16xf32>
    tpu.vector_store %arg5[%swap3A_2121], %swap3A_2124 {strides = array<i32>} : memref<4096xf32, #tpu.memory_space<vmem>>, vector<16xf32>,
    %slice3A_2125 = vector.extract_strided_slice %convert_element_type3A_1994 {offsets = [10], sizes = [1], strides = [1]} : vector<16xf32> to vector<1xf32>
    %squeeze3A_2126 = vector.extract %slice3A_2125[0] : f32 from vector<1xf32>
    %lt3A_2127 = vector.broadcast %squeeze3A_2126 : f32 to vector<16xf32>
    %lt3A_2128 = arith.cmpf olt, %convert_element_type3A, %lt3A_2127 : vector<16xf32>
    %jit3A_2129 = arith.constant 1.000000e+00 : f32
    %jit3A_2130 = arith.constant 0.000000e+00 : f32
    %broadcast_in_dim3A_2131 = vector.broadcast %jit3A_2129 : f32 to vector<16xf32>
    %broadcast_in_dim3A_2132 = vector.broadcast %jit3A_2130 : f32 to vector<16xf32>
    %select_n3A_2133 = arith.select %lt3A_2128, %broadcast_in_dim3A_2131, %broadcast_in_dim3A_2132 : vector<16xi1>, vector<16xf32>
    %swap3A_2134 = arith.constant 2208 : index
    %swap3A_2135 = tpu.vector_load %arg5[%swap3A_2134] {strides = array<i32>} : memref<4096xf32, #tpu.memory_space<vmem>>, vector<16xf32>,
    %swap3A_2136 = vector.shape_cast %swap3A_2135 : vector<16xf32> to vector<16xf32>
    %swap3A_2137 = vector.shape_cast %select_n3A_2133 : vector<16xf32> to vector<16xf32>
    tpu.vector_store %arg5[%swap3A_2134], %swap3A_2137 {strides = array<i32>} : memref<4096xf32, #tpu.memory_space<vmem>>, vector<16xf32>,
    %slice3A_2138 = vector.extract_strided_slice %convert_element_type3A_1994 {offsets = [11], sizes = [1], strides = [1]} : vector<16xf32> to vector<1xf32>
    %squeeze3A_2139 = vector.extract %slice3A_2138[0] : f32 from vector<1xf32>
    %lt3A_2140 = vector.broadcast %squeeze3A_2139 : f32 to vector<16xf32>
    %lt3A_2141 = arith.cmpf olt, %convert_element_type3A, %lt3A_2140 : vector<16xf32>
    %jit3A_2142 = arith.constant 1.000000e+00 : f32
    %jit3A_2143 = arith.constant 0.000000e+00 : f32
    %broadcast_in_dim3A_2144 = vector.broadcast %jit3A_2142 : f32 to vector<16xf32>
    %broadcast_in_dim3A_2145 = vector.broadcast %jit3A_2143 : f32 to vector<16xf32>
    %select_n3A_2146 = arith.select %lt3A_2141, %broadcast_in_dim3A_2144, %broadcast_in_dim3A_2145 : vector<16xi1>, vector<16xf32>
    %swap3A_2147 = arith.constant 2224 : index
    %swap3A_2148 = tpu.vector_load %arg5[%swap3A_2147] {strides = array<i32>} : memref<4096xf32, #tpu.memory_space<vmem>>, vector<16xf32>,
    %swap3A_2149 = vector.shape_cast %swap3A_2148 : vector<16xf32> to vector<16xf32>
    %swap3A_2150 = vector.shape_cast %select_n3A_2146 : vector<16xf32> to vector<16xf32>
    tpu.vector_store %arg5[%swap3A_2147], %swap3A_2150 {strides = array<i32>} : memref<4096xf32, #tpu.memory_space<vmem>>, vector<16xf32>,
    %slice3A_2151 = vector.extract_strided_slice %convert_element_type3A_1994 {offsets = [12], sizes = [1], strides = [1]} : vector<16xf32> to vector<1xf32>
    %squeeze3A_2152 = vector.extract %slice3A_2151[0] : f32 from vector<1xf32>
    %lt3A_2153 = vector.broadcast %squeeze3A_2152 : f32 to vector<16xf32>
    %lt3A_2154 = arith.cmpf olt, %convert_element_type3A, %lt3A_2153 : vector<16xf32>
    %jit3A_2155 = arith.constant 1.000000e+00 : f32
    %jit3A_2156 = arith.constant 0.000000e+00 : f32
    %broadcast_in_dim3A_2157 = vector.broadcast %jit3A_2155 : f32 to vector<16xf32>
    %broadcast_in_dim3A_2158 = vector.broadcast %jit3A_2156 : f32 to vector<16xf32>
    %select_n3A_2159 = arith.select %lt3A_2154, %broadcast_in_dim3A_2157, %broadcast_in_dim3A_2158 : vector<16xi1>, vector<16xf32>
    %swap3A_2160 = arith.constant 2240 : index
    %swap3A_2161 = tpu.vector_load %arg5[%swap3A_2160] {strides = array<i32>} : memref<4096xf32, #tpu.memory_space<vmem>>, vector<16xf32>,
    %swap3A_2162 = vector.shape_cast %swap3A_2161 : vector<16xf32> to vector<16xf32>
    %swap3A_2163 = vector.shape_cast %select_n3A_2159 : vector<16xf32> to vector<16xf32>
    tpu.vector_store %arg5[%swap3A_2160], %swap3A_2163 {strides = array<i32>} : memref<4096xf32, #tpu.memory_space<vmem>>, vector<16xf32>,
    %slice3A_2164 = vector.extract_strided_slice %convert_element_type3A_1994 {offsets = [13], sizes = [1], strides = [1]} : vector<16xf32> to vector<1xf32>
    %squeeze3A_2165 = vector.extract %slice3A_2164[0] : f32 from vector<1xf32>
    %lt3A_2166 = vector.broadcast %squeeze3A_2165 : f32 to vector<16xf32>
    %lt3A_2167 = arith.cmpf olt, %convert_element_type3A, %lt3A_2166 : vector<16xf32>
    %jit3A_2168 = arith.constant 1.000000e+00 : f32
    %jit3A_2169 = arith.constant 0.000000e+00 : f32
    %broadcast_in_dim3A_2170 = vector.broadcast %jit3A_2168 : f32 to vector<16xf32>
    %broadcast_in_dim3A_2171 = vector.broadcast %jit3A_2169 : f32 to vector<16xf32>
    %select_n3A_2172 = arith.select %lt3A_2167, %broadcast_in_dim3A_2170, %broadcast_in_dim3A_2171 : vector<16xi1>, vector<16xf32>
    %swap3A_2173 = arith.constant 2256 : index
    %swap3A_2174 = tpu.vector_load %arg5[%swap3A_2173] {strides = array<i32>} : memref<4096xf32, #tpu.memory_space<vmem>>, vector<16xf32>,
    %swap3A_2175 = vector.shape_cast %swap3A_2174 : vector<16xf32> to vector<16xf32>
    %swap3A_2176 = vector.shape_cast %select_n3A_2172 : vector<16xf32> to vector<16xf32>
    tpu.vector_store %arg5[%swap3A_2173], %swap3A_2176 {strides = array<i32>} : memref<4096xf32, #tpu.memory_space<vmem>>, vector<16xf32>,
    %slice3A_2177 = vector.extract_strided_slice %convert_element_type3A_1994 {offsets = [14], sizes = [1], strides = [1]} : vector<16xf32> to vector<1xf32>
    %squeeze3A_2178 = vector.extract %slice3A_2177[0] : f32 from vector<1xf32>
    %lt3A_2179 = vector.broadcast %squeeze3A_2178 : f32 to vector<16xf32>
    %lt3A_2180 = arith.cmpf olt, %convert_element_type3A, %lt3A_2179 : vector<16xf32>
    %jit3A_2181 = arith.constant 1.000000e+00 : f32
    %jit3A_2182 = arith.constant 0.000000e+00 : f32
    %broadcast_in_dim3A_2183 = vector.broadcast %jit3A_2181 : f32 to vector<16xf32>
    %broadcast_in_dim3A_2184 = vector.broadcast %jit3A_2182 : f32 to vector<16xf32>
    %select_n3A_2185 = arith.select %lt3A_2180, %broadcast_in_dim3A_2183, %broadcast_in_dim3A_2184 : vector<16xi1>, vector<16xf32>
    %swap3A_2186 = arith.constant 2272 : index
    %swap3A_2187 = tpu.vector_load %arg5[%swap3A_2186] {strides = array<i32>} : memref<4096xf32, #tpu.memory_space<vmem>>, vector<16xf32>,
    %swap3A_2188 = vector.shape_cast %swap3A_2187 : vector<16xf32> to vector<16xf32>
    %swap3A_2189 = vector.shape_cast %select_n3A_2185 : vector<16xf32> to vector<16xf32>
    tpu.vector_store %arg5[%swap3A_2186], %swap3A_2189 {strides = array<i32>} : memref<4096xf32, #tpu.memory_space<vmem>>, vector<16xf32>,
    %slice3A_2190 = vector.extract_strided_slice %convert_element_type3A_1994 {offsets = [15], sizes = [1], strides = [1]} : vector<16xf32> to vector<1xf32>
    %squeeze3A_2191 = vector.extract %slice3A_2190[0] : f32 from vector<1xf32>
    %lt3A_2192 = vector.broadcast %squeeze3A_2191 : f32 to vector<16xf32>
    %lt3A_2193 = arith.cmpf olt, %convert_element_type3A, %lt3A_2192 : vector<16xf32>
    %jit3A_2194 = arith.constant 1.000000e+00 : f32
    %jit3A_2195 = arith.constant 0.000000e+00 : f32
    %broadcast_in_dim3A_2196 = vector.broadcast %jit3A_2194 : f32 to vector<16xf32>
    %broadcast_in_dim3A_2197 = vector.broadcast %jit3A_2195 : f32 to vector<16xf32>
    %select_n3A_2198 = arith.select %lt3A_2193, %broadcast_in_dim3A_2196, %broadcast_in_dim3A_2197 : vector<16xi1>, vector<16xf32>
    %swap3A_2199 = arith.constant 2288 : index
    %swap3A_2200 = tpu.vector_load %arg5[%swap3A_2199] {strides = array<i32>} : memref<4096xf32, #tpu.memory_space<vmem>>, vector<16xf32>,
    %swap3A_2201 = vector.shape_cast %swap3A_2200 : vector<16xf32> to vector<16xf32>
    %swap3A_2202 = vector.shape_cast %select_n3A_2198 : vector<16xf32> to vector<16xf32>
    tpu.vector_store %arg5[%swap3A_2199], %swap3A_2202 {strides = array<i32>} : memref<4096xf32, #tpu.memory_space<vmem>>, vector<16xf32>,
    %get3A_2203 = arith.constant 144 : index
    %get3A_2204 = tpu.vector_load %arg4[%get3A_2203] {strides = array<i32>} : memref<256xf32, #tpu.memory_space<vmem>>, vector<16xf32>,
    %get3A_2205 = vector.shape_cast %get3A_2204 : vector<16xf32> to vector<16xf32>
    %mul3A_2206 = arith.constant 6.500000e+01 : f32
    %mul3A_2207 = vector.broadcast %mul3A_2206 : f32 to vector<16xf32>
    %mul3A_2208 = arith.mulf %get3A_2205, %mul3A_2207 : vector<16xf32>
    %convert_element_type3A_2209 = arith.fptosi %mul3A_2208 : vector<16xf32> to vector<16xi32>
    %min3A_2210 = arith.constant 64 : i32
    %min3A_2211 = vector.broadcast %min3A_2210 : i32 to vector<16xi32>
    %min3A_2212 = arith.minsi %convert_element_type3A_2209, %min3A_2211 : vector<16xi32>
    %mul3A_2213 = arith.constant 1.600000e+01 : f32
    %mul3A_2214 = vector.broadcast %mul3A_2213 : f32 to vector<16xf32>
    %mul3A_2215 = arith.mulf %get3A_2205, %mul3A_2214 : vector<16xf32>
    %convert_element_type3A_2216 = arith.fptosi %mul3A_2215 : vector<16xf32> to vector<16xi32>
    %convert_element_type3A_2217 = arith.sitofp %convert_element_type3A_2216 : vector<16xi32> to vector<16xf32>
    %lt3A_2218 = arith.cmpf olt, %convert_element_type3A_2217, %mul3A_2215 : vector<16xf32>
    %jit3A_2219 = arith.constant 1 : i32
    %jit3A_2220 = arith.constant 0 : i32
    %broadcast_in_dim3A_2221 = vector.broadcast %jit3A_2219 : i32 to vector<16xi32>
    %broadcast_in_dim3A_2222 = vector.broadcast %jit3A_2220 : i32 to vector<16xi32>
    %select_n3A_2223 = arith.select %lt3A_2218, %broadcast_in_dim3A_2221, %broadcast_in_dim3A_2222 : vector<16xi1>, vector<16xi32>
    %add3A_2224 = arith.addi %convert_element_type3A_2216, %select_n3A_2223 : vector<16xi32>
    %mul3A_2225 = arith.constant 4 : i32
    %mul3A_2226 = vector.broadcast %mul3A_2225 : i32 to vector<16xi32>
    %mul3A_2227 = arith.muli %mul3A_2226, %add3A_2224 : vector<16xi32>
    %min3A_2228 = arith.minsi %min3A_2212, %mul3A_2227 : vector<16xi32>
    %shift_right_arithmetic3A_2229 = arith.constant 2 : i32
    %shift_right_arithmetic3A_2230 = vector.broadcast %shift_right_arithmetic3A_2229 : i32 to vector<16xi32>
    %shift_right_arithmetic3A_2231 = arith.shrsi %min3A_2228, %shift_right_arithmetic3A_2230 : vector<16xi32>
    %convert_element_type3A_2232 = arith.sitofp %shift_right_arithmetic3A_2231 : vector<16xi32> to vector<16xf32>
    %slice3A_2233 = vector.extract_strided_slice %convert_element_type3A_2232 {offsets = [0], sizes = [1], strides = [1]} : vector<16xf32> to vector<1xf32>
    %squeeze3A_2234 = vector.extract %slice3A_2233[0] : f32 from vector<1xf32>
    %lt3A_2235 = vector.broadcast %squeeze3A_2234 : f32 to vector<16xf32>
    %lt3A_2236 = arith.cmpf olt, %convert_element_type3A, %lt3A_2235 : vector<16xf32>
    %jit3A_2237 = arith.constant 1.000000e+00 : f32
    %jit3A_2238 = arith.constant 0.000000e+00 : f32
    %broadcast_in_dim3A_2239 = vector.broadcast %jit3A_2237 : f32 to vector<16xf32>
    %broadcast_in_dim3A_2240 = vector.broadcast %jit3A_2238 : f32 to vector<16xf32>
    %select_n3A_2241 = arith.select %lt3A_2236, %broadcast_in_dim3A_2239, %broadcast_in_dim3A_2240 : vector<16xi1>, vector<16xf32>
    %swap3A_2242 = arith.constant 2304 : index
    %swap3A_2243 = tpu.vector_load %arg5[%swap3A_2242] {strides = array<i32>} : memref<4096xf32, #tpu.memory_space<vmem>>, vector<16xf32>,
    %swap3A_2244 = vector.shape_cast %swap3A_2243 : vector<16xf32> to vector<16xf32>
    %swap3A_2245 = vector.shape_cast %select_n3A_2241 : vector<16xf32> to vector<16xf32>
    tpu.vector_store %arg5[%swap3A_2242], %swap3A_2245 {strides = array<i32>} : memref<4096xf32, #tpu.memory_space<vmem>>, vector<16xf32>,
    %slice3A_2246 = vector.extract_strided_slice %convert_element_type3A_2232 {offsets = [1], sizes = [1], strides = [1]} : vector<16xf32> to vector<1xf32>
    %squeeze3A_2247 = vector.extract %slice3A_2246[0] : f32 from vector<1xf32>
    %lt3A_2248 = vector.broadcast %squeeze3A_2247 : f32 to vector<16xf32>
    %lt3A_2249 = arith.cmpf olt, %convert_element_type3A, %lt3A_2248 : vector<16xf32>
    %jit3A_2250 = arith.constant 1.000000e+00 : f32
    %jit3A_2251 = arith.constant 0.000000e+00 : f32
    %broadcast_in_dim3A_2252 = vector.broadcast %jit3A_2250 : f32 to vector<16xf32>
    %broadcast_in_dim3A_2253 = vector.broadcast %jit3A_2251 : f32 to vector<16xf32>
    %select_n3A_2254 = arith.select %lt3A_2249, %broadcast_in_dim3A_2252, %broadcast_in_dim3A_2253 : vector<16xi1>, vector<16xf32>
    %swap3A_2255 = arith.constant 2320 : index
    %swap3A_2256 = tpu.vector_load %arg5[%swap3A_2255] {strides = array<i32>} : memref<4096xf32, #tpu.memory_space<vmem>>, vector<16xf32>,
    %swap3A_2257 = vector.shape_cast %swap3A_2256 : vector<16xf32> to vector<16xf32>
    %swap3A_2258 = vector.shape_cast %select_n3A_2254 : vector<16xf32> to vector<16xf32>
    tpu.vector_store %arg5[%swap3A_2255], %swap3A_2258 {strides = array<i32>} : memref<4096xf32, #tpu.memory_space<vmem>>, vector<16xf32>,
    %slice3A_2259 = vector.extract_strided_slice %convert_element_type3A_2232 {offsets = [2], sizes = [1], strides = [1]} : vector<16xf32> to vector<1xf32>
    %squeeze3A_2260 = vector.extract %slice3A_2259[0] : f32 from vector<1xf32>
    %lt3A_2261 = vector.broadcast %squeeze3A_2260 : f32 to vector<16xf32>
    %lt3A_2262 = arith.cmpf olt, %convert_element_type3A, %lt3A_2261 : vector<16xf32>
    %jit3A_2263 = arith.constant 1.000000e+00 : f32
    %jit3A_2264 = arith.constant 0.000000e+00 : f32
    %broadcast_in_dim3A_2265 = vector.broadcast %jit3A_2263 : f32 to vector<16xf32>
    %broadcast_in_dim3A_2266 = vector.broadcast %jit3A_2264 : f32 to vector<16xf32>
    %select_n3A_2267 = arith.select %lt3A_2262, %broadcast_in_dim3A_2265, %broadcast_in_dim3A_2266 : vector<16xi1>, vector<16xf32>
    %swap3A_2268 = arith.constant 2336 : index
    %swap3A_2269 = tpu.vector_load %arg5[%swap3A_2268] {strides = array<i32>} : memref<4096xf32, #tpu.memory_space<vmem>>, vector<16xf32>,
    %swap3A_2270 = vector.shape_cast %swap3A_2269 : vector<16xf32> to vector<16xf32>
    %swap3A_2271 = vector.shape_cast %select_n3A_2267 : vector<16xf32> to vector<16xf32>
    tpu.vector_store %arg5[%swap3A_2268], %swap3A_2271 {strides = array<i32>} : memref<4096xf32, #tpu.memory_space<vmem>>, vector<16xf32>,
    %slice3A_2272 = vector.extract_strided_slice %convert_element_type3A_2232 {offsets = [3], sizes = [1], strides = [1]} : vector<16xf32> to vector<1xf32>
    %squeeze3A_2273 = vector.extract %slice3A_2272[0] : f32 from vector<1xf32>
    %lt3A_2274 = vector.broadcast %squeeze3A_2273 : f32 to vector<16xf32>
    %lt3A_2275 = arith.cmpf olt, %convert_element_type3A, %lt3A_2274 : vector<16xf32>
    %jit3A_2276 = arith.constant 1.000000e+00 : f32
    %jit3A_2277 = arith.constant 0.000000e+00 : f32
    %broadcast_in_dim3A_2278 = vector.broadcast %jit3A_2276 : f32 to vector<16xf32>
    %broadcast_in_dim3A_2279 = vector.broadcast %jit3A_2277 : f32 to vector<16xf32>
    %select_n3A_2280 = arith.select %lt3A_2275, %broadcast_in_dim3A_2278, %broadcast_in_dim3A_2279 : vector<16xi1>, vector<16xf32>
    %swap3A_2281 = arith.constant 2352 : index
    %swap3A_2282 = tpu.vector_load %arg5[%swap3A_2281] {strides = array<i32>} : memref<4096xf32, #tpu.memory_space<vmem>>, vector<16xf32>,
    %swap3A_2283 = vector.shape_cast %swap3A_2282 : vector<16xf32> to vector<16xf32>
    %swap3A_2284 = vector.shape_cast %select_n3A_2280 : vector<16xf32> to vector<16xf32>
    tpu.vector_store %arg5[%swap3A_2281], %swap3A_2284 {strides = array<i32>} : memref<4096xf32, #tpu.memory_space<vmem>>, vector<16xf32>,
    %slice3A_2285 = vector.extract_strided_slice %convert_element_type3A_2232 {offsets = [4], sizes = [1], strides = [1]} : vector<16xf32> to vector<1xf32>
    %squeeze3A_2286 = vector.extract %slice3A_2285[0] : f32 from vector<1xf32>
    %lt3A_2287 = vector.broadcast %squeeze3A_2286 : f32 to vector<16xf32>
    %lt3A_2288 = arith.cmpf olt, %convert_element_type3A, %lt3A_2287 : vector<16xf32>
    %jit3A_2289 = arith.constant 1.000000e+00 : f32
    %jit3A_2290 = arith.constant 0.000000e+00 : f32
    %broadcast_in_dim3A_2291 = vector.broadcast %jit3A_2289 : f32 to vector<16xf32>
    %broadcast_in_dim3A_2292 = vector.broadcast %jit3A_2290 : f32 to vector<16xf32>
    %select_n3A_2293 = arith.select %lt3A_2288, %broadcast_in_dim3A_2291, %broadcast_in_dim3A_2292 : vector<16xi1>, vector<16xf32>
    %swap3A_2294 = arith.constant 2368 : index
    %swap3A_2295 = tpu.vector_load %arg5[%swap3A_2294] {strides = array<i32>} : memref<4096xf32, #tpu.memory_space<vmem>>, vector<16xf32>,
    %swap3A_2296 = vector.shape_cast %swap3A_2295 : vector<16xf32> to vector<16xf32>
    %swap3A_2297 = vector.shape_cast %select_n3A_2293 : vector<16xf32> to vector<16xf32>
    tpu.vector_store %arg5[%swap3A_2294], %swap3A_2297 {strides = array<i32>} : memref<4096xf32, #tpu.memory_space<vmem>>, vector<16xf32>,
    %slice3A_2298 = vector.extract_strided_slice %convert_element_type3A_2232 {offsets = [5], sizes = [1], strides = [1]} : vector<16xf32> to vector<1xf32>
    %squeeze3A_2299 = vector.extract %slice3A_2298[0] : f32 from vector<1xf32>
    %lt3A_2300 = vector.broadcast %squeeze3A_2299 : f32 to vector<16xf32>
    %lt3A_2301 = arith.cmpf olt, %convert_element_type3A, %lt3A_2300 : vector<16xf32>
    %jit3A_2302 = arith.constant 1.000000e+00 : f32
    %jit3A_2303 = arith.constant 0.000000e+00 : f32
    %broadcast_in_dim3A_2304 = vector.broadcast %jit3A_2302 : f32 to vector<16xf32>
    %broadcast_in_dim3A_2305 = vector.broadcast %jit3A_2303 : f32 to vector<16xf32>
    %select_n3A_2306 = arith.select %lt3A_2301, %broadcast_in_dim3A_2304, %broadcast_in_dim3A_2305 : vector<16xi1>, vector<16xf32>
    %swap3A_2307 = arith.constant 2384 : index
    %swap3A_2308 = tpu.vector_load %arg5[%swap3A_2307] {strides = array<i32>} : memref<4096xf32, #tpu.memory_space<vmem>>, vector<16xf32>,
    %swap3A_2309 = vector.shape_cast %swap3A_2308 : vector<16xf32> to vector<16xf32>
    %swap3A_2310 = vector.shape_cast %select_n3A_2306 : vector<16xf32> to vector<16xf32>
    tpu.vector_store %arg5[%swap3A_2307], %swap3A_2310 {strides = array<i32>} : memref<4096xf32, #tpu.memory_space<vmem>>, vector<16xf32>,
    %slice3A_2311 = vector.extract_strided_slice %convert_element_type3A_2232 {offsets = [6], sizes = [1], strides = [1]} : vector<16xf32> to vector<1xf32>
    %squeeze3A_2312 = vector.extract %slice3A_2311[0] : f32 from vector<1xf32>
    %lt3A_2313 = vector.broadcast %squeeze3A_2312 : f32 to vector<16xf32>
    %lt3A_2314 = arith.cmpf olt, %convert_element_type3A, %lt3A_2313 : vector<16xf32>
    %jit3A_2315 = arith.constant 1.000000e+00 : f32
    %jit3A_2316 = arith.constant 0.000000e+00 : f32
    %broadcast_in_dim3A_2317 = vector.broadcast %jit3A_2315 : f32 to vector<16xf32>
    %broadcast_in_dim3A_2318 = vector.broadcast %jit3A_2316 : f32 to vector<16xf32>
    %select_n3A_2319 = arith.select %lt3A_2314, %broadcast_in_dim3A_2317, %broadcast_in_dim3A_2318 : vector<16xi1>, vector<16xf32>
    %swap3A_2320 = arith.constant 2400 : index
    %swap3A_2321 = tpu.vector_load %arg5[%swap3A_2320] {strides = array<i32>} : memref<4096xf32, #tpu.memory_space<vmem>>, vector<16xf32>,
    %swap3A_2322 = vector.shape_cast %swap3A_2321 : vector<16xf32> to vector<16xf32>
    %swap3A_2323 = vector.shape_cast %select_n3A_2319 : vector<16xf32> to vector<16xf32>
    tpu.vector_store %arg5[%swap3A_2320], %swap3A_2323 {strides = array<i32>} : memref<4096xf32, #tpu.memory_space<vmem>>, vector<16xf32>,
    %slice3A_2324 = vector.extract_strided_slice %convert_element_type3A_2232 {offsets = [7], sizes = [1], strides = [1]} : vector<16xf32> to vector<1xf32>
    %squeeze3A_2325 = vector.extract %slice3A_2324[0] : f32 from vector<1xf32>
    %lt3A_2326 = vector.broadcast %squeeze3A_2325 : f32 to vector<16xf32>
    %lt3A_2327 = arith.cmpf olt, %convert_element_type3A, %lt3A_2326 : vector<16xf32>
    %jit3A_2328 = arith.constant 1.000000e+00 : f32
    %jit3A_2329 = arith.constant 0.000000e+00 : f32
    %broadcast_in_dim3A_2330 = vector.broadcast %jit3A_2328 : f32 to vector<16xf32>
    %broadcast_in_dim3A_2331 = vector.broadcast %jit3A_2329 : f32 to vector<16xf32>
    %select_n3A_2332 = arith.select %lt3A_2327, %broadcast_in_dim3A_2330, %broadcast_in_dim3A_2331 : vector<16xi1>, vector<16xf32>
    %swap3A_2333 = arith.constant 2416 : index
    %swap3A_2334 = tpu.vector_load %arg5[%swap3A_2333] {strides = array<i32>} : memref<4096xf32, #tpu.memory_space<vmem>>, vector<16xf32>,
    %swap3A_2335 = vector.shape_cast %swap3A_2334 : vector<16xf32> to vector<16xf32>
    %swap3A_2336 = vector.shape_cast %select_n3A_2332 : vector<16xf32> to vector<16xf32>
    tpu.vector_store %arg5[%swap3A_2333], %swap3A_2336 {strides = array<i32>} : memref<4096xf32, #tpu.memory_space<vmem>>, vector<16xf32>,
    %slice3A_2337 = vector.extract_strided_slice %convert_element_type3A_2232 {offsets = [8], sizes = [1], strides = [1]} : vector<16xf32> to vector<1xf32>
    %squeeze3A_2338 = vector.extract %slice3A_2337[0] : f32 from vector<1xf32>
    %lt3A_2339 = vector.broadcast %squeeze3A_2338 : f32 to vector<16xf32>
    %lt3A_2340 = arith.cmpf olt, %convert_element_type3A, %lt3A_2339 : vector<16xf32>
    %jit3A_2341 = arith.constant 1.000000e+00 : f32
    %jit3A_2342 = arith.constant 0.000000e+00 : f32
    %broadcast_in_dim3A_2343 = vector.broadcast %jit3A_2341 : f32 to vector<16xf32>
    %broadcast_in_dim3A_2344 = vector.broadcast %jit3A_2342 : f32 to vector<16xf32>
    %select_n3A_2345 = arith.select %lt3A_2340, %broadcast_in_dim3A_2343, %broadcast_in_dim3A_2344 : vector<16xi1>, vector<16xf32>
    %swap3A_2346 = arith.constant 2432 : index
    %swap3A_2347 = tpu.vector_load %arg5[%swap3A_2346] {strides = array<i32>} : memref<4096xf32, #tpu.memory_space<vmem>>, vector<16xf32>,
    %swap3A_2348 = vector.shape_cast %swap3A_2347 : vector<16xf32> to vector<16xf32>
    %swap3A_2349 = vector.shape_cast %select_n3A_2345 : vector<16xf32> to vector<16xf32>
    tpu.vector_store %arg5[%swap3A_2346], %swap3A_2349 {strides = array<i32>} : memref<4096xf32, #tpu.memory_space<vmem>>, vector<16xf32>,
    %slice3A_2350 = vector.extract_strided_slice %convert_element_type3A_2232 {offsets = [9], sizes = [1], strides = [1]} : vector<16xf32> to vector<1xf32>
    %squeeze3A_2351 = vector.extract %slice3A_2350[0] : f32 from vector<1xf32>
    %lt3A_2352 = vector.broadcast %squeeze3A_2351 : f32 to vector<16xf32>
    %lt3A_2353 = arith.cmpf olt, %convert_element_type3A, %lt3A_2352 : vector<16xf32>
    %jit3A_2354 = arith.constant 1.000000e+00 : f32
    %jit3A_2355 = arith.constant 0.000000e+00 : f32
    %broadcast_in_dim3A_2356 = vector.broadcast %jit3A_2354 : f32 to vector<16xf32>
    %broadcast_in_dim3A_2357 = vector.broadcast %jit3A_2355 : f32 to vector<16xf32>
    %select_n3A_2358 = arith.select %lt3A_2353, %broadcast_in_dim3A_2356, %broadcast_in_dim3A_2357 : vector<16xi1>, vector<16xf32>
    %swap3A_2359 = arith.constant 2448 : index
    %swap3A_2360 = tpu.vector_load %arg5[%swap3A_2359] {strides = array<i32>} : memref<4096xf32, #tpu.memory_space<vmem>>, vector<16xf32>,
    %swap3A_2361 = vector.shape_cast %swap3A_2360 : vector<16xf32> to vector<16xf32>
    %swap3A_2362 = vector.shape_cast %select_n3A_2358 : vector<16xf32> to vector<16xf32>
    tpu.vector_store %arg5[%swap3A_2359], %swap3A_2362 {strides = array<i32>} : memref<4096xf32, #tpu.memory_space<vmem>>, vector<16xf32>,
    %slice3A_2363 = vector.extract_strided_slice %convert_element_type3A_2232 {offsets = [10], sizes = [1], strides = [1]} : vector<16xf32> to vector<1xf32>
    %squeeze3A_2364 = vector.extract %slice3A_2363[0] : f32 from vector<1xf32>
    %lt3A_2365 = vector.broadcast %squeeze3A_2364 : f32 to vector<16xf32>
    %lt3A_2366 = arith.cmpf olt, %convert_element_type3A, %lt3A_2365 : vector<16xf32>
    %jit3A_2367 = arith.constant 1.000000e+00 : f32
    %jit3A_2368 = arith.constant 0.000000e+00 : f32
    %broadcast_in_dim3A_2369 = vector.broadcast %jit3A_2367 : f32 to vector<16xf32>
    %broadcast_in_dim3A_2370 = vector.broadcast %jit3A_2368 : f32 to vector<16xf32>
    %select_n3A_2371 = arith.select %lt3A_2366, %broadcast_in_dim3A_2369, %broadcast_in_dim3A_2370 : vector<16xi1>, vector<16xf32>
    %swap3A_2372 = arith.constant 2464 : index
    %swap3A_2373 = tpu.vector_load %arg5[%swap3A_2372] {strides = array<i32>} : memref<4096xf32, #tpu.memory_space<vmem>>, vector<16xf32>,
    %swap3A_2374 = vector.shape_cast %swap3A_2373 : vector<16xf32> to vector<16xf32>
    %swap3A_2375 = vector.shape_cast %select_n3A_2371 : vector<16xf32> to vector<16xf32>
    tpu.vector_store %arg5[%swap3A_2372], %swap3A_2375 {strides = array<i32>} : memref<4096xf32, #tpu.memory_space<vmem>>, vector<16xf32>,
    %slice3A_2376 = vector.extract_strided_slice %convert_element_type3A_2232 {offsets = [11], sizes = [1], strides = [1]} : vector<16xf32> to vector<1xf32>
    %squeeze3A_2377 = vector.extract %slice3A_2376[0] : f32 from vector<1xf32>
    %lt3A_2378 = vector.broadcast %squeeze3A_2377 : f32 to vector<16xf32>
    %lt3A_2379 = arith.cmpf olt, %convert_element_type3A, %lt3A_2378 : vector<16xf32>
    %jit3A_2380 = arith.constant 1.000000e+00 : f32
    %jit3A_2381 = arith.constant 0.000000e+00 : f32
    %broadcast_in_dim3A_2382 = vector.broadcast %jit3A_2380 : f32 to vector<16xf32>
    %broadcast_in_dim3A_2383 = vector.broadcast %jit3A_2381 : f32 to vector<16xf32>
    %select_n3A_2384 = arith.select %lt3A_2379, %broadcast_in_dim3A_2382, %broadcast_in_dim3A_2383 : vector<16xi1>, vector<16xf32>
    %swap3A_2385 = arith.constant 2480 : index
    %swap3A_2386 = tpu.vector_load %arg5[%swap3A_2385] {strides = array<i32>} : memref<4096xf32, #tpu.memory_space<vmem>>, vector<16xf32>,
    %swap3A_2387 = vector.shape_cast %swap3A_2386 : vector<16xf32> to vector<16xf32>
    %swap3A_2388 = vector.shape_cast %select_n3A_2384 : vector<16xf32> to vector<16xf32>
    tpu.vector_store %arg5[%swap3A_2385], %swap3A_2388 {strides = array<i32>} : memref<4096xf32, #tpu.memory_space<vmem>>, vector<16xf32>,
    %slice3A_2389 = vector.extract_strided_slice %convert_element_type3A_2232 {offsets = [12], sizes = [1], strides = [1]} : vector<16xf32> to vector<1xf32>
    %squeeze3A_2390 = vector.extract %slice3A_2389[0] : f32 from vector<1xf32>
    %lt3A_2391 = vector.broadcast %squeeze3A_2390 : f32 to vector<16xf32>
    %lt3A_2392 = arith.cmpf olt, %convert_element_type3A, %lt3A_2391 : vector<16xf32>
    %jit3A_2393 = arith.constant 1.000000e+00 : f32
    %jit3A_2394 = arith.constant 0.000000e+00 : f32
    %broadcast_in_dim3A_2395 = vector.broadcast %jit3A_2393 : f32 to vector<16xf32>
    %broadcast_in_dim3A_2396 = vector.broadcast %jit3A_2394 : f32 to vector<16xf32>
    %select_n3A_2397 = arith.select %lt3A_2392, %broadcast_in_dim3A_2395, %broadcast_in_dim3A_2396 : vector<16xi1>, vector<16xf32>
    %swap3A_2398 = arith.constant 2496 : index
    %swap3A_2399 = tpu.vector_load %arg5[%swap3A_2398] {strides = array<i32>} : memref<4096xf32, #tpu.memory_space<vmem>>, vector<16xf32>,
    %swap3A_2400 = vector.shape_cast %swap3A_2399 : vector<16xf32> to vector<16xf32>
    %swap3A_2401 = vector.shape_cast %select_n3A_2397 : vector<16xf32> to vector<16xf32>
    tpu.vector_store %arg5[%swap3A_2398], %swap3A_2401 {strides = array<i32>} : memref<4096xf32, #tpu.memory_space<vmem>>, vector<16xf32>,
    %slice3A_2402 = vector.extract_strided_slice %convert_element_type3A_2232 {offsets = [13], sizes = [1], strides = [1]} : vector<16xf32> to vector<1xf32>
    %squeeze3A_2403 = vector.extract %slice3A_2402[0] : f32 from vector<1xf32>
    %lt3A_2404 = vector.broadcast %squeeze3A_2403 : f32 to vector<16xf32>
    %lt3A_2405 = arith.cmpf olt, %convert_element_type3A, %lt3A_2404 : vector<16xf32>
    %jit3A_2406 = arith.constant 1.000000e+00 : f32
    %jit3A_2407 = arith.constant 0.000000e+00 : f32
    %broadcast_in_dim3A_2408 = vector.broadcast %jit3A_2406 : f32 to vector<16xf32>
    %broadcast_in_dim3A_2409 = vector.broadcast %jit3A_2407 : f32 to vector<16xf32>
    %select_n3A_2410 = arith.select %lt3A_2405, %broadcast_in_dim3A_2408, %broadcast_in_dim3A_2409 : vector<16xi1>, vector<16xf32>
    %swap3A_2411 = arith.constant 2512 : index
    %swap3A_2412 = tpu.vector_load %arg5[%swap3A_2411] {strides = array<i32>} : memref<4096xf32, #tpu.memory_space<vmem>>, vector<16xf32>,
    %swap3A_2413 = vector.shape_cast %swap3A_2412 : vector<16xf32> to vector<16xf32>
    %swap3A_2414 = vector.shape_cast %select_n3A_2410 : vector<16xf32> to vector<16xf32>
    tpu.vector_store %arg5[%swap3A_2411], %swap3A_2414 {strides = array<i32>} : memref<4096xf32, #tpu.memory_space<vmem>>, vector<16xf32>,
    %slice3A_2415 = vector.extract_strided_slice %convert_element_type3A_2232 {offsets = [14], sizes = [1], strides = [1]} : vector<16xf32> to vector<1xf32>
    %squeeze3A_2416 = vector.extract %slice3A_2415[0] : f32 from vector<1xf32>
    %lt3A_2417 = vector.broadcast %squeeze3A_2416 : f32 to vector<16xf32>
    %lt3A_2418 = arith.cmpf olt, %convert_element_type3A, %lt3A_2417 : vector<16xf32>
    %jit3A_2419 = arith.constant 1.000000e+00 : f32
    %jit3A_2420 = arith.constant 0.000000e+00 : f32
    %broadcast_in_dim3A_2421 = vector.broadcast %jit3A_2419 : f32 to vector<16xf32>
    %broadcast_in_dim3A_2422 = vector.broadcast %jit3A_2420 : f32 to vector<16xf32>
    %select_n3A_2423 = arith.select %lt3A_2418, %broadcast_in_dim3A_2421, %broadcast_in_dim3A_2422 : vector<16xi1>, vector<16xf32>
    %swap3A_2424 = arith.constant 2528 : index
    %swap3A_2425 = tpu.vector_load %arg5[%swap3A_2424] {strides = array<i32>} : memref<4096xf32, #tpu.memory_space<vmem>>, vector<16xf32>,
    %swap3A_2426 = vector.shape_cast %swap3A_2425 : vector<16xf32> to vector<16xf32>
    %swap3A_2427 = vector.shape_cast %select_n3A_2423 : vector<16xf32> to vector<16xf32>
    tpu.vector_store %arg5[%swap3A_2424], %swap3A_2427 {strides = array<i32>} : memref<4096xf32, #tpu.memory_space<vmem>>, vector<16xf32>,
    %slice3A_2428 = vector.extract_strided_slice %convert_element_type3A_2232 {offsets = [15], sizes = [1], strides = [1]} : vector<16xf32> to vector<1xf32>
    %squeeze3A_2429 = vector.extract %slice3A_2428[0] : f32 from vector<1xf32>
    %lt3A_2430 = vector.broadcast %squeeze3A_2429 : f32 to vector<16xf32>
    %lt3A_2431 = arith.cmpf olt, %convert_element_type3A, %lt3A_2430 : vector<16xf32>
    %jit3A_2432 = arith.constant 1.000000e+00 : f32
    %jit3A_2433 = arith.constant 0.000000e+00 : f32
    %broadcast_in_dim3A_2434 = vector.broadcast %jit3A_2432 : f32 to vector<16xf32>
    %broadcast_in_dim3A_2435 = vector.broadcast %jit3A_2433 : f32 to vector<16xf32>
    %select_n3A_2436 = arith.select %lt3A_2431, %broadcast_in_dim3A_2434, %broadcast_in_dim3A_2435 : vector<16xi1>, vector<16xf32>
    %swap3A_2437 = arith.constant 2544 : index
    %swap3A_2438 = tpu.vector_load %arg5[%swap3A_2437] {strides = array<i32>} : memref<4096xf32, #tpu.memory_space<vmem>>, vector<16xf32>,
    %swap3A_2439 = vector.shape_cast %swap3A_2438 : vector<16xf32> to vector<16xf32>
    %swap3A_2440 = vector.shape_cast %select_n3A_2436 : vector<16xf32> to vector<16xf32>
    tpu.vector_store %arg5[%swap3A_2437], %swap3A_2440 {strides = array<i32>} : memref<4096xf32, #tpu.memory_space<vmem>>, vector<16xf32>,
    %get3A_2441 = arith.constant 160 : index
    %get3A_2442 = tpu.vector_load %arg4[%get3A_2441] {strides = array<i32>} : memref<256xf32, #tpu.memory_space<vmem>>, vector<16xf32>,
    %get3A_2443 = vector.shape_cast %get3A_2442 : vector<16xf32> to vector<16xf32>
    %mul3A_2444 = arith.constant 6.500000e+01 : f32
    %mul3A_2445 = vector.broadcast %mul3A_2444 : f32 to vector<16xf32>
    %mul3A_2446 = arith.mulf %get3A_2443, %mul3A_2445 : vector<16xf32>
    %convert_element_type3A_2447 = arith.fptosi %mul3A_2446 : vector<16xf32> to vector<16xi32>
    %min3A_2448 = arith.constant 64 : i32
    %min3A_2449 = vector.broadcast %min3A_2448 : i32 to vector<16xi32>
    %min3A_2450 = arith.minsi %convert_element_type3A_2447, %min3A_2449 : vector<16xi32>
    %mul3A_2451 = arith.constant 1.600000e+01 : f32
    %mul3A_2452 = vector.broadcast %mul3A_2451 : f32 to vector<16xf32>
    %mul3A_2453 = arith.mulf %get3A_2443, %mul3A_2452 : vector<16xf32>
    %convert_element_type3A_2454 = arith.fptosi %mul3A_2453 : vector<16xf32> to vector<16xi32>
    %convert_element_type3A_2455 = arith.sitofp %convert_element_type3A_2454 : vector<16xi32> to vector<16xf32>
    %lt3A_2456 = arith.cmpf olt, %convert_element_type3A_2455, %mul3A_2453 : vector<16xf32>
    %jit3A_2457 = arith.constant 1 : i32
    %jit3A_2458 = arith.constant 0 : i32
    %broadcast_in_dim3A_2459 = vector.broadcast %jit3A_2457 : i32 to vector<16xi32>
    %broadcast_in_dim3A_2460 = vector.broadcast %jit3A_2458 : i32 to vector<16xi32>
    %select_n3A_2461 = arith.select %lt3A_2456, %broadcast_in_dim3A_2459, %broadcast_in_dim3A_2460 : vector<16xi1>, vector<16xi32>
    %add3A_2462 = arith.addi %convert_element_type3A_2454, %select_n3A_2461 : vector<16xi32>
    %mul3A_2463 = arith.constant 4 : i32
    %mul3A_2464 = vector.broadcast %mul3A_2463 : i32 to vector<16xi32>
    %mul3A_2465 = arith.muli %mul3A_2464, %add3A_2462 : vector<16xi32>
    %min3A_2466 = arith.minsi %min3A_2450, %mul3A_2465 : vector<16xi32>
    %shift_right_arithmetic3A_2467 = arith.constant 2 : i32
    %shift_right_arithmetic3A_2468 = vector.broadcast %shift_right_arithmetic3A_2467 : i32 to vector<16xi32>
    %shift_right_arithmetic3A_2469 = arith.shrsi %min3A_2466, %shift_right_arithmetic3A_2468 : vector<16xi32>
    %convert_element_type3A_2470 = arith.sitofp %shift_right_arithmetic3A_2469 : vector<16xi32> to vector<16xf32>
    %slice3A_2471 = vector.extract_strided_slice %convert_element_type3A_2470 {offsets = [0], sizes = [1], strides = [1]} : vector<16xf32> to vector<1xf32>
    %squeeze3A_2472 = vector.extract %slice3A_2471[0] : f32 from vector<1xf32>
    %lt3A_2473 = vector.broadcast %squeeze3A_2472 : f32 to vector<16xf32>
    %lt3A_2474 = arith.cmpf olt, %convert_element_type3A, %lt3A_2473 : vector<16xf32>
    %jit3A_2475 = arith.constant 1.000000e+00 : f32
    %jit3A_2476 = arith.constant 0.000000e+00 : f32
    %broadcast_in_dim3A_2477 = vector.broadcast %jit3A_2475 : f32 to vector<16xf32>
    %broadcast_in_dim3A_2478 = vector.broadcast %jit3A_2476 : f32 to vector<16xf32>
    %select_n3A_2479 = arith.select %lt3A_2474, %broadcast_in_dim3A_2477, %broadcast_in_dim3A_2478 : vector<16xi1>, vector<16xf32>
    %swap3A_2480 = arith.constant 2560 : index
    %swap3A_2481 = tpu.vector_load %arg5[%swap3A_2480] {strides = array<i32>} : memref<4096xf32, #tpu.memory_space<vmem>>, vector<16xf32>,
    %swap3A_2482 = vector.shape_cast %swap3A_2481 : vector<16xf32> to vector<16xf32>
    %swap3A_2483 = vector.shape_cast %select_n3A_2479 : vector<16xf32> to vector<16xf32>
    tpu.vector_store %arg5[%swap3A_2480], %swap3A_2483 {strides = array<i32>} : memref<4096xf32, #tpu.memory_space<vmem>>, vector<16xf32>,
    %slice3A_2484 = vector.extract_strided_slice %convert_element_type3A_2470 {offsets = [1], sizes = [1], strides = [1]} : vector<16xf32> to vector<1xf32>
    %squeeze3A_2485 = vector.extract %slice3A_2484[0] : f32 from vector<1xf32>
    %lt3A_2486 = vector.broadcast %squeeze3A_2485 : f32 to vector<16xf32>
    %lt3A_2487 = arith.cmpf olt, %convert_element_type3A, %lt3A_2486 : vector<16xf32>
    %jit3A_2488 = arith.constant 1.000000e+00 : f32
    %jit3A_2489 = arith.constant 0.000000e+00 : f32
    %broadcast_in_dim3A_2490 = vector.broadcast %jit3A_2488 : f32 to vector<16xf32>
    %broadcast_in_dim3A_2491 = vector.broadcast %jit3A_2489 : f32 to vector<16xf32>
    %select_n3A_2492 = arith.select %lt3A_2487, %broadcast_in_dim3A_2490, %broadcast_in_dim3A_2491 : vector<16xi1>, vector<16xf32>
    %swap3A_2493 = arith.constant 2576 : index
    %swap3A_2494 = tpu.vector_load %arg5[%swap3A_2493] {strides = array<i32>} : memref<4096xf32, #tpu.memory_space<vmem>>, vector<16xf32>,
    %swap3A_2495 = vector.shape_cast %swap3A_2494 : vector<16xf32> to vector<16xf32>
    %swap3A_2496 = vector.shape_cast %select_n3A_2492 : vector<16xf32> to vector<16xf32>
    tpu.vector_store %arg5[%swap3A_2493], %swap3A_2496 {strides = array<i32>} : memref<4096xf32, #tpu.memory_space<vmem>>, vector<16xf32>,
    %slice3A_2497 = vector.extract_strided_slice %convert_element_type3A_2470 {offsets = [2], sizes = [1], strides = [1]} : vector<16xf32> to vector<1xf32>
    %squeeze3A_2498 = vector.extract %slice3A_2497[0] : f32 from vector<1xf32>
    %lt3A_2499 = vector.broadcast %squeeze3A_2498 : f32 to vector<16xf32>
    %lt3A_2500 = arith.cmpf olt, %convert_element_type3A, %lt3A_2499 : vector<16xf32>
    %jit3A_2501 = arith.constant 1.000000e+00 : f32
    %jit3A_2502 = arith.constant 0.000000e+00 : f32
    %broadcast_in_dim3A_2503 = vector.broadcast %jit3A_2501 : f32 to vector<16xf32>
    %broadcast_in_dim3A_2504 = vector.broadcast %jit3A_2502 : f32 to vector<16xf32>
    %select_n3A_2505 = arith.select %lt3A_2500, %broadcast_in_dim3A_2503, %broadcast_in_dim3A_2504 : vector<16xi1>, vector<16xf32>
    %swap3A_2506 = arith.constant 2592 : index
    %swap3A_2507 = tpu.vector_load %arg5[%swap3A_2506] {strides = array<i32>} : memref<4096xf32, #tpu.memory_space<vmem>>, vector<16xf32>,
    %swap3A_2508 = vector.shape_cast %swap3A_2507 : vector<16xf32> to vector<16xf32>
    %swap3A_2509 = vector.shape_cast %select_n3A_2505 : vector<16xf32> to vector<16xf32>
    tpu.vector_store %arg5[%swap3A_2506], %swap3A_2509 {strides = array<i32>} : memref<4096xf32, #tpu.memory_space<vmem>>, vector<16xf32>,
    %slice3A_2510 = vector.extract_strided_slice %convert_element_type3A_2470 {offsets = [3], sizes = [1], strides = [1]} : vector<16xf32> to vector<1xf32>
    %squeeze3A_2511 = vector.extract %slice3A_2510[0] : f32 from vector<1xf32>
    %lt3A_2512 = vector.broadcast %squeeze3A_2511 : f32 to vector<16xf32>
    %lt3A_2513 = arith.cmpf olt, %convert_element_type3A, %lt3A_2512 : vector<16xf32>
    %jit3A_2514 = arith.constant 1.000000e+00 : f32
    %jit3A_2515 = arith.constant 0.000000e+00 : f32
    %broadcast_in_dim3A_2516 = vector.broadcast %jit3A_2514 : f32 to vector<16xf32>
    %broadcast_in_dim3A_2517 = vector.broadcast %jit3A_2515 : f32 to vector<16xf32>
    %select_n3A_2518 = arith.select %lt3A_2513, %broadcast_in_dim3A_2516, %broadcast_in_dim3A_2517 : vector<16xi1>, vector<16xf32>
    %swap3A_2519 = arith.constant 2608 : index
    %swap3A_2520 = tpu.vector_load %arg5[%swap3A_2519] {strides = array<i32>} : memref<4096xf32, #tpu.memory_space<vmem>>, vector<16xf32>,
    %swap3A_2521 = vector.shape_cast %swap3A_2520 : vector<16xf32> to vector<16xf32>
    %swap3A_2522 = vector.shape_cast %select_n3A_2518 : vector<16xf32> to vector<16xf32>
    tpu.vector_store %arg5[%swap3A_2519], %swap3A_2522 {strides = array<i32>} : memref<4096xf32, #tpu.memory_space<vmem>>, vector<16xf32>,
    %slice3A_2523 = vector.extract_strided_slice %convert_element_type3A_2470 {offsets = [4], sizes = [1], strides = [1]} : vector<16xf32> to vector<1xf32>
    %squeeze3A_2524 = vector.extract %slice3A_2523[0] : f32 from vector<1xf32>
    %lt3A_2525 = vector.broadcast %squeeze3A_2524 : f32 to vector<16xf32>
    %lt3A_2526 = arith.cmpf olt, %convert_element_type3A, %lt3A_2525 : vector<16xf32>
    %jit3A_2527 = arith.constant 1.000000e+00 : f32
    %jit3A_2528 = arith.constant 0.000000e+00 : f32
    %broadcast_in_dim3A_2529 = vector.broadcast %jit3A_2527 : f32 to vector<16xf32>
    %broadcast_in_dim3A_2530 = vector.broadcast %jit3A_2528 : f32 to vector<16xf32>
    %select_n3A_2531 = arith.select %lt3A_2526, %broadcast_in_dim3A_2529, %broadcast_in_dim3A_2530 : vector<16xi1>, vector<16xf32>
    %swap3A_2532 = arith.constant 2624 : index
    %swap3A_2533 = tpu.vector_load %arg5[%swap3A_2532] {strides = array<i32>} : memref<4096xf32, #tpu.memory_space<vmem>>, vector<16xf32>,
    %swap3A_2534 = vector.shape_cast %swap3A_2533 : vector<16xf32> to vector<16xf32>
    %swap3A_2535 = vector.shape_cast %select_n3A_2531 : vector<16xf32> to vector<16xf32>
    tpu.vector_store %arg5[%swap3A_2532], %swap3A_2535 {strides = array<i32>} : memref<4096xf32, #tpu.memory_space<vmem>>, vector<16xf32>,
    %slice3A_2536 = vector.extract_strided_slice %convert_element_type3A_2470 {offsets = [5], sizes = [1], strides = [1]} : vector<16xf32> to vector<1xf32>
    %squeeze3A_2537 = vector.extract %slice3A_2536[0] : f32 from vector<1xf32>
    %lt3A_2538 = vector.broadcast %squeeze3A_2537 : f32 to vector<16xf32>
    %lt3A_2539 = arith.cmpf olt, %convert_element_type3A, %lt3A_2538 : vector<16xf32>
    %jit3A_2540 = arith.constant 1.000000e+00 : f32
    %jit3A_2541 = arith.constant 0.000000e+00 : f32
    %broadcast_in_dim3A_2542 = vector.broadcast %jit3A_2540 : f32 to vector<16xf32>
    %broadcast_in_dim3A_2543 = vector.broadcast %jit3A_2541 : f32 to vector<16xf32>
    %select_n3A_2544 = arith.select %lt3A_2539, %broadcast_in_dim3A_2542, %broadcast_in_dim3A_2543 : vector<16xi1>, vector<16xf32>
    %swap3A_2545 = arith.constant 2640 : index
    %swap3A_2546 = tpu.vector_load %arg5[%swap3A_2545] {strides = array<i32>} : memref<4096xf32, #tpu.memory_space<vmem>>, vector<16xf32>,
    %swap3A_2547 = vector.shape_cast %swap3A_2546 : vector<16xf32> to vector<16xf32>
    %swap3A_2548 = vector.shape_cast %select_n3A_2544 : vector<16xf32> to vector<16xf32>
    tpu.vector_store %arg5[%swap3A_2545], %swap3A_2548 {strides = array<i32>} : memref<4096xf32, #tpu.memory_space<vmem>>, vector<16xf32>,
    %slice3A_2549 = vector.extract_strided_slice %convert_element_type3A_2470 {offsets = [6], sizes = [1], strides = [1]} : vector<16xf32> to vector<1xf32>
    %squeeze3A_2550 = vector.extract %slice3A_2549[0] : f32 from vector<1xf32>
    %lt3A_2551 = vector.broadcast %squeeze3A_2550 : f32 to vector<16xf32>
    %lt3A_2552 = arith.cmpf olt, %convert_element_type3A, %lt3A_2551 : vector<16xf32>
    %jit3A_2553 = arith.constant 1.000000e+00 : f32
    %jit3A_2554 = arith.constant 0.000000e+00 : f32
    %broadcast_in_dim3A_2555 = vector.broadcast %jit3A_2553 : f32 to vector<16xf32>
    %broadcast_in_dim3A_2556 = vector.broadcast %jit3A_2554 : f32 to vector<16xf32>
    %select_n3A_2557 = arith.select %lt3A_2552, %broadcast_in_dim3A_2555, %broadcast_in_dim3A_2556 : vector<16xi1>, vector<16xf32>
    %swap3A_2558 = arith.constant 2656 : index
    %swap3A_2559 = tpu.vector_load %arg5[%swap3A_2558] {strides = array<i32>} : memref<4096xf32, #tpu.memory_space<vmem>>, vector<16xf32>,
    %swap3A_2560 = vector.shape_cast %swap3A_2559 : vector<16xf32> to vector<16xf32>
    %swap3A_2561 = vector.shape_cast %select_n3A_2557 : vector<16xf32> to vector<16xf32>
    tpu.vector_store %arg5[%swap3A_2558], %swap3A_2561 {strides = array<i32>} : memref<4096xf32, #tpu.memory_space<vmem>>, vector<16xf32>,
    %slice3A_2562 = vector.extract_strided_slice %convert_element_type3A_2470 {offsets = [7], sizes = [1], strides = [1]} : vector<16xf32> to vector<1xf32>
    %squeeze3A_2563 = vector.extract %slice3A_2562[0] : f32 from vector<1xf32>
    %lt3A_2564 = vector.broadcast %squeeze3A_2563 : f32 to vector<16xf32>
    %lt3A_2565 = arith.cmpf olt, %convert_element_type3A, %lt3A_2564 : vector<16xf32>
    %jit3A_2566 = arith.constant 1.000000e+00 : f32
    %jit3A_2567 = arith.constant 0.000000e+00 : f32
    %broadcast_in_dim3A_2568 = vector.broadcast %jit3A_2566 : f32 to vector<16xf32>
    %broadcast_in_dim3A_2569 = vector.broadcast %jit3A_2567 : f32 to vector<16xf32>
    %select_n3A_2570 = arith.select %lt3A_2565, %broadcast_in_dim3A_2568, %broadcast_in_dim3A_2569 : vector<16xi1>, vector<16xf32>
    %swap3A_2571 = arith.constant 2672 : index
    %swap3A_2572 = tpu.vector_load %arg5[%swap3A_2571] {strides = array<i32>} : memref<4096xf32, #tpu.memory_space<vmem>>, vector<16xf32>,
    %swap3A_2573 = vector.shape_cast %swap3A_2572 : vector<16xf32> to vector<16xf32>
    %swap3A_2574 = vector.shape_cast %select_n3A_2570 : vector<16xf32> to vector<16xf32>
    tpu.vector_store %arg5[%swap3A_2571], %swap3A_2574 {strides = array<i32>} : memref<4096xf32, #tpu.memory_space<vmem>>, vector<16xf32>,
    %slice3A_2575 = vector.extract_strided_slice %convert_element_type3A_2470 {offsets = [8], sizes = [1], strides = [1]} : vector<16xf32> to vector<1xf32>
    %squeeze3A_2576 = vector.extract %slice3A_2575[0] : f32 from vector<1xf32>
    %lt3A_2577 = vector.broadcast %squeeze3A_2576 : f32 to vector<16xf32>
    %lt3A_2578 = arith.cmpf olt, %convert_element_type3A, %lt3A_2577 : vector<16xf32>
    %jit3A_2579 = arith.constant 1.000000e+00 : f32
    %jit3A_2580 = arith.constant 0.000000e+00 : f32
    %broadcast_in_dim3A_2581 = vector.broadcast %jit3A_2579 : f32 to vector<16xf32>
    %broadcast_in_dim3A_2582 = vector.broadcast %jit3A_2580 : f32 to vector<16xf32>
    %select_n3A_2583 = arith.select %lt3A_2578, %broadcast_in_dim3A_2581, %broadcast_in_dim3A_2582 : vector<16xi1>, vector<16xf32>
    %swap3A_2584 = arith.constant 2688 : index
    %swap3A_2585 = tpu.vector_load %arg5[%swap3A_2584] {strides = array<i32>} : memref<4096xf32, #tpu.memory_space<vmem>>, vector<16xf32>,
    %swap3A_2586 = vector.shape_cast %swap3A_2585 : vector<16xf32> to vector<16xf32>
    %swap3A_2587 = vector.shape_cast %select_n3A_2583 : vector<16xf32> to vector<16xf32>
    tpu.vector_store %arg5[%swap3A_2584], %swap3A_2587 {strides = array<i32>} : memref<4096xf32, #tpu.memory_space<vmem>>, vector<16xf32>,
    %slice3A_2588 = vector.extract_strided_slice %convert_element_type3A_2470 {offsets = [9], sizes = [1], strides = [1]} : vector<16xf32> to vector<1xf32>
    %squeeze3A_2589 = vector.extract %slice3A_2588[0] : f32 from vector<1xf32>
    %lt3A_2590 = vector.broadcast %squeeze3A_2589 : f32 to vector<16xf32>
    %lt3A_2591 = arith.cmpf olt, %convert_element_type3A, %lt3A_2590 : vector<16xf32>
    %jit3A_2592 = arith.constant 1.000000e+00 : f32
    %jit3A_2593 = arith.constant 0.000000e+00 : f32
    %broadcast_in_dim3A_2594 = vector.broadcast %jit3A_2592 : f32 to vector<16xf32>
    %broadcast_in_dim3A_2595 = vector.broadcast %jit3A_2593 : f32 to vector<16xf32>
    %select_n3A_2596 = arith.select %lt3A_2591, %broadcast_in_dim3A_2594, %broadcast_in_dim3A_2595 : vector<16xi1>, vector<16xf32>
    %swap3A_2597 = arith.constant 2704 : index
    %swap3A_2598 = tpu.vector_load %arg5[%swap3A_2597] {strides = array<i32>} : memref<4096xf32, #tpu.memory_space<vmem>>, vector<16xf32>,
    %swap3A_2599 = vector.shape_cast %swap3A_2598 : vector<16xf32> to vector<16xf32>
    %swap3A_2600 = vector.shape_cast %select_n3A_2596 : vector<16xf32> to vector<16xf32>
    tpu.vector_store %arg5[%swap3A_2597], %swap3A_2600 {strides = array<i32>} : memref<4096xf32, #tpu.memory_space<vmem>>, vector<16xf32>,
    %slice3A_2601 = vector.extract_strided_slice %convert_element_type3A_2470 {offsets = [10], sizes = [1], strides = [1]} : vector<16xf32> to vector<1xf32>
    %squeeze3A_2602 = vector.extract %slice3A_2601[0] : f32 from vector<1xf32>
    %lt3A_2603 = vector.broadcast %squeeze3A_2602 : f32 to vector<16xf32>
    %lt3A_2604 = arith.cmpf olt, %convert_element_type3A, %lt3A_2603 : vector<16xf32>
    %jit3A_2605 = arith.constant 1.000000e+00 : f32
    %jit3A_2606 = arith.constant 0.000000e+00 : f32
    %broadcast_in_dim3A_2607 = vector.broadcast %jit3A_2605 : f32 to vector<16xf32>
    %broadcast_in_dim3A_2608 = vector.broadcast %jit3A_2606 : f32 to vector<16xf32>
    %select_n3A_2609 = arith.select %lt3A_2604, %broadcast_in_dim3A_2607, %broadcast_in_dim3A_2608 : vector<16xi1>, vector<16xf32>
    %swap3A_2610 = arith.constant 2720 : index
    %swap3A_2611 = tpu.vector_load %arg5[%swap3A_2610] {strides = array<i32>} : memref<4096xf32, #tpu.memory_space<vmem>>, vector<16xf32>,
    %swap3A_2612 = vector.shape_cast %swap3A_2611 : vector<16xf32> to vector<16xf32>
    %swap3A_2613 = vector.shape_cast %select_n3A_2609 : vector<16xf32> to vector<16xf32>
    tpu.vector_store %arg5[%swap3A_2610], %swap3A_2613 {strides = array<i32>} : memref<4096xf32, #tpu.memory_space<vmem>>, vector<16xf32>,
    %slice3A_2614 = vector.extract_strided_slice %convert_element_type3A_2470 {offsets = [11], sizes = [1], strides = [1]} : vector<16xf32> to vector<1xf32>
    %squeeze3A_2615 = vector.extract %slice3A_2614[0] : f32 from vector<1xf32>
    %lt3A_2616 = vector.broadcast %squeeze3A_2615 : f32 to vector<16xf32>
    %lt3A_2617 = arith.cmpf olt, %convert_element_type3A, %lt3A_2616 : vector<16xf32>
    %jit3A_2618 = arith.constant 1.000000e+00 : f32
    %jit3A_2619 = arith.constant 0.000000e+00 : f32
    %broadcast_in_dim3A_2620 = vector.broadcast %jit3A_2618 : f32 to vector<16xf32>
    %broadcast_in_dim3A_2621 = vector.broadcast %jit3A_2619 : f32 to vector<16xf32>
    %select_n3A_2622 = arith.select %lt3A_2617, %broadcast_in_dim3A_2620, %broadcast_in_dim3A_2621 : vector<16xi1>, vector<16xf32>
    %swap3A_2623 = arith.constant 2736 : index
    %swap3A_2624 = tpu.vector_load %arg5[%swap3A_2623] {strides = array<i32>} : memref<4096xf32, #tpu.memory_space<vmem>>, vector<16xf32>,
    %swap3A_2625 = vector.shape_cast %swap3A_2624 : vector<16xf32> to vector<16xf32>
    %swap3A_2626 = vector.shape_cast %select_n3A_2622 : vector<16xf32> to vector<16xf32>
    tpu.vector_store %arg5[%swap3A_2623], %swap3A_2626 {strides = array<i32>} : memref<4096xf32, #tpu.memory_space<vmem>>, vector<16xf32>,
    %slice3A_2627 = vector.extract_strided_slice %convert_element_type3A_2470 {offsets = [12], sizes = [1], strides = [1]} : vector<16xf32> to vector<1xf32>
    %squeeze3A_2628 = vector.extract %slice3A_2627[0] : f32 from vector<1xf32>
    %lt3A_2629 = vector.broadcast %squeeze3A_2628 : f32 to vector<16xf32>
    %lt3A_2630 = arith.cmpf olt, %convert_element_type3A, %lt3A_2629 : vector<16xf32>
    %jit3A_2631 = arith.constant 1.000000e+00 : f32
    %jit3A_2632 = arith.constant 0.000000e+00 : f32
    %broadcast_in_dim3A_2633 = vector.broadcast %jit3A_2631 : f32 to vector<16xf32>
    %broadcast_in_dim3A_2634 = vector.broadcast %jit3A_2632 : f32 to vector<16xf32>
    %select_n3A_2635 = arith.select %lt3A_2630, %broadcast_in_dim3A_2633, %broadcast_in_dim3A_2634 : vector<16xi1>, vector<16xf32>
    %swap3A_2636 = arith.constant 2752 : index
    %swap3A_2637 = tpu.vector_load %arg5[%swap3A_2636] {strides = array<i32>} : memref<4096xf32, #tpu.memory_space<vmem>>, vector<16xf32>,
    %swap3A_2638 = vector.shape_cast %swap3A_2637 : vector<16xf32> to vector<16xf32>
    %swap3A_2639 = vector.shape_cast %select_n3A_2635 : vector<16xf32> to vector<16xf32>
    tpu.vector_store %arg5[%swap3A_2636], %swap3A_2639 {strides = array<i32>} : memref<4096xf32, #tpu.memory_space<vmem>>, vector<16xf32>,
    %slice3A_2640 = vector.extract_strided_slice %convert_element_type3A_2470 {offsets = [13], sizes = [1], strides = [1]} : vector<16xf32> to vector<1xf32>
    %squeeze3A_2641 = vector.extract %slice3A_2640[0] : f32 from vector<1xf32>
    %lt3A_2642 = vector.broadcast %squeeze3A_2641 : f32 to vector<16xf32>
    %lt3A_2643 = arith.cmpf olt, %convert_element_type3A, %lt3A_2642 : vector<16xf32>
    %jit3A_2644 = arith.constant 1.000000e+00 : f32
    %jit3A_2645 = arith.constant 0.000000e+00 : f32
    %broadcast_in_dim3A_2646 = vector.broadcast %jit3A_2644 : f32 to vector<16xf32>
    %broadcast_in_dim3A_2647 = vector.broadcast %jit3A_2645 : f32 to vector<16xf32>
    %select_n3A_2648 = arith.select %lt3A_2643, %broadcast_in_dim3A_2646, %broadcast_in_dim3A_2647 : vector<16xi1>, vector<16xf32>
    %swap3A_2649 = arith.constant 2768 : index
    %swap3A_2650 = tpu.vector_load %arg5[%swap3A_2649] {strides = array<i32>} : memref<4096xf32, #tpu.memory_space<vmem>>, vector<16xf32>,
    %swap3A_2651 = vector.shape_cast %swap3A_2650 : vector<16xf32> to vector<16xf32>
    %swap3A_2652 = vector.shape_cast %select_n3A_2648 : vector<16xf32> to vector<16xf32>
    tpu.vector_store %arg5[%swap3A_2649], %swap3A_2652 {strides = array<i32>} : memref<4096xf32, #tpu.memory_space<vmem>>, vector<16xf32>,
    %slice3A_2653 = vector.extract_strided_slice %convert_element_type3A_2470 {offsets = [14], sizes = [1], strides = [1]} : vector<16xf32> to vector<1xf32>
    %squeeze3A_2654 = vector.extract %slice3A_2653[0] : f32 from vector<1xf32>
    %lt3A_2655 = vector.broadcast %squeeze3A_2654 : f32 to vector<16xf32>
    %lt3A_2656 = arith.cmpf olt, %convert_element_type3A, %lt3A_2655 : vector<16xf32>
    %jit3A_2657 = arith.constant 1.000000e+00 : f32
    %jit3A_2658 = arith.constant 0.000000e+00 : f32
    %broadcast_in_dim3A_2659 = vector.broadcast %jit3A_2657 : f32 to vector<16xf32>
    %broadcast_in_dim3A_2660 = vector.broadcast %jit3A_2658 : f32 to vector<16xf32>
    %select_n3A_2661 = arith.select %lt3A_2656, %broadcast_in_dim3A_2659, %broadcast_in_dim3A_2660 : vector<16xi1>, vector<16xf32>
    %swap3A_2662 = arith.constant 2784 : index
    %swap3A_2663 = tpu.vector_load %arg5[%swap3A_2662] {strides = array<i32>} : memref<4096xf32, #tpu.memory_space<vmem>>, vector<16xf32>,
    %swap3A_2664 = vector.shape_cast %swap3A_2663 : vector<16xf32> to vector<16xf32>
    %swap3A_2665 = vector.shape_cast %select_n3A_2661 : vector<16xf32> to vector<16xf32>
    tpu.vector_store %arg5[%swap3A_2662], %swap3A_2665 {strides = array<i32>} : memref<4096xf32, #tpu.memory_space<vmem>>, vector<16xf32>,
    %slice3A_2666 = vector.extract_strided_slice %convert_element_type3A_2470 {offsets = [15], sizes = [1], strides = [1]} : vector<16xf32> to vector<1xf32>
    %squeeze3A_2667 = vector.extract %slice3A_2666[0] : f32 from vector<1xf32>
    %lt3A_2668 = vector.broadcast %squeeze3A_2667 : f32 to vector<16xf32>
    %lt3A_2669 = arith.cmpf olt, %convert_element_type3A, %lt3A_2668 : vector<16xf32>
    %jit3A_2670 = arith.constant 1.000000e+00 : f32
    %jit3A_2671 = arith.constant 0.000000e+00 : f32
    %broadcast_in_dim3A_2672 = vector.broadcast %jit3A_2670 : f32 to vector<16xf32>
    %broadcast_in_dim3A_2673 = vector.broadcast %jit3A_2671 : f32 to vector<16xf32>
    %select_n3A_2674 = arith.select %lt3A_2669, %broadcast_in_dim3A_2672, %broadcast_in_dim3A_2673 : vector<16xi1>, vector<16xf32>
    %swap3A_2675 = arith.constant 2800 : index
    %swap3A_2676 = tpu.vector_load %arg5[%swap3A_2675] {strides = array<i32>} : memref<4096xf32, #tpu.memory_space<vmem>>, vector<16xf32>,
    %swap3A_2677 = vector.shape_cast %swap3A_2676 : vector<16xf32> to vector<16xf32>
    %swap3A_2678 = vector.shape_cast %select_n3A_2674 : vector<16xf32> to vector<16xf32>
    tpu.vector_store %arg5[%swap3A_2675], %swap3A_2678 {strides = array<i32>} : memref<4096xf32, #tpu.memory_space<vmem>>, vector<16xf32>,
    %get3A_2679 = arith.constant 176 : index
    %get3A_2680 = tpu.vector_load %arg4[%get3A_2679] {strides = array<i32>} : memref<256xf32, #tpu.memory_space<vmem>>, vector<16xf32>,
    %get3A_2681 = vector.shape_cast %get3A_2680 : vector<16xf32> to vector<16xf32>
    %mul3A_2682 = arith.constant 6.500000e+01 : f32
    %mul3A_2683 = vector.broadcast %mul3A_2682 : f32 to vector<16xf32>
    %mul3A_2684 = arith.mulf %get3A_2681, %mul3A_2683 : vector<16xf32>
    %convert_element_type3A_2685 = arith.fptosi %mul3A_2684 : vector<16xf32> to vector<16xi32>
    %min3A_2686 = arith.constant 64 : i32
    %min3A_2687 = vector.broadcast %min3A_2686 : i32 to vector<16xi32>
    %min3A_2688 = arith.minsi %convert_element_type3A_2685, %min3A_2687 : vector<16xi32>
    %mul3A_2689 = arith.constant 1.600000e+01 : f32
    %mul3A_2690 = vector.broadcast %mul3A_2689 : f32 to vector<16xf32>
    %mul3A_2691 = arith.mulf %get3A_2681, %mul3A_2690 : vector<16xf32>
    %convert_element_type3A_2692 = arith.fptosi %mul3A_2691 : vector<16xf32> to vector<16xi32>
    %convert_element_type3A_2693 = arith.sitofp %convert_element_type3A_2692 : vector<16xi32> to vector<16xf32>
    %lt3A_2694 = arith.cmpf olt, %convert_element_type3A_2693, %mul3A_2691 : vector<16xf32>
    %jit3A_2695 = arith.constant 1 : i32
    %jit3A_2696 = arith.constant 0 : i32
    %broadcast_in_dim3A_2697 = vector.broadcast %jit3A_2695 : i32 to vector<16xi32>
    %broadcast_in_dim3A_2698 = vector.broadcast %jit3A_2696 : i32 to vector<16xi32>
    %select_n3A_2699 = arith.select %lt3A_2694, %broadcast_in_dim3A_2697, %broadcast_in_dim3A_2698 : vector<16xi1>, vector<16xi32>
    %add3A_2700 = arith.addi %convert_element_type3A_2692, %select_n3A_2699 : vector<16xi32>
    %mul3A_2701 = arith.constant 4 : i32
    %mul3A_2702 = vector.broadcast %mul3A_2701 : i32 to vector<16xi32>
    %mul3A_2703 = arith.muli %mul3A_2702, %add3A_2700 : vector<16xi32>
    %min3A_2704 = arith.minsi %min3A_2688, %mul3A_2703 : vector<16xi32>
    %shift_right_arithmetic3A_2705 = arith.constant 2 : i32
    %shift_right_arithmetic3A_2706 = vector.broadcast %shift_right_arithmetic3A_2705 : i32 to vector<16xi32>
    %shift_right_arithmetic3A_2707 = arith.shrsi %min3A_2704, %shift_right_arithmetic3A_2706 : vector<16xi32>
    %convert_element_type3A_2708 = arith.sitofp %shift_right_arithmetic3A_2707 : vector<16xi32> to vector<16xf32>
    %slice3A_2709 = vector.extract_strided_slice %convert_element_type3A_2708 {offsets = [0], sizes = [1], strides = [1]} : vector<16xf32> to vector<1xf32>
    %squeeze3A_2710 = vector.extract %slice3A_2709[0] : f32 from vector<1xf32>
    %lt3A_2711 = vector.broadcast %squeeze3A_2710 : f32 to vector<16xf32>
    %lt3A_2712 = arith.cmpf olt, %convert_element_type3A, %lt3A_2711 : vector<16xf32>
    %jit3A_2713 = arith.constant 1.000000e+00 : f32
    %jit3A_2714 = arith.constant 0.000000e+00 : f32
    %broadcast_in_dim3A_2715 = vector.broadcast %jit3A_2713 : f32 to vector<16xf32>
    %broadcast_in_dim3A_2716 = vector.broadcast %jit3A_2714 : f32 to vector<16xf32>
    %select_n3A_2717 = arith.select %lt3A_2712, %broadcast_in_dim3A_2715, %broadcast_in_dim3A_2716 : vector<16xi1>, vector<16xf32>
    %swap3A_2718 = arith.constant 2816 : index
    %swap3A_2719 = tpu.vector_load %arg5[%swap3A_2718] {strides = array<i32>} : memref<4096xf32, #tpu.memory_space<vmem>>, vector<16xf32>,
    %swap3A_2720 = vector.shape_cast %swap3A_2719 : vector<16xf32> to vector<16xf32>
    %swap3A_2721 = vector.shape_cast %select_n3A_2717 : vector<16xf32> to vector<16xf32>
    tpu.vector_store %arg5[%swap3A_2718], %swap3A_2721 {strides = array<i32>} : memref<4096xf32, #tpu.memory_space<vmem>>, vector<16xf32>,
    %slice3A_2722 = vector.extract_strided_slice %convert_element_type3A_2708 {offsets = [1], sizes = [1], strides = [1]} : vector<16xf32> to vector<1xf32>
    %squeeze3A_2723 = vector.extract %slice3A_2722[0] : f32 from vector<1xf32>
    %lt3A_2724 = vector.broadcast %squeeze3A_2723 : f32 to vector<16xf32>
    %lt3A_2725 = arith.cmpf olt, %convert_element_type3A, %lt3A_2724 : vector<16xf32>
    %jit3A_2726 = arith.constant 1.000000e+00 : f32
    %jit3A_2727 = arith.constant 0.000000e+00 : f32
    %broadcast_in_dim3A_2728 = vector.broadcast %jit3A_2726 : f32 to vector<16xf32>
    %broadcast_in_dim3A_2729 = vector.broadcast %jit3A_2727 : f32 to vector<16xf32>
    %select_n3A_2730 = arith.select %lt3A_2725, %broadcast_in_dim3A_2728, %broadcast_in_dim3A_2729 : vector<16xi1>, vector<16xf32>
    %swap3A_2731 = arith.constant 2832 : index
    %swap3A_2732 = tpu.vector_load %arg5[%swap3A_2731] {strides = array<i32>} : memref<4096xf32, #tpu.memory_space<vmem>>, vector<16xf32>,
    %swap3A_2733 = vector.shape_cast %swap3A_2732 : vector<16xf32> to vector<16xf32>
    %swap3A_2734 = vector.shape_cast %select_n3A_2730 : vector<16xf32> to vector<16xf32>
    tpu.vector_store %arg5[%swap3A_2731], %swap3A_2734 {strides = array<i32>} : memref<4096xf32, #tpu.memory_space<vmem>>, vector<16xf32>,
    %slice3A_2735 = vector.extract_strided_slice %convert_element_type3A_2708 {offsets = [2], sizes = [1], strides = [1]} : vector<16xf32> to vector<1xf32>
    %squeeze3A_2736 = vector.extract %slice3A_2735[0] : f32 from vector<1xf32>
    %lt3A_2737 = vector.broadcast %squeeze3A_2736 : f32 to vector<16xf32>
    %lt3A_2738 = arith.cmpf olt, %convert_element_type3A, %lt3A_2737 : vector<16xf32>
    %jit3A_2739 = arith.constant 1.000000e+00 : f32
    %jit3A_2740 = arith.constant 0.000000e+00 : f32
    %broadcast_in_dim3A_2741 = vector.broadcast %jit3A_2739 : f32 to vector<16xf32>
    %broadcast_in_dim3A_2742 = vector.broadcast %jit3A_2740 : f32 to vector<16xf32>
    %select_n3A_2743 = arith.select %lt3A_2738, %broadcast_in_dim3A_2741, %broadcast_in_dim3A_2742 : vector<16xi1>, vector<16xf32>
    %swap3A_2744 = arith.constant 2848 : index
    %swap3A_2745 = tpu.vector_load %arg5[%swap3A_2744] {strides = array<i32>} : memref<4096xf32, #tpu.memory_space<vmem>>, vector<16xf32>,
    %swap3A_2746 = vector.shape_cast %swap3A_2745 : vector<16xf32> to vector<16xf32>
    %swap3A_2747 = vector.shape_cast %select_n3A_2743 : vector<16xf32> to vector<16xf32>
    tpu.vector_store %arg5[%swap3A_2744], %swap3A_2747 {strides = array<i32>} : memref<4096xf32, #tpu.memory_space<vmem>>, vector<16xf32>,
    %slice3A_2748 = vector.extract_strided_slice %convert_element_type3A_2708 {offsets = [3], sizes = [1], strides = [1]} : vector<16xf32> to vector<1xf32>
    %squeeze3A_2749 = vector.extract %slice3A_2748[0] : f32 from vector<1xf32>
    %lt3A_2750 = vector.broadcast %squeeze3A_2749 : f32 to vector<16xf32>
    %lt3A_2751 = arith.cmpf olt, %convert_element_type3A, %lt3A_2750 : vector<16xf32>
    %jit3A_2752 = arith.constant 1.000000e+00 : f32
    %jit3A_2753 = arith.constant 0.000000e+00 : f32
    %broadcast_in_dim3A_2754 = vector.broadcast %jit3A_2752 : f32 to vector<16xf32>
    %broadcast_in_dim3A_2755 = vector.broadcast %jit3A_2753 : f32 to vector<16xf32>
    %select_n3A_2756 = arith.select %lt3A_2751, %broadcast_in_dim3A_2754, %broadcast_in_dim3A_2755 : vector<16xi1>, vector<16xf32>
    %swap3A_2757 = arith.constant 2864 : index
    %swap3A_2758 = tpu.vector_load %arg5[%swap3A_2757] {strides = array<i32>} : memref<4096xf32, #tpu.memory_space<vmem>>, vector<16xf32>,
    %swap3A_2759 = vector.shape_cast %swap3A_2758 : vector<16xf32> to vector<16xf32>
    %swap3A_2760 = vector.shape_cast %select_n3A_2756 : vector<16xf32> to vector<16xf32>
    tpu.vector_store %arg5[%swap3A_2757], %swap3A_2760 {strides = array<i32>} : memref<4096xf32, #tpu.memory_space<vmem>>, vector<16xf32>,
    %slice3A_2761 = vector.extract_strided_slice %convert_element_type3A_2708 {offsets = [4], sizes = [1], strides = [1]} : vector<16xf32> to vector<1xf32>
    %squeeze3A_2762 = vector.extract %slice3A_2761[0] : f32 from vector<1xf32>
    %lt3A_2763 = vector.broadcast %squeeze3A_2762 : f32 to vector<16xf32>
    %lt3A_2764 = arith.cmpf olt, %convert_element_type3A, %lt3A_2763 : vector<16xf32>
    %jit3A_2765 = arith.constant 1.000000e+00 : f32
    %jit3A_2766 = arith.constant 0.000000e+00 : f32
    %broadcast_in_dim3A_2767 = vector.broadcast %jit3A_2765 : f32 to vector<16xf32>
    %broadcast_in_dim3A_2768 = vector.broadcast %jit3A_2766 : f32 to vector<16xf32>
    %select_n3A_2769 = arith.select %lt3A_2764, %broadcast_in_dim3A_2767, %broadcast_in_dim3A_2768 : vector<16xi1>, vector<16xf32>
    %swap3A_2770 = arith.constant 2880 : index
    %swap3A_2771 = tpu.vector_load %arg5[%swap3A_2770] {strides = array<i32>} : memref<4096xf32, #tpu.memory_space<vmem>>, vector<16xf32>,
    %swap3A_2772 = vector.shape_cast %swap3A_2771 : vector<16xf32> to vector<16xf32>
    %swap3A_2773 = vector.shape_cast %select_n3A_2769 : vector<16xf32> to vector<16xf32>
    tpu.vector_store %arg5[%swap3A_2770], %swap3A_2773 {strides = array<i32>} : memref<4096xf32, #tpu.memory_space<vmem>>, vector<16xf32>,
    %slice3A_2774 = vector.extract_strided_slice %convert_element_type3A_2708 {offsets = [5], sizes = [1], strides = [1]} : vector<16xf32> to vector<1xf32>
    %squeeze3A_2775 = vector.extract %slice3A_2774[0] : f32 from vector<1xf32>
    %lt3A_2776 = vector.broadcast %squeeze3A_2775 : f32 to vector<16xf32>
    %lt3A_2777 = arith.cmpf olt, %convert_element_type3A, %lt3A_2776 : vector<16xf32>
    %jit3A_2778 = arith.constant 1.000000e+00 : f32
    %jit3A_2779 = arith.constant 0.000000e+00 : f32
    %broadcast_in_dim3A_2780 = vector.broadcast %jit3A_2778 : f32 to vector<16xf32>
    %broadcast_in_dim3A_2781 = vector.broadcast %jit3A_2779 : f32 to vector<16xf32>
    %select_n3A_2782 = arith.select %lt3A_2777, %broadcast_in_dim3A_2780, %broadcast_in_dim3A_2781 : vector<16xi1>, vector<16xf32>
    %swap3A_2783 = arith.constant 2896 : index
    %swap3A_2784 = tpu.vector_load %arg5[%swap3A_2783] {strides = array<i32>} : memref<4096xf32, #tpu.memory_space<vmem>>, vector<16xf32>,
    %swap3A_2785 = vector.shape_cast %swap3A_2784 : vector<16xf32> to vector<16xf32>
    %swap3A_2786 = vector.shape_cast %select_n3A_2782 : vector<16xf32> to vector<16xf32>
    tpu.vector_store %arg5[%swap3A_2783], %swap3A_2786 {strides = array<i32>} : memref<4096xf32, #tpu.memory_space<vmem>>, vector<16xf32>,
    %slice3A_2787 = vector.extract_strided_slice %convert_element_type3A_2708 {offsets = [6], sizes = [1], strides = [1]} : vector<16xf32> to vector<1xf32>
    %squeeze3A_2788 = vector.extract %slice3A_2787[0] : f32 from vector<1xf32>
    %lt3A_2789 = vector.broadcast %squeeze3A_2788 : f32 to vector<16xf32>
    %lt3A_2790 = arith.cmpf olt, %convert_element_type3A, %lt3A_2789 : vector<16xf32>
    %jit3A_2791 = arith.constant 1.000000e+00 : f32
    %jit3A_2792 = arith.constant 0.000000e+00 : f32
    %broadcast_in_dim3A_2793 = vector.broadcast %jit3A_2791 : f32 to vector<16xf32>
    %broadcast_in_dim3A_2794 = vector.broadcast %jit3A_2792 : f32 to vector<16xf32>
    %select_n3A_2795 = arith.select %lt3A_2790, %broadcast_in_dim3A_2793, %broadcast_in_dim3A_2794 : vector<16xi1>, vector<16xf32>
    %swap3A_2796 = arith.constant 2912 : index
    %swap3A_2797 = tpu.vector_load %arg5[%swap3A_2796] {strides = array<i32>} : memref<4096xf32, #tpu.memory_space<vmem>>, vector<16xf32>,
    %swap3A_2798 = vector.shape_cast %swap3A_2797 : vector<16xf32> to vector<16xf32>
    %swap3A_2799 = vector.shape_cast %select_n3A_2795 : vector<16xf32> to vector<16xf32>
    tpu.vector_store %arg5[%swap3A_2796], %swap3A_2799 {strides = array<i32>} : memref<4096xf32, #tpu.memory_space<vmem>>, vector<16xf32>,
    %slice3A_2800 = vector.extract_strided_slice %convert_element_type3A_2708 {offsets = [7], sizes = [1], strides = [1]} : vector<16xf32> to vector<1xf32>
    %squeeze3A_2801 = vector.extract %slice3A_2800[0] : f32 from vector<1xf32>
    %lt3A_2802 = vector.broadcast %squeeze3A_2801 : f32 to vector<16xf32>
    %lt3A_2803 = arith.cmpf olt, %convert_element_type3A, %lt3A_2802 : vector<16xf32>
    %jit3A_2804 = arith.constant 1.000000e+00 : f32
    %jit3A_2805 = arith.constant 0.000000e+00 : f32
    %broadcast_in_dim3A_2806 = vector.broadcast %jit3A_2804 : f32 to vector<16xf32>
    %broadcast_in_dim3A_2807 = vector.broadcast %jit3A_2805 : f32 to vector<16xf32>
    %select_n3A_2808 = arith.select %lt3A_2803, %broadcast_in_dim3A_2806, %broadcast_in_dim3A_2807 : vector<16xi1>, vector<16xf32>
    %swap3A_2809 = arith.constant 2928 : index
    %swap3A_2810 = tpu.vector_load %arg5[%swap3A_2809] {strides = array<i32>} : memref<4096xf32, #tpu.memory_space<vmem>>, vector<16xf32>,
    %swap3A_2811 = vector.shape_cast %swap3A_2810 : vector<16xf32> to vector<16xf32>
    %swap3A_2812 = vector.shape_cast %select_n3A_2808 : vector<16xf32> to vector<16xf32>
    tpu.vector_store %arg5[%swap3A_2809], %swap3A_2812 {strides = array<i32>} : memref<4096xf32, #tpu.memory_space<vmem>>, vector<16xf32>,
    %slice3A_2813 = vector.extract_strided_slice %convert_element_type3A_2708 {offsets = [8], sizes = [1], strides = [1]} : vector<16xf32> to vector<1xf32>
    %squeeze3A_2814 = vector.extract %slice3A_2813[0] : f32 from vector<1xf32>
    %lt3A_2815 = vector.broadcast %squeeze3A_2814 : f32 to vector<16xf32>
    %lt3A_2816 = arith.cmpf olt, %convert_element_type3A, %lt3A_2815 : vector<16xf32>
    %jit3A_2817 = arith.constant 1.000000e+00 : f32
    %jit3A_2818 = arith.constant 0.000000e+00 : f32
    %broadcast_in_dim3A_2819 = vector.broadcast %jit3A_2817 : f32 to vector<16xf32>
    %broadcast_in_dim3A_2820 = vector.broadcast %jit3A_2818 : f32 to vector<16xf32>
    %select_n3A_2821 = arith.select %lt3A_2816, %broadcast_in_dim3A_2819, %broadcast_in_dim3A_2820 : vector<16xi1>, vector<16xf32>
    %swap3A_2822 = arith.constant 2944 : index
    %swap3A_2823 = tpu.vector_load %arg5[%swap3A_2822] {strides = array<i32>} : memref<4096xf32, #tpu.memory_space<vmem>>, vector<16xf32>,
    %swap3A_2824 = vector.shape_cast %swap3A_2823 : vector<16xf32> to vector<16xf32>
    %swap3A_2825 = vector.shape_cast %select_n3A_2821 : vector<16xf32> to vector<16xf32>
    tpu.vector_store %arg5[%swap3A_2822], %swap3A_2825 {strides = array<i32>} : memref<4096xf32, #tpu.memory_space<vmem>>, vector<16xf32>,
    %slice3A_2826 = vector.extract_strided_slice %convert_element_type3A_2708 {offsets = [9], sizes = [1], strides = [1]} : vector<16xf32> to vector<1xf32>
    %squeeze3A_2827 = vector.extract %slice3A_2826[0] : f32 from vector<1xf32>
    %lt3A_2828 = vector.broadcast %squeeze3A_2827 : f32 to vector<16xf32>
    %lt3A_2829 = arith.cmpf olt, %convert_element_type3A, %lt3A_2828 : vector<16xf32>
    %jit3A_2830 = arith.constant 1.000000e+00 : f32
    %jit3A_2831 = arith.constant 0.000000e+00 : f32
    %broadcast_in_dim3A_2832 = vector.broadcast %jit3A_2830 : f32 to vector<16xf32>
    %broadcast_in_dim3A_2833 = vector.broadcast %jit3A_2831 : f32 to vector<16xf32>
    %select_n3A_2834 = arith.select %lt3A_2829, %broadcast_in_dim3A_2832, %broadcast_in_dim3A_2833 : vector<16xi1>, vector<16xf32>
    %swap3A_2835 = arith.constant 2960 : index
    %swap3A_2836 = tpu.vector_load %arg5[%swap3A_2835] {strides = array<i32>} : memref<4096xf32, #tpu.memory_space<vmem>>, vector<16xf32>,
    %swap3A_2837 = vector.shape_cast %swap3A_2836 : vector<16xf32> to vector<16xf32>
    %swap3A_2838 = vector.shape_cast %select_n3A_2834 : vector<16xf32> to vector<16xf32>
    tpu.vector_store %arg5[%swap3A_2835], %swap3A_2838 {strides = array<i32>} : memref<4096xf32, #tpu.memory_space<vmem>>, vector<16xf32>,
    %slice3A_2839 = vector.extract_strided_slice %convert_element_type3A_2708 {offsets = [10], sizes = [1], strides = [1]} : vector<16xf32> to vector<1xf32>
    %squeeze3A_2840 = vector.extract %slice3A_2839[0] : f32 from vector<1xf32>
    %lt3A_2841 = vector.broadcast %squeeze3A_2840 : f32 to vector<16xf32>
    %lt3A_2842 = arith.cmpf olt, %convert_element_type3A, %lt3A_2841 : vector<16xf32>
    %jit3A_2843 = arith.constant 1.000000e+00 : f32
    %jit3A_2844 = arith.constant 0.000000e+00 : f32
    %broadcast_in_dim3A_2845 = vector.broadcast %jit3A_2843 : f32 to vector<16xf32>
    %broadcast_in_dim3A_2846 = vector.broadcast %jit3A_2844 : f32 to vector<16xf32>
    %select_n3A_2847 = arith.select %lt3A_2842, %broadcast_in_dim3A_2845, %broadcast_in_dim3A_2846 : vector<16xi1>, vector<16xf32>
    %swap3A_2848 = arith.constant 2976 : index
    %swap3A_2849 = tpu.vector_load %arg5[%swap3A_2848] {strides = array<i32>} : memref<4096xf32, #tpu.memory_space<vmem>>, vector<16xf32>,
    %swap3A_2850 = vector.shape_cast %swap3A_2849 : vector<16xf32> to vector<16xf32>
    %swap3A_2851 = vector.shape_cast %select_n3A_2847 : vector<16xf32> to vector<16xf32>
    tpu.vector_store %arg5[%swap3A_2848], %swap3A_2851 {strides = array<i32>} : memref<4096xf32, #tpu.memory_space<vmem>>, vector<16xf32>,
    %slice3A_2852 = vector.extract_strided_slice %convert_element_type3A_2708 {offsets = [11], sizes = [1], strides = [1]} : vector<16xf32> to vector<1xf32>
    %squeeze3A_2853 = vector.extract %slice3A_2852[0] : f32 from vector<1xf32>
    %lt3A_2854 = vector.broadcast %squeeze3A_2853 : f32 to vector<16xf32>
    %lt3A_2855 = arith.cmpf olt, %convert_element_type3A, %lt3A_2854 : vector<16xf32>
    %jit3A_2856 = arith.constant 1.000000e+00 : f32
    %jit3A_2857 = arith.constant 0.000000e+00 : f32
    %broadcast_in_dim3A_2858 = vector.broadcast %jit3A_2856 : f32 to vector<16xf32>
    %broadcast_in_dim3A_2859 = vector.broadcast %jit3A_2857 : f32 to vector<16xf32>
    %select_n3A_2860 = arith.select %lt3A_2855, %broadcast_in_dim3A_2858, %broadcast_in_dim3A_2859 : vector<16xi1>, vector<16xf32>
    %swap3A_2861 = arith.constant 2992 : index
    %swap3A_2862 = tpu.vector_load %arg5[%swap3A_2861] {strides = array<i32>} : memref<4096xf32, #tpu.memory_space<vmem>>, vector<16xf32>,
    %swap3A_2863 = vector.shape_cast %swap3A_2862 : vector<16xf32> to vector<16xf32>
    %swap3A_2864 = vector.shape_cast %select_n3A_2860 : vector<16xf32> to vector<16xf32>
    tpu.vector_store %arg5[%swap3A_2861], %swap3A_2864 {strides = array<i32>} : memref<4096xf32, #tpu.memory_space<vmem>>, vector<16xf32>,
    %slice3A_2865 = vector.extract_strided_slice %convert_element_type3A_2708 {offsets = [12], sizes = [1], strides = [1]} : vector<16xf32> to vector<1xf32>
    %squeeze3A_2866 = vector.extract %slice3A_2865[0] : f32 from vector<1xf32>
    %lt3A_2867 = vector.broadcast %squeeze3A_2866 : f32 to vector<16xf32>
    %lt3A_2868 = arith.cmpf olt, %convert_element_type3A, %lt3A_2867 : vector<16xf32>
    %jit3A_2869 = arith.constant 1.000000e+00 : f32
    %jit3A_2870 = arith.constant 0.000000e+00 : f32
    %broadcast_in_dim3A_2871 = vector.broadcast %jit3A_2869 : f32 to vector<16xf32>
    %broadcast_in_dim3A_2872 = vector.broadcast %jit3A_2870 : f32 to vector<16xf32>
    %select_n3A_2873 = arith.select %lt3A_2868, %broadcast_in_dim3A_2871, %broadcast_in_dim3A_2872 : vector<16xi1>, vector<16xf32>
    %swap3A_2874 = arith.constant 3008 : index
    %swap3A_2875 = tpu.vector_load %arg5[%swap3A_2874] {strides = array<i32>} : memref<4096xf32, #tpu.memory_space<vmem>>, vector<16xf32>,
    %swap3A_2876 = vector.shape_cast %swap3A_2875 : vector<16xf32> to vector<16xf32>
    %swap3A_2877 = vector.shape_cast %select_n3A_2873 : vector<16xf32> to vector<16xf32>
    tpu.vector_store %arg5[%swap3A_2874], %swap3A_2877 {strides = array<i32>} : memref<4096xf32, #tpu.memory_space<vmem>>, vector<16xf32>,
    %slice3A_2878 = vector.extract_strided_slice %convert_element_type3A_2708 {offsets = [13], sizes = [1], strides = [1]} : vector<16xf32> to vector<1xf32>
    %squeeze3A_2879 = vector.extract %slice3A_2878[0] : f32 from vector<1xf32>
    %lt3A_2880 = vector.broadcast %squeeze3A_2879 : f32 to vector<16xf32>
    %lt3A_2881 = arith.cmpf olt, %convert_element_type3A, %lt3A_2880 : vector<16xf32>
    %jit3A_2882 = arith.constant 1.000000e+00 : f32
    %jit3A_2883 = arith.constant 0.000000e+00 : f32
    %broadcast_in_dim3A_2884 = vector.broadcast %jit3A_2882 : f32 to vector<16xf32>
    %broadcast_in_dim3A_2885 = vector.broadcast %jit3A_2883 : f32 to vector<16xf32>
    %select_n3A_2886 = arith.select %lt3A_2881, %broadcast_in_dim3A_2884, %broadcast_in_dim3A_2885 : vector<16xi1>, vector<16xf32>
    %swap3A_2887 = arith.constant 3024 : index
    %swap3A_2888 = tpu.vector_load %arg5[%swap3A_2887] {strides = array<i32>} : memref<4096xf32, #tpu.memory_space<vmem>>, vector<16xf32>,
    %swap3A_2889 = vector.shape_cast %swap3A_2888 : vector<16xf32> to vector<16xf32>
    %swap3A_2890 = vector.shape_cast %select_n3A_2886 : vector<16xf32> to vector<16xf32>
    tpu.vector_store %arg5[%swap3A_2887], %swap3A_2890 {strides = array<i32>} : memref<4096xf32, #tpu.memory_space<vmem>>, vector<16xf32>,
    %slice3A_2891 = vector.extract_strided_slice %convert_element_type3A_2708 {offsets = [14], sizes = [1], strides = [1]} : vector<16xf32> to vector<1xf32>
    %squeeze3A_2892 = vector.extract %slice3A_2891[0] : f32 from vector<1xf32>
    %lt3A_2893 = vector.broadcast %squeeze3A_2892 : f32 to vector<16xf32>
    %lt3A_2894 = arith.cmpf olt, %convert_element_type3A, %lt3A_2893 : vector<16xf32>
    %jit3A_2895 = arith.constant 1.000000e+00 : f32
    %jit3A_2896 = arith.constant 0.000000e+00 : f32
    %broadcast_in_dim3A_2897 = vector.broadcast %jit3A_2895 : f32 to vector<16xf32>
    %broadcast_in_dim3A_2898 = vector.broadcast %jit3A_2896 : f32 to vector<16xf32>
    %select_n3A_2899 = arith.select %lt3A_2894, %broadcast_in_dim3A_2897, %broadcast_in_dim3A_2898 : vector<16xi1>, vector<16xf32>
    %swap3A_2900 = arith.constant 3040 : index
    %swap3A_2901 = tpu.vector_load %arg5[%swap3A_2900] {strides = array<i32>} : memref<4096xf32, #tpu.memory_space<vmem>>, vector<16xf32>,
    %swap3A_2902 = vector.shape_cast %swap3A_2901 : vector<16xf32> to vector<16xf32>
    %swap3A_2903 = vector.shape_cast %select_n3A_2899 : vector<16xf32> to vector<16xf32>
    tpu.vector_store %arg5[%swap3A_2900], %swap3A_2903 {strides = array<i32>} : memref<4096xf32, #tpu.memory_space<vmem>>, vector<16xf32>,
    %slice3A_2904 = vector.extract_strided_slice %convert_element_type3A_2708 {offsets = [15], sizes = [1], strides = [1]} : vector<16xf32> to vector<1xf32>
    %squeeze3A_2905 = vector.extract %slice3A_2904[0] : f32 from vector<1xf32>
    %lt3A_2906 = vector.broadcast %squeeze3A_2905 : f32 to vector<16xf32>
    %lt3A_2907 = arith.cmpf olt, %convert_element_type3A, %lt3A_2906 : vector<16xf32>
    %jit3A_2908 = arith.constant 1.000000e+00 : f32
    %jit3A_2909 = arith.constant 0.000000e+00 : f32
    %broadcast_in_dim3A_2910 = vector.broadcast %jit3A_2908 : f32 to vector<16xf32>
    %broadcast_in_dim3A_2911 = vector.broadcast %jit3A_2909 : f32 to vector<16xf32>
    %select_n3A_2912 = arith.select %lt3A_2907, %broadcast_in_dim3A_2910, %broadcast_in_dim3A_2911 : vector<16xi1>, vector<16xf32>
    %swap3A_2913 = arith.constant 3056 : index
    %swap3A_2914 = tpu.vector_load %arg5[%swap3A_2913] {strides = array<i32>} : memref<4096xf32, #tpu.memory_space<vmem>>, vector<16xf32>,
    %swap3A_2915 = vector.shape_cast %swap3A_2914 : vector<16xf32> to vector<16xf32>
    %swap3A_2916 = vector.shape_cast %select_n3A_2912 : vector<16xf32> to vector<16xf32>
    tpu.vector_store %arg5[%swap3A_2913], %swap3A_2916 {strides = array<i32>} : memref<4096xf32, #tpu.memory_space<vmem>>, vector<16xf32>,
    %add3A_2917 = arith.constant 128 : i32
    %add3A_2918 = arith.addi %mul3A_2, %add3A_2917 : i32
    %mul3A_2919 = arith.constant 16 : i32
    %mul3A_2920 = arith.muli %add3A_2918, %mul3A_2919 : i32
    %dma_start3A_2921 = arith.constant 2048 : i32
    %dma_start3A_2922 = tpu.memref_slice %arg5[%dma_start3A_2921] : memref<4096xf32, #tpu.memory_space<vmem>> -> memref<1024xf32, #tpu.memory_space<vmem>>
    %dma_start3A_2923 = tpu.memref_slice %arg3[%mul3A_2920] : memref<65536xf32, #tpu.memory_space<hbm>> -> memref<1024xf32, #tpu.memory_space<hbm>>
    %dma_start3A_2924 = tpu.memref_slice %arg3[%mul3A_2920] : memref<65536xf32, #tpu.memory_space<hbm>> -> memref<1024xf32, #tpu.memory_space<hbm>>
    %dma_start3A_2925 = arith.constant 2048 : i32
    %dma_start3A_2926 = tpu.memref_slice %arg5[%dma_start3A_2925] : memref<4096xf32, #tpu.memory_space<vmem>> -> memref<1024xf32, #tpu.memory_space<vmem>>
    tpu.enqueue_dma source(%dma_start3A_2926 : memref<1024xf32, #tpu.memory_space<vmem>>) target(%dma_start3A_2924 : memref<1024xf32, #tpu.memory_space<hbm>>) target_semaphore(%arg6 : memref<!tpu.dma_semaphore, #tpu.memory_space<semaphore_mem>>)
    %dma_wait3A_2927 = arith.constant 192 : i32
    %dma_wait3A_2928 = tpu.memref_slice %arg4[%dma_wait3A_2927] : memref<256xf32, #tpu.memory_space<vmem>> -> memref<64xf32, #tpu.memory_space<vmem>>
    %dma_wait3A_2929 = tpu.memref_slice %arg2[%add3A_27] : memref<4096xf32, #tpu.memory_space<hbm>> -> memref<64xf32, #tpu.memory_space<hbm>>
    %dma_wait3A_2930 = arith.constant 192 : i32
    %dma_wait3A_2931 = tpu.memref_slice %arg4[%dma_wait3A_2930] : memref<256xf32, #tpu.memory_space<vmem>> -> memref<64xf32, #tpu.memory_space<vmem>>
    %dma_wait3A_2932 = tpu.memref_slice %arg2[%add3A_27] : memref<4096xf32, #tpu.memory_space<hbm>> -> memref<64xf32, #tpu.memory_space<hbm>>
    tpu.wait_dma2 semaphore(%arg6 : memref<!tpu.dma_semaphore, #tpu.memory_space<semaphore_mem>>) src(%dma_wait3A_2932 : memref<64xf32, #tpu.memory_space<hbm>>) dst(%dma_wait3A_2931 : memref<64xf32, #tpu.memory_space<vmem>>)
    %get3A_2933 = arith.constant 192 : index
    %get3A_2934 = tpu.vector_load %arg4[%get3A_2933] {strides = array<i32>} : memref<256xf32, #tpu.memory_space<vmem>>, vector<16xf32>,
    %get3A_2935 = vector.shape_cast %get3A_2934 : vector<16xf32> to vector<16xf32>
    %mul3A_2936 = arith.constant 6.500000e+01 : f32
    %mul3A_2937 = vector.broadcast %mul3A_2936 : f32 to vector<16xf32>
    %mul3A_2938 = arith.mulf %get3A_2935, %mul3A_2937 : vector<16xf32>
    %convert_element_type3A_2939 = arith.fptosi %mul3A_2938 : vector<16xf32> to vector<16xi32>
    %min3A_2940 = arith.constant 64 : i32
    %min3A_2941 = vector.broadcast %min3A_2940 : i32 to vector<16xi32>
    %min3A_2942 = arith.minsi %convert_element_type3A_2939, %min3A_2941 : vector<16xi32>
    %mul3A_2943 = arith.constant 1.600000e+01 : f32
    %mul3A_2944 = vector.broadcast %mul3A_2943 : f32 to vector<16xf32>
    %mul3A_2945 = arith.mulf %get3A_2935, %mul3A_2944 : vector<16xf32>
    %convert_element_type3A_2946 = arith.fptosi %mul3A_2945 : vector<16xf32> to vector<16xi32>
    %convert_element_type3A_2947 = arith.sitofp %convert_element_type3A_2946 : vector<16xi32> to vector<16xf32>
    %lt3A_2948 = arith.cmpf olt, %convert_element_type3A_2947, %mul3A_2945 : vector<16xf32>
    %jit3A_2949 = arith.constant 1 : i32
    %jit3A_2950 = arith.constant 0 : i32
    %broadcast_in_dim3A_2951 = vector.broadcast %jit3A_2949 : i32 to vector<16xi32>
    %broadcast_in_dim3A_2952 = vector.broadcast %jit3A_2950 : i32 to vector<16xi32>
    %select_n3A_2953 = arith.select %lt3A_2948, %broadcast_in_dim3A_2951, %broadcast_in_dim3A_2952 : vector<16xi1>, vector<16xi32>
    %add3A_2954 = arith.addi %convert_element_type3A_2946, %select_n3A_2953 : vector<16xi32>
    %mul3A_2955 = arith.constant 4 : i32
    %mul3A_2956 = vector.broadcast %mul3A_2955 : i32 to vector<16xi32>
    %mul3A_2957 = arith.muli %mul3A_2956, %add3A_2954 : vector<16xi32>
    %min3A_2958 = arith.minsi %min3A_2942, %mul3A_2957 : vector<16xi32>
    %shift_right_arithmetic3A_2959 = arith.constant 2 : i32
    %shift_right_arithmetic3A_2960 = vector.broadcast %shift_right_arithmetic3A_2959 : i32 to vector<16xi32>
    %shift_right_arithmetic3A_2961 = arith.shrsi %min3A_2958, %shift_right_arithmetic3A_2960 : vector<16xi32>
    %convert_element_type3A_2962 = arith.sitofp %shift_right_arithmetic3A_2961 : vector<16xi32> to vector<16xf32>
    %slice3A_2963 = vector.extract_strided_slice %convert_element_type3A_2962 {offsets = [0], sizes = [1], strides = [1]} : vector<16xf32> to vector<1xf32>
    %squeeze3A_2964 = vector.extract %slice3A_2963[0] : f32 from vector<1xf32>
    %lt3A_2965 = vector.broadcast %squeeze3A_2964 : f32 to vector<16xf32>
    %lt3A_2966 = arith.cmpf olt, %convert_element_type3A, %lt3A_2965 : vector<16xf32>
    %jit3A_2967 = arith.constant 1.000000e+00 : f32
    %jit3A_2968 = arith.constant 0.000000e+00 : f32
    %broadcast_in_dim3A_2969 = vector.broadcast %jit3A_2967 : f32 to vector<16xf32>
    %broadcast_in_dim3A_2970 = vector.broadcast %jit3A_2968 : f32 to vector<16xf32>
    %select_n3A_2971 = arith.select %lt3A_2966, %broadcast_in_dim3A_2969, %broadcast_in_dim3A_2970 : vector<16xi1>, vector<16xf32>
    %swap3A_2972 = arith.constant 3072 : index
    %swap3A_2973 = tpu.vector_load %arg5[%swap3A_2972] {strides = array<i32>} : memref<4096xf32, #tpu.memory_space<vmem>>, vector<16xf32>,
    %swap3A_2974 = vector.shape_cast %swap3A_2973 : vector<16xf32> to vector<16xf32>
    %swap3A_2975 = vector.shape_cast %select_n3A_2971 : vector<16xf32> to vector<16xf32>
    tpu.vector_store %arg5[%swap3A_2972], %swap3A_2975 {strides = array<i32>} : memref<4096xf32, #tpu.memory_space<vmem>>, vector<16xf32>,
    %slice3A_2976 = vector.extract_strided_slice %convert_element_type3A_2962 {offsets = [1], sizes = [1], strides = [1]} : vector<16xf32> to vector<1xf32>
    %squeeze3A_2977 = vector.extract %slice3A_2976[0] : f32 from vector<1xf32>
    %lt3A_2978 = vector.broadcast %squeeze3A_2977 : f32 to vector<16xf32>
    %lt3A_2979 = arith.cmpf olt, %convert_element_type3A, %lt3A_2978 : vector<16xf32>
    %jit3A_2980 = arith.constant 1.000000e+00 : f32
    %jit3A_2981 = arith.constant 0.000000e+00 : f32
    %broadcast_in_dim3A_2982 = vector.broadcast %jit3A_2980 : f32 to vector<16xf32>
    %broadcast_in_dim3A_2983 = vector.broadcast %jit3A_2981 : f32 to vector<16xf32>
    %select_n3A_2984 = arith.select %lt3A_2979, %broadcast_in_dim3A_2982, %broadcast_in_dim3A_2983 : vector<16xi1>, vector<16xf32>
    %swap3A_2985 = arith.constant 3088 : index
    %swap3A_2986 = tpu.vector_load %arg5[%swap3A_2985] {strides = array<i32>} : memref<4096xf32, #tpu.memory_space<vmem>>, vector<16xf32>,
    %swap3A_2987 = vector.shape_cast %swap3A_2986 : vector<16xf32> to vector<16xf32>
    %swap3A_2988 = vector.shape_cast %select_n3A_2984 : vector<16xf32> to vector<16xf32>
    tpu.vector_store %arg5[%swap3A_2985], %swap3A_2988 {strides = array<i32>} : memref<4096xf32, #tpu.memory_space<vmem>>, vector<16xf32>,
    %slice3A_2989 = vector.extract_strided_slice %convert_element_type3A_2962 {offsets = [2], sizes = [1], strides = [1]} : vector<16xf32> to vector<1xf32>
    %squeeze3A_2990 = vector.extract %slice3A_2989[0] : f32 from vector<1xf32>
    %lt3A_2991 = vector.broadcast %squeeze3A_2990 : f32 to vector<16xf32>
    %lt3A_2992 = arith.cmpf olt, %convert_element_type3A, %lt3A_2991 : vector<16xf32>
    %jit3A_2993 = arith.constant 1.000000e+00 : f32
    %jit3A_2994 = arith.constant 0.000000e+00 : f32
    %broadcast_in_dim3A_2995 = vector.broadcast %jit3A_2993 : f32 to vector<16xf32>
    %broadcast_in_dim3A_2996 = vector.broadcast %jit3A_2994 : f32 to vector<16xf32>
    %select_n3A_2997 = arith.select %lt3A_2992, %broadcast_in_dim3A_2995, %broadcast_in_dim3A_2996 : vector<16xi1>, vector<16xf32>
    %swap3A_2998 = arith.constant 3104 : index
    %swap3A_2999 = tpu.vector_load %arg5[%swap3A_2998] {strides = array<i32>} : memref<4096xf32, #tpu.memory_space<vmem>>, vector<16xf32>,
    %swap3A_3000 = vector.shape_cast %swap3A_2999 : vector<16xf32> to vector<16xf32>
    %swap3A_3001 = vector.shape_cast %select_n3A_2997 : vector<16xf32> to vector<16xf32>
    tpu.vector_store %arg5[%swap3A_2998], %swap3A_3001 {strides = array<i32>} : memref<4096xf32, #tpu.memory_space<vmem>>, vector<16xf32>,
    %slice3A_3002 = vector.extract_strided_slice %convert_element_type3A_2962 {offsets = [3], sizes = [1], strides = [1]} : vector<16xf32> to vector<1xf32>
    %squeeze3A_3003 = vector.extract %slice3A_3002[0] : f32 from vector<1xf32>
    %lt3A_3004 = vector.broadcast %squeeze3A_3003 : f32 to vector<16xf32>
    %lt3A_3005 = arith.cmpf olt, %convert_element_type3A, %lt3A_3004 : vector<16xf32>
    %jit3A_3006 = arith.constant 1.000000e+00 : f32
    %jit3A_3007 = arith.constant 0.000000e+00 : f32
    %broadcast_in_dim3A_3008 = vector.broadcast %jit3A_3006 : f32 to vector<16xf32>
    %broadcast_in_dim3A_3009 = vector.broadcast %jit3A_3007 : f32 to vector<16xf32>
    %select_n3A_3010 = arith.select %lt3A_3005, %broadcast_in_dim3A_3008, %broadcast_in_dim3A_3009 : vector<16xi1>, vector<16xf32>
    %swap3A_3011 = arith.constant 3120 : index
    %swap3A_3012 = tpu.vector_load %arg5[%swap3A_3011] {strides = array<i32>} : memref<4096xf32, #tpu.memory_space<vmem>>, vector<16xf32>,
    %swap3A_3013 = vector.shape_cast %swap3A_3012 : vector<16xf32> to vector<16xf32>
    %swap3A_3014 = vector.shape_cast %select_n3A_3010 : vector<16xf32> to vector<16xf32>
    tpu.vector_store %arg5[%swap3A_3011], %swap3A_3014 {strides = array<i32>} : memref<4096xf32, #tpu.memory_space<vmem>>, vector<16xf32>,
    %slice3A_3015 = vector.extract_strided_slice %convert_element_type3A_2962 {offsets = [4], sizes = [1], strides = [1]} : vector<16xf32> to vector<1xf32>
    %squeeze3A_3016 = vector.extract %slice3A_3015[0] : f32 from vector<1xf32>
    %lt3A_3017 = vector.broadcast %squeeze3A_3016 : f32 to vector<16xf32>
    %lt3A_3018 = arith.cmpf olt, %convert_element_type3A, %lt3A_3017 : vector<16xf32>
    %jit3A_3019 = arith.constant 1.000000e+00 : f32
    %jit3A_3020 = arith.constant 0.000000e+00 : f32
    %broadcast_in_dim3A_3021 = vector.broadcast %jit3A_3019 : f32 to vector<16xf32>
    %broadcast_in_dim3A_3022 = vector.broadcast %jit3A_3020 : f32 to vector<16xf32>
    %select_n3A_3023 = arith.select %lt3A_3018, %broadcast_in_dim3A_3021, %broadcast_in_dim3A_3022 : vector<16xi1>, vector<16xf32>
    %swap3A_3024 = arith.constant 3136 : index
    %swap3A_3025 = tpu.vector_load %arg5[%swap3A_3024] {strides = array<i32>} : memref<4096xf32, #tpu.memory_space<vmem>>, vector<16xf32>,
    %swap3A_3026 = vector.shape_cast %swap3A_3025 : vector<16xf32> to vector<16xf32>
    %swap3A_3027 = vector.shape_cast %select_n3A_3023 : vector<16xf32> to vector<16xf32>
    tpu.vector_store %arg5[%swap3A_3024], %swap3A_3027 {strides = array<i32>} : memref<4096xf32, #tpu.memory_space<vmem>>, vector<16xf32>,
    %slice3A_3028 = vector.extract_strided_slice %convert_element_type3A_2962 {offsets = [5], sizes = [1], strides = [1]} : vector<16xf32> to vector<1xf32>
    %squeeze3A_3029 = vector.extract %slice3A_3028[0] : f32 from vector<1xf32>
    %lt3A_3030 = vector.broadcast %squeeze3A_3029 : f32 to vector<16xf32>
    %lt3A_3031 = arith.cmpf olt, %convert_element_type3A, %lt3A_3030 : vector<16xf32>
    %jit3A_3032 = arith.constant 1.000000e+00 : f32
    %jit3A_3033 = arith.constant 0.000000e+00 : f32
    %broadcast_in_dim3A_3034 = vector.broadcast %jit3A_3032 : f32 to vector<16xf32>
    %broadcast_in_dim3A_3035 = vector.broadcast %jit3A_3033 : f32 to vector<16xf32>
    %select_n3A_3036 = arith.select %lt3A_3031, %broadcast_in_dim3A_3034, %broadcast_in_dim3A_3035 : vector<16xi1>, vector<16xf32>
    %swap3A_3037 = arith.constant 3152 : index
    %swap3A_3038 = tpu.vector_load %arg5[%swap3A_3037] {strides = array<i32>} : memref<4096xf32, #tpu.memory_space<vmem>>, vector<16xf32>,
    %swap3A_3039 = vector.shape_cast %swap3A_3038 : vector<16xf32> to vector<16xf32>
    %swap3A_3040 = vector.shape_cast %select_n3A_3036 : vector<16xf32> to vector<16xf32>
    tpu.vector_store %arg5[%swap3A_3037], %swap3A_3040 {strides = array<i32>} : memref<4096xf32, #tpu.memory_space<vmem>>, vector<16xf32>,
    %slice3A_3041 = vector.extract_strided_slice %convert_element_type3A_2962 {offsets = [6], sizes = [1], strides = [1]} : vector<16xf32> to vector<1xf32>
    %squeeze3A_3042 = vector.extract %slice3A_3041[0] : f32 from vector<1xf32>
    %lt3A_3043 = vector.broadcast %squeeze3A_3042 : f32 to vector<16xf32>
    %lt3A_3044 = arith.cmpf olt, %convert_element_type3A, %lt3A_3043 : vector<16xf32>
    %jit3A_3045 = arith.constant 1.000000e+00 : f32
    %jit3A_3046 = arith.constant 0.000000e+00 : f32
    %broadcast_in_dim3A_3047 = vector.broadcast %jit3A_3045 : f32 to vector<16xf32>
    %broadcast_in_dim3A_3048 = vector.broadcast %jit3A_3046 : f32 to vector<16xf32>
    %select_n3A_3049 = arith.select %lt3A_3044, %broadcast_in_dim3A_3047, %broadcast_in_dim3A_3048 : vector<16xi1>, vector<16xf32>
    %swap3A_3050 = arith.constant 3168 : index
    %swap3A_3051 = tpu.vector_load %arg5[%swap3A_3050] {strides = array<i32>} : memref<4096xf32, #tpu.memory_space<vmem>>, vector<16xf32>,
    %swap3A_3052 = vector.shape_cast %swap3A_3051 : vector<16xf32> to vector<16xf32>
    %swap3A_3053 = vector.shape_cast %select_n3A_3049 : vector<16xf32> to vector<16xf32>
    tpu.vector_store %arg5[%swap3A_3050], %swap3A_3053 {strides = array<i32>} : memref<4096xf32, #tpu.memory_space<vmem>>, vector<16xf32>,
    %slice3A_3054 = vector.extract_strided_slice %convert_element_type3A_2962 {offsets = [7], sizes = [1], strides = [1]} : vector<16xf32> to vector<1xf32>
    %squeeze3A_3055 = vector.extract %slice3A_3054[0] : f32 from vector<1xf32>
    %lt3A_3056 = vector.broadcast %squeeze3A_3055 : f32 to vector<16xf32>
    %lt3A_3057 = arith.cmpf olt, %convert_element_type3A, %lt3A_3056 : vector<16xf32>
    %jit3A_3058 = arith.constant 1.000000e+00 : f32
    %jit3A_3059 = arith.constant 0.000000e+00 : f32
    %broadcast_in_dim3A_3060 = vector.broadcast %jit3A_3058 : f32 to vector<16xf32>
    %broadcast_in_dim3A_3061 = vector.broadcast %jit3A_3059 : f32 to vector<16xf32>
    %select_n3A_3062 = arith.select %lt3A_3057, %broadcast_in_dim3A_3060, %broadcast_in_dim3A_3061 : vector<16xi1>, vector<16xf32>
    %swap3A_3063 = arith.constant 3184 : index
    %swap3A_3064 = tpu.vector_load %arg5[%swap3A_3063] {strides = array<i32>} : memref<4096xf32, #tpu.memory_space<vmem>>, vector<16xf32>,
    %swap3A_3065 = vector.shape_cast %swap3A_3064 : vector<16xf32> to vector<16xf32>
    %swap3A_3066 = vector.shape_cast %select_n3A_3062 : vector<16xf32> to vector<16xf32>
    tpu.vector_store %arg5[%swap3A_3063], %swap3A_3066 {strides = array<i32>} : memref<4096xf32, #tpu.memory_space<vmem>>, vector<16xf32>,
    %slice3A_3067 = vector.extract_strided_slice %convert_element_type3A_2962 {offsets = [8], sizes = [1], strides = [1]} : vector<16xf32> to vector<1xf32>
    %squeeze3A_3068 = vector.extract %slice3A_3067[0] : f32 from vector<1xf32>
    %lt3A_3069 = vector.broadcast %squeeze3A_3068 : f32 to vector<16xf32>
    %lt3A_3070 = arith.cmpf olt, %convert_element_type3A, %lt3A_3069 : vector<16xf32>
    %jit3A_3071 = arith.constant 1.000000e+00 : f32
    %jit3A_3072 = arith.constant 0.000000e+00 : f32
    %broadcast_in_dim3A_3073 = vector.broadcast %jit3A_3071 : f32 to vector<16xf32>
    %broadcast_in_dim3A_3074 = vector.broadcast %jit3A_3072 : f32 to vector<16xf32>
    %select_n3A_3075 = arith.select %lt3A_3070, %broadcast_in_dim3A_3073, %broadcast_in_dim3A_3074 : vector<16xi1>, vector<16xf32>
    %swap3A_3076 = arith.constant 3200 : index
    %swap3A_3077 = tpu.vector_load %arg5[%swap3A_3076] {strides = array<i32>} : memref<4096xf32, #tpu.memory_space<vmem>>, vector<16xf32>,
    %swap3A_3078 = vector.shape_cast %swap3A_3077 : vector<16xf32> to vector<16xf32>
    %swap3A_3079 = vector.shape_cast %select_n3A_3075 : vector<16xf32> to vector<16xf32>
    tpu.vector_store %arg5[%swap3A_3076], %swap3A_3079 {strides = array<i32>} : memref<4096xf32, #tpu.memory_space<vmem>>, vector<16xf32>,
    %slice3A_3080 = vector.extract_strided_slice %convert_element_type3A_2962 {offsets = [9], sizes = [1], strides = [1]} : vector<16xf32> to vector<1xf32>
    %squeeze3A_3081 = vector.extract %slice3A_3080[0] : f32 from vector<1xf32>
    %lt3A_3082 = vector.broadcast %squeeze3A_3081 : f32 to vector<16xf32>
    %lt3A_3083 = arith.cmpf olt, %convert_element_type3A, %lt3A_3082 : vector<16xf32>
    %jit3A_3084 = arith.constant 1.000000e+00 : f32
    %jit3A_3085 = arith.constant 0.000000e+00 : f32
    %broadcast_in_dim3A_3086 = vector.broadcast %jit3A_3084 : f32 to vector<16xf32>
    %broadcast_in_dim3A_3087 = vector.broadcast %jit3A_3085 : f32 to vector<16xf32>
    %select_n3A_3088 = arith.select %lt3A_3083, %broadcast_in_dim3A_3086, %broadcast_in_dim3A_3087 : vector<16xi1>, vector<16xf32>
    %swap3A_3089 = arith.constant 3216 : index
    %swap3A_3090 = tpu.vector_load %arg5[%swap3A_3089] {strides = array<i32>} : memref<4096xf32, #tpu.memory_space<vmem>>, vector<16xf32>,
    %swap3A_3091 = vector.shape_cast %swap3A_3090 : vector<16xf32> to vector<16xf32>
    %swap3A_3092 = vector.shape_cast %select_n3A_3088 : vector<16xf32> to vector<16xf32>
    tpu.vector_store %arg5[%swap3A_3089], %swap3A_3092 {strides = array<i32>} : memref<4096xf32, #tpu.memory_space<vmem>>, vector<16xf32>,
    %slice3A_3093 = vector.extract_strided_slice %convert_element_type3A_2962 {offsets = [10], sizes = [1], strides = [1]} : vector<16xf32> to vector<1xf32>
    %squeeze3A_3094 = vector.extract %slice3A_3093[0] : f32 from vector<1xf32>
    %lt3A_3095 = vector.broadcast %squeeze3A_3094 : f32 to vector<16xf32>
    %lt3A_3096 = arith.cmpf olt, %convert_element_type3A, %lt3A_3095 : vector<16xf32>
    %jit3A_3097 = arith.constant 1.000000e+00 : f32
    %jit3A_3098 = arith.constant 0.000000e+00 : f32
    %broadcast_in_dim3A_3099 = vector.broadcast %jit3A_3097 : f32 to vector<16xf32>
    %broadcast_in_dim3A_3100 = vector.broadcast %jit3A_3098 : f32 to vector<16xf32>
    %select_n3A_3101 = arith.select %lt3A_3096, %broadcast_in_dim3A_3099, %broadcast_in_dim3A_3100 : vector<16xi1>, vector<16xf32>
    %swap3A_3102 = arith.constant 3232 : index
    %swap3A_3103 = tpu.vector_load %arg5[%swap3A_3102] {strides = array<i32>} : memref<4096xf32, #tpu.memory_space<vmem>>, vector<16xf32>,
    %swap3A_3104 = vector.shape_cast %swap3A_3103 : vector<16xf32> to vector<16xf32>
    %swap3A_3105 = vector.shape_cast %select_n3A_3101 : vector<16xf32> to vector<16xf32>
    tpu.vector_store %arg5[%swap3A_3102], %swap3A_3105 {strides = array<i32>} : memref<4096xf32, #tpu.memory_space<vmem>>, vector<16xf32>,
    %slice3A_3106 = vector.extract_strided_slice %convert_element_type3A_2962 {offsets = [11], sizes = [1], strides = [1]} : vector<16xf32> to vector<1xf32>
    %squeeze3A_3107 = vector.extract %slice3A_3106[0] : f32 from vector<1xf32>
    %lt3A_3108 = vector.broadcast %squeeze3A_3107 : f32 to vector<16xf32>
    %lt3A_3109 = arith.cmpf olt, %convert_element_type3A, %lt3A_3108 : vector<16xf32>
    %jit3A_3110 = arith.constant 1.000000e+00 : f32
    %jit3A_3111 = arith.constant 0.000000e+00 : f32
    %broadcast_in_dim3A_3112 = vector.broadcast %jit3A_3110 : f32 to vector<16xf32>
    %broadcast_in_dim3A_3113 = vector.broadcast %jit3A_3111 : f32 to vector<16xf32>
    %select_n3A_3114 = arith.select %lt3A_3109, %broadcast_in_dim3A_3112, %broadcast_in_dim3A_3113 : vector<16xi1>, vector<16xf32>
    %swap3A_3115 = arith.constant 3248 : index
    %swap3A_3116 = tpu.vector_load %arg5[%swap3A_3115] {strides = array<i32>} : memref<4096xf32, #tpu.memory_space<vmem>>, vector<16xf32>,
    %swap3A_3117 = vector.shape_cast %swap3A_3116 : vector<16xf32> to vector<16xf32>
    %swap3A_3118 = vector.shape_cast %select_n3A_3114 : vector<16xf32> to vector<16xf32>
    tpu.vector_store %arg5[%swap3A_3115], %swap3A_3118 {strides = array<i32>} : memref<4096xf32, #tpu.memory_space<vmem>>, vector<16xf32>,
    %slice3A_3119 = vector.extract_strided_slice %convert_element_type3A_2962 {offsets = [12], sizes = [1], strides = [1]} : vector<16xf32> to vector<1xf32>
    %squeeze3A_3120 = vector.extract %slice3A_3119[0] : f32 from vector<1xf32>
    %lt3A_3121 = vector.broadcast %squeeze3A_3120 : f32 to vector<16xf32>
    %lt3A_3122 = arith.cmpf olt, %convert_element_type3A, %lt3A_3121 : vector<16xf32>
    %jit3A_3123 = arith.constant 1.000000e+00 : f32
    %jit3A_3124 = arith.constant 0.000000e+00 : f32
    %broadcast_in_dim3A_3125 = vector.broadcast %jit3A_3123 : f32 to vector<16xf32>
    %broadcast_in_dim3A_3126 = vector.broadcast %jit3A_3124 : f32 to vector<16xf32>
    %select_n3A_3127 = arith.select %lt3A_3122, %broadcast_in_dim3A_3125, %broadcast_in_dim3A_3126 : vector<16xi1>, vector<16xf32>
    %swap3A_3128 = arith.constant 3264 : index
    %swap3A_3129 = tpu.vector_load %arg5[%swap3A_3128] {strides = array<i32>} : memref<4096xf32, #tpu.memory_space<vmem>>, vector<16xf32>,
    %swap3A_3130 = vector.shape_cast %swap3A_3129 : vector<16xf32> to vector<16xf32>
    %swap3A_3131 = vector.shape_cast %select_n3A_3127 : vector<16xf32> to vector<16xf32>
    tpu.vector_store %arg5[%swap3A_3128], %swap3A_3131 {strides = array<i32>} : memref<4096xf32, #tpu.memory_space<vmem>>, vector<16xf32>,
    %slice3A_3132 = vector.extract_strided_slice %convert_element_type3A_2962 {offsets = [13], sizes = [1], strides = [1]} : vector<16xf32> to vector<1xf32>
    %squeeze3A_3133 = vector.extract %slice3A_3132[0] : f32 from vector<1xf32>
    %lt3A_3134 = vector.broadcast %squeeze3A_3133 : f32 to vector<16xf32>
    %lt3A_3135 = arith.cmpf olt, %convert_element_type3A, %lt3A_3134 : vector<16xf32>
    %jit3A_3136 = arith.constant 1.000000e+00 : f32
    %jit3A_3137 = arith.constant 0.000000e+00 : f32
    %broadcast_in_dim3A_3138 = vector.broadcast %jit3A_3136 : f32 to vector<16xf32>
    %broadcast_in_dim3A_3139 = vector.broadcast %jit3A_3137 : f32 to vector<16xf32>
    %select_n3A_3140 = arith.select %lt3A_3135, %broadcast_in_dim3A_3138, %broadcast_in_dim3A_3139 : vector<16xi1>, vector<16xf32>
    %swap3A_3141 = arith.constant 3280 : index
    %swap3A_3142 = tpu.vector_load %arg5[%swap3A_3141] {strides = array<i32>} : memref<4096xf32, #tpu.memory_space<vmem>>, vector<16xf32>,
    %swap3A_3143 = vector.shape_cast %swap3A_3142 : vector<16xf32> to vector<16xf32>
    %swap3A_3144 = vector.shape_cast %select_n3A_3140 : vector<16xf32> to vector<16xf32>
    tpu.vector_store %arg5[%swap3A_3141], %swap3A_3144 {strides = array<i32>} : memref<4096xf32, #tpu.memory_space<vmem>>, vector<16xf32>,
    %slice3A_3145 = vector.extract_strided_slice %convert_element_type3A_2962 {offsets = [14], sizes = [1], strides = [1]} : vector<16xf32> to vector<1xf32>
    %squeeze3A_3146 = vector.extract %slice3A_3145[0] : f32 from vector<1xf32>
    %lt3A_3147 = vector.broadcast %squeeze3A_3146 : f32 to vector<16xf32>
    %lt3A_3148 = arith.cmpf olt, %convert_element_type3A, %lt3A_3147 : vector<16xf32>
    %jit3A_3149 = arith.constant 1.000000e+00 : f32
    %jit3A_3150 = arith.constant 0.000000e+00 : f32
    %broadcast_in_dim3A_3151 = vector.broadcast %jit3A_3149 : f32 to vector<16xf32>
    %broadcast_in_dim3A_3152 = vector.broadcast %jit3A_3150 : f32 to vector<16xf32>
    %select_n3A_3153 = arith.select %lt3A_3148, %broadcast_in_dim3A_3151, %broadcast_in_dim3A_3152 : vector<16xi1>, vector<16xf32>
    %swap3A_3154 = arith.constant 3296 : index
    %swap3A_3155 = tpu.vector_load %arg5[%swap3A_3154] {strides = array<i32>} : memref<4096xf32, #tpu.memory_space<vmem>>, vector<16xf32>,
    %swap3A_3156 = vector.shape_cast %swap3A_3155 : vector<16xf32> to vector<16xf32>
    %swap3A_3157 = vector.shape_cast %select_n3A_3153 : vector<16xf32> to vector<16xf32>
    tpu.vector_store %arg5[%swap3A_3154], %swap3A_3157 {strides = array<i32>} : memref<4096xf32, #tpu.memory_space<vmem>>, vector<16xf32>,
    %slice3A_3158 = vector.extract_strided_slice %convert_element_type3A_2962 {offsets = [15], sizes = [1], strides = [1]} : vector<16xf32> to vector<1xf32>
    %squeeze3A_3159 = vector.extract %slice3A_3158[0] : f32 from vector<1xf32>
    %lt3A_3160 = vector.broadcast %squeeze3A_3159 : f32 to vector<16xf32>
    %lt3A_3161 = arith.cmpf olt, %convert_element_type3A, %lt3A_3160 : vector<16xf32>
    %jit3A_3162 = arith.constant 1.000000e+00 : f32
    %jit3A_3163 = arith.constant 0.000000e+00 : f32
    %broadcast_in_dim3A_3164 = vector.broadcast %jit3A_3162 : f32 to vector<16xf32>
    %broadcast_in_dim3A_3165 = vector.broadcast %jit3A_3163 : f32 to vector<16xf32>
    %select_n3A_3166 = arith.select %lt3A_3161, %broadcast_in_dim3A_3164, %broadcast_in_dim3A_3165 : vector<16xi1>, vector<16xf32>
    %swap3A_3167 = arith.constant 3312 : index
    %swap3A_3168 = tpu.vector_load %arg5[%swap3A_3167] {strides = array<i32>} : memref<4096xf32, #tpu.memory_space<vmem>>, vector<16xf32>,
    %swap3A_3169 = vector.shape_cast %swap3A_3168 : vector<16xf32> to vector<16xf32>
    %swap3A_3170 = vector.shape_cast %select_n3A_3166 : vector<16xf32> to vector<16xf32>
    tpu.vector_store %arg5[%swap3A_3167], %swap3A_3170 {strides = array<i32>} : memref<4096xf32, #tpu.memory_space<vmem>>, vector<16xf32>,
    %get3A_3171 = arith.constant 208 : index
    %get3A_3172 = tpu.vector_load %arg4[%get3A_3171] {strides = array<i32>} : memref<256xf32, #tpu.memory_space<vmem>>, vector<16xf32>,
    %get3A_3173 = vector.shape_cast %get3A_3172 : vector<16xf32> to vector<16xf32>
    %mul3A_3174 = arith.constant 6.500000e+01 : f32
    %mul3A_3175 = vector.broadcast %mul3A_3174 : f32 to vector<16xf32>
    %mul3A_3176 = arith.mulf %get3A_3173, %mul3A_3175 : vector<16xf32>
    %convert_element_type3A_3177 = arith.fptosi %mul3A_3176 : vector<16xf32> to vector<16xi32>
    %min3A_3178 = arith.constant 64 : i32
    %min3A_3179 = vector.broadcast %min3A_3178 : i32 to vector<16xi32>
    %min3A_3180 = arith.minsi %convert_element_type3A_3177, %min3A_3179 : vector<16xi32>
    %mul3A_3181 = arith.constant 1.600000e+01 : f32
    %mul3A_3182 = vector.broadcast %mul3A_3181 : f32 to vector<16xf32>
    %mul3A_3183 = arith.mulf %get3A_3173, %mul3A_3182 : vector<16xf32>
    %convert_element_type3A_3184 = arith.fptosi %mul3A_3183 : vector<16xf32> to vector<16xi32>
    %convert_element_type3A_3185 = arith.sitofp %convert_element_type3A_3184 : vector<16xi32> to vector<16xf32>
    %lt3A_3186 = arith.cmpf olt, %convert_element_type3A_3185, %mul3A_3183 : vector<16xf32>
    %jit3A_3187 = arith.constant 1 : i32
    %jit3A_3188 = arith.constant 0 : i32
    %broadcast_in_dim3A_3189 = vector.broadcast %jit3A_3187 : i32 to vector<16xi32>
    %broadcast_in_dim3A_3190 = vector.broadcast %jit3A_3188 : i32 to vector<16xi32>
    %select_n3A_3191 = arith.select %lt3A_3186, %broadcast_in_dim3A_3189, %broadcast_in_dim3A_3190 : vector<16xi1>, vector<16xi32>
    %add3A_3192 = arith.addi %convert_element_type3A_3184, %select_n3A_3191 : vector<16xi32>
    %mul3A_3193 = arith.constant 4 : i32
    %mul3A_3194 = vector.broadcast %mul3A_3193 : i32 to vector<16xi32>
    %mul3A_3195 = arith.muli %mul3A_3194, %add3A_3192 : vector<16xi32>
    %min3A_3196 = arith.minsi %min3A_3180, %mul3A_3195 : vector<16xi32>
    %shift_right_arithmetic3A_3197 = arith.constant 2 : i32
    %shift_right_arithmetic3A_3198 = vector.broadcast %shift_right_arithmetic3A_3197 : i32 to vector<16xi32>
    %shift_right_arithmetic3A_3199 = arith.shrsi %min3A_3196, %shift_right_arithmetic3A_3198 : vector<16xi32>
    %convert_element_type3A_3200 = arith.sitofp %shift_right_arithmetic3A_3199 : vector<16xi32> to vector<16xf32>
    %slice3A_3201 = vector.extract_strided_slice %convert_element_type3A_3200 {offsets = [0], sizes = [1], strides = [1]} : vector<16xf32> to vector<1xf32>
    %squeeze3A_3202 = vector.extract %slice3A_3201[0] : f32 from vector<1xf32>
    %lt3A_3203 = vector.broadcast %squeeze3A_3202 : f32 to vector<16xf32>
    %lt3A_3204 = arith.cmpf olt, %convert_element_type3A, %lt3A_3203 : vector<16xf32>
    %jit3A_3205 = arith.constant 1.000000e+00 : f32
    %jit3A_3206 = arith.constant 0.000000e+00 : f32
    %broadcast_in_dim3A_3207 = vector.broadcast %jit3A_3205 : f32 to vector<16xf32>
    %broadcast_in_dim3A_3208 = vector.broadcast %jit3A_3206 : f32 to vector<16xf32>
    %select_n3A_3209 = arith.select %lt3A_3204, %broadcast_in_dim3A_3207, %broadcast_in_dim3A_3208 : vector<16xi1>, vector<16xf32>
    %swap3A_3210 = arith.constant 3328 : index
    %swap3A_3211 = tpu.vector_load %arg5[%swap3A_3210] {strides = array<i32>} : memref<4096xf32, #tpu.memory_space<vmem>>, vector<16xf32>,
    %swap3A_3212 = vector.shape_cast %swap3A_3211 : vector<16xf32> to vector<16xf32>
    %swap3A_3213 = vector.shape_cast %select_n3A_3209 : vector<16xf32> to vector<16xf32>
    tpu.vector_store %arg5[%swap3A_3210], %swap3A_3213 {strides = array<i32>} : memref<4096xf32, #tpu.memory_space<vmem>>, vector<16xf32>,
    %slice3A_3214 = vector.extract_strided_slice %convert_element_type3A_3200 {offsets = [1], sizes = [1], strides = [1]} : vector<16xf32> to vector<1xf32>
    %squeeze3A_3215 = vector.extract %slice3A_3214[0] : f32 from vector<1xf32>
    %lt3A_3216 = vector.broadcast %squeeze3A_3215 : f32 to vector<16xf32>
    %lt3A_3217 = arith.cmpf olt, %convert_element_type3A, %lt3A_3216 : vector<16xf32>
    %jit3A_3218 = arith.constant 1.000000e+00 : f32
    %jit3A_3219 = arith.constant 0.000000e+00 : f32
    %broadcast_in_dim3A_3220 = vector.broadcast %jit3A_3218 : f32 to vector<16xf32>
    %broadcast_in_dim3A_3221 = vector.broadcast %jit3A_3219 : f32 to vector<16xf32>
    %select_n3A_3222 = arith.select %lt3A_3217, %broadcast_in_dim3A_3220, %broadcast_in_dim3A_3221 : vector<16xi1>, vector<16xf32>
    %swap3A_3223 = arith.constant 3344 : index
    %swap3A_3224 = tpu.vector_load %arg5[%swap3A_3223] {strides = array<i32>} : memref<4096xf32, #tpu.memory_space<vmem>>, vector<16xf32>,
    %swap3A_3225 = vector.shape_cast %swap3A_3224 : vector<16xf32> to vector<16xf32>
    %swap3A_3226 = vector.shape_cast %select_n3A_3222 : vector<16xf32> to vector<16xf32>
    tpu.vector_store %arg5[%swap3A_3223], %swap3A_3226 {strides = array<i32>} : memref<4096xf32, #tpu.memory_space<vmem>>, vector<16xf32>,
    %slice3A_3227 = vector.extract_strided_slice %convert_element_type3A_3200 {offsets = [2], sizes = [1], strides = [1]} : vector<16xf32> to vector<1xf32>
    %squeeze3A_3228 = vector.extract %slice3A_3227[0] : f32 from vector<1xf32>
    %lt3A_3229 = vector.broadcast %squeeze3A_3228 : f32 to vector<16xf32>
    %lt3A_3230 = arith.cmpf olt, %convert_element_type3A, %lt3A_3229 : vector<16xf32>
    %jit3A_3231 = arith.constant 1.000000e+00 : f32
    %jit3A_3232 = arith.constant 0.000000e+00 : f32
    %broadcast_in_dim3A_3233 = vector.broadcast %jit3A_3231 : f32 to vector<16xf32>
    %broadcast_in_dim3A_3234 = vector.broadcast %jit3A_3232 : f32 to vector<16xf32>
    %select_n3A_3235 = arith.select %lt3A_3230, %broadcast_in_dim3A_3233, %broadcast_in_dim3A_3234 : vector<16xi1>, vector<16xf32>
    %swap3A_3236 = arith.constant 3360 : index
    %swap3A_3237 = tpu.vector_load %arg5[%swap3A_3236] {strides = array<i32>} : memref<4096xf32, #tpu.memory_space<vmem>>, vector<16xf32>,
    %swap3A_3238 = vector.shape_cast %swap3A_3237 : vector<16xf32> to vector<16xf32>
    %swap3A_3239 = vector.shape_cast %select_n3A_3235 : vector<16xf32> to vector<16xf32>
    tpu.vector_store %arg5[%swap3A_3236], %swap3A_3239 {strides = array<i32>} : memref<4096xf32, #tpu.memory_space<vmem>>, vector<16xf32>,
    %slice3A_3240 = vector.extract_strided_slice %convert_element_type3A_3200 {offsets = [3], sizes = [1], strides = [1]} : vector<16xf32> to vector<1xf32>
    %squeeze3A_3241 = vector.extract %slice3A_3240[0] : f32 from vector<1xf32>
    %lt3A_3242 = vector.broadcast %squeeze3A_3241 : f32 to vector<16xf32>
    %lt3A_3243 = arith.cmpf olt, %convert_element_type3A, %lt3A_3242 : vector<16xf32>
    %jit3A_3244 = arith.constant 1.000000e+00 : f32
    %jit3A_3245 = arith.constant 0.000000e+00 : f32
    %broadcast_in_dim3A_3246 = vector.broadcast %jit3A_3244 : f32 to vector<16xf32>
    %broadcast_in_dim3A_3247 = vector.broadcast %jit3A_3245 : f32 to vector<16xf32>
    %select_n3A_3248 = arith.select %lt3A_3243, %broadcast_in_dim3A_3246, %broadcast_in_dim3A_3247 : vector<16xi1>, vector<16xf32>
    %swap3A_3249 = arith.constant 3376 : index
    %swap3A_3250 = tpu.vector_load %arg5[%swap3A_3249] {strides = array<i32>} : memref<4096xf32, #tpu.memory_space<vmem>>, vector<16xf32>,
    %swap3A_3251 = vector.shape_cast %swap3A_3250 : vector<16xf32> to vector<16xf32>
    %swap3A_3252 = vector.shape_cast %select_n3A_3248 : vector<16xf32> to vector<16xf32>
    tpu.vector_store %arg5[%swap3A_3249], %swap3A_3252 {strides = array<i32>} : memref<4096xf32, #tpu.memory_space<vmem>>, vector<16xf32>,
    %slice3A_3253 = vector.extract_strided_slice %convert_element_type3A_3200 {offsets = [4], sizes = [1], strides = [1]} : vector<16xf32> to vector<1xf32>
    %squeeze3A_3254 = vector.extract %slice3A_3253[0] : f32 from vector<1xf32>
    %lt3A_3255 = vector.broadcast %squeeze3A_3254 : f32 to vector<16xf32>
    %lt3A_3256 = arith.cmpf olt, %convert_element_type3A, %lt3A_3255 : vector<16xf32>
    %jit3A_3257 = arith.constant 1.000000e+00 : f32
    %jit3A_3258 = arith.constant 0.000000e+00 : f32
    %broadcast_in_dim3A_3259 = vector.broadcast %jit3A_3257 : f32 to vector<16xf32>
    %broadcast_in_dim3A_3260 = vector.broadcast %jit3A_3258 : f32 to vector<16xf32>
    %select_n3A_3261 = arith.select %lt3A_3256, %broadcast_in_dim3A_3259, %broadcast_in_dim3A_3260 : vector<16xi1>, vector<16xf32>
    %swap3A_3262 = arith.constant 3392 : index
    %swap3A_3263 = tpu.vector_load %arg5[%swap3A_3262] {strides = array<i32>} : memref<4096xf32, #tpu.memory_space<vmem>>, vector<16xf32>,
    %swap3A_3264 = vector.shape_cast %swap3A_3263 : vector<16xf32> to vector<16xf32>
    %swap3A_3265 = vector.shape_cast %select_n3A_3261 : vector<16xf32> to vector<16xf32>
    tpu.vector_store %arg5[%swap3A_3262], %swap3A_3265 {strides = array<i32>} : memref<4096xf32, #tpu.memory_space<vmem>>, vector<16xf32>,
    %slice3A_3266 = vector.extract_strided_slice %convert_element_type3A_3200 {offsets = [5], sizes = [1], strides = [1]} : vector<16xf32> to vector<1xf32>
    %squeeze3A_3267 = vector.extract %slice3A_3266[0] : f32 from vector<1xf32>
    %lt3A_3268 = vector.broadcast %squeeze3A_3267 : f32 to vector<16xf32>
    %lt3A_3269 = arith.cmpf olt, %convert_element_type3A, %lt3A_3268 : vector<16xf32>
    %jit3A_3270 = arith.constant 1.000000e+00 : f32
    %jit3A_3271 = arith.constant 0.000000e+00 : f32
    %broadcast_in_dim3A_3272 = vector.broadcast %jit3A_3270 : f32 to vector<16xf32>
    %broadcast_in_dim3A_3273 = vector.broadcast %jit3A_3271 : f32 to vector<16xf32>
    %select_n3A_3274 = arith.select %lt3A_3269, %broadcast_in_dim3A_3272, %broadcast_in_dim3A_3273 : vector<16xi1>, vector<16xf32>
    %swap3A_3275 = arith.constant 3408 : index
    %swap3A_3276 = tpu.vector_load %arg5[%swap3A_3275] {strides = array<i32>} : memref<4096xf32, #tpu.memory_space<vmem>>, vector<16xf32>,
    %swap3A_3277 = vector.shape_cast %swap3A_3276 : vector<16xf32> to vector<16xf32>
    %swap3A_3278 = vector.shape_cast %select_n3A_3274 : vector<16xf32> to vector<16xf32>
    tpu.vector_store %arg5[%swap3A_3275], %swap3A_3278 {strides = array<i32>} : memref<4096xf32, #tpu.memory_space<vmem>>, vector<16xf32>,
    %slice3A_3279 = vector.extract_strided_slice %convert_element_type3A_3200 {offsets = [6], sizes = [1], strides = [1]} : vector<16xf32> to vector<1xf32>
    %squeeze3A_3280 = vector.extract %slice3A_3279[0] : f32 from vector<1xf32>
    %lt3A_3281 = vector.broadcast %squeeze3A_3280 : f32 to vector<16xf32>
    %lt3A_3282 = arith.cmpf olt, %convert_element_type3A, %lt3A_3281 : vector<16xf32>
    %jit3A_3283 = arith.constant 1.000000e+00 : f32
    %jit3A_3284 = arith.constant 0.000000e+00 : f32
    %broadcast_in_dim3A_3285 = vector.broadcast %jit3A_3283 : f32 to vector<16xf32>
    %broadcast_in_dim3A_3286 = vector.broadcast %jit3A_3284 : f32 to vector<16xf32>
    %select_n3A_3287 = arith.select %lt3A_3282, %broadcast_in_dim3A_3285, %broadcast_in_dim3A_3286 : vector<16xi1>, vector<16xf32>
    %swap3A_3288 = arith.constant 3424 : index
    %swap3A_3289 = tpu.vector_load %arg5[%swap3A_3288] {strides = array<i32>} : memref<4096xf32, #tpu.memory_space<vmem>>, vector<16xf32>,
    %swap3A_3290 = vector.shape_cast %swap3A_3289 : vector<16xf32> to vector<16xf32>
    %swap3A_3291 = vector.shape_cast %select_n3A_3287 : vector<16xf32> to vector<16xf32>
    tpu.vector_store %arg5[%swap3A_3288], %swap3A_3291 {strides = array<i32>} : memref<4096xf32, #tpu.memory_space<vmem>>, vector<16xf32>,
    %slice3A_3292 = vector.extract_strided_slice %convert_element_type3A_3200 {offsets = [7], sizes = [1], strides = [1]} : vector<16xf32> to vector<1xf32>
    %squeeze3A_3293 = vector.extract %slice3A_3292[0] : f32 from vector<1xf32>
    %lt3A_3294 = vector.broadcast %squeeze3A_3293 : f32 to vector<16xf32>
    %lt3A_3295 = arith.cmpf olt, %convert_element_type3A, %lt3A_3294 : vector<16xf32>
    %jit3A_3296 = arith.constant 1.000000e+00 : f32
    %jit3A_3297 = arith.constant 0.000000e+00 : f32
    %broadcast_in_dim3A_3298 = vector.broadcast %jit3A_3296 : f32 to vector<16xf32>
    %broadcast_in_dim3A_3299 = vector.broadcast %jit3A_3297 : f32 to vector<16xf32>
    %select_n3A_3300 = arith.select %lt3A_3295, %broadcast_in_dim3A_3298, %broadcast_in_dim3A_3299 : vector<16xi1>, vector<16xf32>
    %swap3A_3301 = arith.constant 3440 : index
    %swap3A_3302 = tpu.vector_load %arg5[%swap3A_3301] {strides = array<i32>} : memref<4096xf32, #tpu.memory_space<vmem>>, vector<16xf32>,
    %swap3A_3303 = vector.shape_cast %swap3A_3302 : vector<16xf32> to vector<16xf32>
    %swap3A_3304 = vector.shape_cast %select_n3A_3300 : vector<16xf32> to vector<16xf32>
    tpu.vector_store %arg5[%swap3A_3301], %swap3A_3304 {strides = array<i32>} : memref<4096xf32, #tpu.memory_space<vmem>>, vector<16xf32>,
    %slice3A_3305 = vector.extract_strided_slice %convert_element_type3A_3200 {offsets = [8], sizes = [1], strides = [1]} : vector<16xf32> to vector<1xf32>
    %squeeze3A_3306 = vector.extract %slice3A_3305[0] : f32 from vector<1xf32>
    %lt3A_3307 = vector.broadcast %squeeze3A_3306 : f32 to vector<16xf32>
    %lt3A_3308 = arith.cmpf olt, %convert_element_type3A, %lt3A_3307 : vector<16xf32>
    %jit3A_3309 = arith.constant 1.000000e+00 : f32
    %jit3A_3310 = arith.constant 0.000000e+00 : f32
    %broadcast_in_dim3A_3311 = vector.broadcast %jit3A_3309 : f32 to vector<16xf32>
    %broadcast_in_dim3A_3312 = vector.broadcast %jit3A_3310 : f32 to vector<16xf32>
    %select_n3A_3313 = arith.select %lt3A_3308, %broadcast_in_dim3A_3311, %broadcast_in_dim3A_3312 : vector<16xi1>, vector<16xf32>
    %swap3A_3314 = arith.constant 3456 : index
    %swap3A_3315 = tpu.vector_load %arg5[%swap3A_3314] {strides = array<i32>} : memref<4096xf32, #tpu.memory_space<vmem>>, vector<16xf32>,
    %swap3A_3316 = vector.shape_cast %swap3A_3315 : vector<16xf32> to vector<16xf32>
    %swap3A_3317 = vector.shape_cast %select_n3A_3313 : vector<16xf32> to vector<16xf32>
    tpu.vector_store %arg5[%swap3A_3314], %swap3A_3317 {strides = array<i32>} : memref<4096xf32, #tpu.memory_space<vmem>>, vector<16xf32>,
    %slice3A_3318 = vector.extract_strided_slice %convert_element_type3A_3200 {offsets = [9], sizes = [1], strides = [1]} : vector<16xf32> to vector<1xf32>
    %squeeze3A_3319 = vector.extract %slice3A_3318[0] : f32 from vector<1xf32>
    %lt3A_3320 = vector.broadcast %squeeze3A_3319 : f32 to vector<16xf32>
    %lt3A_3321 = arith.cmpf olt, %convert_element_type3A, %lt3A_3320 : vector<16xf32>
    %jit3A_3322 = arith.constant 1.000000e+00 : f32
    %jit3A_3323 = arith.constant 0.000000e+00 : f32
    %broadcast_in_dim3A_3324 = vector.broadcast %jit3A_3322 : f32 to vector<16xf32>
    %broadcast_in_dim3A_3325 = vector.broadcast %jit3A_3323 : f32 to vector<16xf32>
    %select_n3A_3326 = arith.select %lt3A_3321, %broadcast_in_dim3A_3324, %broadcast_in_dim3A_3325 : vector<16xi1>, vector<16xf32>
    %swap3A_3327 = arith.constant 3472 : index
    %swap3A_3328 = tpu.vector_load %arg5[%swap3A_3327] {strides = array<i32>} : memref<4096xf32, #tpu.memory_space<vmem>>, vector<16xf32>,
    %swap3A_3329 = vector.shape_cast %swap3A_3328 : vector<16xf32> to vector<16xf32>
    %swap3A_3330 = vector.shape_cast %select_n3A_3326 : vector<16xf32> to vector<16xf32>
    tpu.vector_store %arg5[%swap3A_3327], %swap3A_3330 {strides = array<i32>} : memref<4096xf32, #tpu.memory_space<vmem>>, vector<16xf32>,
    %slice3A_3331 = vector.extract_strided_slice %convert_element_type3A_3200 {offsets = [10], sizes = [1], strides = [1]} : vector<16xf32> to vector<1xf32>
    %squeeze3A_3332 = vector.extract %slice3A_3331[0] : f32 from vector<1xf32>
    %lt3A_3333 = vector.broadcast %squeeze3A_3332 : f32 to vector<16xf32>
    %lt3A_3334 = arith.cmpf olt, %convert_element_type3A, %lt3A_3333 : vector<16xf32>
    %jit3A_3335 = arith.constant 1.000000e+00 : f32
    %jit3A_3336 = arith.constant 0.000000e+00 : f32
    %broadcast_in_dim3A_3337 = vector.broadcast %jit3A_3335 : f32 to vector<16xf32>
    %broadcast_in_dim3A_3338 = vector.broadcast %jit3A_3336 : f32 to vector<16xf32>
    %select_n3A_3339 = arith.select %lt3A_3334, %broadcast_in_dim3A_3337, %broadcast_in_dim3A_3338 : vector<16xi1>, vector<16xf32>
    %swap3A_3340 = arith.constant 3488 : index
    %swap3A_3341 = tpu.vector_load %arg5[%swap3A_3340] {strides = array<i32>} : memref<4096xf32, #tpu.memory_space<vmem>>, vector<16xf32>,
    %swap3A_3342 = vector.shape_cast %swap3A_3341 : vector<16xf32> to vector<16xf32>
    %swap3A_3343 = vector.shape_cast %select_n3A_3339 : vector<16xf32> to vector<16xf32>
    tpu.vector_store %arg5[%swap3A_3340], %swap3A_3343 {strides = array<i32>} : memref<4096xf32, #tpu.memory_space<vmem>>, vector<16xf32>,
    %slice3A_3344 = vector.extract_strided_slice %convert_element_type3A_3200 {offsets = [11], sizes = [1], strides = [1]} : vector<16xf32> to vector<1xf32>
    %squeeze3A_3345 = vector.extract %slice3A_3344[0] : f32 from vector<1xf32>
    %lt3A_3346 = vector.broadcast %squeeze3A_3345 : f32 to vector<16xf32>
    %lt3A_3347 = arith.cmpf olt, %convert_element_type3A, %lt3A_3346 : vector<16xf32>
    %jit3A_3348 = arith.constant 1.000000e+00 : f32
    %jit3A_3349 = arith.constant 0.000000e+00 : f32
    %broadcast_in_dim3A_3350 = vector.broadcast %jit3A_3348 : f32 to vector<16xf32>
    %broadcast_in_dim3A_3351 = vector.broadcast %jit3A_3349 : f32 to vector<16xf32>
    %select_n3A_3352 = arith.select %lt3A_3347, %broadcast_in_dim3A_3350, %broadcast_in_dim3A_3351 : vector<16xi1>, vector<16xf32>
    %swap3A_3353 = arith.constant 3504 : index
    %swap3A_3354 = tpu.vector_load %arg5[%swap3A_3353] {strides = array<i32>} : memref<4096xf32, #tpu.memory_space<vmem>>, vector<16xf32>,
    %swap3A_3355 = vector.shape_cast %swap3A_3354 : vector<16xf32> to vector<16xf32>
    %swap3A_3356 = vector.shape_cast %select_n3A_3352 : vector<16xf32> to vector<16xf32>
    tpu.vector_store %arg5[%swap3A_3353], %swap3A_3356 {strides = array<i32>} : memref<4096xf32, #tpu.memory_space<vmem>>, vector<16xf32>,
    %slice3A_3357 = vector.extract_strided_slice %convert_element_type3A_3200 {offsets = [12], sizes = [1], strides = [1]} : vector<16xf32> to vector<1xf32>
    %squeeze3A_3358 = vector.extract %slice3A_3357[0] : f32 from vector<1xf32>
    %lt3A_3359 = vector.broadcast %squeeze3A_3358 : f32 to vector<16xf32>
    %lt3A_3360 = arith.cmpf olt, %convert_element_type3A, %lt3A_3359 : vector<16xf32>
    %jit3A_3361 = arith.constant 1.000000e+00 : f32
    %jit3A_3362 = arith.constant 0.000000e+00 : f32
    %broadcast_in_dim3A_3363 = vector.broadcast %jit3A_3361 : f32 to vector<16xf32>
    %broadcast_in_dim3A_3364 = vector.broadcast %jit3A_3362 : f32 to vector<16xf32>
    %select_n3A_3365 = arith.select %lt3A_3360, %broadcast_in_dim3A_3363, %broadcast_in_dim3A_3364 : vector<16xi1>, vector<16xf32>
    %swap3A_3366 = arith.constant 3520 : index
    %swap3A_3367 = tpu.vector_load %arg5[%swap3A_3366] {strides = array<i32>} : memref<4096xf32, #tpu.memory_space<vmem>>, vector<16xf32>,
    %swap3A_3368 = vector.shape_cast %swap3A_3367 : vector<16xf32> to vector<16xf32>
    %swap3A_3369 = vector.shape_cast %select_n3A_3365 : vector<16xf32> to vector<16xf32>
    tpu.vector_store %arg5[%swap3A_3366], %swap3A_3369 {strides = array<i32>} : memref<4096xf32, #tpu.memory_space<vmem>>, vector<16xf32>,
    %slice3A_3370 = vector.extract_strided_slice %convert_element_type3A_3200 {offsets = [13], sizes = [1], strides = [1]} : vector<16xf32> to vector<1xf32>
    %squeeze3A_3371 = vector.extract %slice3A_3370[0] : f32 from vector<1xf32>
    %lt3A_3372 = vector.broadcast %squeeze3A_3371 : f32 to vector<16xf32>
    %lt3A_3373 = arith.cmpf olt, %convert_element_type3A, %lt3A_3372 : vector<16xf32>
    %jit3A_3374 = arith.constant 1.000000e+00 : f32
    %jit3A_3375 = arith.constant 0.000000e+00 : f32
    %broadcast_in_dim3A_3376 = vector.broadcast %jit3A_3374 : f32 to vector<16xf32>
    %broadcast_in_dim3A_3377 = vector.broadcast %jit3A_3375 : f32 to vector<16xf32>
    %select_n3A_3378 = arith.select %lt3A_3373, %broadcast_in_dim3A_3376, %broadcast_in_dim3A_3377 : vector<16xi1>, vector<16xf32>
    %swap3A_3379 = arith.constant 3536 : index
    %swap3A_3380 = tpu.vector_load %arg5[%swap3A_3379] {strides = array<i32>} : memref<4096xf32, #tpu.memory_space<vmem>>, vector<16xf32>,
    %swap3A_3381 = vector.shape_cast %swap3A_3380 : vector<16xf32> to vector<16xf32>
    %swap3A_3382 = vector.shape_cast %select_n3A_3378 : vector<16xf32> to vector<16xf32>
    tpu.vector_store %arg5[%swap3A_3379], %swap3A_3382 {strides = array<i32>} : memref<4096xf32, #tpu.memory_space<vmem>>, vector<16xf32>,
    %slice3A_3383 = vector.extract_strided_slice %convert_element_type3A_3200 {offsets = [14], sizes = [1], strides = [1]} : vector<16xf32> to vector<1xf32>
    %squeeze3A_3384 = vector.extract %slice3A_3383[0] : f32 from vector<1xf32>
    %lt3A_3385 = vector.broadcast %squeeze3A_3384 : f32 to vector<16xf32>
    %lt3A_3386 = arith.cmpf olt, %convert_element_type3A, %lt3A_3385 : vector<16xf32>
    %jit3A_3387 = arith.constant 1.000000e+00 : f32
    %jit3A_3388 = arith.constant 0.000000e+00 : f32
    %broadcast_in_dim3A_3389 = vector.broadcast %jit3A_3387 : f32 to vector<16xf32>
    %broadcast_in_dim3A_3390 = vector.broadcast %jit3A_3388 : f32 to vector<16xf32>
    %select_n3A_3391 = arith.select %lt3A_3386, %broadcast_in_dim3A_3389, %broadcast_in_dim3A_3390 : vector<16xi1>, vector<16xf32>
    %swap3A_3392 = arith.constant 3552 : index
    %swap3A_3393 = tpu.vector_load %arg5[%swap3A_3392] {strides = array<i32>} : memref<4096xf32, #tpu.memory_space<vmem>>, vector<16xf32>,
    %swap3A_3394 = vector.shape_cast %swap3A_3393 : vector<16xf32> to vector<16xf32>
    %swap3A_3395 = vector.shape_cast %select_n3A_3391 : vector<16xf32> to vector<16xf32>
    tpu.vector_store %arg5[%swap3A_3392], %swap3A_3395 {strides = array<i32>} : memref<4096xf32, #tpu.memory_space<vmem>>, vector<16xf32>,
    %slice3A_3396 = vector.extract_strided_slice %convert_element_type3A_3200 {offsets = [15], sizes = [1], strides = [1]} : vector<16xf32> to vector<1xf32>
    %squeeze3A_3397 = vector.extract %slice3A_3396[0] : f32 from vector<1xf32>
    %lt3A_3398 = vector.broadcast %squeeze3A_3397 : f32 to vector<16xf32>
    %lt3A_3399 = arith.cmpf olt, %convert_element_type3A, %lt3A_3398 : vector<16xf32>
    %jit3A_3400 = arith.constant 1.000000e+00 : f32
    %jit3A_3401 = arith.constant 0.000000e+00 : f32
    %broadcast_in_dim3A_3402 = vector.broadcast %jit3A_3400 : f32 to vector<16xf32>
    %broadcast_in_dim3A_3403 = vector.broadcast %jit3A_3401 : f32 to vector<16xf32>
    %select_n3A_3404 = arith.select %lt3A_3399, %broadcast_in_dim3A_3402, %broadcast_in_dim3A_3403 : vector<16xi1>, vector<16xf32>
    %swap3A_3405 = arith.constant 3568 : index
    %swap3A_3406 = tpu.vector_load %arg5[%swap3A_3405] {strides = array<i32>} : memref<4096xf32, #tpu.memory_space<vmem>>, vector<16xf32>,
    %swap3A_3407 = vector.shape_cast %swap3A_3406 : vector<16xf32> to vector<16xf32>
    %swap3A_3408 = vector.shape_cast %select_n3A_3404 : vector<16xf32> to vector<16xf32>
    tpu.vector_store %arg5[%swap3A_3405], %swap3A_3408 {strides = array<i32>} : memref<4096xf32, #tpu.memory_space<vmem>>, vector<16xf32>,
    %get3A_3409 = arith.constant 224 : index
    %get3A_3410 = tpu.vector_load %arg4[%get3A_3409] {strides = array<i32>} : memref<256xf32, #tpu.memory_space<vmem>>, vector<16xf32>,
    %get3A_3411 = vector.shape_cast %get3A_3410 : vector<16xf32> to vector<16xf32>
    %mul3A_3412 = arith.constant 6.500000e+01 : f32
    %mul3A_3413 = vector.broadcast %mul3A_3412 : f32 to vector<16xf32>
    %mul3A_3414 = arith.mulf %get3A_3411, %mul3A_3413 : vector<16xf32>
    %convert_element_type3A_3415 = arith.fptosi %mul3A_3414 : vector<16xf32> to vector<16xi32>
    %min3A_3416 = arith.constant 64 : i32
    %min3A_3417 = vector.broadcast %min3A_3416 : i32 to vector<16xi32>
    %min3A_3418 = arith.minsi %convert_element_type3A_3415, %min3A_3417 : vector<16xi32>
    %mul3A_3419 = arith.constant 1.600000e+01 : f32
    %mul3A_3420 = vector.broadcast %mul3A_3419 : f32 to vector<16xf32>
    %mul3A_3421 = arith.mulf %get3A_3411, %mul3A_3420 : vector<16xf32>
    %convert_element_type3A_3422 = arith.fptosi %mul3A_3421 : vector<16xf32> to vector<16xi32>
    %convert_element_type3A_3423 = arith.sitofp %convert_element_type3A_3422 : vector<16xi32> to vector<16xf32>
    %lt3A_3424 = arith.cmpf olt, %convert_element_type3A_3423, %mul3A_3421 : vector<16xf32>
    %jit3A_3425 = arith.constant 1 : i32
    %jit3A_3426 = arith.constant 0 : i32
    %broadcast_in_dim3A_3427 = vector.broadcast %jit3A_3425 : i32 to vector<16xi32>
    %broadcast_in_dim3A_3428 = vector.broadcast %jit3A_3426 : i32 to vector<16xi32>
    %select_n3A_3429 = arith.select %lt3A_3424, %broadcast_in_dim3A_3427, %broadcast_in_dim3A_3428 : vector<16xi1>, vector<16xi32>
    %add3A_3430 = arith.addi %convert_element_type3A_3422, %select_n3A_3429 : vector<16xi32>
    %mul3A_3431 = arith.constant 4 : i32
    %mul3A_3432 = vector.broadcast %mul3A_3431 : i32 to vector<16xi32>
    %mul3A_3433 = arith.muli %mul3A_3432, %add3A_3430 : vector<16xi32>
    %min3A_3434 = arith.minsi %min3A_3418, %mul3A_3433 : vector<16xi32>
    %shift_right_arithmetic3A_3435 = arith.constant 2 : i32
    %shift_right_arithmetic3A_3436 = vector.broadcast %shift_right_arithmetic3A_3435 : i32 to vector<16xi32>
    %shift_right_arithmetic3A_3437 = arith.shrsi %min3A_3434, %shift_right_arithmetic3A_3436 : vector<16xi32>
    %convert_element_type3A_3438 = arith.sitofp %shift_right_arithmetic3A_3437 : vector<16xi32> to vector<16xf32>
    %slice3A_3439 = vector.extract_strided_slice %convert_element_type3A_3438 {offsets = [0], sizes = [1], strides = [1]} : vector<16xf32> to vector<1xf32>
    %squeeze3A_3440 = vector.extract %slice3A_3439[0] : f32 from vector<1xf32>
    %lt3A_3441 = vector.broadcast %squeeze3A_3440 : f32 to vector<16xf32>
    %lt3A_3442 = arith.cmpf olt, %convert_element_type3A, %lt3A_3441 : vector<16xf32>
    %jit3A_3443 = arith.constant 1.000000e+00 : f32
    %jit3A_3444 = arith.constant 0.000000e+00 : f32
    %broadcast_in_dim3A_3445 = vector.broadcast %jit3A_3443 : f32 to vector<16xf32>
    %broadcast_in_dim3A_3446 = vector.broadcast %jit3A_3444 : f32 to vector<16xf32>
    %select_n3A_3447 = arith.select %lt3A_3442, %broadcast_in_dim3A_3445, %broadcast_in_dim3A_3446 : vector<16xi1>, vector<16xf32>
    %swap3A_3448 = arith.constant 3584 : index
    %swap3A_3449 = tpu.vector_load %arg5[%swap3A_3448] {strides = array<i32>} : memref<4096xf32, #tpu.memory_space<vmem>>, vector<16xf32>,
    %swap3A_3450 = vector.shape_cast %swap3A_3449 : vector<16xf32> to vector<16xf32>
    %swap3A_3451 = vector.shape_cast %select_n3A_3447 : vector<16xf32> to vector<16xf32>
    tpu.vector_store %arg5[%swap3A_3448], %swap3A_3451 {strides = array<i32>} : memref<4096xf32, #tpu.memory_space<vmem>>, vector<16xf32>,
    %slice3A_3452 = vector.extract_strided_slice %convert_element_type3A_3438 {offsets = [1], sizes = [1], strides = [1]} : vector<16xf32> to vector<1xf32>
    %squeeze3A_3453 = vector.extract %slice3A_3452[0] : f32 from vector<1xf32>
    %lt3A_3454 = vector.broadcast %squeeze3A_3453 : f32 to vector<16xf32>
    %lt3A_3455 = arith.cmpf olt, %convert_element_type3A, %lt3A_3454 : vector<16xf32>
    %jit3A_3456 = arith.constant 1.000000e+00 : f32
    %jit3A_3457 = arith.constant 0.000000e+00 : f32
    %broadcast_in_dim3A_3458 = vector.broadcast %jit3A_3456 : f32 to vector<16xf32>
    %broadcast_in_dim3A_3459 = vector.broadcast %jit3A_3457 : f32 to vector<16xf32>
    %select_n3A_3460 = arith.select %lt3A_3455, %broadcast_in_dim3A_3458, %broadcast_in_dim3A_3459 : vector<16xi1>, vector<16xf32>
    %swap3A_3461 = arith.constant 3600 : index
    %swap3A_3462 = tpu.vector_load %arg5[%swap3A_3461] {strides = array<i32>} : memref<4096xf32, #tpu.memory_space<vmem>>, vector<16xf32>,
    %swap3A_3463 = vector.shape_cast %swap3A_3462 : vector<16xf32> to vector<16xf32>
    %swap3A_3464 = vector.shape_cast %select_n3A_3460 : vector<16xf32> to vector<16xf32>
    tpu.vector_store %arg5[%swap3A_3461], %swap3A_3464 {strides = array<i32>} : memref<4096xf32, #tpu.memory_space<vmem>>, vector<16xf32>,
    %slice3A_3465 = vector.extract_strided_slice %convert_element_type3A_3438 {offsets = [2], sizes = [1], strides = [1]} : vector<16xf32> to vector<1xf32>
    %squeeze3A_3466 = vector.extract %slice3A_3465[0] : f32 from vector<1xf32>
    %lt3A_3467 = vector.broadcast %squeeze3A_3466 : f32 to vector<16xf32>
    %lt3A_3468 = arith.cmpf olt, %convert_element_type3A, %lt3A_3467 : vector<16xf32>
    %jit3A_3469 = arith.constant 1.000000e+00 : f32
    %jit3A_3470 = arith.constant 0.000000e+00 : f32
    %broadcast_in_dim3A_3471 = vector.broadcast %jit3A_3469 : f32 to vector<16xf32>
    %broadcast_in_dim3A_3472 = vector.broadcast %jit3A_3470 : f32 to vector<16xf32>
    %select_n3A_3473 = arith.select %lt3A_3468, %broadcast_in_dim3A_3471, %broadcast_in_dim3A_3472 : vector<16xi1>, vector<16xf32>
    %swap3A_3474 = arith.constant 3616 : index
    %swap3A_3475 = tpu.vector_load %arg5[%swap3A_3474] {strides = array<i32>} : memref<4096xf32, #tpu.memory_space<vmem>>, vector<16xf32>,
    %swap3A_3476 = vector.shape_cast %swap3A_3475 : vector<16xf32> to vector<16xf32>
    %swap3A_3477 = vector.shape_cast %select_n3A_3473 : vector<16xf32> to vector<16xf32>
    tpu.vector_store %arg5[%swap3A_3474], %swap3A_3477 {strides = array<i32>} : memref<4096xf32, #tpu.memory_space<vmem>>, vector<16xf32>,
    %slice3A_3478 = vector.extract_strided_slice %convert_element_type3A_3438 {offsets = [3], sizes = [1], strides = [1]} : vector<16xf32> to vector<1xf32>
    %squeeze3A_3479 = vector.extract %slice3A_3478[0] : f32 from vector<1xf32>
    %lt3A_3480 = vector.broadcast %squeeze3A_3479 : f32 to vector<16xf32>
    %lt3A_3481 = arith.cmpf olt, %convert_element_type3A, %lt3A_3480 : vector<16xf32>
    %jit3A_3482 = arith.constant 1.000000e+00 : f32
    %jit3A_3483 = arith.constant 0.000000e+00 : f32
    %broadcast_in_dim3A_3484 = vector.broadcast %jit3A_3482 : f32 to vector<16xf32>
    %broadcast_in_dim3A_3485 = vector.broadcast %jit3A_3483 : f32 to vector<16xf32>
    %select_n3A_3486 = arith.select %lt3A_3481, %broadcast_in_dim3A_3484, %broadcast_in_dim3A_3485 : vector<16xi1>, vector<16xf32>
    %swap3A_3487 = arith.constant 3632 : index
    %swap3A_3488 = tpu.vector_load %arg5[%swap3A_3487] {strides = array<i32>} : memref<4096xf32, #tpu.memory_space<vmem>>, vector<16xf32>,
    %swap3A_3489 = vector.shape_cast %swap3A_3488 : vector<16xf32> to vector<16xf32>
    %swap3A_3490 = vector.shape_cast %select_n3A_3486 : vector<16xf32> to vector<16xf32>
    tpu.vector_store %arg5[%swap3A_3487], %swap3A_3490 {strides = array<i32>} : memref<4096xf32, #tpu.memory_space<vmem>>, vector<16xf32>,
    %slice3A_3491 = vector.extract_strided_slice %convert_element_type3A_3438 {offsets = [4], sizes = [1], strides = [1]} : vector<16xf32> to vector<1xf32>
    %squeeze3A_3492 = vector.extract %slice3A_3491[0] : f32 from vector<1xf32>
    %lt3A_3493 = vector.broadcast %squeeze3A_3492 : f32 to vector<16xf32>
    %lt3A_3494 = arith.cmpf olt, %convert_element_type3A, %lt3A_3493 : vector<16xf32>
    %jit3A_3495 = arith.constant 1.000000e+00 : f32
    %jit3A_3496 = arith.constant 0.000000e+00 : f32
    %broadcast_in_dim3A_3497 = vector.broadcast %jit3A_3495 : f32 to vector<16xf32>
    %broadcast_in_dim3A_3498 = vector.broadcast %jit3A_3496 : f32 to vector<16xf32>
    %select_n3A_3499 = arith.select %lt3A_3494, %broadcast_in_dim3A_3497, %broadcast_in_dim3A_3498 : vector<16xi1>, vector<16xf32>
    %swap3A_3500 = arith.constant 3648 : index
    %swap3A_3501 = tpu.vector_load %arg5[%swap3A_3500] {strides = array<i32>} : memref<4096xf32, #tpu.memory_space<vmem>>, vector<16xf32>,
    %swap3A_3502 = vector.shape_cast %swap3A_3501 : vector<16xf32> to vector<16xf32>
    %swap3A_3503 = vector.shape_cast %select_n3A_3499 : vector<16xf32> to vector<16xf32>
    tpu.vector_store %arg5[%swap3A_3500], %swap3A_3503 {strides = array<i32>} : memref<4096xf32, #tpu.memory_space<vmem>>, vector<16xf32>,
    %slice3A_3504 = vector.extract_strided_slice %convert_element_type3A_3438 {offsets = [5], sizes = [1], strides = [1]} : vector<16xf32> to vector<1xf32>
    %squeeze3A_3505 = vector.extract %slice3A_3504[0] : f32 from vector<1xf32>
    %lt3A_3506 = vector.broadcast %squeeze3A_3505 : f32 to vector<16xf32>
    %lt3A_3507 = arith.cmpf olt, %convert_element_type3A, %lt3A_3506 : vector<16xf32>
    %jit3A_3508 = arith.constant 1.000000e+00 : f32
    %jit3A_3509 = arith.constant 0.000000e+00 : f32
    %broadcast_in_dim3A_3510 = vector.broadcast %jit3A_3508 : f32 to vector<16xf32>
    %broadcast_in_dim3A_3511 = vector.broadcast %jit3A_3509 : f32 to vector<16xf32>
    %select_n3A_3512 = arith.select %lt3A_3507, %broadcast_in_dim3A_3510, %broadcast_in_dim3A_3511 : vector<16xi1>, vector<16xf32>
    %swap3A_3513 = arith.constant 3664 : index
    %swap3A_3514 = tpu.vector_load %arg5[%swap3A_3513] {strides = array<i32>} : memref<4096xf32, #tpu.memory_space<vmem>>, vector<16xf32>,
    %swap3A_3515 = vector.shape_cast %swap3A_3514 : vector<16xf32> to vector<16xf32>
    %swap3A_3516 = vector.shape_cast %select_n3A_3512 : vector<16xf32> to vector<16xf32>
    tpu.vector_store %arg5[%swap3A_3513], %swap3A_3516 {strides = array<i32>} : memref<4096xf32, #tpu.memory_space<vmem>>, vector<16xf32>,
    %slice3A_3517 = vector.extract_strided_slice %convert_element_type3A_3438 {offsets = [6], sizes = [1], strides = [1]} : vector<16xf32> to vector<1xf32>
    %squeeze3A_3518 = vector.extract %slice3A_3517[0] : f32 from vector<1xf32>
    %lt3A_3519 = vector.broadcast %squeeze3A_3518 : f32 to vector<16xf32>
    %lt3A_3520 = arith.cmpf olt, %convert_element_type3A, %lt3A_3519 : vector<16xf32>
    %jit3A_3521 = arith.constant 1.000000e+00 : f32
    %jit3A_3522 = arith.constant 0.000000e+00 : f32
    %broadcast_in_dim3A_3523 = vector.broadcast %jit3A_3521 : f32 to vector<16xf32>
    %broadcast_in_dim3A_3524 = vector.broadcast %jit3A_3522 : f32 to vector<16xf32>
    %select_n3A_3525 = arith.select %lt3A_3520, %broadcast_in_dim3A_3523, %broadcast_in_dim3A_3524 : vector<16xi1>, vector<16xf32>
    %swap3A_3526 = arith.constant 3680 : index
    %swap3A_3527 = tpu.vector_load %arg5[%swap3A_3526] {strides = array<i32>} : memref<4096xf32, #tpu.memory_space<vmem>>, vector<16xf32>,
    %swap3A_3528 = vector.shape_cast %swap3A_3527 : vector<16xf32> to vector<16xf32>
    %swap3A_3529 = vector.shape_cast %select_n3A_3525 : vector<16xf32> to vector<16xf32>
    tpu.vector_store %arg5[%swap3A_3526], %swap3A_3529 {strides = array<i32>} : memref<4096xf32, #tpu.memory_space<vmem>>, vector<16xf32>,
    %slice3A_3530 = vector.extract_strided_slice %convert_element_type3A_3438 {offsets = [7], sizes = [1], strides = [1]} : vector<16xf32> to vector<1xf32>
    %squeeze3A_3531 = vector.extract %slice3A_3530[0] : f32 from vector<1xf32>
    %lt3A_3532 = vector.broadcast %squeeze3A_3531 : f32 to vector<16xf32>
    %lt3A_3533 = arith.cmpf olt, %convert_element_type3A, %lt3A_3532 : vector<16xf32>
    %jit3A_3534 = arith.constant 1.000000e+00 : f32
    %jit3A_3535 = arith.constant 0.000000e+00 : f32
    %broadcast_in_dim3A_3536 = vector.broadcast %jit3A_3534 : f32 to vector<16xf32>
    %broadcast_in_dim3A_3537 = vector.broadcast %jit3A_3535 : f32 to vector<16xf32>
    %select_n3A_3538 = arith.select %lt3A_3533, %broadcast_in_dim3A_3536, %broadcast_in_dim3A_3537 : vector<16xi1>, vector<16xf32>
    %swap3A_3539 = arith.constant 3696 : index
    %swap3A_3540 = tpu.vector_load %arg5[%swap3A_3539] {strides = array<i32>} : memref<4096xf32, #tpu.memory_space<vmem>>, vector<16xf32>,
    %swap3A_3541 = vector.shape_cast %swap3A_3540 : vector<16xf32> to vector<16xf32>
    %swap3A_3542 = vector.shape_cast %select_n3A_3538 : vector<16xf32> to vector<16xf32>
    tpu.vector_store %arg5[%swap3A_3539], %swap3A_3542 {strides = array<i32>} : memref<4096xf32, #tpu.memory_space<vmem>>, vector<16xf32>,
    %slice3A_3543 = vector.extract_strided_slice %convert_element_type3A_3438 {offsets = [8], sizes = [1], strides = [1]} : vector<16xf32> to vector<1xf32>
    %squeeze3A_3544 = vector.extract %slice3A_3543[0] : f32 from vector<1xf32>
    %lt3A_3545 = vector.broadcast %squeeze3A_3544 : f32 to vector<16xf32>
    %lt3A_3546 = arith.cmpf olt, %convert_element_type3A, %lt3A_3545 : vector<16xf32>
    %jit3A_3547 = arith.constant 1.000000e+00 : f32
    %jit3A_3548 = arith.constant 0.000000e+00 : f32
    %broadcast_in_dim3A_3549 = vector.broadcast %jit3A_3547 : f32 to vector<16xf32>
    %broadcast_in_dim3A_3550 = vector.broadcast %jit3A_3548 : f32 to vector<16xf32>
    %select_n3A_3551 = arith.select %lt3A_3546, %broadcast_in_dim3A_3549, %broadcast_in_dim3A_3550 : vector<16xi1>, vector<16xf32>
    %swap3A_3552 = arith.constant 3712 : index
    %swap3A_3553 = tpu.vector_load %arg5[%swap3A_3552] {strides = array<i32>} : memref<4096xf32, #tpu.memory_space<vmem>>, vector<16xf32>,
    %swap3A_3554 = vector.shape_cast %swap3A_3553 : vector<16xf32> to vector<16xf32>
    %swap3A_3555 = vector.shape_cast %select_n3A_3551 : vector<16xf32> to vector<16xf32>
    tpu.vector_store %arg5[%swap3A_3552], %swap3A_3555 {strides = array<i32>} : memref<4096xf32, #tpu.memory_space<vmem>>, vector<16xf32>,
    %slice3A_3556 = vector.extract_strided_slice %convert_element_type3A_3438 {offsets = [9], sizes = [1], strides = [1]} : vector<16xf32> to vector<1xf32>
    %squeeze3A_3557 = vector.extract %slice3A_3556[0] : f32 from vector<1xf32>
    %lt3A_3558 = vector.broadcast %squeeze3A_3557 : f32 to vector<16xf32>
    %lt3A_3559 = arith.cmpf olt, %convert_element_type3A, %lt3A_3558 : vector<16xf32>
    %jit3A_3560 = arith.constant 1.000000e+00 : f32
    %jit3A_3561 = arith.constant 0.000000e+00 : f32
    %broadcast_in_dim3A_3562 = vector.broadcast %jit3A_3560 : f32 to vector<16xf32>
    %broadcast_in_dim3A_3563 = vector.broadcast %jit3A_3561 : f32 to vector<16xf32>
    %select_n3A_3564 = arith.select %lt3A_3559, %broadcast_in_dim3A_3562, %broadcast_in_dim3A_3563 : vector<16xi1>, vector<16xf32>
    %swap3A_3565 = arith.constant 3728 : index
    %swap3A_3566 = tpu.vector_load %arg5[%swap3A_3565] {strides = array<i32>} : memref<4096xf32, #tpu.memory_space<vmem>>, vector<16xf32>,
    %swap3A_3567 = vector.shape_cast %swap3A_3566 : vector<16xf32> to vector<16xf32>
    %swap3A_3568 = vector.shape_cast %select_n3A_3564 : vector<16xf32> to vector<16xf32>
    tpu.vector_store %arg5[%swap3A_3565], %swap3A_3568 {strides = array<i32>} : memref<4096xf32, #tpu.memory_space<vmem>>, vector<16xf32>,
    %slice3A_3569 = vector.extract_strided_slice %convert_element_type3A_3438 {offsets = [10], sizes = [1], strides = [1]} : vector<16xf32> to vector<1xf32>
    %squeeze3A_3570 = vector.extract %slice3A_3569[0] : f32 from vector<1xf32>
    %lt3A_3571 = vector.broadcast %squeeze3A_3570 : f32 to vector<16xf32>
    %lt3A_3572 = arith.cmpf olt, %convert_element_type3A, %lt3A_3571 : vector<16xf32>
    %jit3A_3573 = arith.constant 1.000000e+00 : f32
    %jit3A_3574 = arith.constant 0.000000e+00 : f32
    %broadcast_in_dim3A_3575 = vector.broadcast %jit3A_3573 : f32 to vector<16xf32>
    %broadcast_in_dim3A_3576 = vector.broadcast %jit3A_3574 : f32 to vector<16xf32>
    %select_n3A_3577 = arith.select %lt3A_3572, %broadcast_in_dim3A_3575, %broadcast_in_dim3A_3576 : vector<16xi1>, vector<16xf32>
    %swap3A_3578 = arith.constant 3744 : index
    %swap3A_3579 = tpu.vector_load %arg5[%swap3A_3578] {strides = array<i32>} : memref<4096xf32, #tpu.memory_space<vmem>>, vector<16xf32>,
    %swap3A_3580 = vector.shape_cast %swap3A_3579 : vector<16xf32> to vector<16xf32>
    %swap3A_3581 = vector.shape_cast %select_n3A_3577 : vector<16xf32> to vector<16xf32>
    tpu.vector_store %arg5[%swap3A_3578], %swap3A_3581 {strides = array<i32>} : memref<4096xf32, #tpu.memory_space<vmem>>, vector<16xf32>,
    %slice3A_3582 = vector.extract_strided_slice %convert_element_type3A_3438 {offsets = [11], sizes = [1], strides = [1]} : vector<16xf32> to vector<1xf32>
    %squeeze3A_3583 = vector.extract %slice3A_3582[0] : f32 from vector<1xf32>
    %lt3A_3584 = vector.broadcast %squeeze3A_3583 : f32 to vector<16xf32>
    %lt3A_3585 = arith.cmpf olt, %convert_element_type3A, %lt3A_3584 : vector<16xf32>
    %jit3A_3586 = arith.constant 1.000000e+00 : f32
    %jit3A_3587 = arith.constant 0.000000e+00 : f32
    %broadcast_in_dim3A_3588 = vector.broadcast %jit3A_3586 : f32 to vector<16xf32>
    %broadcast_in_dim3A_3589 = vector.broadcast %jit3A_3587 : f32 to vector<16xf32>
    %select_n3A_3590 = arith.select %lt3A_3585, %broadcast_in_dim3A_3588, %broadcast_in_dim3A_3589 : vector<16xi1>, vector<16xf32>
    %swap3A_3591 = arith.constant 3760 : index
    %swap3A_3592 = tpu.vector_load %arg5[%swap3A_3591] {strides = array<i32>} : memref<4096xf32, #tpu.memory_space<vmem>>, vector<16xf32>,
    %swap3A_3593 = vector.shape_cast %swap3A_3592 : vector<16xf32> to vector<16xf32>
    %swap3A_3594 = vector.shape_cast %select_n3A_3590 : vector<16xf32> to vector<16xf32>
    tpu.vector_store %arg5[%swap3A_3591], %swap3A_3594 {strides = array<i32>} : memref<4096xf32, #tpu.memory_space<vmem>>, vector<16xf32>,
    %slice3A_3595 = vector.extract_strided_slice %convert_element_type3A_3438 {offsets = [12], sizes = [1], strides = [1]} : vector<16xf32> to vector<1xf32>
    %squeeze3A_3596 = vector.extract %slice3A_3595[0] : f32 from vector<1xf32>
    %lt3A_3597 = vector.broadcast %squeeze3A_3596 : f32 to vector<16xf32>
    %lt3A_3598 = arith.cmpf olt, %convert_element_type3A, %lt3A_3597 : vector<16xf32>
    %jit3A_3599 = arith.constant 1.000000e+00 : f32
    %jit3A_3600 = arith.constant 0.000000e+00 : f32
    %broadcast_in_dim3A_3601 = vector.broadcast %jit3A_3599 : f32 to vector<16xf32>
    %broadcast_in_dim3A_3602 = vector.broadcast %jit3A_3600 : f32 to vector<16xf32>
    %select_n3A_3603 = arith.select %lt3A_3598, %broadcast_in_dim3A_3601, %broadcast_in_dim3A_3602 : vector<16xi1>, vector<16xf32>
    %swap3A_3604 = arith.constant 3776 : index
    %swap3A_3605 = tpu.vector_load %arg5[%swap3A_3604] {strides = array<i32>} : memref<4096xf32, #tpu.memory_space<vmem>>, vector<16xf32>,
    %swap3A_3606 = vector.shape_cast %swap3A_3605 : vector<16xf32> to vector<16xf32>
    %swap3A_3607 = vector.shape_cast %select_n3A_3603 : vector<16xf32> to vector<16xf32>
    tpu.vector_store %arg5[%swap3A_3604], %swap3A_3607 {strides = array<i32>} : memref<4096xf32, #tpu.memory_space<vmem>>, vector<16xf32>,
    %slice3A_3608 = vector.extract_strided_slice %convert_element_type3A_3438 {offsets = [13], sizes = [1], strides = [1]} : vector<16xf32> to vector<1xf32>
    %squeeze3A_3609 = vector.extract %slice3A_3608[0] : f32 from vector<1xf32>
    %lt3A_3610 = vector.broadcast %squeeze3A_3609 : f32 to vector<16xf32>
    %lt3A_3611 = arith.cmpf olt, %convert_element_type3A, %lt3A_3610 : vector<16xf32>
    %jit3A_3612 = arith.constant 1.000000e+00 : f32
    %jit3A_3613 = arith.constant 0.000000e+00 : f32
    %broadcast_in_dim3A_3614 = vector.broadcast %jit3A_3612 : f32 to vector<16xf32>
    %broadcast_in_dim3A_3615 = vector.broadcast %jit3A_3613 : f32 to vector<16xf32>
    %select_n3A_3616 = arith.select %lt3A_3611, %broadcast_in_dim3A_3614, %broadcast_in_dim3A_3615 : vector<16xi1>, vector<16xf32>
    %swap3A_3617 = arith.constant 3792 : index
    %swap3A_3618 = tpu.vector_load %arg5[%swap3A_3617] {strides = array<i32>} : memref<4096xf32, #tpu.memory_space<vmem>>, vector<16xf32>,
    %swap3A_3619 = vector.shape_cast %swap3A_3618 : vector<16xf32> to vector<16xf32>
    %swap3A_3620 = vector.shape_cast %select_n3A_3616 : vector<16xf32> to vector<16xf32>
    tpu.vector_store %arg5[%swap3A_3617], %swap3A_3620 {strides = array<i32>} : memref<4096xf32, #tpu.memory_space<vmem>>, vector<16xf32>,
    %slice3A_3621 = vector.extract_strided_slice %convert_element_type3A_3438 {offsets = [14], sizes = [1], strides = [1]} : vector<16xf32> to vector<1xf32>
    %squeeze3A_3622 = vector.extract %slice3A_3621[0] : f32 from vector<1xf32>
    %lt3A_3623 = vector.broadcast %squeeze3A_3622 : f32 to vector<16xf32>
    %lt3A_3624 = arith.cmpf olt, %convert_element_type3A, %lt3A_3623 : vector<16xf32>
    %jit3A_3625 = arith.constant 1.000000e+00 : f32
    %jit3A_3626 = arith.constant 0.000000e+00 : f32
    %broadcast_in_dim3A_3627 = vector.broadcast %jit3A_3625 : f32 to vector<16xf32>
    %broadcast_in_dim3A_3628 = vector.broadcast %jit3A_3626 : f32 to vector<16xf32>
    %select_n3A_3629 = arith.select %lt3A_3624, %broadcast_in_dim3A_3627, %broadcast_in_dim3A_3628 : vector<16xi1>, vector<16xf32>
    %swap3A_3630 = arith.constant 3808 : index
    %swap3A_3631 = tpu.vector_load %arg5[%swap3A_3630] {strides = array<i32>} : memref<4096xf32, #tpu.memory_space<vmem>>, vector<16xf32>,
    %swap3A_3632 = vector.shape_cast %swap3A_3631 : vector<16xf32> to vector<16xf32>
    %swap3A_3633 = vector.shape_cast %select_n3A_3629 : vector<16xf32> to vector<16xf32>
    tpu.vector_store %arg5[%swap3A_3630], %swap3A_3633 {strides = array<i32>} : memref<4096xf32, #tpu.memory_space<vmem>>, vector<16xf32>,
    %slice3A_3634 = vector.extract_strided_slice %convert_element_type3A_3438 {offsets = [15], sizes = [1], strides = [1]} : vector<16xf32> to vector<1xf32>
    %squeeze3A_3635 = vector.extract %slice3A_3634[0] : f32 from vector<1xf32>
    %lt3A_3636 = vector.broadcast %squeeze3A_3635 : f32 to vector<16xf32>
    %lt3A_3637 = arith.cmpf olt, %convert_element_type3A, %lt3A_3636 : vector<16xf32>
    %jit3A_3638 = arith.constant 1.000000e+00 : f32
    %jit3A_3639 = arith.constant 0.000000e+00 : f32
    %broadcast_in_dim3A_3640 = vector.broadcast %jit3A_3638 : f32 to vector<16xf32>
    %broadcast_in_dim3A_3641 = vector.broadcast %jit3A_3639 : f32 to vector<16xf32>
    %select_n3A_3642 = arith.select %lt3A_3637, %broadcast_in_dim3A_3640, %broadcast_in_dim3A_3641 : vector<16xi1>, vector<16xf32>
    %swap3A_3643 = arith.constant 3824 : index
    %swap3A_3644 = tpu.vector_load %arg5[%swap3A_3643] {strides = array<i32>} : memref<4096xf32, #tpu.memory_space<vmem>>, vector<16xf32>,
    %swap3A_3645 = vector.shape_cast %swap3A_3644 : vector<16xf32> to vector<16xf32>
    %swap3A_3646 = vector.shape_cast %select_n3A_3642 : vector<16xf32> to vector<16xf32>
    tpu.vector_store %arg5[%swap3A_3643], %swap3A_3646 {strides = array<i32>} : memref<4096xf32, #tpu.memory_space<vmem>>, vector<16xf32>,
    %get3A_3647 = arith.constant 240 : index
    %get3A_3648 = tpu.vector_load %arg4[%get3A_3647] {strides = array<i32>} : memref<256xf32, #tpu.memory_space<vmem>>, vector<16xf32>,
    %get3A_3649 = vector.shape_cast %get3A_3648 : vector<16xf32> to vector<16xf32>
    %mul3A_3650 = arith.constant 6.500000e+01 : f32
    %mul3A_3651 = vector.broadcast %mul3A_3650 : f32 to vector<16xf32>
    %mul3A_3652 = arith.mulf %get3A_3649, %mul3A_3651 : vector<16xf32>
    %convert_element_type3A_3653 = arith.fptosi %mul3A_3652 : vector<16xf32> to vector<16xi32>
    %min3A_3654 = arith.constant 64 : i32
    %min3A_3655 = vector.broadcast %min3A_3654 : i32 to vector<16xi32>
    %min3A_3656 = arith.minsi %convert_element_type3A_3653, %min3A_3655 : vector<16xi32>
    %mul3A_3657 = arith.constant 1.600000e+01 : f32
    %mul3A_3658 = vector.broadcast %mul3A_3657 : f32 to vector<16xf32>
    %mul3A_3659 = arith.mulf %get3A_3649, %mul3A_3658 : vector<16xf32>
    %convert_element_type3A_3660 = arith.fptosi %mul3A_3659 : vector<16xf32> to vector<16xi32>
    %convert_element_type3A_3661 = arith.sitofp %convert_element_type3A_3660 : vector<16xi32> to vector<16xf32>
    %lt3A_3662 = arith.cmpf olt, %convert_element_type3A_3661, %mul3A_3659 : vector<16xf32>
    %jit3A_3663 = arith.constant 1 : i32
    %jit3A_3664 = arith.constant 0 : i32
    %broadcast_in_dim3A_3665 = vector.broadcast %jit3A_3663 : i32 to vector<16xi32>
    %broadcast_in_dim3A_3666 = vector.broadcast %jit3A_3664 : i32 to vector<16xi32>
    %select_n3A_3667 = arith.select %lt3A_3662, %broadcast_in_dim3A_3665, %broadcast_in_dim3A_3666 : vector<16xi1>, vector<16xi32>
    %add3A_3668 = arith.addi %convert_element_type3A_3660, %select_n3A_3667 : vector<16xi32>
    %mul3A_3669 = arith.constant 4 : i32
    %mul3A_3670 = vector.broadcast %mul3A_3669 : i32 to vector<16xi32>
    %mul3A_3671 = arith.muli %mul3A_3670, %add3A_3668 : vector<16xi32>
    %min3A_3672 = arith.minsi %min3A_3656, %mul3A_3671 : vector<16xi32>
    %shift_right_arithmetic3A_3673 = arith.constant 2 : i32
    %shift_right_arithmetic3A_3674 = vector.broadcast %shift_right_arithmetic3A_3673 : i32 to vector<16xi32>
    %shift_right_arithmetic3A_3675 = arith.shrsi %min3A_3672, %shift_right_arithmetic3A_3674 : vector<16xi32>
    %convert_element_type3A_3676 = arith.sitofp %shift_right_arithmetic3A_3675 : vector<16xi32> to vector<16xf32>
    %slice3A_3677 = vector.extract_strided_slice %convert_element_type3A_3676 {offsets = [0], sizes = [1], strides = [1]} : vector<16xf32> to vector<1xf32>
    %squeeze3A_3678 = vector.extract %slice3A_3677[0] : f32 from vector<1xf32>
    %lt3A_3679 = vector.broadcast %squeeze3A_3678 : f32 to vector<16xf32>
    %lt3A_3680 = arith.cmpf olt, %convert_element_type3A, %lt3A_3679 : vector<16xf32>
    %jit3A_3681 = arith.constant 1.000000e+00 : f32
    %jit3A_3682 = arith.constant 0.000000e+00 : f32
    %broadcast_in_dim3A_3683 = vector.broadcast %jit3A_3681 : f32 to vector<16xf32>
    %broadcast_in_dim3A_3684 = vector.broadcast %jit3A_3682 : f32 to vector<16xf32>
    %select_n3A_3685 = arith.select %lt3A_3680, %broadcast_in_dim3A_3683, %broadcast_in_dim3A_3684 : vector<16xi1>, vector<16xf32>
    %swap3A_3686 = arith.constant 3840 : index
    %swap3A_3687 = tpu.vector_load %arg5[%swap3A_3686] {strides = array<i32>} : memref<4096xf32, #tpu.memory_space<vmem>>, vector<16xf32>,
    %swap3A_3688 = vector.shape_cast %swap3A_3687 : vector<16xf32> to vector<16xf32>
    %swap3A_3689 = vector.shape_cast %select_n3A_3685 : vector<16xf32> to vector<16xf32>
    tpu.vector_store %arg5[%swap3A_3686], %swap3A_3689 {strides = array<i32>} : memref<4096xf32, #tpu.memory_space<vmem>>, vector<16xf32>,
    %slice3A_3690 = vector.extract_strided_slice %convert_element_type3A_3676 {offsets = [1], sizes = [1], strides = [1]} : vector<16xf32> to vector<1xf32>
    %squeeze3A_3691 = vector.extract %slice3A_3690[0] : f32 from vector<1xf32>
    %lt3A_3692 = vector.broadcast %squeeze3A_3691 : f32 to vector<16xf32>
    %lt3A_3693 = arith.cmpf olt, %convert_element_type3A, %lt3A_3692 : vector<16xf32>
    %jit3A_3694 = arith.constant 1.000000e+00 : f32
    %jit3A_3695 = arith.constant 0.000000e+00 : f32
    %broadcast_in_dim3A_3696 = vector.broadcast %jit3A_3694 : f32 to vector<16xf32>
    %broadcast_in_dim3A_3697 = vector.broadcast %jit3A_3695 : f32 to vector<16xf32>
    %select_n3A_3698 = arith.select %lt3A_3693, %broadcast_in_dim3A_3696, %broadcast_in_dim3A_3697 : vector<16xi1>, vector<16xf32>
    %swap3A_3699 = arith.constant 3856 : index
    %swap3A_3700 = tpu.vector_load %arg5[%swap3A_3699] {strides = array<i32>} : memref<4096xf32, #tpu.memory_space<vmem>>, vector<16xf32>,
    %swap3A_3701 = vector.shape_cast %swap3A_3700 : vector<16xf32> to vector<16xf32>
    %swap3A_3702 = vector.shape_cast %select_n3A_3698 : vector<16xf32> to vector<16xf32>
    tpu.vector_store %arg5[%swap3A_3699], %swap3A_3702 {strides = array<i32>} : memref<4096xf32, #tpu.memory_space<vmem>>, vector<16xf32>,
    %slice3A_3703 = vector.extract_strided_slice %convert_element_type3A_3676 {offsets = [2], sizes = [1], strides = [1]} : vector<16xf32> to vector<1xf32>
    %squeeze3A_3704 = vector.extract %slice3A_3703[0] : f32 from vector<1xf32>
    %lt3A_3705 = vector.broadcast %squeeze3A_3704 : f32 to vector<16xf32>
    %lt3A_3706 = arith.cmpf olt, %convert_element_type3A, %lt3A_3705 : vector<16xf32>
    %jit3A_3707 = arith.constant 1.000000e+00 : f32
    %jit3A_3708 = arith.constant 0.000000e+00 : f32
    %broadcast_in_dim3A_3709 = vector.broadcast %jit3A_3707 : f32 to vector<16xf32>
    %broadcast_in_dim3A_3710 = vector.broadcast %jit3A_3708 : f32 to vector<16xf32>
    %select_n3A_3711 = arith.select %lt3A_3706, %broadcast_in_dim3A_3709, %broadcast_in_dim3A_3710 : vector<16xi1>, vector<16xf32>
    %swap3A_3712 = arith.constant 3872 : index
    %swap3A_3713 = tpu.vector_load %arg5[%swap3A_3712] {strides = array<i32>} : memref<4096xf32, #tpu.memory_space<vmem>>, vector<16xf32>,
    %swap3A_3714 = vector.shape_cast %swap3A_3713 : vector<16xf32> to vector<16xf32>
    %swap3A_3715 = vector.shape_cast %select_n3A_3711 : vector<16xf32> to vector<16xf32>
    tpu.vector_store %arg5[%swap3A_3712], %swap3A_3715 {strides = array<i32>} : memref<4096xf32, #tpu.memory_space<vmem>>, vector<16xf32>,
    %slice3A_3716 = vector.extract_strided_slice %convert_element_type3A_3676 {offsets = [3], sizes = [1], strides = [1]} : vector<16xf32> to vector<1xf32>
    %squeeze3A_3717 = vector.extract %slice3A_3716[0] : f32 from vector<1xf32>
    %lt3A_3718 = vector.broadcast %squeeze3A_3717 : f32 to vector<16xf32>
    %lt3A_3719 = arith.cmpf olt, %convert_element_type3A, %lt3A_3718 : vector<16xf32>
    %jit3A_3720 = arith.constant 1.000000e+00 : f32
    %jit3A_3721 = arith.constant 0.000000e+00 : f32
    %broadcast_in_dim3A_3722 = vector.broadcast %jit3A_3720 : f32 to vector<16xf32>
    %broadcast_in_dim3A_3723 = vector.broadcast %jit3A_3721 : f32 to vector<16xf32>
    %select_n3A_3724 = arith.select %lt3A_3719, %broadcast_in_dim3A_3722, %broadcast_in_dim3A_3723 : vector<16xi1>, vector<16xf32>
    %swap3A_3725 = arith.constant 3888 : index
    %swap3A_3726 = tpu.vector_load %arg5[%swap3A_3725] {strides = array<i32>} : memref<4096xf32, #tpu.memory_space<vmem>>, vector<16xf32>,
    %swap3A_3727 = vector.shape_cast %swap3A_3726 : vector<16xf32> to vector<16xf32>
    %swap3A_3728 = vector.shape_cast %select_n3A_3724 : vector<16xf32> to vector<16xf32>
    tpu.vector_store %arg5[%swap3A_3725], %swap3A_3728 {strides = array<i32>} : memref<4096xf32, #tpu.memory_space<vmem>>, vector<16xf32>,
    %slice3A_3729 = vector.extract_strided_slice %convert_element_type3A_3676 {offsets = [4], sizes = [1], strides = [1]} : vector<16xf32> to vector<1xf32>
    %squeeze3A_3730 = vector.extract %slice3A_3729[0] : f32 from vector<1xf32>
    %lt3A_3731 = vector.broadcast %squeeze3A_3730 : f32 to vector<16xf32>
    %lt3A_3732 = arith.cmpf olt, %convert_element_type3A, %lt3A_3731 : vector<16xf32>
    %jit3A_3733 = arith.constant 1.000000e+00 : f32
    %jit3A_3734 = arith.constant 0.000000e+00 : f32
    %broadcast_in_dim3A_3735 = vector.broadcast %jit3A_3733 : f32 to vector<16xf32>
    %broadcast_in_dim3A_3736 = vector.broadcast %jit3A_3734 : f32 to vector<16xf32>
    %select_n3A_3737 = arith.select %lt3A_3732, %broadcast_in_dim3A_3735, %broadcast_in_dim3A_3736 : vector<16xi1>, vector<16xf32>
    %swap3A_3738 = arith.constant 3904 : index
    %swap3A_3739 = tpu.vector_load %arg5[%swap3A_3738] {strides = array<i32>} : memref<4096xf32, #tpu.memory_space<vmem>>, vector<16xf32>,
    %swap3A_3740 = vector.shape_cast %swap3A_3739 : vector<16xf32> to vector<16xf32>
    %swap3A_3741 = vector.shape_cast %select_n3A_3737 : vector<16xf32> to vector<16xf32>
    tpu.vector_store %arg5[%swap3A_3738], %swap3A_3741 {strides = array<i32>} : memref<4096xf32, #tpu.memory_space<vmem>>, vector<16xf32>,
    %slice3A_3742 = vector.extract_strided_slice %convert_element_type3A_3676 {offsets = [5], sizes = [1], strides = [1]} : vector<16xf32> to vector<1xf32>
    %squeeze3A_3743 = vector.extract %slice3A_3742[0] : f32 from vector<1xf32>
    %lt3A_3744 = vector.broadcast %squeeze3A_3743 : f32 to vector<16xf32>
    %lt3A_3745 = arith.cmpf olt, %convert_element_type3A, %lt3A_3744 : vector<16xf32>
    %jit3A_3746 = arith.constant 1.000000e+00 : f32
    %jit3A_3747 = arith.constant 0.000000e+00 : f32
    %broadcast_in_dim3A_3748 = vector.broadcast %jit3A_3746 : f32 to vector<16xf32>
    %broadcast_in_dim3A_3749 = vector.broadcast %jit3A_3747 : f32 to vector<16xf32>
    %select_n3A_3750 = arith.select %lt3A_3745, %broadcast_in_dim3A_3748, %broadcast_in_dim3A_3749 : vector<16xi1>, vector<16xf32>
    %swap3A_3751 = arith.constant 3920 : index
    %swap3A_3752 = tpu.vector_load %arg5[%swap3A_3751] {strides = array<i32>} : memref<4096xf32, #tpu.memory_space<vmem>>, vector<16xf32>,
    %swap3A_3753 = vector.shape_cast %swap3A_3752 : vector<16xf32> to vector<16xf32>
    %swap3A_3754 = vector.shape_cast %select_n3A_3750 : vector<16xf32> to vector<16xf32>
    tpu.vector_store %arg5[%swap3A_3751], %swap3A_3754 {strides = array<i32>} : memref<4096xf32, #tpu.memory_space<vmem>>, vector<16xf32>,
    %slice3A_3755 = vector.extract_strided_slice %convert_element_type3A_3676 {offsets = [6], sizes = [1], strides = [1]} : vector<16xf32> to vector<1xf32>
    %squeeze3A_3756 = vector.extract %slice3A_3755[0] : f32 from vector<1xf32>
    %lt3A_3757 = vector.broadcast %squeeze3A_3756 : f32 to vector<16xf32>
    %lt3A_3758 = arith.cmpf olt, %convert_element_type3A, %lt3A_3757 : vector<16xf32>
    %jit3A_3759 = arith.constant 1.000000e+00 : f32
    %jit3A_3760 = arith.constant 0.000000e+00 : f32
    %broadcast_in_dim3A_3761 = vector.broadcast %jit3A_3759 : f32 to vector<16xf32>
    %broadcast_in_dim3A_3762 = vector.broadcast %jit3A_3760 : f32 to vector<16xf32>
    %select_n3A_3763 = arith.select %lt3A_3758, %broadcast_in_dim3A_3761, %broadcast_in_dim3A_3762 : vector<16xi1>, vector<16xf32>
    %swap3A_3764 = arith.constant 3936 : index
    %swap3A_3765 = tpu.vector_load %arg5[%swap3A_3764] {strides = array<i32>} : memref<4096xf32, #tpu.memory_space<vmem>>, vector<16xf32>,
    %swap3A_3766 = vector.shape_cast %swap3A_3765 : vector<16xf32> to vector<16xf32>
    %swap3A_3767 = vector.shape_cast %select_n3A_3763 : vector<16xf32> to vector<16xf32>
    tpu.vector_store %arg5[%swap3A_3764], %swap3A_3767 {strides = array<i32>} : memref<4096xf32, #tpu.memory_space<vmem>>, vector<16xf32>,
    %slice3A_3768 = vector.extract_strided_slice %convert_element_type3A_3676 {offsets = [7], sizes = [1], strides = [1]} : vector<16xf32> to vector<1xf32>
    %squeeze3A_3769 = vector.extract %slice3A_3768[0] : f32 from vector<1xf32>
    %lt3A_3770 = vector.broadcast %squeeze3A_3769 : f32 to vector<16xf32>
    %lt3A_3771 = arith.cmpf olt, %convert_element_type3A, %lt3A_3770 : vector<16xf32>
    %jit3A_3772 = arith.constant 1.000000e+00 : f32
    %jit3A_3773 = arith.constant 0.000000e+00 : f32
    %broadcast_in_dim3A_3774 = vector.broadcast %jit3A_3772 : f32 to vector<16xf32>
    %broadcast_in_dim3A_3775 = vector.broadcast %jit3A_3773 : f32 to vector<16xf32>
    %select_n3A_3776 = arith.select %lt3A_3771, %broadcast_in_dim3A_3774, %broadcast_in_dim3A_3775 : vector<16xi1>, vector<16xf32>
    %swap3A_3777 = arith.constant 3952 : index
    %swap3A_3778 = tpu.vector_load %arg5[%swap3A_3777] {strides = array<i32>} : memref<4096xf32, #tpu.memory_space<vmem>>, vector<16xf32>,
    %swap3A_3779 = vector.shape_cast %swap3A_3778 : vector<16xf32> to vector<16xf32>
    %swap3A_3780 = vector.shape_cast %select_n3A_3776 : vector<16xf32> to vector<16xf32>
    tpu.vector_store %arg5[%swap3A_3777], %swap3A_3780 {strides = array<i32>} : memref<4096xf32, #tpu.memory_space<vmem>>, vector<16xf32>,
    %slice3A_3781 = vector.extract_strided_slice %convert_element_type3A_3676 {offsets = [8], sizes = [1], strides = [1]} : vector<16xf32> to vector<1xf32>
    %squeeze3A_3782 = vector.extract %slice3A_3781[0] : f32 from vector<1xf32>
    %lt3A_3783 = vector.broadcast %squeeze3A_3782 : f32 to vector<16xf32>
    %lt3A_3784 = arith.cmpf olt, %convert_element_type3A, %lt3A_3783 : vector<16xf32>
    %jit3A_3785 = arith.constant 1.000000e+00 : f32
    %jit3A_3786 = arith.constant 0.000000e+00 : f32
    %broadcast_in_dim3A_3787 = vector.broadcast %jit3A_3785 : f32 to vector<16xf32>
    %broadcast_in_dim3A_3788 = vector.broadcast %jit3A_3786 : f32 to vector<16xf32>
    %select_n3A_3789 = arith.select %lt3A_3784, %broadcast_in_dim3A_3787, %broadcast_in_dim3A_3788 : vector<16xi1>, vector<16xf32>
    %swap3A_3790 = arith.constant 3968 : index
    %swap3A_3791 = tpu.vector_load %arg5[%swap3A_3790] {strides = array<i32>} : memref<4096xf32, #tpu.memory_space<vmem>>, vector<16xf32>,
    %swap3A_3792 = vector.shape_cast %swap3A_3791 : vector<16xf32> to vector<16xf32>
    %swap3A_3793 = vector.shape_cast %select_n3A_3789 : vector<16xf32> to vector<16xf32>
    tpu.vector_store %arg5[%swap3A_3790], %swap3A_3793 {strides = array<i32>} : memref<4096xf32, #tpu.memory_space<vmem>>, vector<16xf32>,
    %slice3A_3794 = vector.extract_strided_slice %convert_element_type3A_3676 {offsets = [9], sizes = [1], strides = [1]} : vector<16xf32> to vector<1xf32>
    %squeeze3A_3795 = vector.extract %slice3A_3794[0] : f32 from vector<1xf32>
    %lt3A_3796 = vector.broadcast %squeeze3A_3795 : f32 to vector<16xf32>
    %lt3A_3797 = arith.cmpf olt, %convert_element_type3A, %lt3A_3796 : vector<16xf32>
    %jit3A_3798 = arith.constant 1.000000e+00 : f32
    %jit3A_3799 = arith.constant 0.000000e+00 : f32
    %broadcast_in_dim3A_3800 = vector.broadcast %jit3A_3798 : f32 to vector<16xf32>
    %broadcast_in_dim3A_3801 = vector.broadcast %jit3A_3799 : f32 to vector<16xf32>
    %select_n3A_3802 = arith.select %lt3A_3797, %broadcast_in_dim3A_3800, %broadcast_in_dim3A_3801 : vector<16xi1>, vector<16xf32>
    %swap3A_3803 = arith.constant 3984 : index
    %swap3A_3804 = tpu.vector_load %arg5[%swap3A_3803] {strides = array<i32>} : memref<4096xf32, #tpu.memory_space<vmem>>, vector<16xf32>,
    %swap3A_3805 = vector.shape_cast %swap3A_3804 : vector<16xf32> to vector<16xf32>
    %swap3A_3806 = vector.shape_cast %select_n3A_3802 : vector<16xf32> to vector<16xf32>
    tpu.vector_store %arg5[%swap3A_3803], %swap3A_3806 {strides = array<i32>} : memref<4096xf32, #tpu.memory_space<vmem>>, vector<16xf32>,
    %slice3A_3807 = vector.extract_strided_slice %convert_element_type3A_3676 {offsets = [10], sizes = [1], strides = [1]} : vector<16xf32> to vector<1xf32>
    %squeeze3A_3808 = vector.extract %slice3A_3807[0] : f32 from vector<1xf32>
    %lt3A_3809 = vector.broadcast %squeeze3A_3808 : f32 to vector<16xf32>
    %lt3A_3810 = arith.cmpf olt, %convert_element_type3A, %lt3A_3809 : vector<16xf32>
    %jit3A_3811 = arith.constant 1.000000e+00 : f32
    %jit3A_3812 = arith.constant 0.000000e+00 : f32
    %broadcast_in_dim3A_3813 = vector.broadcast %jit3A_3811 : f32 to vector<16xf32>
    %broadcast_in_dim3A_3814 = vector.broadcast %jit3A_3812 : f32 to vector<16xf32>
    %select_n3A_3815 = arith.select %lt3A_3810, %broadcast_in_dim3A_3813, %broadcast_in_dim3A_3814 : vector<16xi1>, vector<16xf32>
    %swap3A_3816 = arith.constant 4000 : index
    %swap3A_3817 = tpu.vector_load %arg5[%swap3A_3816] {strides = array<i32>} : memref<4096xf32, #tpu.memory_space<vmem>>, vector<16xf32>,
    %swap3A_3818 = vector.shape_cast %swap3A_3817 : vector<16xf32> to vector<16xf32>
    %swap3A_3819 = vector.shape_cast %select_n3A_3815 : vector<16xf32> to vector<16xf32>
    tpu.vector_store %arg5[%swap3A_3816], %swap3A_3819 {strides = array<i32>} : memref<4096xf32, #tpu.memory_space<vmem>>, vector<16xf32>,
    %slice3A_3820 = vector.extract_strided_slice %convert_element_type3A_3676 {offsets = [11], sizes = [1], strides = [1]} : vector<16xf32> to vector<1xf32>
    %squeeze3A_3821 = vector.extract %slice3A_3820[0] : f32 from vector<1xf32>
    %lt3A_3822 = vector.broadcast %squeeze3A_3821 : f32 to vector<16xf32>
    %lt3A_3823 = arith.cmpf olt, %convert_element_type3A, %lt3A_3822 : vector<16xf32>
    %jit3A_3824 = arith.constant 1.000000e+00 : f32
    %jit3A_3825 = arith.constant 0.000000e+00 : f32
    %broadcast_in_dim3A_3826 = vector.broadcast %jit3A_3824 : f32 to vector<16xf32>
    %broadcast_in_dim3A_3827 = vector.broadcast %jit3A_3825 : f32 to vector<16xf32>
    %select_n3A_3828 = arith.select %lt3A_3823, %broadcast_in_dim3A_3826, %broadcast_in_dim3A_3827 : vector<16xi1>, vector<16xf32>
    %swap3A_3829 = arith.constant 4016 : index
    %swap3A_3830 = tpu.vector_load %arg5[%swap3A_3829] {strides = array<i32>} : memref<4096xf32, #tpu.memory_space<vmem>>, vector<16xf32>,
    %swap3A_3831 = vector.shape_cast %swap3A_3830 : vector<16xf32> to vector<16xf32>
    %swap3A_3832 = vector.shape_cast %select_n3A_3828 : vector<16xf32> to vector<16xf32>
    tpu.vector_store %arg5[%swap3A_3829], %swap3A_3832 {strides = array<i32>} : memref<4096xf32, #tpu.memory_space<vmem>>, vector<16xf32>,
    %slice3A_3833 = vector.extract_strided_slice %convert_element_type3A_3676 {offsets = [12], sizes = [1], strides = [1]} : vector<16xf32> to vector<1xf32>
    %squeeze3A_3834 = vector.extract %slice3A_3833[0] : f32 from vector<1xf32>
    %lt3A_3835 = vector.broadcast %squeeze3A_3834 : f32 to vector<16xf32>
    %lt3A_3836 = arith.cmpf olt, %convert_element_type3A, %lt3A_3835 : vector<16xf32>
    %jit3A_3837 = arith.constant 1.000000e+00 : f32
    %jit3A_3838 = arith.constant 0.000000e+00 : f32
    %broadcast_in_dim3A_3839 = vector.broadcast %jit3A_3837 : f32 to vector<16xf32>
    %broadcast_in_dim3A_3840 = vector.broadcast %jit3A_3838 : f32 to vector<16xf32>
    %select_n3A_3841 = arith.select %lt3A_3836, %broadcast_in_dim3A_3839, %broadcast_in_dim3A_3840 : vector<16xi1>, vector<16xf32>
    %swap3A_3842 = arith.constant 4032 : index
    %swap3A_3843 = tpu.vector_load %arg5[%swap3A_3842] {strides = array<i32>} : memref<4096xf32, #tpu.memory_space<vmem>>, vector<16xf32>,
    %swap3A_3844 = vector.shape_cast %swap3A_3843 : vector<16xf32> to vector<16xf32>
    %swap3A_3845 = vector.shape_cast %select_n3A_3841 : vector<16xf32> to vector<16xf32>
    tpu.vector_store %arg5[%swap3A_3842], %swap3A_3845 {strides = array<i32>} : memref<4096xf32, #tpu.memory_space<vmem>>, vector<16xf32>,
    %slice3A_3846 = vector.extract_strided_slice %convert_element_type3A_3676 {offsets = [13], sizes = [1], strides = [1]} : vector<16xf32> to vector<1xf32>
    %squeeze3A_3847 = vector.extract %slice3A_3846[0] : f32 from vector<1xf32>
    %lt3A_3848 = vector.broadcast %squeeze3A_3847 : f32 to vector<16xf32>
    %lt3A_3849 = arith.cmpf olt, %convert_element_type3A, %lt3A_3848 : vector<16xf32>
    %jit3A_3850 = arith.constant 1.000000e+00 : f32
    %jit3A_3851 = arith.constant 0.000000e+00 : f32
    %broadcast_in_dim3A_3852 = vector.broadcast %jit3A_3850 : f32 to vector<16xf32>
    %broadcast_in_dim3A_3853 = vector.broadcast %jit3A_3851 : f32 to vector<16xf32>
    %select_n3A_3854 = arith.select %lt3A_3849, %broadcast_in_dim3A_3852, %broadcast_in_dim3A_3853 : vector<16xi1>, vector<16xf32>
    %swap3A_3855 = arith.constant 4048 : index
    %swap3A_3856 = tpu.vector_load %arg5[%swap3A_3855] {strides = array<i32>} : memref<4096xf32, #tpu.memory_space<vmem>>, vector<16xf32>,
    %swap3A_3857 = vector.shape_cast %swap3A_3856 : vector<16xf32> to vector<16xf32>
    %swap3A_3858 = vector.shape_cast %select_n3A_3854 : vector<16xf32> to vector<16xf32>
    tpu.vector_store %arg5[%swap3A_3855], %swap3A_3858 {strides = array<i32>} : memref<4096xf32, #tpu.memory_space<vmem>>, vector<16xf32>,
    %slice3A_3859 = vector.extract_strided_slice %convert_element_type3A_3676 {offsets = [14], sizes = [1], strides = [1]} : vector<16xf32> to vector<1xf32>
    %squeeze3A_3860 = vector.extract %slice3A_3859[0] : f32 from vector<1xf32>
    %lt3A_3861 = vector.broadcast %squeeze3A_3860 : f32 to vector<16xf32>
    %lt3A_3862 = arith.cmpf olt, %convert_element_type3A, %lt3A_3861 : vector<16xf32>
    %jit3A_3863 = arith.constant 1.000000e+00 : f32
    %jit3A_3864 = arith.constant 0.000000e+00 : f32
    %broadcast_in_dim3A_3865 = vector.broadcast %jit3A_3863 : f32 to vector<16xf32>
    %broadcast_in_dim3A_3866 = vector.broadcast %jit3A_3864 : f32 to vector<16xf32>
    %select_n3A_3867 = arith.select %lt3A_3862, %broadcast_in_dim3A_3865, %broadcast_in_dim3A_3866 : vector<16xi1>, vector<16xf32>
    %swap3A_3868 = arith.constant 4064 : index
    %swap3A_3869 = tpu.vector_load %arg5[%swap3A_3868] {strides = array<i32>} : memref<4096xf32, #tpu.memory_space<vmem>>, vector<16xf32>,
    %swap3A_3870 = vector.shape_cast %swap3A_3869 : vector<16xf32> to vector<16xf32>
    %swap3A_3871 = vector.shape_cast %select_n3A_3867 : vector<16xf32> to vector<16xf32>
    tpu.vector_store %arg5[%swap3A_3868], %swap3A_3871 {strides = array<i32>} : memref<4096xf32, #tpu.memory_space<vmem>>, vector<16xf32>,
    %slice3A_3872 = vector.extract_strided_slice %convert_element_type3A_3676 {offsets = [15], sizes = [1], strides = [1]} : vector<16xf32> to vector<1xf32>
    %squeeze3A_3873 = vector.extract %slice3A_3872[0] : f32 from vector<1xf32>
    %lt3A_3874 = vector.broadcast %squeeze3A_3873 : f32 to vector<16xf32>
    %lt3A_3875 = arith.cmpf olt, %convert_element_type3A, %lt3A_3874 : vector<16xf32>
    %jit3A_3876 = arith.constant 1.000000e+00 : f32
    %jit3A_3877 = arith.constant 0.000000e+00 : f32
    %broadcast_in_dim3A_3878 = vector.broadcast %jit3A_3876 : f32 to vector<16xf32>
    %broadcast_in_dim3A_3879 = vector.broadcast %jit3A_3877 : f32 to vector<16xf32>
    %select_n3A_3880 = arith.select %lt3A_3875, %broadcast_in_dim3A_3878, %broadcast_in_dim3A_3879 : vector<16xi1>, vector<16xf32>
    %swap3A_3881 = arith.constant 4080 : index
    %swap3A_3882 = tpu.vector_load %arg5[%swap3A_3881] {strides = array<i32>} : memref<4096xf32, #tpu.memory_space<vmem>>, vector<16xf32>,
    %swap3A_3883 = vector.shape_cast %swap3A_3882 : vector<16xf32> to vector<16xf32>
    %swap3A_3884 = vector.shape_cast %select_n3A_3880 : vector<16xf32> to vector<16xf32>
    tpu.vector_store %arg5[%swap3A_3881], %swap3A_3884 {strides = array<i32>} : memref<4096xf32, #tpu.memory_space<vmem>>, vector<16xf32>,
    %add3A_3885 = arith.constant 192 : i32
    %add3A_3886 = arith.addi %mul3A_2, %add3A_3885 : i32
    %mul3A_3887 = arith.constant 16 : i32
    %mul3A_3888 = arith.muli %add3A_3886, %mul3A_3887 : i32
    %dma_start3A_3889 = arith.constant 3072 : i32
    %dma_start3A_3890 = tpu.memref_slice %arg5[%dma_start3A_3889] : memref<4096xf32, #tpu.memory_space<vmem>> -> memref<1024xf32, #tpu.memory_space<vmem>>
    %dma_start3A_3891 = tpu.memref_slice %arg3[%mul3A_3888] : memref<65536xf32, #tpu.memory_space<hbm>> -> memref<1024xf32, #tpu.memory_space<hbm>>
    %dma_start3A_3892 = tpu.memref_slice %arg3[%mul3A_3888] : memref<65536xf32, #tpu.memory_space<hbm>> -> memref<1024xf32, #tpu.memory_space<hbm>>
    %dma_start3A_3893 = arith.constant 3072 : i32
    %dma_start3A_3894 = tpu.memref_slice %arg5[%dma_start3A_3893] : memref<4096xf32, #tpu.memory_space<vmem>> -> memref<1024xf32, #tpu.memory_space<vmem>>
    tpu.enqueue_dma source(%dma_start3A_3894 : memref<1024xf32, #tpu.memory_space<vmem>>) target(%dma_start3A_3892 : memref<1024xf32, #tpu.memory_space<hbm>>) target_semaphore(%arg6 : memref<!tpu.dma_semaphore, #tpu.memory_space<semaphore_mem>>)
    %dma_wait3A_3895 = arith.constant 0 : i32
    %dma_wait3A_3896 = tpu.memref_slice %arg5[%dma_wait3A_3895] : memref<4096xf32, #tpu.memory_space<vmem>> -> memref<1024xf32, #tpu.memory_space<vmem>>
    %dma_wait3A_3897 = tpu.memref_slice %arg3[%mul3A_984] : memref<65536xf32, #tpu.memory_space<hbm>> -> memref<1024xf32, #tpu.memory_space<hbm>>
    %dma_wait3A_3898 = tpu.memref_slice %arg3[%mul3A_984] : memref<65536xf32, #tpu.memory_space<hbm>> -> memref<1024xf32, #tpu.memory_space<hbm>>
    %dma_wait3A_3899 = arith.constant 0 : i32
    %dma_wait3A_3900 = tpu.memref_slice %arg5[%dma_wait3A_3899] : memref<4096xf32, #tpu.memory_space<vmem>> -> memref<1024xf32, #tpu.memory_space<vmem>>
    tpu.wait_dma2 semaphore(%arg6 : memref<!tpu.dma_semaphore, #tpu.memory_space<semaphore_mem>>) src(%dma_wait3A_3900 : memref<1024xf32, #tpu.memory_space<vmem>>) dst(%dma_wait3A_3898 : memref<1024xf32, #tpu.memory_space<hbm>>)
    %dma_wait3A_3901 = arith.constant 1024 : i32
    %dma_wait3A_3902 = tpu.memref_slice %arg5[%dma_wait3A_3901] : memref<4096xf32, #tpu.memory_space<vmem>> -> memref<1024xf32, #tpu.memory_space<vmem>>
    %dma_wait3A_3903 = tpu.memref_slice %arg3[%mul3A_1952] : memref<65536xf32, #tpu.memory_space<hbm>> -> memref<1024xf32, #tpu.memory_space<hbm>>
    %dma_wait3A_3904 = tpu.memref_slice %arg3[%mul3A_1952] : memref<65536xf32, #tpu.memory_space<hbm>> -> memref<1024xf32, #tpu.memory_space<hbm>>
    %dma_wait3A_3905 = arith.constant 1024 : i32
    %dma_wait3A_3906 = tpu.memref_slice %arg5[%dma_wait3A_3905] : memref<4096xf32, #tpu.memory_space<vmem>> -> memref<1024xf32, #tpu.memory_space<vmem>>
    tpu.wait_dma2 semaphore(%arg6 : memref<!tpu.dma_semaphore, #tpu.memory_space<semaphore_mem>>) src(%dma_wait3A_3906 : memref<1024xf32, #tpu.memory_space<vmem>>) dst(%dma_wait3A_3904 : memref<1024xf32, #tpu.memory_space<hbm>>)
    %dma_wait3A_3907 = arith.constant 2048 : i32
    %dma_wait3A_3908 = tpu.memref_slice %arg5[%dma_wait3A_3907] : memref<4096xf32, #tpu.memory_space<vmem>> -> memref<1024xf32, #tpu.memory_space<vmem>>
    %dma_wait3A_3909 = tpu.memref_slice %arg3[%mul3A_2920] : memref<65536xf32, #tpu.memory_space<hbm>> -> memref<1024xf32, #tpu.memory_space<hbm>>
    %dma_wait3A_3910 = tpu.memref_slice %arg3[%mul3A_2920] : memref<65536xf32, #tpu.memory_space<hbm>> -> memref<1024xf32, #tpu.memory_space<hbm>>
    %dma_wait3A_3911 = arith.constant 2048 : i32
    %dma_wait3A_3912 = tpu.memref_slice %arg5[%dma_wait3A_3911] : memref<4096xf32, #tpu.memory_space<vmem>> -> memref<1024xf32, #tpu.memory_space<vmem>>
    tpu.wait_dma2 semaphore(%arg6 : memref<!tpu.dma_semaphore, #tpu.memory_space<semaphore_mem>>) src(%dma_wait3A_3912 : memref<1024xf32, #tpu.memory_space<vmem>>) dst(%dma_wait3A_3910 : memref<1024xf32, #tpu.memory_space<hbm>>)
    %dma_wait3A_3913 = arith.constant 3072 : i32
    %dma_wait3A_3914 = tpu.memref_slice %arg5[%dma_wait3A_3913] : memref<4096xf32, #tpu.memory_space<vmem>> -> memref<1024xf32, #tpu.memory_space<vmem>>
    %dma_wait3A_3915 = tpu.memref_slice %arg3[%mul3A_3888] : memref<65536xf32, #tpu.memory_space<hbm>> -> memref<1024xf32, #tpu.memory_space<hbm>>
    %dma_wait3A_3916 = tpu.memref_slice %arg3[%mul3A_3888] : memref<65536xf32, #tpu.memory_space<hbm>> -> memref<1024xf32, #tpu.memory_space<hbm>>
    %dma_wait3A_3917 = arith.constant 3072 : i32
    %dma_wait3A_3918 = tpu.memref_slice %arg5[%dma_wait3A_3917] : memref<4096xf32, #tpu.memory_space<vmem>> -> memref<1024xf32, #tpu.memory_space<vmem>>
    tpu.wait_dma2 semaphore(%arg6 : memref<!tpu.dma_semaphore, #tpu.memory_space<semaphore_mem>>) src(%dma_wait3A_3918 : memref<1024xf32, #tpu.memory_space<vmem>>) dst(%dma_wait3A_3916 : memref<1024xf32, #tpu.memory_space<hbm>>)
    return
  }
}

</mosaic_0001>

<sc_bundles>
// kernel: kernel.3.cloned.1.call-start
scs
__scs_entry_jumppad:
0x0: {  	(pc) =	sbr.rel $0x88, $3  }
0x1: {  	(tag) =	ssettag $0x0;
	lr =	simm.s32 $0x1  }
0x2: {  	[smem:$0x3FA0] =	sst lr;
	_ =	strace $0xD0000000  }
0x3: {  	_ = 	snop  }
0x4: {  	_ = 	snop  }
0x5: {  	_ = 	snop  }
0x6: {  	_ = 	snop  }
0x7: {  	_ = 	snop  }
__scs_overlays_trampoline_lowered:
0x8: {  	[smem:$0x3FAF] =	sst s0  }
0x9: {  	[smem:$0x3FB0] =	sst s1  }
0xa: {  	[smem:$0x3FB1] =	sst s2  }
0xb: {  	[smem:$0x3FB2] =	sst s3  }
0xc: {  	[smem:$0x3FB3] =	sst s4  }
0xd: {  	[smem:$0x3FB4] =	sst s5  }
0xe: {  	[smem:$0x3FB5] =	sst s6  }
0xf: {  	[smem:$0x3FB6] =	sst s7  }
0x10: {  	[smem:$0x3FB7] =	sst s8  }
0x11: {  	[smem:$0x3FB8] =	sst s9;
	s0 =	simm.s32 @!p0 $0x0  }
0x12: {  	s1 =	sld [smem:$0x3F9E];
	s0 =	simm.s32 @p0 $0x1  }
0x13: {  	[smem:$0x3FB9] =	sst s0;
	s0 =	simm.s32 @!p1 $0x0  }
0x14: {  	s2 =	sld [smem:$0x3F9D];
	s0 =	simm.s32 @p1 $0x1  }
0x15: {  	[smem:$0x3FBA] =	sst s0;
	s0 =	simm.s32 @!p2 $0x0  }
0x16: {  	s3 =	sld [smem:$0x3FDB];
	s0 =	simm.s32 @p2 $0x1  }
0x17: {  	s4 =	simm.s32 $0x1BF5;
	[smem:$0x3FBC] =	sst s0  }
0x18: {  	s0 =	sld [smem:$0x3F9F];
	_ =	swait.ge [sflag:s4], $0x0  }
0x19: {  	s7 =	sld [smem:$0x3FA0]  }
0x1a: {  	s8 =	sadd.s32 $0xFFFFE003, lr  }
0x1b: {  	s9 =	sadd.s32 $0xFFFFFEF7, lr;
	s5 =	simm.s32 $0xFFFFFFFF;
	p2 =	slt.u32 s8, $0xFFFFF086  }
0x1c: {  	p1 =	slt.u32 s9, $0xF7A;
	s5 =	simm.s32 @!p2 $0x0  }
0x1d: {  	s5 =	simm.s32 @p1 $0x1;
	p0 =	seq.s32 s7, s2  }
0x1e: {  	s7 =	smul.u32 @!p0 $0xF7A, s2;
	p2 =	seq.s32 @!p0 s5, $0x0  }
0x1f: {  	s9 =	smul.u32 $0xF7A, s1;
	s8 =	simm.s32 @!p0 $0x1BF5;
	p2 =	por !p2, p0  }
0x20: {  	[sflag:s8] =	ssyncset.s32 @!p0 $0xFFFFF086;
	s6 =	sadd.s32 @!p0 s3, s7;
	s7 =	simm.s32 @!p0 $0x108  }
0x21: {  	s3 =	sadd.s32 s3, s9;
	s6 =	sadd.s32 @!p0 $0x88, s6;
	s7 =	simm.s32 @p2 $0x1082  }
0x22: {  	[simem:s7], [sflag:s8] =	dma.local @!p0 [hbm:s6], $0xF7A  }
0x23: {  	s9 =	sor.u32 $0xD0000000, s2;
	s6 =	simm.s32 $0x108;
	_ =	swait.ge @!p0 [sflag:s8], $0x0  }
0x24: {  	s3 =	sadd.s32 $0x88, s3;
	s6 =	simm.s32 @!p1 $0x1082;
	[sflag:s4] =	ssyncset.s32 $0xFFFFF086  }
0x25: {  	[simem:s6], [sflag:s4] =	dma.local [hbm:s3], $0xF7A  }
0x26: {  	[smem:$0x3FA0] =	sst s1;
	(tag) =	ssettag s2;
	_ =	strace s9  }
0x27: {  	s1 =	sld [smem:$0x3FB0]  }
0x28: {  	s2 =	sld [smem:$0x3FB1]  }
0x29: {  	s4 =	sld [smem:$0x3FB3]  }
0x2a: {  	p0 =	seq.s32 s5, $0x0;
	s5 =	sld [smem:$0x3FB4]  }
0x2b: {  	s6 =	sld [smem:$0x3FB5]  }
0x2c: {  	s7 =	sld [smem:$0x3FB6]  }
0x2d: {  	s3 =	simm.s32 $0x108;
	s8 =	sld [smem:$0x3FB7]  }
0x2e: {  	s3 =	simm.s32 @!p0 $0x1082;
	s9 =	sld [smem:$0x3FB8]  }
0x2f: {  	lr =	sadd.s32 s0, s3;
	s0 =	sld [smem:$0x3FAF]  }
0x30: {  	s3 =	sld [smem:$0x3FB2]  }
0x31: {  	[smem:$0x3FBB] =	sst s10  }
0x32: {  	s10 =	sld [smem:$0x3FB9];
	_ =	sdelay $0x3  }
0x33: {  	p0 =	seq.s32 s10, $0x1;
	s10 =	sld [smem:$0x3FBB];
	_ =	sdelay $0x3  }
0x34: {  	[smem:$0x3FBB] =	sst s10  }
0x35: {  	s10 =	sld [smem:$0x3FBA];
	_ =	sdelay $0x3  }
0x36: {  	p1 =	seq.s32 s10, $0x1;
	s10 =	sld [smem:$0x3FBB];
	_ =	sdelay $0x3  }
0x37: {  	[smem:$0x3FBB] =	sst s10  }
0x38: {  	s10 =	sld [smem:$0x3FBC]  }
0x39: {  	_ = 	snop;
	(pc) =	sbr.ind lr, $3  }
0x3a: {  	_ = 	snop  }
0x3b: {  	_ = 	snop  }
0x3c: {  	p2 =	seq.s32 s10, $0x1;
	s10 =	sld [smem:$0x3FBB]  }
0x3d: {  	_ =	shalt  }
0x3e: {  	_ =	shalt  }
0x3f: {  	_ =	shalt  }
0x40: {  	_ =	shalt  }
0x41: {  	_ =	shalt  }
0x42: {  	_ =	shalt  }
0x43: {  	_ =	shalt  }
0x44: {  	_ =	shalt  }
0x45: {  	_ =	shalt  }
0x46: {  	_ =	shalt  }
0x47: {  	_ =	shalt  }
0x48: {  	_ =	shalt  }
0x49: {  	_ =	shalt  }
0x4a: {  	_ =	shalt  }
0x4b: {  	_ =	shalt  }
0x4c: {  	_ =	shalt  }
0x4d: {  	_ =	shalt  }
0x4e: {  	_ =	shalt  }
0x4f: {  	_ =	shalt  }
0x50: {  	_ =	shalt  }
0x51: {  	_ =	shalt  }
0x52: {  	_ =	shalt  }
0x53: {  	_ =	shalt  }
0x54: {  	_ =	shalt  }
0x55: {  	_ =	shalt  }
0x56: {  	_ =	shalt  }
0x57: {  	_ =	shalt  }
0x58: {  	_ =	shalt  }
0x59: {  	_ =	shalt  }
0x5a: {  	_ =	shalt  }
0x5b: {  	_ =	shalt  }
0x5c: {  	_ =	shalt  }
0x5d: {  	_ =	shalt  }
0x5e: {  	_ =	shalt  }
0x5f: {  	_ =	shalt  }
0x60: {  	_ =	shalt  }
0x61: {  	_ =	shalt  }
0x62: {  	_ =	shalt  }
0x63: {  	_ =	shalt  }
0x64: {  	_ =	shalt  }
0x65: {  	_ =	shalt  }
0x66: {  	_ =	shalt  }
0x67: {  	_ =	shalt  }
0x68: {  	_ =	shalt  }
0x69: {  	_ =	shalt  }
0x6a: {  	_ =	shalt  }
0x6b: {  	_ =	shalt  }
0x6c: {  	_ =	shalt  }
0x6d: {  	_ =	shalt  }
0x6e: {  	_ =	shalt  }
0x6f: {  	_ =	shalt  }
0x70: {  	_ =	shalt  }
0x71: {  	_ =	shalt  }
0x72: {  	_ =	shalt  }
0x73: {  	_ =	shalt  }
0x74: {  	_ =	shalt  }
0x75: {  	_ =	shalt  }
0x76: {  	_ =	shalt  }
0x77: {  	_ =	shalt  }
0x78: {  	_ =	shalt  }
0x79: {  	_ =	shalt  }
0x7a: {  	_ =	shalt  }
0x7b: {  	_ =	shalt  }
0x7c: {  	_ =	shalt  }
0x7d: {  	_ =	shalt  }
0x7e: {  	_ =	shalt  }
0x7f: {  	_ =	shalt  }
0x80: {  	_ =	shalt  }
0x81: {  	_ =	shalt  }
0x82: {  	_ =	shalt  }
0x83: {  	_ =	shalt  }
0x84: {  	_ =	shalt  }
0x85: {  	_ =	shalt  }
0x86: {  	_ =	shalt  }
0x87: {  	_ =	shalt  }
.Lfunc_end0:
.L_simem_size_0:
called_computation_lowered:
.L_overlay_start_0:
0x88: {  	s0 =	sld [smem:$0x3FD9]  }
0x89: {  	s1 =	sld [smem:$0x3FFE];
	_ =	sdelay $0x3  }
0x8a: {  	s0 =	sadd.s32 s1, s0  }
0x8b: {  	[smem:$0x3FC7] =	sst s0  }
0x8c: {  	_ = 	snop  }
0x8d: {  	s0 =	sld [smem:$0x3FC9]  }
0x8e: {  	s17 =	sld [smem:$0x3FD0];
	(tm) =	ssettm $0x1  }
0x8f: {  	s2 =	sld [smem:$0x3FFB];
	_ =	sdelay $0x3  }
0x90: {  	_ =	strace s2  }
0x91: {  	s2 =	sld [smem:$0x3FFC];
	_ =	sdelay $0x3  }
0x92: {  	_ =	strace s2  }
0x93: {  	s2 =	sld [smem:$0x3FFD];
	_ =	sdelay $0x3  }
0x94: {  	_ =	strace s2  }
0x95: {  	_ =	strace $0x8FFFFFFF  }
0x96: {  	s18 =	sld [smem:$0x3FDB];
	_ =	sdelay $0x1  }
0x97: {  	s3 =	simm.s32 $_scs_section_size  }
0x98: {  	s4 =	simm.s32 $_size__tile_overlayer_lowered;
	s5 =	simm.s32 $_tile_overlayer_lowered  }
0x99: {  	s21 =	simm.s32 $0x1BFF;
	s20 =	sshll.u32 s5, $0x1;
	s2 =	sadd.s32 s3, s18  }
0x9a: {  	s6 =	simm.s32 $0x0;
	s19 =	sshll.u32 s4, $0x1;
	s4 =	sadd.s32 s20, s2  }
0x9b: {  	[timem:s6], [sflag:s21] =	dma.local [hbm:s4], s19  }
0x9c: {  	_ =	swait.ge [sflag:s21], s19  }
0x9d: {  	s3 =	ssub.s32 $0x0, s19;
	[sflag:s21] =	ssyncset.done $0x0  }
0x9e: {  	[sflag:s21] =	ssyncadd.s32 s3;
	_ =	sdelay $0x1  }
0x9f: {  	s22 =	simm.s32 $0x1B8B  }
0xa0: {  	_ =	swait.ge [sflag:s22], $0x1  }
0xa1: {  	[sflag:s22] =	ssyncset.done $0x0  }
0xa2: {  	s23 =	simm.s32 $0x1B8E;
	[sflag:s22] =	ssyncadd.s32 $0xFFFFFFFF  }
0xa3: {  	s24 =	simm.s32 $execute0_lowered;
	[smem:$0x3FD2] =	sst s23  }
0xa4: {  	s3 =	sshll.u32 s24, $0x1;
	_ =	strace $0x80000046;
	[dreg:$0x1] =	wrdreg $0xFFFFFFFF  }
0xa5: {  	s25 =	simm.s32 $_size_execute0_lowered;
	s2 =	sadd.s32 s2, s3;
	[dreg:$0x0] =	wrdreg $0x0  }
0xa6: {  	s3 =	sshll.u32 s25, $0x1;
	[dreg:$0x2] =	wrdreg s2  }
0xa7: {  	[dreg:$0x3] =	wrdreg s3  }
0xa8: {  	[dreg:$0x4] =	wrdreg $0xC0  }
0xa9: {  	_ =	task [dreg:s6], $0x5FFFF  }
0xaa: {  	[dreg:$0x1] =	wrdreg $0xFFFFFFFF  }
0xab: {  	[dreg:$0x0] =	wrdreg $0x60  }
0xac: {  	[dreg:$0x2] =	wrdreg s0  }
0xad: {  	[dreg:$0x3] =	wrdreg s17  }
0xae: {  	[dreg:$0x4] =	wrdreg $0x9  }
0xaf: {  	_ =	task.clear_ibuf [dreg:s6], $0x5FFFF;
	_ =	strace $0x90000046  }
0xb0: {  	s26 =	simm.s32 $0x9;
	_ =	strace $0x80000048  }
0xb1: {  	_ =	swait.ge [sflag:s26], $0x1  }
0xb2: {  	[sflag:s26] =	ssyncadd.s32 $0xFFFFFFFF  }
0xb3: {  	_ =	strace $0x90000048  }
0xb4: {  	_ =	sfence  }
0xb5: {  	s28 =	sld [smem:$0x0];
	_ =	sdelay $0x1  }
0xb6: {  	s29 =	srdreg.scid  }
0xb7: {  	s30 =	sshll.u32 s29, $0xD;
	s31 =	sshrl.u32 s29, $0x2  }
0xb8: {  	s1 =	sand.u32 $0x1, s29;
	s2 =	sand.u32 $0x4000, s30;
	s0 =	sadd.s32 s31, s28  }
0xb9: {  	s1 =	sor.u32 s2, s1;
	s0 =	sshll.u32 s0, $0x11  }
0xba: {  	s0 =	sor.u32 s0, s1  }
0xbb: {  	s0 =	sadd.s32 $0x8F2B, s0  }
0xbc: {  	[sflag:s0] =	ssyncadd.remote.s32 $0x1  }
0xbd: {  	_ =	sfence.sel $0xFFFF  }
0xbe: {  	[dreg:$0x0] =	wrdreg $0xFFFFFFFF;
	(pc) =	sbr.abs _section_cstart, $3  }
0xbf: {  	[dreg:$0x1] =	wrdreg $0xFFFFFFFF  }
0xc0: {  	_ =	task.clear_ibuf [dreg:s6], $0x2FFFF;
	_ =	strace $0x9FFFFFFF  }
0xc1: {  	(tm) =	ssettm $0x7FFFFFFF  }
tec
execute0_lowered:
.L_overlay_start_1:
0x0: {  	(tag) =	ssettag $0x1  }
0x1: {  	s4 =	rddreg [dreg:$0x0]  }
0x2: {  	s2 =	rddreg [dreg:$0x1]  }
0x3: {  	s1 =	stileid.u32;
	s0 =	rddreg [dreg:$0x2];
	s3 =	simm.s32 $0x0  }
0x4: {  	s10 =	simm.s32 $0x40;
	s5 =	sshll.u32 s1, $0x8;
	[smem:$0x7FF] =	sst s3  }
0x5: {  	s6 =	sshll.u32 s1, $0x5;
	s7 =	sor.u32 $0x40, s5;
	_ =	strace $0x80000047  }
0x6: {  	s9 =	sadd.s32 s4, s6;
	s19 =	sor.u32 $0x80, s5;
	s8 =	sshrl.u32 s7, $0x3  }
0x7: {  	[tilespmem:s3], [sflag:$0x1] =	stream.linear.gather [hbm4b:s9+s3], $0x40, $0x38;
	[tilespmem:$0x1100] =	vst v63  }
0x8: {  	s5 =	sor.u32 $0xC0, s5;
	s20 =	sshrl.u32 s19, $0x3;
	s8 =	sadd.s32 s4, s8  }
0x9: {  	[tilespmem:s10], [sflag:$0x1] =	stream.linear.gather [hbm4b:s8+s3], $0x40, $0x38;
	[tilespmem:$0x1100] =	vst v63  }
0xa: {  	s23 =	simm.s32 $0x80;
	s22 =	sshrl.u32 s5, $0x3;
	s21 =	sadd.s32 s4, s20  }
0xb: {  	[tilespmem:s23], [sflag:$0x1] =	stream.linear.gather [hbm4b:s21+s3], $0x40, $0x38;
	[tilespmem:$0x1100] =	vst v63  }
0xc: {  	s24 =	simm.s32 $0xC0;
	s25 =	simm.s32 $0x1;
	s4 =	sadd.s32 s4, s22  }
0xd: {  	[tilespmem:s24], [sflag:$0x1] =	stream.linear.gather [hbm4b:s4+s3], $0x40, $0x38;
	[tilespmem:$0x1100] =	vst v63  }
0xe: {  	_ =	swait.ge [sflag:s25], $0x40  }
0xf: {  	[sflag:s25] =	ssyncset.done $0x0  }
0x10: {  	[sflag:s25] =	ssyncadd.s32 $0xFFFFFFC0  }
0x11: {  	v0 =	vld [tilespmem:$0x0]  }
0x12: {  	v3 =	vimm.f32 $1.500000000e+01;
	vm0 =	vcmask $0x300  }
0x13: {  	vm8 =	vcmask $0x704;
	vm9 =	vcmask $0xB08;
	vm10 =	vcmask $0xF0C;
	v6 =	vld [tilespmem:$0x10]  }
0x14: {  	vm11 =	vcmask $0x1310;
	vm12 =	vcmask $0x1714;
	vm13 =	vcmask $0x1B18  }
0x15: {  	vm15 =	vcmask $0x1F1C;
	vm4 =	vcmask $0x2320;
	vm5 =	vcmask $0x2724  }
0x16: {  	v3 =	vsel vm0, $0x0, v3;
	v41 =	vld [tilespmem:$0x20];
	v1 =	vmul.f32 $6.500000000e+01, v0;
	v0 =	vmul.f32 $1.600000000e+01, v0  }
0x17: {  	vm6 =	vcmask $0x2B28;
	vm7 =	vcmask $0x2F2C;
	v61 =	vsel vm8, $0x3F800000, v3  }
0x18: {  	vm8 =	vcmask $0x3330;
	v21 =	vmul.f32 $1.600000000e+01, v6;
	v2 =	vtrunc.f32 v0  }
0x19: {  	v4 =	vcvt.f32.s32 v2;
	vm1 =	vgt.f32 v0, v2;
	v2 =	vimm.s32 $0x0  }
0x1a: {  	v6 =	vmul.f32 $6.500000000e+01, v6;
	v1 =	vtrunc.f32 v1;
	v62 =	vsel vm1, $0x1, v2  }
0x1b: {  	v50 =	vmul.f32 $1.600000000e+01, v41;
	v1 =	vcvt.f32.s32 v1;
	v3 =	vadd.s32 v4, v62  }
0x1c: {  	v54 =	vmul.f32 $6.500000000e+01, v41;
	v0 =	vsel vm9, $0x40000000, v61;
	v3 =	vshll.u32 v3, $0x2  }
0x1d: {  	v14 =	vtrunc.f32 v21;
	v0 =	vsel vm10, $0x40400000, v0;
	vm14 =	vlt.s32 v1, v3  }
0x1e: {  	v6 =	vtrunc.f32 v6;
	v0 =	vsel vm11, $0x40800000, v0;
	v1 =	vsel vm14, v1, v3  }
0x1f: {  	v55 =	vtrunc.f32 v50;
	v0 =	vsel vm12, $0x40A00000, v0;
	vm1 =	vlt.s32 v1, $0x40  }
0x20: {  	vm9 =	vcmask $0x3734;
	v0 =	vsel vm13, $0x40C00000, v0;
	v1 =	vnsel vm1, $0x40, v1  }
0x21: {  	v23 =	vcvt.f32.s32 v14;
	v0 =	vsel vm15, $0x40E00000, v0;
	v1 =	vshra.s32 v1, $0x2  }
0x22: {  	v6 =	vcvt.f32.s32 v6;
	v0 =	vsel vm4, $0x41000000, v0;
	v63 =	vcvt.s32.f32 v1  }
0x23: {  	v57 =	vcvt.f32.s32 v55;
	vm10 =	vcmask $0x3B38;
	v0 =	vsel vm5, $0x41100000, v0  }
0x24: {  	v0 =	vsel vm6, $0x41200000, v0;
	v1 =	vbroadcast v63, $0x0;
	v16 =	vbroadcast v63, $0x1  }
0x25: {  	vm6 =	vgt.f32 v21, v14;
	v5 =	vbroadcast v63, $0x2;
	v17 =	vbroadcast v63, $0x3  }
0x26: {  	v0 =	vsel vm7, $0x41300000, v0;
	v18 =	vbroadcast v63, $0x4;
	v19 =	vbroadcast v63, $0x5  }
0x27: {  	v14 =	vsel vm6, $0x1, v2;
	v20 =	vbroadcast v63, $0x6;
	v22 =	vbroadcast v63, $0x7  }
0x28: {  	v0 =	vsel vm8, $0x41400000, v0;
	v24 =	vbroadcast v63, $0x8;
	v15 =	vbroadcast v63, $0x9  }
0x29: {  	v0 =	vsel vm9, $0x41500000, v0;
	v27 =	vbroadcast v63, $0xA;
	v29 =	vbroadcast v63, $0xB  }
0x2a: {  	v31 =	vbroadcast v63, $0xD;
	v32 =	vbroadcast v63, $0xE;
	v0 =	vsel vm10, $0x41600000, v0  }
0x2b: {  	v3 =	vbroadcast v63, $0xF;
	vm0 =	vgt.f32 v1, v0;
	v1 =	vimm.f32 $0.0e+00  }
0x2c: {  	vm11 =	vgt.f32 v16, v0;
	vm12 =	vgt.f32 v5, v0;
	vm13 =	vgt.f32 v17, v0  }
0x2d: {  	vm14 =	vgt.f32 v18, v0;
	vm15 =	vgt.f32 v19, v0;
	vm4 =	vgt.f32 v20, v0  }
0x2e: {  	vm5 =	vgt.f32 v22, v0;
	v5 =	vadd.s32 v23, v14;
	vm7 =	vgt.f32 v24, v0  }
0x2f: {  	vm8 =	vgt.f32 v15, v0;
	vm9 =	vgt.f32 v27, v0;
	v17 =	vbroadcast v63, $0xC  }
0x30: {  	v7 =	vsel vm0, $0x3F800000, v1;
	v8 =	vsel vm11, $0x3F800000, v1;
	v9 =	vsel vm12, $0x3F800000, v1  }
0x31: {  	v10 =	vsel vm13, $0x3F800000, v1;
	v11 =	vsel vm14, $0x3F800000, v1;
	v12 =	vsel vm15, $0x3F800000, v1  }
0x32: {  	v13 =	vsel vm4, $0x3F800000, v1;
	v25 =	vsel vm5, $0x3F800000, v1;
	v26 =	vshll.u32 v5, $0x2  }
0x33: {  	v28 =	vsel vm7, $0x3F800000, v1;
	v16 =	vsel vm8, $0x3F800000, v1;
	vm2 =	vlt.s32 v6, v26  }
0x34: {  	v30 =	vsel vm9, $0x3F800000, v1;
	vm11 =	vgt.f32 v29, v0;
	v4 =	vsel vm2, v6, v26  }
0x35: {  	vm13 =	vgt.f32 v31, v0;
	vm14 =	vgt.f32 v32, v0;
	[tilespmem:$0x100] =	vst v7;
	vm10 =	vlt.s32 v4, $0x40  }
0x36: {  	vm15 =	vgt.f32 v3, v0;
	v3 =	vtrunc.f32 v54;
	[tilespmem:$0x110] =	vst v8;
	v4 =	vnsel vm10, $0x40, v4  }
0x37: {  	vm12 =	vgt.f32 v17, v0;
	v33 =	vsel vm11, $0x3F800000, v1;
	[tilespmem:$0x120] =	vst v9;
	v4 =	vshra.s32 v4, $0x2  }
0x38: {  	v35 =	vsel vm13, $0x3F800000, v1;
	v36 =	vsel vm14, $0x3F800000, v1;
	[tilespmem:$0x130] =	vst v10;
	v4 =	vcvt.s32.f32 v4  }
0x39: {  	[tilespmem:$0x140] =	vst v11;
	v39 =	vsel vm15, $0x3F800000, v1;
	v3 =	vcvt.f32.s32 v3;
	v18 =	vsel vm12, $0x3F800000, v1  }
0x3a: {  	[tilespmem:$0x150] =	vst v12;
	vm12 =	vgt.f32 v50, v55;
	v34 =	vbroadcast v4, $0x0;
	v37 =	vbroadcast v4, $0x1  }
0x3b: {  	[tilespmem:$0x160] =	vst v13;
	v7 =	vsel vm12, $0x1, v2;
	v38 =	vbroadcast v4, $0x2;
	v42 =	vbroadcast v4, $0x3  }
0x3c: {  	[tilespmem:$0x170] =	vst v25;
	v7 =	vadd.s32 v57, v7;
	v43 =	vbroadcast v4, $0x4;
	v19 =	vbroadcast v4, $0x5  }
0x3d: {  	[tilespmem:$0x180] =	vst v28;
	v7 =	vshll.u32 v7, $0x2;
	v46 =	vbroadcast v4, $0x6;
	v49 =	vbroadcast v4, $0x7  }
0x3e: {  	[tilespmem:$0x190] =	vst v16;
	vm15 =	vlt.s32 v3, v7;
	v53 =	vbroadcast v4, $0x8;
	v58 =	vbroadcast v4, $0x9  }
0x3f: {  	[tilespmem:$0x1A0] =	vst v30;
	v3 =	vsel vm15, v3, v7;
	v60 =	vbroadcast v4, $0xA;
	v61 =	vbroadcast v4, $0xB  }
0x40: {  	[tilespmem:$0x1C0] =	vst v18;
	vm1 =	vlt.s32 v3, $0x40;
	v17 =	vbroadcast v4, $0xC;
	v18 =	vbroadcast v4, $0xD  }
0x41: {  	v27 =	vld [tilespmem:$0x30];
	[tilespmem:$0x1B0] =	vst v33;
	v3 =	vnsel vm1, $0x40, v3;
	vm4 =	vgt.f32 v34, v0;
	vm5 =	vgt.f32 v37, v0  }
0x42: {  	[tilespmem:$0x1D0] =	vst v35;
	vm6 =	vgt.f32 v38, v0;
	vm7 =	vgt.f32 v42, v0;
	vm8 =	vgt.f32 v43, v0  }
0x43: {  	[tilespmem:$0x1E0] =	vst v36;
	vm9 =	vgt.f32 v19, v0;
	vm10 =	vgt.f32 v46, v0;
	vm11 =	vgt.f32 v49, v0  }
0x44: {  	[tilespmem:$0x1F0] =	vst v39;
	vm13 =	vgt.f32 v53, v0;
	vm14 =	vgt.f32 v58, v0;
	v40 =	vsel vm4, $0x3F800000, v1  }
0x45: {  	v19 =	vbroadcast v4, $0xE;
	v3 =	vshra.s32 v3, $0x2;
	v44 =	vsel vm5, $0x3F800000, v1;
	[tilespmem:$0x200] =	vst v40  }
0x46: {  	v4 =	vbroadcast v4, $0xF;
	v37 =	vmul.f32 $1.600000000e+01, v27;
	v45 =	vsel vm6, $0x3F800000, v1;
	[tilespmem:$0x210] =	vst v44  }
0x47: {  	v47 =	vsel vm7, $0x3F800000, v1;
	v48 =	vsel vm8, $0x3F800000, v1;
	v51 =	vsel vm9, $0x3F800000, v1;
	[tilespmem:$0x220] =	vst v45  }
0x48: {  	v52 =	vsel vm10, $0x3F800000, v1;
	v56 =	vsel vm11, $0x3F800000, v1;
	v59 =	vsel vm13, $0x3F800000, v1;
	[tilespmem:$0x230] =	vst v47  }
0x49: {  	v62 =	vsel vm14, $0x3F800000, v1;
	vm4 =	vgt.f32 v60, v0;
	vm5 =	vgt.f32 v61, v0;
	[tilespmem:$0x240] =	vst v48  }
0x4a: {  	vm6 =	vgt.f32 v17, v0;
	v3 =	vcvt.s32.f32 v3;
	vm7 =	vgt.f32 v18, v0;
	[tilespmem:$0x250] =	vst v51  }
0x4b: {  	v63 =	vsel vm4, $0x3F800000, v1;
	v8 =	vsel vm5, $0x3F800000, v1;
	[tilespmem:$0x260] =	vst v52;
	v40 =	vmul.f32 $6.500000000e+01, v27  }
0x4c: {  	v20 =	vsel vm6, $0x3F800000, v1;
	[tilespmem:$0x270] =	vst v56;
	v41 =	vtrunc.f32 v37;
	v21 =	vbroadcast v3, $0x0  }
0x4d: {  	vm8 =	vgt.f32 v19, v0;
	[tilespmem:$0x280] =	vst v59;
	v22 =	vbroadcast v3, $0x1;
	v26 =	vbroadcast v3, $0x2  }
0x4e: {  	vm9 =	vgt.f32 v4, v0;
	[tilespmem:$0x290] =	vst v62;
	v30 =	vbroadcast v3, $0x3;
	v31 =	vbroadcast v3, $0x4  }
0x4f: {  	v23 =	vsel vm7, $0x3F800000, v1;
	[tilespmem:$0x2A0] =	vst v63;
	v32 =	vbroadcast v3, $0x5;
	v34 =	vbroadcast v3, $0x6  }
0x50: {  	v24 =	vsel vm8, $0x3F800000, v1;
	[tilespmem:$0x2B0] =	vst v8;
	v36 =	vbroadcast v3, $0x7;
	v43 =	vcvt.f32.s32 v41  }
0x51: {  	v25 =	vsel vm9, $0x3F800000, v1;
	[tilespmem:$0x2C0] =	vst v20;
	v44 =	vbroadcast v3, $0x8;
	v45 =	vbroadcast v3, $0x9  }
0x52: {  	[tilespmem:$0x2D0] =	vst v23;
	vm6 =	vgt.f32 v37, v41;
	v46 =	vbroadcast v3, $0xA;
	v48 =	vbroadcast v3, $0xB  }
0x53: {  	v51 =	vbroadcast v3, $0xC;
	v53 =	vbroadcast v3, $0xD;
	[tilespmem:$0x2E0] =	vst v24;
	vm10 =	vgt.f32 v21, v0  }
0x54: {  	v54 =	vbroadcast v3, $0xE;
	[tilespmem:$0x2F0] =	vst v25;
	vm11 =	vgt.f32 v22, v0;
	v28 =	vsel vm10, $0x3F800000, v1  }
0x55: {  	v4 =	vtrunc.f32 v40;
	vm12 =	vgt.f32 v26, v0;
	v29 =	vsel vm11, $0x3F800000, v1;
	[tilespmem:$0x300] =	vst v28  }
0x56: {  	v7 =	vsel vm6, $0x1, v2;
	vm13 =	vgt.f32 v30, v0;
	v33 =	vsel vm12, $0x3F800000, v1;
	[tilespmem:$0x310] =	vst v29  }
0x57: {  	vm14 =	vgt.f32 v31, v0;
	vm15 =	vgt.f32 v32, v0;
	v35 =	vsel vm13, $0x3F800000, v1;
	[tilespmem:$0x320] =	vst v33  }
0x58: {  	v4 =	vcvt.f32.s32 v4;
	v7 =	vadd.s32 v43, v7;
	v38 =	vsel vm14, $0x3F800000, v1;
	[tilespmem:$0x330] =	vst v35  }
0x59: {  	vm4 =	vgt.f32 v34, v0;
	v39 =	vsel vm15, $0x3F800000, v1;
	v7 =	vshll.u32 v7, $0x2;
	[tilespmem:$0x340] =	vst v38  }
0x5a: {  	vm5 =	vgt.f32 v36, v0;
	v13 =	vsel vm4, $0x3F800000, v1;
	[tilespmem:$0x350] =	vst v39;
	vm9 =	vlt.s32 v4, v7  }
0x5b: {  	vm7 =	vgt.f32 v44, v0;
	v42 =	vsel vm5, $0x3F800000, v1;
	[tilespmem:$0x360] =	vst v13;
	v4 =	vsel vm9, v4, v7  }
0x5c: {  	vm8 =	vgt.f32 v45, v0;
	v47 =	vsel vm7, $0x3F800000, v1;
	[tilespmem:$0x370] =	vst v42;
	vm11 =	vlt.s32 v4, $0x40  }
0x5d: {  	vm10 =	vgt.f32 v46, v0;
	v49 =	vsel vm8, $0x3F800000, v1;
	[tilespmem:$0x380] =	vst v47;
	v4 =	vnsel vm11, $0x40, v4  }
0x5e: {  	vm12 =	vgt.f32 v48, v0;
	v50 =	vsel vm10, $0x3F800000, v1;
	[tilespmem:$0x390] =	vst v49;
	v4 =	vshra.s32 v4, $0x2  }
0x5f: {  	vm13 =	vgt.f32 v51, v0;
	v52 =	vsel vm12, $0x3F800000, v1;
	[tilespmem:$0x3A0] =	vst v50;
	v4 =	vcvt.s32.f32 v4  }
0x60: {  	v3 =	vbroadcast v3, $0xF;
	vm14 =	vgt.f32 v53, v0;
	v55 =	vsel vm13, $0x3F800000, v1;
	[tilespmem:$0x3B0] =	vst v52  }
0x61: {  	vm15 =	vgt.f32 v54, v0;
	v56 =	vsel vm14, $0x3F800000, v1;
	[tilespmem:$0x3C0] =	vst v55;
	v57 =	vbroadcast v4, $0x0  }
0x62: {  	vm4 =	vgt.f32 v3, v0;
	v58 =	vsel vm15, $0x3F800000, v1;
	[tilespmem:$0x3D0] =	vst v56;
	v59 =	vbroadcast v4, $0x1  }
0x63: {  	v60 =	vsel vm4, $0x3F800000, v1;
	[tilespmem:$0x3E0] =	vst v58;
	v61 =	vbroadcast v4, $0x2;
	vm5 =	vgt.f32 v57, v0  }
0x64: {  	[tilespmem:$0x3F0] =	vst v60;
	v63 =	vbroadcast v4, $0x3;
	vm6 =	vgt.f32 v59, v0;
	v62 =	vsel vm5, $0x3F800000, v1  }
0x65: {  	v10 =	vbroadcast v4, $0x4;
	vm7 =	vgt.f32 v61, v0;
	v9 =	vsel vm6, $0x3F800000, v1;
	[tilespmem:$0x400] =	vst v62  }
0x66: {  	v12 =	vbroadcast v4, $0x5;
	vm8 =	vgt.f32 v63, v0;
	v11 =	vsel vm7, $0x3F800000, v1;
	[tilespmem:$0x410] =	vst v9  }
0x67: {  	v14 =	vbroadcast v4, $0x6;
	vm9 =	vgt.f32 v10, v0;
	v13 =	vsel vm8, $0x3F800000, v1;
	[tilespmem:$0x420] =	vst v11  }
0x68: {  	v16 =	vbroadcast v4, $0x7;
	vm10 =	vgt.f32 v12, v0;
	v15 =	vsel vm9, $0x3F800000, v1;
	[tilespmem:$0x430] =	vst v13  }
0x69: {  	v18 =	vbroadcast v4, $0x8;
	vm11 =	vgt.f32 v14, v0;
	v17 =	vsel vm10, $0x3F800000, v1;
	[tilespmem:$0x440] =	vst v15  }
0x6a: {  	v20 =	vbroadcast v4, $0x9;
	vm12 =	vgt.f32 v16, v0;
	v19 =	vsel vm11, $0x3F800000, v1;
	[tilespmem:$0x450] =	vst v17  }
0x6b: {  	v22 =	vbroadcast v4, $0xA;
	vm13 =	vgt.f32 v18, v0;
	v21 =	vsel vm12, $0x3F800000, v1;
	[tilespmem:$0x460] =	vst v19  }
0x6c: {  	v24 =	vbroadcast v4, $0xB;
	vm14 =	vgt.f32 v20, v0;
	v23 =	vsel vm13, $0x3F800000, v1;
	[tilespmem:$0x470] =	vst v21  }
0x6d: {  	v26 =	vbroadcast v4, $0xC;
	vm15 =	vgt.f32 v22, v0;
	v25 =	vsel vm14, $0x3F800000, v1;
	[tilespmem:$0x480] =	vst v23  }
0x6e: {  	v28 =	vbroadcast v4, $0xD;
	vm4 =	vgt.f32 v24, v0;
	v27 =	vsel vm15, $0x3F800000, v1;
	[tilespmem:$0x490] =	vst v25  }
0x6f: {  	v30 =	vbroadcast v4, $0xE;
	v29 =	vsel vm4, $0x3F800000, v1;
	vm5 =	vgt.f32 v26, v0;
	[tilespmem:$0x4A0] =	vst v27  }
0x70: {  	v32 =	vbroadcast v4, $0xF;
	vm6 =	vgt.f32 v28, v0;
	[tilespmem:$0x4B0] =	vst v29;
	v31 =	vsel vm5, $0x3F800000, v1  }
0x71: {  	vm7 =	vgt.f32 v30, v0;
	v33 =	vsel vm6, $0x3F800000, v1;
	[tilespmem:$0x4C0] =	vst v31  }
0x72: {  	vm8 =	vgt.f32 v32, v0;
	v34 =	vsel vm7, $0x3F800000, v1;
	[tilespmem:$0x4D0] =	vst v33  }
0x73: {  	s26 =	sshll.u32 s1, $0x9;
	v3 =	vsel vm8, $0x3F800000, v1;
	[tilespmem:$0x4E0] =	vst v34  }
0x74: {  	s28 =	simm.s32 $0x100;
	s8 =	sadd.s32 s2, s26;
	[tilespmem:$0x4F0] =	vst v3  }
0x75: {  	[hbm4b:s8+s3] =	stream.linear.scatter [tilespmem:s28], [sflag:$0x1], $0x400, $0x38;
	[tilespmem:$0x1100] =	vst v63  }
0x76: {  	_ =	swait.ge [sflag:s25], $0x40  }
0x77: {  	[sflag:s25] =	ssyncset.done $0x0  }
0x78: {  	[sflag:s25] =	ssyncadd.s32 $0xFFFFFFC0  }
0x79: {  	v35 =	vld [tilespmem:$0x40];
	_ =	sdelay $0x4  }
0x7a: {  	v36 =	vmul.f32 $1.600000000e+01, v35;
	_ =	sdelay $0x1  }
0x7b: {  	v3 =	vmul.f32 $6.500000000e+01, v35;
	v37 =	vtrunc.f32 v36  }
0x7c: {  	v38 =	vcvt.f32.s32 v37;
	vm9 =	vgt.f32 v36, v37  }
0x7d: {  	v42 =	vld [tilespmem:$0x50];
	v3 =	vtrunc.f32 v3;
	v4 =	vsel vm9, $0x1, v2  }
0x7e: {  	v3 =	vcvt.f32.s32 v3;
	v4 =	vadd.s32 v38, v4  }
0x7f: {  	v4 =	vshll.u32 v4, $0x2  }
0x80: {  	vm10 =	vlt.s32 v3, v4  }
0x81: {  	v3 =	vsel vm10, v3, v4  }
0x82: {  	v52 =	vmul.f32 $1.600000000e+01, v42;
	vm0 =	vlt.s32 v3, $0x40  }
0x83: {  	v6 =	vmul.f32 $6.500000000e+01, v42;
	v3 =	vnsel vm0, $0x40, v3  }
0x84: {  	v56 =	vtrunc.f32 v52;
	v3 =	vshra.s32 v3, $0x2  }
0x85: {  	v6 =	vtrunc.f32 v6;
	v3 =	vcvt.s32.f32 v3  }
0x86: {  	v57 =	vcvt.f32.s32 v56;
	v6 =	vcvt.f32.s32 v6  }
0x87: {  	v39 =	vbroadcast v3, $0x0;
	v40 =	vbroadcast v3, $0x1  }
0x88: {  	v41 =	vbroadcast v3, $0x2;
	v44 =	vbroadcast v3, $0x3  }
0x89: {  	vm7 =	vgt.f32 v52, v56;
	v46 =	vbroadcast v3, $0x4;
	v48 =	vbroadcast v3, $0x5  }
0x8a: {  	v14 =	vsel vm7, $0x1, v2;
	v50 =	vbroadcast v3, $0x6;
	v54 =	vbroadcast v3, $0x7  }
0x8b: {  	v4 =	vadd.s32 v57, v14;
	v58 =	vbroadcast v3, $0x8;
	v59 =	vbroadcast v3, $0x9  }
0x8c: {  	v4 =	vshll.u32 v4, $0x2;
	v61 =	vbroadcast v3, $0xA;
	v20 =	vbroadcast v3, $0xB  }
0x8d: {  	v34 =	vld [tilespmem:$0x60];
	vm10 =	vlt.s32 v6, v4;
	v22 =	vbroadcast v3, $0xC;
	v23 =	vbroadcast v3, $0xD  }
0x8e: {  	v4 =	vsel vm10, v6, v4;
	v24 =	vbroadcast v3, $0xE;
	v3 =	vbroadcast v3, $0xF  }
0x8f: {  	vm11 =	vgt.f32 v39, v0;
	vm12 =	vgt.f32 v40, v0;
	vm13 =	vgt.f32 v41, v0  }
0x90: {  	vm14 =	vgt.f32 v44, v0;
	vm15 =	vgt.f32 v46, v0;
	vm4 =	vgt.f32 v48, v0  }
0x91: {  	vm5 =	vgt.f32 v50, v0;
	vm6 =	vgt.f32 v54, v0;
	vm8 =	vgt.f32 v58, v0  }
0x92: {  	vm9 =	vgt.f32 v59, v0;
	v44 =	vmul.f32 $1.600000000e+01, v34;
	v48 =	vmul.f32 $6.500000000e+01, v34  }
0x93: {  	v43 =	vsel vm11, $0x3F800000, v1;
	v45 =	vsel vm12, $0x3F800000, v1;
	v47 =	vsel vm13, $0x3F800000, v1  }
0x94: {  	v49 =	vsel vm14, $0x3F800000, v1;
	v51 =	vsel vm15, $0x3F800000, v1;
	v53 =	vsel vm4, $0x3F800000, v1  }
0x95: {  	v55 =	vsel vm5, $0x3F800000, v1;
	v60 =	vsel vm6, $0x3F800000, v1;
	v62 =	vsel vm8, $0x3F800000, v1  }
0x96: {  	v63 =	vsel vm9, $0x3F800000, v1;
	vm11 =	vgt.f32 v61, v0;
	vm12 =	vlt.s32 v4, $0x40  }
0x97: {  	vm13 =	vgt.f32 v20, v0;
	vm14 =	vgt.f32 v22, v0;
	vm15 =	vgt.f32 v23, v0  }
0x98: {  	vm4 =	vgt.f32 v24, v0;
	vm5 =	vgt.f32 v3, v0;
	v4 =	vnsel vm12, $0x40, v4;
	[tilespmem:$0x500] =	vst v43  }
0x99: {  	v21 =	vsel vm11, $0x3F800000, v1;
	[tilespmem:$0x530] =	vst v49;
	v49 =	vtrunc.f32 v44;
	v4 =	vshra.s32 v4, $0x2  }
0x9a: {  	v25 =	vsel vm13, $0x3F800000, v1;
	[tilespmem:$0x510] =	vst v45;
	v3 =	vtrunc.f32 v48;
	v4 =	vcvt.s32.f32 v4  }
0x9b: {  	v26 =	vsel vm14, $0x3F800000, v1;
	[tilespmem:$0x540] =	vst v51;
	v51 =	vcvt.f32.s32 v49;
	v3 =	vcvt.f32.s32 v3  }
0x9c: {  	[tilespmem:$0x520] =	vst v47;
	v28 =	vsel vm15, $0x3F800000, v1;
	v27 =	vbroadcast v4, $0x0;
	v30 =	vbroadcast v4, $0x1  }
0x9d: {  	v29 =	vsel vm4, $0x3F800000, v1;
	[tilespmem:$0x550] =	vst v53;
	v31 =	vbroadcast v4, $0x2;
	v35 =	vbroadcast v4, $0x3  }
0x9e: {  	v32 =	vsel vm5, $0x3F800000, v1;
	[tilespmem:$0x560] =	vst v55;
	v36 =	vbroadcast v4, $0x4;
	v39 =	vbroadcast v4, $0x5  }
0x9f: {  	[tilespmem:$0x570] =	vst v60;
	vm14 =	vgt.f32 v44, v49;
	v40 =	vbroadcast v4, $0x6;
	v43 =	vbroadcast v4, $0x7  }
0xa0: {  	[tilespmem:$0x580] =	vst v62;
	v7 =	vsel vm14, $0x1, v2;
	v47 =	vbroadcast v4, $0x8;
	v52 =	vbroadcast v4, $0x9  }
0xa1: {  	[tilespmem:$0x590] =	vst v63;
	v7 =	vadd.s32 v51, v7;
	v54 =	vbroadcast v4, $0xA;
	v55 =	vbroadcast v4, $0xB  }
0xa2: {  	[tilespmem:$0x5A0] =	vst v21;
	v7 =	vshll.u32 v7, $0x2;
	v58 =	vbroadcast v4, $0xC;
	v59 =	vbroadcast v4, $0xD  }
0xa3: {  	v20 =	vld [tilespmem:$0x70];
	[tilespmem:$0x5B0] =	vst v25;
	v60 =	vbroadcast v4, $0xE;
	v4 =	vbroadcast v4, $0xF;
	vm5 =	vlt.s32 v3, v7  }
0xa4: {  	[tilespmem:$0x5C0] =	vst v26;
	vm6 =	vgt.f32 v27, v0;
	vm7 =	vgt.f32 v30, v0;
	vm8 =	vgt.f32 v31, v0  }
0xa5: {  	[tilespmem:$0x5D0] =	vst v28;
	vm9 =	vgt.f32 v35, v0;
	vm10 =	vgt.f32 v36, v0;
	vm11 =	vgt.f32 v39, v0  }
0xa6: {  	[tilespmem:$0x5E0] =	vst v29;
	vm12 =	vgt.f32 v40, v0;
	vm13 =	vgt.f32 v43, v0;
	vm15 =	vgt.f32 v47, v0  }
0xa7: {  	[tilespmem:$0x5F0] =	vst v32;
	vm4 =	vgt.f32 v52, v0;
	v3 =	vsel vm5, v3, v7;
	v33 =	vsel vm6, $0x3F800000, v1  }
0xa8: {  	v30 =	vmul.f32 $1.600000000e+01, v20;
	v37 =	vsel vm7, $0x3F800000, v1;
	v38 =	vsel vm8, $0x3F800000, v1;
	[tilespmem:$0x600] =	vst v33  }
0xa9: {  	v41 =	vsel vm9, $0x3F800000, v1;
	v42 =	vsel vm10, $0x3F800000, v1;
	v45 =	vsel vm11, $0x3F800000, v1;
	[tilespmem:$0x610] =	vst v37  }
0xaa: {  	v46 =	vsel vm12, $0x3F800000, v1;
	v50 =	vsel vm13, $0x3F800000, v1;
	v53 =	vsel vm15, $0x3F800000, v1;
	[tilespmem:$0x620] =	vst v38  }
0xab: {  	v56 =	vsel vm4, $0x3F800000, v1;
	vm6 =	vgt.f32 v54, v0;
	vm7 =	vgt.f32 v55, v0;
	[tilespmem:$0x630] =	vst v41  }
0xac: {  	vm1 =	vlt.s32 v3, $0x40;
	vm8 =	vgt.f32 v58, v0;
	vm9 =	vgt.f32 v59, v0;
	[tilespmem:$0x640] =	vst v42  }
0xad: {  	vm10 =	vgt.f32 v60, v0;
	vm11 =	vgt.f32 v4, v0;
	v57 =	vsel vm6, $0x3F800000, v1;
	[tilespmem:$0x650] =	vst v45  }
0xae: {  	v8 =	vsel vm7, $0x3F800000, v1;
	v3 =	vnsel vm1, $0x40, v3;
	[tilespmem:$0x660] =	vst v46;
	v33 =	vmul.f32 $6.500000000e+01, v20  }
0xaf: {  	v61 =	vsel vm8, $0x3F800000, v1;
	[tilespmem:$0x670] =	vst v50;
	v34 =	vtrunc.f32 v30;
	v3 =	vshra.s32 v3, $0x2  }
0xb0: {  	[tilespmem:$0x680] =	vst v53;
	v16 =	vsel vm9, $0x3F800000, v1;
	v3 =	vcvt.s32.f32 v3;
	v4 =	vtrunc.f32 v33  }
0xb1: {  	v17 =	vsel vm10, $0x3F800000, v1;
	[tilespmem:$0x690] =	vst v56;
	v36 =	vcvt.f32.s32 v34;
	v4 =	vcvt.f32.s32 v4  }
0xb2: {  	v18 =	vsel vm11, $0x3F800000, v1;
	[tilespmem:$0x6A0] =	vst v57;
	v62 =	vbroadcast v3, $0x0;
	v63 =	vbroadcast v3, $0x1  }
0xb3: {  	[tilespmem:$0x6B0] =	vst v8;
	vm8 =	vgt.f32 v30, v34;
	v19 =	vbroadcast v3, $0x2;
	v23 =	vbroadcast v3, $0x3  }
0xb4: {  	[tilespmem:$0x6C0] =	vst v61;
	v7 =	vsel vm8, $0x1, v2;
	v24 =	vbroadcast v3, $0x4;
	v25 =	vbroadcast v3, $0x5  }
0xb5: {  	[tilespmem:$0x6D0] =	vst v16;
	v7 =	vadd.s32 v36, v7;
	v27 =	vbroadcast v3, $0x6;
	v29 =	vbroadcast v3, $0x7  }
0xb6: {  	[tilespmem:$0x6E0] =	vst v17;
	v37 =	vbroadcast v3, $0x8;
	v38 =	vbroadcast v3, $0x9;
	vm12 =	vgt.f32 v62, v0  }
0xb7: {  	[tilespmem:$0x6F0] =	vst v18;
	v39 =	vbroadcast v3, $0xA;
	vm13 =	vgt.f32 v63, v0;
	v21 =	vsel vm12, $0x3F800000, v1  }
0xb8: {  	v7 =	vshll.u32 v7, $0x2;
	vm14 =	vgt.f32 v19, v0;
	v22 =	vsel vm13, $0x3F800000, v1;
	[tilespmem:$0x700] =	vst v21  }
0xb9: {  	v41 =	vbroadcast v3, $0xB;
	vm15 =	vgt.f32 v23, v0;
	v26 =	vsel vm14, $0x3F800000, v1;
	[tilespmem:$0x710] =	vst v22  }
0xba: {  	v44 =	vbroadcast v3, $0xC;
	vm4 =	vgt.f32 v24, v0;
	v28 =	vsel vm15, $0x3F800000, v1;
	[tilespmem:$0x720] =	vst v26  }
0xbb: {  	v46 =	vbroadcast v3, $0xD;
	vm5 =	vgt.f32 v25, v0;
	v31 =	vsel vm4, $0x3F800000, v1;
	[tilespmem:$0x730] =	vst v28  }
0xbc: {  	v47 =	vbroadcast v3, $0xE;
	vm6 =	vgt.f32 v27, v0;
	v32 =	vsel vm5, $0x3F800000, v1;
	[tilespmem:$0x740] =	vst v31  }
0xbd: {  	vm11 =	vlt.s32 v4, v7;
	vm7 =	vgt.f32 v29, v0;
	v13 =	vsel vm6, $0x3F800000, v1;
	[tilespmem:$0x750] =	vst v32  }
0xbe: {  	vm9 =	vgt.f32 v37, v0;
	v4 =	vsel vm11, v4, v7;
	v35 =	vsel vm7, $0x3F800000, v1;
	[tilespmem:$0x760] =	vst v13  }
0xbf: {  	vm10 =	vgt.f32 v38, v0;
	v40 =	vsel vm9, $0x3F800000, v1;
	vm13 =	vlt.s32 v4, $0x40;
	[tilespmem:$0x770] =	vst v35  }
0xc0: {  	vm12 =	vgt.f32 v39, v0;
	v42 =	vsel vm10, $0x3F800000, v1;
	[tilespmem:$0x780] =	vst v40;
	v4 =	vnsel vm13, $0x40, v4  }
0xc1: {  	vm14 =	vgt.f32 v41, v0;
	v43 =	vsel vm12, $0x3F800000, v1;
	[tilespmem:$0x790] =	vst v42;
	v4 =	vshra.s32 v4, $0x2  }
0xc2: {  	vm15 =	vgt.f32 v44, v0;
	v45 =	vsel vm14, $0x3F800000, v1;
	[tilespmem:$0x7A0] =	vst v43;
	v4 =	vcvt.s32.f32 v4  }
0xc3: {  	v3 =	vbroadcast v3, $0xF;
	vm4 =	vgt.f32 v46, v0;
	v48 =	vsel vm15, $0x3F800000, v1;
	[tilespmem:$0x7B0] =	vst v45  }
0xc4: {  	vm5 =	vgt.f32 v47, v0;
	v49 =	vsel vm4, $0x3F800000, v1;
	[tilespmem:$0x7C0] =	vst v48;
	v50 =	vbroadcast v4, $0x0  }
0xc5: {  	vm6 =	vgt.f32 v3, v0;
	v51 =	vsel vm5, $0x3F800000, v1;
	[tilespmem:$0x7D0] =	vst v49;
	v52 =	vbroadcast v4, $0x1  }
0xc6: {  	v53 =	vsel vm6, $0x3F800000, v1;
	[tilespmem:$0x7E0] =	vst v51;
	v54 =	vbroadcast v4, $0x2;
	vm7 =	vgt.f32 v50, v0  }
0xc7: {  	[tilespmem:$0x7F0] =	vst v53;
	v56 =	vbroadcast v4, $0x3;
	vm8 =	vgt.f32 v52, v0;
	v55 =	vsel vm7, $0x3F800000, v1  }
0xc8: {  	v58 =	vbroadcast v4, $0x4;
	vm9 =	vgt.f32 v54, v0;
	v57 =	vsel vm8, $0x3F800000, v1;
	[tilespmem:$0x800] =	vst v55  }
0xc9: {  	v60 =	vbroadcast v4, $0x5;
	vm10 =	vgt.f32 v56, v0;
	v59 =	vsel vm9, $0x3F800000, v1;
	[tilespmem:$0x810] =	vst v57  }
0xca: {  	v62 =	vbroadcast v4, $0x6;
	vm11 =	vgt.f32 v58, v0;
	v61 =	vsel vm10, $0x3F800000, v1;
	[tilespmem:$0x820] =	vst v59  }
0xcb: {  	v9 =	vbroadcast v4, $0x7;
	vm12 =	vgt.f32 v60, v0;
	v63 =	vsel vm11, $0x3F800000, v1;
	[tilespmem:$0x830] =	vst v61  }
0xcc: {  	v11 =	vbroadcast v4, $0x8;
	vm13 =	vgt.f32 v62, v0;
	v10 =	vsel vm12, $0x3F800000, v1;
	[tilespmem:$0x840] =	vst v63  }
0xcd: {  	v13 =	vbroadcast v4, $0x9;
	vm14 =	vgt.f32 v9, v0;
	v12 =	vsel vm13, $0x3F800000, v1;
	[tilespmem:$0x850] =	vst v10  }
0xce: {  	v15 =	vbroadcast v4, $0xA;
	vm15 =	vgt.f32 v11, v0;
	v14 =	vsel vm14, $0x3F800000, v1;
	[tilespmem:$0x860] =	vst v12  }
0xcf: {  	v17 =	vbroadcast v4, $0xB;
	vm4 =	vgt.f32 v13, v0;
	v16 =	vsel vm15, $0x3F800000, v1;
	[tilespmem:$0x870] =	vst v14  }
0xd0: {  	v19 =	vbroadcast v4, $0xC;
	vm5 =	vgt.f32 v15, v0;
	v18 =	vsel vm4, $0x3F800000, v1;
	[tilespmem:$0x880] =	vst v16  }
0xd1: {  	v21 =	vbroadcast v4, $0xD;
	vm6 =	vgt.f32 v17, v0;
	v20 =	vsel vm5, $0x3F800000, v1;
	[tilespmem:$0x890] =	vst v18  }
0xd2: {  	v23 =	vbroadcast v4, $0xE;
	v22 =	vsel vm6, $0x3F800000, v1;
	vm7 =	vgt.f32 v19, v0;
	[tilespmem:$0x8A0] =	vst v20  }
0xd3: {  	v25 =	vbroadcast v4, $0xF;
	vm8 =	vgt.f32 v21, v0;
	[tilespmem:$0x8B0] =	vst v22;
	v24 =	vsel vm7, $0x3F800000, v1  }
0xd4: {  	vm9 =	vgt.f32 v23, v0;
	v26 =	vsel vm8, $0x3F800000, v1;
	[tilespmem:$0x8C0] =	vst v24  }
0xd5: {  	vm10 =	vgt.f32 v25, v0;
	v27 =	vsel vm9, $0x3F800000, v1;
	[tilespmem:$0x8D0] =	vst v26  }
0xd6: {  	s7 =	sshll.u32 s7, $0x1;
	v3 =	vsel vm10, $0x3F800000, v1;
	[tilespmem:$0x8E0] =	vst v27  }
0xd7: {  	s29 =	simm.s32 $0x500;
	s7 =	sadd.s32 s2, s7;
	[tilespmem:$0x8F0] =	vst v3  }
0xd8: {  	[hbm4b:s7+s3] =	stream.linear.scatter [tilespmem:s29], [sflag:$0x1], $0x400, $0x38;
	[tilespmem:$0x1100] =	vst v63  }
0xd9: {  	_ =	swait.ge [sflag:s25], $0x40  }
0xda: {  	[sflag:s25] =	ssyncset.done $0x0  }
0xdb: {  	[sflag:s25] =	ssyncadd.s32 $0xFFFFFFC0  }
0xdc: {  	v28 =	vld [tilespmem:$0x80];
	_ =	sdelay $0x4  }
0xdd: {  	v29 =	vmul.f32 $1.600000000e+01, v28;
	_ =	sdelay $0x1  }
0xde: {  	v3 =	vmul.f32 $6.500000000e+01, v28;
	v30 =	vtrunc.f32 v29  }
0xdf: {  	v31 =	vcvt.f32.s32 v30;
	vm11 =	vgt.f32 v29, v30  }
0xe0: {  	v35 =	vld [tilespmem:$0x90];
	v3 =	vtrunc.f32 v3;
	v4 =	vsel vm11, $0x1, v2  }
0xe1: {  	v3 =	vcvt.f32.s32 v3;
	v4 =	vadd.s32 v31, v4  }
0xe2: {  	v4 =	vshll.u32 v4, $0x2  }
0xe3: {  	vm12 =	vlt.s32 v3, v4  }
0xe4: {  	v3 =	vsel vm12, v3, v4  }
0xe5: {  	v45 =	vmul.f32 $1.600000000e+01, v35;
	vm0 =	vlt.s32 v3, $0x40  }
0xe6: {  	v6 =	vmul.f32 $6.500000000e+01, v35;
	v3 =	vnsel vm0, $0x40, v3  }
0xe7: {  	v49 =	vtrunc.f32 v45;
	v3 =	vshra.s32 v3, $0x2  }
0xe8: {  	v6 =	vtrunc.f32 v6;
	v3 =	vcvt.s32.f32 v3  }
0xe9: {  	v50 =	vcvt.f32.s32 v49;
	v6 =	vcvt.f32.s32 v6  }
0xea: {  	v32 =	vbroadcast v3, $0x0;
	v33 =	vbroadcast v3, $0x1  }
0xeb: {  	v34 =	vbroadcast v3, $0x2;
	v37 =	vbroadcast v3, $0x3  }
0xec: {  	vm9 =	vgt.f32 v45, v49;
	v39 =	vbroadcast v3, $0x4;
	v41 =	vbroadcast v3, $0x5  }
0xed: {  	v14 =	vsel vm9, $0x1, v2;
	v43 =	vbroadcast v3, $0x6;
	v47 =	vbroadcast v3, $0x7  }
0xee: {  	v4 =	vadd.s32 v50, v14;
	v51 =	vbroadcast v3, $0x8;
	v52 =	vbroadcast v3, $0x9  }
0xef: {  	v4 =	vshll.u32 v4, $0x2;
	v54 =	vbroadcast v3, $0xA;
	v57 =	vbroadcast v3, $0xB  }
0xf0: {  	vm12 =	vlt.s32 v6, v4;
	v59 =	vbroadcast v3, $0xC;
	v60 =	vbroadcast v3, $0xD  }
0xf1: {  	v4 =	vsel vm12, v6, v4;
	v61 =	vbroadcast v3, $0xE;
	v3 =	vbroadcast v3, $0xF  }
0xf2: {  	vm13 =	vgt.f32 v32, v0;
	vm14 =	vgt.f32 v33, v0;
	vm15 =	vgt.f32 v34, v0  }
0xf3: {  	vm4 =	vgt.f32 v37, v0;
	vm5 =	vgt.f32 v39, v0;
	vm6 =	vgt.f32 v41, v0  }
0xf4: {  	vm7 =	vgt.f32 v43, v0;
	vm8 =	vgt.f32 v47, v0;
	vm10 =	vgt.f32 v51, v0  }
0xf5: {  	v28 =	vld [tilespmem:$0xA0];
	vm11 =	vgt.f32 v52, v0;
	v36 =	vsel vm13, $0x3F800000, v1;
	v38 =	vsel vm14, $0x3F800000, v1  }
0xf6: {  	v40 =	vsel vm15, $0x3F800000, v1;
	v42 =	vsel vm4, $0x3F800000, v1;
	v44 =	vsel vm5, $0x3F800000, v1  }
0xf7: {  	v46 =	vsel vm6, $0x3F800000, v1;
	v48 =	vsel vm7, $0x3F800000, v1;
	v53 =	vsel vm8, $0x3F800000, v1  }
0xf8: {  	v55 =	vsel vm10, $0x3F800000, v1;
	v56 =	vsel vm11, $0x3F800000, v1;
	vm14 =	vlt.s32 v4, $0x40  }
0xf9: {  	vm13 =	vgt.f32 v54, v0;
	vm15 =	vgt.f32 v57, v0;
	v4 =	vnsel vm14, $0x40, v4;
	[tilespmem:$0x910] =	vst v38  }
0xfa: {  	[tilespmem:$0x930] =	vst v42;
	v38 =	vmul.f32 $1.600000000e+01, v28;
	v42 =	vmul.f32 $6.500000000e+01, v28;
	v4 =	vshra.s32 v4, $0x2  }
0xfb: {  	vm4 =	vgt.f32 v59, v0;
	vm5 =	vgt.f32 v60, v0;
	v4 =	vcvt.s32.f32 v4  }
0xfc: {  	vm7 =	vgt.f32 v3, v0;
	v43 =	vtrunc.f32 v38;
	v3 =	vtrunc.f32 v42  }
0xfd: {  	vm6 =	vgt.f32 v61, v0;
	[tilespmem:$0x900] =	vst v36;
	v7 =	vcvt.f32.s32 v43;
	v3 =	vcvt.f32.s32 v3  }
0xfe: {  	v58 =	vsel vm13, $0x3F800000, v1;
	[tilespmem:$0x920] =	vst v40;
	v21 =	vbroadcast v4, $0x0;
	v24 =	vbroadcast v4, $0x1  }
0xff: {  	v62 =	vsel vm15, $0x3F800000, v1;
	[tilespmem:$0x940] =	vst v44;
	v25 =	vbroadcast v4, $0x2;
	v29 =	vbroadcast v4, $0x3  }
0x100: {  	v63 =	vsel vm4, $0x3F800000, v1;
	[tilespmem:$0x950] =	vst v46;
	v30 =	vbroadcast v4, $0x4;
	v33 =	vbroadcast v4, $0x5  }
0x101: {  	v22 =	vsel vm5, $0x3F800000, v1;
	[tilespmem:$0x960] =	vst v48;
	v34 =	vbroadcast v4, $0x6;
	v37 =	vbroadcast v4, $0x7  }
0x102: {  	v23 =	vsel vm6, $0x3F800000, v1;
	[tilespmem:$0x970] =	vst v53;
	v41 =	vbroadcast v4, $0x8;
	v46 =	vbroadcast v4, $0x9  }
0x103: {  	v26 =	vsel vm7, $0x3F800000, v1;
	[tilespmem:$0x980] =	vst v55;
	v48 =	vbroadcast v4, $0xA;
	v49 =	vbroadcast v4, $0xB  }
0x104: {  	[tilespmem:$0x990] =	vst v56;
	vm4 =	vgt.f32 v38, v43;
	v53 =	vbroadcast v4, $0xC;
	v54 =	vbroadcast v4, $0xD  }
0x105: {  	[tilespmem:$0x9C0] =	vst v63;
	v63 =	vld [tilespmem:$0xB0];
	v45 =	vsel vm4, $0x1, v2;
	v55 =	vbroadcast v4, $0xE;
	v4 =	vbroadcast v4, $0xF  }
0x106: {  	[tilespmem:$0x9A0] =	vst v58;
	v7 =	vadd.s32 v7, v45;
	vm8 =	vgt.f32 v21, v0;
	vm9 =	vgt.f32 v24, v0  }
0x107: {  	[tilespmem:$0x9B0] =	vst v62;
	vm10 =	vgt.f32 v25, v0;
	vm11 =	vgt.f32 v29, v0;
	vm12 =	vgt.f32 v30, v0  }
0x108: {  	[tilespmem:$0x9D0] =	vst v22;
	vm13 =	vgt.f32 v33, v0;
	vm14 =	vgt.f32 v34, v0;
	vm15 =	vgt.f32 v37, v0  }
0x109: {  	[tilespmem:$0x9E0] =	vst v23;
	vm5 =	vgt.f32 v41, v0;
	v7 =	vshll.u32 v7, $0x2;
	vm6 =	vgt.f32 v46, v0  }
0x10a: {  	[tilespmem:$0x9F0] =	vst v26;
	v25 =	vmul.f32 $1.600000000e+01, v63;
	v28 =	vmul.f32 $6.500000000e+01, v63;
	v27 =	vsel vm8, $0x3F800000, v1  }
0x10b: {  	v31 =	vsel vm9, $0x3F800000, v1;
	v32 =	vsel vm10, $0x3F800000, v1;
	v35 =	vsel vm11, $0x3F800000, v1;
	[tilespmem:$0xA00] =	vst v27  }
0x10c: {  	v36 =	vsel vm12, $0x3F800000, v1;
	v39 =	vsel vm13, $0x3F800000, v1;
	v40 =	vsel vm14, $0x3F800000, v1;
	[tilespmem:$0xA10] =	vst v31  }
0x10d: {  	v44 =	vsel vm15, $0x3F800000, v1;
	v47 =	vsel vm5, $0x3F800000, v1;
	vm7 =	vlt.s32 v3, v7;
	[tilespmem:$0xA20] =	vst v32  }
0x10e: {  	v50 =	vsel vm6, $0x3F800000, v1;
	vm8 =	vgt.f32 v48, v0;
	vm9 =	vgt.f32 v49, v0;
	[tilespmem:$0xA30] =	vst v35  }
0x10f: {  	vm10 =	vgt.f32 v53, v0;
	vm11 =	vgt.f32 v54, v0;
	vm12 =	vgt.f32 v55, v0;
	[tilespmem:$0xA40] =	vst v36  }
0x110: {  	vm13 =	vgt.f32 v4, v0;
	v3 =	vsel vm7, v3, v7;
	v51 =	vsel vm8, $0x3F800000, v1;
	[tilespmem:$0xA50] =	vst v39  }
0x111: {  	v52 =	vsel vm9, $0x3F800000, v1;
	[tilespmem:$0xA60] =	vst v40;
	v56 =	vsel vm10, $0x3F800000, v1;
	vm1 =	vlt.s32 v3, $0x40  }
0x112: {  	[tilespmem:$0xA70] =	vst v44;
	v59 =	vsel vm11, $0x3F800000, v1;
	v60 =	vsel vm12, $0x3F800000, v1;
	v3 =	vnsel vm1, $0x40, v3  }
0x113: {  	[tilespmem:$0xA80] =	vst v47;
	v29 =	vtrunc.f32 v25;
	v4 =	vtrunc.f32 v28;
	v3 =	vshra.s32 v3, $0x2  }
0x114: {  	[tilespmem:$0xA90] =	vst v50;
	v31 =	vcvt.f32.s32 v29;
	vm10 =	vgt.f32 v25, v29;
	v3 =	vcvt.s32.f32 v3  }
0x115: {  	v61 =	vsel vm13, $0x3F800000, v1;
	[tilespmem:$0xAA0] =	vst v51;
	v4 =	vcvt.f32.s32 v4;
	v7 =	vsel vm10, $0x1, v2  }
0x116: {  	[tilespmem:$0xAB0] =	vst v52;
	v7 =	vadd.s32 v31, v7;
	v57 =	vbroadcast v3, $0x0;
	v58 =	vbroadcast v3, $0x1  }
0x117: {  	[tilespmem:$0xAC0] =	vst v56;
	v7 =	vshll.u32 v7, $0x2;
	v62 =	vbroadcast v3, $0x2;
	v18 =	vbroadcast v3, $0x3  }
0x118: {  	[tilespmem:$0xAD0] =	vst v59;
	vm13 =	vlt.s32 v4, v7;
	v19 =	vbroadcast v3, $0x4;
	v20 =	vbroadcast v3, $0x5  }
0x119: {  	[tilespmem:$0xAE0] =	vst v60;
	v22 =	vbroadcast v3, $0x6;
	v24 =	vbroadcast v3, $0x7;
	vm14 =	vgt.f32 v57, v0  }
0x11a: {  	[tilespmem:$0xAF0] =	vst v61;
	v32 =	vbroadcast v3, $0x8;
	vm15 =	vgt.f32 v58, v0;
	v16 =	vsel vm14, $0x3F800000, v1  }
0x11b: {  	v33 =	vbroadcast v3, $0x9;
	vm4 =	vgt.f32 v62, v0;
	v17 =	vsel vm15, $0x3F800000, v1;
	[tilespmem:$0xB00] =	vst v16  }
0x11c: {  	v34 =	vbroadcast v3, $0xA;
	vm5 =	vgt.f32 v18, v0;
	v21 =	vsel vm4, $0x3F800000, v1;
	[tilespmem:$0xB10] =	vst v17  }
0x11d: {  	v36 =	vbroadcast v3, $0xB;
	vm6 =	vgt.f32 v19, v0;
	v23 =	vsel vm5, $0x3F800000, v1;
	[tilespmem:$0xB20] =	vst v21  }
0x11e: {  	v4 =	vsel vm13, v4, v7;
	vm7 =	vgt.f32 v20, v0;
	v26 =	vsel vm6, $0x3F800000, v1;
	[tilespmem:$0xB30] =	vst v23  }
0x11f: {  	v39 =	vbroadcast v3, $0xC;
	vm8 =	vgt.f32 v22, v0;
	v27 =	vsel vm7, $0x3F800000, v1;
	[tilespmem:$0xB40] =	vst v26  }
0x120: {  	v41 =	vbroadcast v3, $0xD;
	vm9 =	vgt.f32 v24, v0;
	v13 =	vsel vm8, $0x3F800000, v1;
	[tilespmem:$0xB50] =	vst v27  }
0x121: {  	v42 =	vbroadcast v3, $0xE;
	vm11 =	vgt.f32 v32, v0;
	v30 =	vsel vm9, $0x3F800000, v1;
	[tilespmem:$0xB60] =	vst v13  }
0x122: {  	vm12 =	vgt.f32 v33, v0;
	v35 =	vsel vm11, $0x3F800000, v1;
	vm15 =	vlt.s32 v4, $0x40;
	[tilespmem:$0xB70] =	vst v30  }
0x123: {  	vm14 =	vgt.f32 v34, v0;
	v37 =	vsel vm12, $0x3F800000, v1;
	[tilespmem:$0xB80] =	vst v35;
	v4 =	vnsel vm15, $0x40, v4  }
0x124: {  	vm4 =	vgt.f32 v36, v0;
	v38 =	vsel vm14, $0x3F800000, v1;
	[tilespmem:$0xB90] =	vst v37;
	v4 =	vshra.s32 v4, $0x2  }
0x125: {  	vm5 =	vgt.f32 v39, v0;
	v40 =	vsel vm4, $0x3F800000, v1;
	[tilespmem:$0xBA0] =	vst v38;
	v4 =	vcvt.s32.f32 v4  }
0x126: {  	v3 =	vbroadcast v3, $0xF;
	vm6 =	vgt.f32 v41, v0;
	v43 =	vsel vm5, $0x3F800000, v1;
	[tilespmem:$0xBB0] =	vst v40  }
0x127: {  	vm7 =	vgt.f32 v42, v0;
	v44 =	vsel vm6, $0x3F800000, v1;
	[tilespmem:$0xBC0] =	vst v43;
	v45 =	vbroadcast v4, $0x0  }
0x128: {  	vm8 =	vgt.f32 v3, v0;
	v46 =	vsel vm7, $0x3F800000, v1;
	[tilespmem:$0xBD0] =	vst v44;
	v47 =	vbroadcast v4, $0x1  }
0x129: {  	v48 =	vsel vm8, $0x3F800000, v1;
	[tilespmem:$0xBE0] =	vst v46;
	v49 =	vbroadcast v4, $0x2;
	vm9 =	vgt.f32 v45, v0  }
0x12a: {  	[tilespmem:$0xBF0] =	vst v48;
	v51 =	vbroadcast v4, $0x3;
	vm10 =	vgt.f32 v47, v0;
	v50 =	vsel vm9, $0x3F800000, v1  }
0x12b: {  	v53 =	vbroadcast v4, $0x4;
	vm11 =	vgt.f32 v49, v0;
	v52 =	vsel vm10, $0x3F800000, v1;
	[tilespmem:$0xC00] =	vst v50  }
0x12c: {  	v55 =	vbroadcast v4, $0x5;
	vm12 =	vgt.f32 v51, v0;
	v54 =	vsel vm11, $0x3F800000, v1;
	[tilespmem:$0xC10] =	vst v52  }
0x12d: {  	v57 =	vbroadcast v4, $0x6;
	vm13 =	vgt.f32 v53, v0;
	v56 =	vsel vm12, $0x3F800000, v1;
	[tilespmem:$0xC20] =	vst v54  }
0x12e: {  	v59 =	vbroadcast v4, $0x7;
	vm14 =	vgt.f32 v55, v0;
	v58 =	vsel vm13, $0x3F800000, v1;
	[tilespmem:$0xC30] =	vst v56  }
0x12f: {  	v61 =	vbroadcast v4, $0x8;
	vm15 =	vgt.f32 v57, v0;
	v60 =	vsel vm14, $0x3F800000, v1;
	[tilespmem:$0xC40] =	vst v58  }
0x130: {  	v63 =	vbroadcast v4, $0x9;
	vm4 =	vgt.f32 v59, v0;
	v62 =	vsel vm15, $0x3F800000, v1;
	[tilespmem:$0xC50] =	vst v60  }
0x131: {  	v10 =	vbroadcast v4, $0xA;
	vm5 =	vgt.f32 v61, v0;
	v9 =	vsel vm4, $0x3F800000, v1;
	[tilespmem:$0xC60] =	vst v62  }
0x132: {  	v12 =	vbroadcast v4, $0xB;
	vm6 =	vgt.f32 v63, v0;
	v11 =	vsel vm5, $0x3F800000, v1;
	[tilespmem:$0xC70] =	vst v9  }
0x133: {  	v14 =	vbroadcast v4, $0xC;
	vm7 =	vgt.f32 v10, v0;
	v13 =	vsel vm6, $0x3F800000, v1;
	[tilespmem:$0xC80] =	vst v11  }
0x134: {  	v16 =	vbroadcast v4, $0xD;
	vm8 =	vgt.f32 v12, v0;
	v15 =	vsel vm7, $0x3F800000, v1;
	[tilespmem:$0xC90] =	vst v13  }
0x135: {  	v18 =	vbroadcast v4, $0xE;
	v17 =	vsel vm8, $0x3F800000, v1;
	vm9 =	vgt.f32 v14, v0;
	[tilespmem:$0xCA0] =	vst v15  }
0x136: {  	v20 =	vbroadcast v4, $0xF;
	vm10 =	vgt.f32 v16, v0;
	[tilespmem:$0xCB0] =	vst v17;
	v19 =	vsel vm9, $0x3F800000, v1  }
0x137: {  	vm11 =	vgt.f32 v18, v0;
	v21 =	vsel vm10, $0x3F800000, v1;
	[tilespmem:$0xCC0] =	vst v19  }
0x138: {  	vm12 =	vgt.f32 v20, v0;
	v22 =	vsel vm11, $0x3F800000, v1;
	[tilespmem:$0xCD0] =	vst v21  }
0x139: {  	s6 =	sshll.u32 s19, $0x1;
	v3 =	vsel vm12, $0x3F800000, v1;
	[tilespmem:$0xCE0] =	vst v22  }
0x13a: {  	s30 =	simm.s32 $0x900;
	s6 =	sadd.s32 s2, s6;
	[tilespmem:$0xCF0] =	vst v3  }
0x13b: {  	[hbm4b:s6+s3] =	stream.linear.scatter [tilespmem:s30], [sflag:$0x1], $0x400, $0x38;
	[tilespmem:$0x1100] =	vst v63  }
0x13c: {  	_ =	swait.ge [sflag:s25], $0x40  }
0x13d: {  	[sflag:s25] =	ssyncset.done $0x0  }
0x13e: {  	[sflag:s25] =	ssyncadd.s32 $0xFFFFFFC0  }
0x13f: {  	v23 =	vld [tilespmem:$0xC0];
	_ =	sdelay $0x4  }
0x140: {  	v24 =	vmul.f32 $1.600000000e+01, v23;
	_ =	sdelay $0x1  }
0x141: {  	v3 =	vmul.f32 $6.500000000e+01, v23;
	v25 =	vtrunc.f32 v24  }
0x142: {  	v30 =	vld [tilespmem:$0xD0];
	v26 =	vcvt.f32.s32 v25;
	vm13 =	vgt.f32 v24, v25  }
0x143: {  	v58 =	vld [tilespmem:$0xE0];
	v3 =	vtrunc.f32 v3;
	v4 =	vsel vm13, $0x1, v2  }
0x144: {  	v3 =	vcvt.f32.s32 v3;
	v4 =	vadd.s32 v26, v4  }
0x145: {  	v4 =	vshll.u32 v4, $0x2  }
0x146: {  	vm14 =	vlt.s32 v3, v4  }
0x147: {  	v40 =	vmul.f32 $1.600000000e+01, v30;
	v6 =	vmul.f32 $6.500000000e+01, v30;
	v3 =	vsel vm14, v3, v4  }
0x148: {  	v5 =	vmul.f32 $6.500000000e+01, v58;
	vm0 =	vlt.s32 v3, $0x40  }
0x149: {  	v44 =	vtrunc.f32 v40;
	v6 =	vtrunc.f32 v6;
	v3 =	vnsel vm0, $0x40, v3  }
0x14a: {  	v5 =	vtrunc.f32 v5;
	v45 =	vcvt.f32.s32 v44;
	v3 =	vshra.s32 v3, $0x2  }
0x14b: {  	v6 =	vcvt.f32.s32 v6;
	v3 =	vcvt.s32.f32 v3  }
0x14c: {  	v24 =	vmul.f32 $1.600000000e+01, v58;
	v5 =	vcvt.f32.s32 v5  }
0x14d: {  	v27 =	vbroadcast v3, $0x0;
	v28 =	vbroadcast v3, $0x1  }
0x14e: {  	v29 =	vbroadcast v3, $0x2;
	v32 =	vbroadcast v3, $0x3  }
0x14f: {  	vm11 =	vgt.f32 v40, v44;
	v34 =	vbroadcast v3, $0x4;
	v36 =	vbroadcast v3, $0x5  }
0x150: {  	v14 =	vsel vm11, $0x1, v2;
	v38 =	vbroadcast v3, $0x6;
	v42 =	vbroadcast v3, $0x7  }
0x151: {  	v4 =	vadd.s32 v45, v14;
	v46 =	vbroadcast v3, $0x8;
	v47 =	vbroadcast v3, $0x9  }
0x152: {  	v4 =	vshll.u32 v4, $0x2;
	v49 =	vbroadcast v3, $0xA;
	v52 =	vbroadcast v3, $0xB  }
0x153: {  	vm14 =	vlt.s32 v6, v4;
	v54 =	vbroadcast v3, $0xC;
	v55 =	vbroadcast v3, $0xD  }
0x154: {  	v4 =	vsel vm14, v6, v4;
	v56 =	vbroadcast v3, $0xE;
	v3 =	vbroadcast v3, $0xF  }
0x155: {  	vm15 =	vgt.f32 v27, v0;
	vm4 =	vgt.f32 v28, v0;
	vm5 =	vgt.f32 v29, v0  }
0x156: {  	vm6 =	vgt.f32 v32, v0;
	vm7 =	vgt.f32 v34, v0;
	vm8 =	vgt.f32 v36, v0  }
0x157: {  	vm9 =	vgt.f32 v38, v0;
	vm10 =	vgt.f32 v42, v0;
	vm12 =	vgt.f32 v46, v0  }
0x158: {  	vm13 =	vgt.f32 v47, v0;
	v27 =	vtrunc.f32 v24;
	v31 =	vsel vm15, $0x3F800000, v1  }
0x159: {  	v33 =	vsel vm4, $0x3F800000, v1;
	v35 =	vsel vm5, $0x3F800000, v1;
	v37 =	vsel vm6, $0x3F800000, v1  }
0x15a: {  	v39 =	vsel vm7, $0x3F800000, v1;
	v41 =	vsel vm8, $0x3F800000, v1;
	v43 =	vsel vm9, $0x3F800000, v1  }
0x15b: {  	v48 =	vsel vm10, $0x3F800000, v1;
	v50 =	vsel vm12, $0x3F800000, v1;
	v51 =	vsel vm13, $0x3F800000, v1  }
0x15c: {  	vm15 =	vgt.f32 v49, v0;
	vm4 =	vlt.s32 v4, $0x40;
	vm5 =	vgt.f32 v52, v0  }
0x15d: {  	vm6 =	vgt.f32 v54, v0;
	vm7 =	vgt.f32 v55, v0;
	v4 =	vnsel vm4, $0x40, v4;
	[tilespmem:$0xD00] =	vst v31  }
0x15e: {  	vm8 =	vgt.f32 v56, v0;
	vm9 =	vgt.f32 v3, v0;
	[tilespmem:$0xD10] =	vst v33;
	v4 =	vshra.s32 v4, $0x2  }
0x15f: {  	v12 =	vcvt.f32.s32 v27;
	v53 =	vsel vm15, $0x3F800000, v1;
	[tilespmem:$0xD20] =	vst v35;
	v4 =	vcvt.s32.f32 v4  }
0x160: {  	v57 =	vsel vm5, $0x3F800000, v1;
	v59 =	vsel vm6, $0x3F800000, v1;
	v61 =	vsel vm7, $0x3F800000, v1;
	[tilespmem:$0xD30] =	vst v37  }
0x161: {  	v63 =	vsel vm8, $0x3F800000, v1;
	[tilespmem:$0xD40] =	vst v39;
	v60 =	vbroadcast v4, $0x0;
	v62 =	vbroadcast v4, $0x1  }
0x162: {  	v21 =	vsel vm9, $0x3F800000, v1;
	[tilespmem:$0xD50] =	vst v41;
	v20 =	vbroadcast v4, $0x2;
	v22 =	vbroadcast v4, $0x3  }
0x163: {  	[tilespmem:$0xD60] =	vst v43;
	vm15 =	vgt.f32 v24, v27;
	v23 =	vbroadcast v4, $0x4;
	v29 =	vbroadcast v4, $0x5  }
0x164: {  	[tilespmem:$0xD80] =	vst v50;
	v50 =	vld [tilespmem:$0xF0];
	v30 =	vsel vm15, $0x1, v2;
	v32 =	vbroadcast v4, $0x6;
	v35 =	vbroadcast v4, $0x7  }
0x165: {  	[tilespmem:$0xD70] =	vst v48;
	v31 =	vadd.s32 v12, v30;
	v36 =	vbroadcast v4, $0x8;
	v39 =	vbroadcast v4, $0x9  }
0x166: {  	[tilespmem:$0xD90] =	vst v51;
	v6 =	vshll.u32 v31, $0x2;
	v40 =	vbroadcast v4, $0xA;
	v44 =	vbroadcast v4, $0xB  }
0x167: {  	[tilespmem:$0xDA0] =	vst v53;
	vm6 =	vlt.s32 v5, v6;
	v45 =	vbroadcast v4, $0xC;
	v46 =	vbroadcast v4, $0xD  }
0x168: {  	[tilespmem:$0xDB0] =	vst v57;
	v47 =	vbroadcast v4, $0xE;
	v4 =	vbroadcast v4, $0xF;
	v5 =	vsel vm6, v5, v6  }
0x169: {  	[tilespmem:$0xDC0] =	vst v59;
	v10 =	vmul.f32 $6.500000000e+01, v50;
	vm10 =	vgt.f32 v60, v0;
	vm11 =	vgt.f32 v62, v0  }
0x16a: {  	[tilespmem:$0xDD0] =	vst v61;
	vm12 =	vgt.f32 v20, v0;
	vm13 =	vgt.f32 v22, v0;
	vm14 =	vgt.f32 v23, v0  }
0x16b: {  	[tilespmem:$0xDE0] =	vst v63;
	vm4 =	vgt.f32 v29, v0;
	vm5 =	vgt.f32 v32, v0;
	vm7 =	vgt.f32 v35, v0  }
0x16c: {  	[tilespmem:$0xDF0] =	vst v21;
	vm8 =	vgt.f32 v36, v0;
	vm9 =	vgt.f32 v39, v0;
	v25 =	vsel vm10, $0x3F800000, v1  }
0x16d: {  	vm15 =	vgt.f32 v47, v0;
	v60 =	vmul.f32 $1.600000000e+01, v50;
	v26 =	vsel vm11, $0x3F800000, v1;
	[tilespmem:$0xE00] =	vst v25  }
0x16e: {  	v28 =	vsel vm12, $0x3F800000, v1;
	v33 =	vsel vm13, $0x3F800000, v1;
	v34 =	vsel vm14, $0x3F800000, v1;
	[tilespmem:$0xE10] =	vst v26  }
0x16f: {  	v37 =	vsel vm4, $0x3F800000, v1;
	v38 =	vsel vm5, $0x3F800000, v1;
	v41 =	vsel vm7, $0x3F800000, v1;
	[tilespmem:$0xE20] =	vst v28  }
0x170: {  	v42 =	vsel vm8, $0x3F800000, v1;
	v43 =	vsel vm9, $0x3F800000, v1;
	vm10 =	vgt.f32 v40, v0;
	[tilespmem:$0xE30] =	vst v33  }
0x171: {  	vm11 =	vlt.s32 v5, $0x40;
	vm12 =	vgt.f32 v44, v0;
	vm13 =	vgt.f32 v45, v0;
	[tilespmem:$0xE40] =	vst v34  }
0x172: {  	vm14 =	vgt.f32 v46, v0;
	v53 =	vsel vm15, $0x3F800000, v1;
	v5 =	vnsel vm11, $0x40, v5;
	[tilespmem:$0xE50] =	vst v37  }
0x173: {  	vm4 =	vgt.f32 v4, v0;
	v17 =	vtrunc.f32 v10;
	[tilespmem:$0xE60] =	vst v38;
	v5 =	vshra.s32 v5, $0x2  }
0x174: {  	v6 =	vsel vm10, $0x3F800000, v1;
	v48 =	vsel vm12, $0x3F800000, v1;
	[tilespmem:$0xE70] =	vst v41;
	v5 =	vcvt.s32.f32 v5  }
0x175: {  	v51 =	vsel vm13, $0x3F800000, v1;
	[tilespmem:$0xE80] =	vst v42;
	v63 =	vtrunc.f32 v60;
	v4 =	vcvt.f32.s32 v17  }
0x176: {  	v52 =	vsel vm14, $0x3F800000, v1;
	[tilespmem:$0xE90] =	vst v43;
	v8 =	vcvt.f32.s32 v63;
	v49 =	vbroadcast v5, $0x0  }
0x177: {  	v55 =	vsel vm4, $0x3F800000, v1;
	[tilespmem:$0xEE0] =	vst v53;
	v54 =	vbroadcast v5, $0x1;
	v56 =	vbroadcast v5, $0x2  }
0x178: {  	[tilespmem:$0xEA0] =	vst v6;
	vm11 =	vgt.f32 v60, v63;
	v57 =	vbroadcast v5, $0x3;
	v58 =	vbroadcast v5, $0x4  }
0x179: {  	[tilespmem:$0xEB0] =	vst v48;
	v2 =	vsel vm11, $0x1, v2;
	v59 =	vbroadcast v5, $0x5;
	v13 =	vbroadcast v5, $0x6  }
0x17a: {  	[tilespmem:$0xEC0] =	vst v51;
	v2 =	vadd.s32 v8, v2;
	v14 =	vbroadcast v5, $0x7;
	v16 =	vbroadcast v5, $0x8  }
0x17b: {  	[tilespmem:$0xED0] =	vst v52;
	v2 =	vshll.u32 v2, $0x2;
	v20 =	vbroadcast v5, $0x9;
	vm5 =	vgt.f32 v49, v0  }
0x17c: {  	[tilespmem:$0xEF0] =	vst v55;
	v21 =	vbroadcast v5, $0xA;
	vm6 =	vgt.f32 v54, v0;
	v7 =	vsel vm5, $0x3F800000, v1  }
0x17d: {  	v24 =	vbroadcast v5, $0xB;
	vm7 =	vgt.f32 v56, v0;
	v61 =	vsel vm6, $0x3F800000, v1;
	[tilespmem:$0xF00] =	vst v7  }
0x17e: {  	v27 =	vbroadcast v5, $0xC;
	vm8 =	vgt.f32 v57, v0;
	v62 =	vsel vm7, $0x3F800000, v1;
	[tilespmem:$0xF10] =	vst v61  }
0x17f: {  	v29 =	vbroadcast v5, $0xD;
	vm9 =	vgt.f32 v58, v0;
	v12 =	vsel vm8, $0x3F800000, v1;
	[tilespmem:$0xF20] =	vst v62  }
0x180: {  	v30 =	vbroadcast v5, $0xE;
	vm10 =	vgt.f32 v59, v0;
	v15 =	vsel vm9, $0x3F800000, v1;
	[tilespmem:$0xF30] =	vst v12  }
0x181: {  	v5 =	vbroadcast v5, $0xF;
	vm12 =	vgt.f32 v13, v0;
	v18 =	vsel vm10, $0x3F800000, v1;
	[tilespmem:$0xF40] =	vst v15  }
0x182: {  	vm15 =	vlt.s32 v4, v2;
	vm13 =	vgt.f32 v14, v0;
	v19 =	vsel vm12, $0x3F800000, v1;
	[tilespmem:$0xF50] =	vst v18  }
0x183: {  	vm14 =	vgt.f32 v16, v0;
	v2 =	vsel vm15, v4, v2;
	v22 =	vsel vm13, $0x3F800000, v1;
	[tilespmem:$0xF60] =	vst v19  }
0x184: {  	vm4 =	vgt.f32 v20, v0;
	v23 =	vsel vm14, $0x3F800000, v1;
	vm6 =	vlt.s32 v2, $0x40;
	[tilespmem:$0xF70] =	vst v22  }
0x185: {  	vm11 =	vgt.f32 v5, v0;
	v25 =	vsel vm4, $0x3F800000, v1;
	[tilespmem:$0xF80] =	vst v23;
	v2 =	vnsel vm6, $0x40, v2  }
0x186: {  	vm5 =	vgt.f32 v21, v0;
	v36 =	vsel vm11, $0x3F800000, v1;
	[tilespmem:$0xF90] =	vst v25;
	v2 =	vshra.s32 v2, $0x2  }
0x187: {  	vm7 =	vgt.f32 v24, v0;
	v26 =	vsel vm5, $0x3F800000, v1;
	[tilespmem:$0xFF0] =	vst v36;
	v2 =	vcvt.s32.f32 v2  }
0x188: {  	vm8 =	vgt.f32 v27, v0;
	v28 =	vsel vm7, $0x3F800000, v1;
	[tilespmem:$0xFA0] =	vst v26  }
0x189: {  	vm9 =	vgt.f32 v29, v0;
	v31 =	vsel vm8, $0x3F800000, v1;
	[tilespmem:$0xFB0] =	vst v28;
	v33 =	vbroadcast v2, $0x0  }
0x18a: {  	vm10 =	vgt.f32 v30, v0;
	v32 =	vsel vm9, $0x3F800000, v1;
	[tilespmem:$0xFC0] =	vst v31;
	v35 =	vbroadcast v2, $0x1  }
0x18b: {  	v34 =	vsel vm10, $0x3F800000, v1;
	[tilespmem:$0xFD0] =	vst v32;
	v37 =	vbroadcast v2, $0x2;
	vm12 =	vgt.f32 v33, v0  }
0x18c: {  	[tilespmem:$0xFE0] =	vst v34;
	v39 =	vbroadcast v2, $0x3;
	vm13 =	vgt.f32 v35, v0;
	v38 =	vsel vm12, $0x3F800000, v1  }
0x18d: {  	v41 =	vbroadcast v2, $0x4;
	vm14 =	vgt.f32 v37, v0;
	v40 =	vsel vm13, $0x3F800000, v1;
	[tilespmem:$0x1000] =	vst v38  }
0x18e: {  	v43 =	vbroadcast v2, $0x5;
	vm15 =	vgt.f32 v39, v0;
	v42 =	vsel vm14, $0x3F800000, v1;
	[tilespmem:$0x1010] =	vst v40  }
0x18f: {  	v45 =	vbroadcast v2, $0x6;
	vm4 =	vgt.f32 v41, v0;
	v44 =	vsel vm15, $0x3F800000, v1;
	[tilespmem:$0x1020] =	vst v42  }
0x190: {  	v47 =	vbroadcast v2, $0x7;
	vm5 =	vgt.f32 v43, v0;
	v46 =	vsel vm4, $0x3F800000, v1;
	[tilespmem:$0x1030] =	vst v44  }
0x191: {  	v49 =	vbroadcast v2, $0x8;
	vm6 =	vgt.f32 v45, v0;
	v48 =	vsel vm5, $0x3F800000, v1;
	[tilespmem:$0x1040] =	vst v46  }
0x192: {  	v51 =	vbroadcast v2, $0x9;
	vm7 =	vgt.f32 v47, v0;
	v50 =	vsel vm6, $0x3F800000, v1;
	[tilespmem:$0x1050] =	vst v48  }
0x193: {  	v53 =	vbroadcast v2, $0xA;
	vm8 =	vgt.f32 v49, v0;
	v52 =	vsel vm7, $0x3F800000, v1;
	[tilespmem:$0x1060] =	vst v50  }
0x194: {  	v55 =	vbroadcast v2, $0xB;
	vm9 =	vgt.f32 v51, v0;
	v54 =	vsel vm8, $0x3F800000, v1;
	[tilespmem:$0x1070] =	vst v52  }
0x195: {  	v57 =	vbroadcast v2, $0xC;
	vm10 =	vgt.f32 v53, v0;
	v56 =	vsel vm9, $0x3F800000, v1;
	[tilespmem:$0x1080] =	vst v54  }
0x196: {  	v59 =	vbroadcast v2, $0xD;
	vm11 =	vgt.f32 v55, v0;
	v58 =	vsel vm10, $0x3F800000, v1;
	[tilespmem:$0x1090] =	vst v56  }
0x197: {  	v61 =	vbroadcast v2, $0xE;
	v60 =	vsel vm11, $0x3F800000, v1;
	vm12 =	vgt.f32 v57, v0;
	[tilespmem:$0x10A0] =	vst v58  }
0x198: {  	v2 =	vbroadcast v2, $0xF;
	vm13 =	vgt.f32 v59, v0;
	[tilespmem:$0x10B0] =	vst v60;
	v62 =	vsel vm12, $0x3F800000, v1  }
0x199: {  	vm14 =	vgt.f32 v61, v0;
	v63 =	vsel vm13, $0x3F800000, v1;
	[tilespmem:$0x10C0] =	vst v62  }
0x19a: {  	vm15 =	vgt.f32 v2, v0;
	v3 =	vsel vm14, $0x3F800000, v1;
	[tilespmem:$0x10D0] =	vst v63  }
0x19b: {  	s5 =	sshll.u32 s5, $0x1;
	v0 =	vsel vm15, $0x3F800000, v1;
	[tilespmem:$0x10E0] =	vst v3  }
0x19c: {  	s31 =	simm.s32 $0xD00;
	s2 =	sadd.s32 s2, s5;
	[tilespmem:$0x10F0] =	vst v0  }
0x19d: {  	[hbm4b:s2+s3] =	stream.linear.scatter [tilespmem:s31], [sflag:$0x1], $0x400, $0x38;
	[tilespmem:$0x1100] =	vst v63  }
0x19e: {  	_ =	swait.ge [sflag:s25], $0x400  }
0x19f: {  	[sflag:s25] =	ssyncset.done $0x0  }
0x1a0: {  	[sflag:s25] =	ssyncadd.s32 $0xFFFFFC00  }
0x1a1: {  	_ =	swait.ge [sflag:s25], $0x400  }
0x1a2: {  	[sflag:s25] =	ssyncset.done $0x0  }
0x1a3: {  	[sflag:s25] =	ssyncadd.s32 $0xFFFFFC00  }
0x1a4: {  	_ =	swait.ge [sflag:s25], $0x400  }
0x1a5: {  	[sflag:s25] =	ssyncset.done $0x0  }
0x1a6: {  	[sflag:s25] =	ssyncadd.s32 $0xFFFFFC00  }
0x1a7: {  	_ =	swait.ge [sflag:s25], $0x400  }
0x1a8: {  	[sflag:s25] =	ssyncset.done $0x0  }
0x1a9: {  	[sflag:s25] =	ssyncadd.s32 $0xFFFFFC00  }
0x1aa: {  	_ =	sfence.sel $0x180000  }
0x1ab: {  	[bflag:$0x0] =	sbarrier.arrive $0xFFFF  }
0x1ac: {  	p0 =	sne.s32 s1, $0x0;
	_ =	strace $0x90000047  }
0x1ad: {  	s0 =	sadd.s32 @!p0 $0x100000, s0;
	[bflag:$0x2] =	sbarrier.arrive $0xFFFF  }
0x1ae: {  	[sflag:s0] =	ssyncadd.tile.s32 @!p0 $0x1;
	_ =	shalt  }
.Lfunc_end2:
_tile_overlayer_lowered:
.L_overlay_start_2:
0x1af: {  	(tag) =	ssettag $0x2  }
0x1b0: {  	s0 =	rddreg [dreg:$0x0];
	s2 =	stileid.u32  }
0x1b1: {  	s1 =	rddreg [dreg:$0x1];
	p0 =	sne.s32 s2, $0x0  }
0x1b2: {  	s3 =	rddreg [dreg:$0x2];
	[bflag:$0x3] =	sbarrier.arrive $0xFFFF;
	s2 =	simm.s32 @!p0 $0x1C02  }
0x1b3: {  	[timem:s3], [sflag:s2] =	dma.local @!p0 [hbm:s0], s1  }
0x1b4: {  	s0 =	simm.s32 @!p0 $0x2  }
0x1b5: {  	_ =	swait.ge @!p0 [sflag:s0], s1  }
0x1b6: {  	s1 =	ssub.s32 @!p0 $0x0, s1;
	[sflag:s0] =	ssyncset.done @!p0 $0x0  }
0x1b7: {  	[sflag:s0] =	ssyncadd.s32 @!p0 s1  }
0x1b8: {  	[bflag:$0x3] =	sbarrier.arrive $0xFFFF  }
0x1b9: {  	_ =	shalt  }

</sc_bundles>
